<compile_context>
chip_gen: v7x
topology: tpu7x:2x2x1
jax: 0.10.2.dev20260603
libtpu: 0.0.44.dev20260713+nightly
codegen_flags: <defaults>
</compile_context>

<pallas_src>
import functools

import jax
import jax.numpy as jnp
from jax import lax
from jax.experimental import pallas as pl
from jax.experimental.pallas import tpu as pltpu
from jax.experimental.pallas import tpu_sc as plsc

N = 256
B = 1024
K = N * (N + 1) // 2
NWORKERS = 32
BPW = B // NWORKERS
L = 16
R = 64
NJ = N // R
RT = R // 8
W = [N - R * j for j in range(NJ)]
OFF = [R * j * N - (R * j) * (R * j - 1) // 2 for j in range(NJ)]
OB = K + R
assert all(w % L == 0 for w in W)


def _spd_body(x_hbm, out_hbm, inbuf, obuf0, obuf1, sem_in0, sem_in1,
              sem_out0, sem_out1):
    wid = lax.axis_index("s") * 2 + lax.axis_index("c")
    b0 = wid * BPW
    sems_in = (sem_in0, sem_in1)
    sems_out = (sem_out0, sem_out1)
    obufs = (obuf0, obuf1)
    iota = lax.iota(jnp.int32, L)

    def issue_in(b, j):
        c0 = 128 if R * j >= 128 else 0
        src = x_hbm.at[b0 + b, pl.ds(RT * j, RT), :, pl.ds(c0, N - c0)]
        dst = inbuf.at[j % 2, :, :, pl.ds(c0, N - c0)]
        pltpu.async_copy(src, dst, sems_in[j % 2])

    def wait_in(j):
        c0 = 128 if R * j >= 128 else 0
        src = x_hbm.at[0, pl.ds(RT * j, RT), :, pl.ds(c0, N - c0)]
        dst = inbuf.at[j % 2, :, :, pl.ds(c0, N - c0)]
        pltpu.make_async_copy(src, dst, sems_in[j % 2]).wait()

    def out_desc(u, off):
        return pltpu.make_async_copy(
            obufs[u].at[pl.ds(0, K)], out_hbm.at[pl.ds(off, K)], sems_out[u])

    def compute_chunk(u, j):
        w = W[j]
        ref3 = inbuf.at[j % 2]
        obuf = obufs[u]

        g = 2

        def row_group_body(p, ooff):
            li = g * p
            vs = []
            for s in range(g):
                lis = li + s
                rt = jnp.broadcast_to(lis // 8, (L,)).astype(jnp.int32)
                r = jnp.broadcast_to(lis % 8, (L,)).astype(jnp.int32)
                cvec = R * j + lis + iota
                vs.append([plsc.load_gather(ref3, [rt, r, cvec + L * t])
                           for t in range(w // L)])
            os_ = ooff
            for s in range(g):
                for t, v in enumerate(vs[s]):
                    obuf[pl.ds(os_ + L * t, L)] = v
                os_ = os_ + (w - li - s)
            return os_

        lax.fori_loop(0, R // g, row_group_body, OFF[j])

    issue_in(0, 0)

    def pair_body(bp, carry):
        for u in (0, 1):
            b = bp * 2 + u

            @pl.when(bp >= 1)
            def _():
                out_desc(u, 0).wait()

            for j in range(NJ):
                wait_in(j)
                if j < NJ - 1:
                    issue_in(b, j + 1)
                else:
                    issue_in(jnp.minimum(b + 1, BPW - 1), 0)
                compute_chunk(u, j)
            off = pl.multiple_of((b0 + b) * K, 8)
            out_desc(u, off).start()
        return carry

    lax.fori_loop(0, BPW // 2, pair_body, 0)
    out_desc(0, 0).wait()
    out_desc(1, 0).wait()
    wait_in(0)


def kernel(input):
    x = input.reshape(B, N // 8, 8, N)
    mesh = plsc.VectorSubcoreMesh(core_axis_name="c", subcore_axis_name="s")
    spd = functools.partial(
        pl.kernel,
        mesh=mesh,
        out_type=jax.ShapeDtypeStruct((B * K,), jnp.float32),
        compiler_params=pltpu.CompilerParams(needs_layout_passes=False),
        scratch_types=[
            pltpu.VMEM((2, RT, 8, N), jnp.float32),
            pltpu.VMEM((OB,), jnp.float32),
            pltpu.VMEM((OB,), jnp.float32),
            pltpu.SemaphoreType.DMA,
            pltpu.SemaphoreType.DMA,
            pltpu.SemaphoreType.DMA,
            pltpu.SemaphoreType.DMA,
        ],
    )(_spd_body)
    return spd(x).reshape(B, K)

# --- scband reference (transcript-rebuilt; emitter-appended) ---
"""Pipeline reference for scband-spdvectorize-29008209117451 (READ-ONLY COPY).

The authoritative reference and input builder live on the scoring server;
editing this copy changes nothing except your own understanding.
"""

import jax, jax.numpy as jnp
import numpy as np

INPUT_SIZE = 256

def setup_inputs(seed: int = 0) -> dict:
    key = jax.random.key(seed)
    x = jax.random.normal(key, (1024, INPUT_SIZE, INPUT_SIZE), dtype=jnp.float32)
    return {"input": x}

def reference(input) -> jnp.ndarray:
    row_idx, col_idx = np.triu_indices(INPUT_SIZE)
    row_idx = jnp.asarray(row_idx, dtype=jnp.int32)
    col_idx = jnp.asarray(col_idx, dtype=jnp.int32)
    # gather upper-triangular entries: output[b, k] = input[b, row_idx[k], col_idx[k]]
    output = input[:, row_idx, col_idx]
    return output

if __name__ == "__main__":
    import jax
    _d = setup_inputs()
    print(jax.jit(kernel)(*tuple(_d.values())))

</pallas_src>

<mosaic_0001>
#map = affine_map<(d0, d1) -> (0, 0, 0, 0)>
#map1 = affine_map<(d0, d1) -> (0)>
module attributes {stable_mosaic.version = 14 : i64} {
  func.func @_spd_body(%arg0: i32, %arg1: i32, %arg2: memref<1024x32x8x256xf32, #tpu.memory_space<hbm>>, %arg3: memref<33685504xf32, #tpu.memory_space<hbm>>, %arg4: memref<2x8x8x256xf32, #tpu.memory_space<vmem>>, %arg5: memref<32960xf32, #tpu.memory_space<vmem>>, %arg6: memref<32960xf32, #tpu.memory_space<vmem>>, %arg7: memref<!tpu.dma_semaphore, #tpu.memory_space<semaphore_mem>>, %arg8: memref<!tpu.dma_semaphore, #tpu.memory_space<semaphore_mem>>, %arg9: memref<!tpu.dma_semaphore, #tpu.memory_space<semaphore_mem>>, %arg10: memref<!tpu.dma_semaphore, #tpu.memory_space<semaphore_mem>>) attributes {dimension_semantics = [#tpu.dimension_semantics<core_parallel>, #tpu.dimension_semantics<subcore_parallel>], iteration_bounds = array<i64: 2, 16>, scalar_prefetch = 0 : i64, scratch_operands = 7 : i64, tpu.core_type = #tpu.core_type<sc_vector_subcore>, window_params = [{transform_indices = #map}, {transform_indices = #map1}]} {
    %mul3A = arith.constant 2 : i32
    %mul3A_0 = arith.muli %arg1, %mul3A : i32
    %add3A = arith.addi %mul3A_0, %arg0 : i32
    %mul3A_1 = arith.constant 32 : i32
    %mul3A_2 = arith.muli %add3A, %mul3A_1 : i32
    %iota3A = tpu.iota {dimensions = array<i32: 0>} : vector<16xi32>
    %add3A_3 = arith.constant 0 : i32
    %add3A_4 = arith.addi %mul3A_2, %add3A_3 : i32
    %dma_start3A = arith.constant 0 : i32
    %dma_start3A_5 = arith.constant 0 : i32
    %dma_start3A_6 = arith.constant 0 : i32
    %dma_start3A_7 = arith.constant 0 : i32
    %dma_start3A_8 = tpu.memref_slice %arg4[%dma_start3A, %dma_start3A_5, %dma_start3A_6, %dma_start3A_7] : memref<2x8x8x256xf32, #tpu.memory_space<vmem>> -> memref<1x8x8x256xf32, #tpu.memory_space<vmem>>
    %dma_start3A_9 = tpu.memref_squeeze %dma_start3A_8 : memref<1x8x8x256xf32, #tpu.memory_space<vmem>> -> memref<8x8x256xf32, #tpu.memory_space<vmem>>
    %dma_start3A_10 = arith.constant 0 : i32
    %dma_start3A_11 = arith.constant 0 : i32
    %dma_start3A_12 = arith.constant 0 : i32
    %dma_start3A_13 = tpu.memref_slice %arg2[%add3A_4, %dma_start3A_10, %dma_start3A_11, %dma_start3A_12] : memref<1024x32x8x256xf32, #tpu.memory_space<hbm>> -> memref<1x8x8x256xf32, #tpu.memory_space<hbm>>
    %dma_start3A_14 = tpu.memref_squeeze %dma_start3A_13 : memref<1x8x8x256xf32, #tpu.memory_space<hbm>> -> memref<8x8x256xf32, #tpu.memory_space<hbm>>
    %dma_start3A_15 = arith.constant 0 : i32
    %dma_start3A_16 = arith.constant 0 : i32
    %dma_start3A_17 = arith.constant 0 : i32
    %dma_start3A_18 = tpu.memref_slice %arg4[%dma_start3A, %dma_start3A_15, %dma_start3A_16, %dma_start3A_17] : memref<2x8x8x256xf32, #tpu.memory_space<vmem>> -> memref<1x8x8x256xf32, #tpu.memory_space<vmem>>
    %dma_start3A_19 = tpu.memref_squeeze %dma_start3A_18 : memref<1x8x8x256xf32, #tpu.memory_space<vmem>> -> memref<8x8x256xf32, #tpu.memory_space<vmem>>
    %dma_start3A_20 = arith.constant 0 : i32
    %dma_start3A_21 = arith.constant 0 : i32
    %dma_start3A_22 = arith.constant 0 : i32
    %dma_start3A_23 = tpu.memref_slice %arg2[%add3A_4, %dma_start3A_20, %dma_start3A_21, %dma_start3A_22] : memref<1024x32x8x256xf32, #tpu.memory_space<hbm>> -> memref<1x8x8x256xf32, #tpu.memory_space<hbm>>
    %dma_start3A_24 = tpu.memref_squeeze %dma_start3A_23 : memref<1x8x8x256xf32, #tpu.memory_space<hbm>> -> memref<8x8x256xf32, #tpu.memory_space<hbm>>
    tpu.enqueue_dma source(%dma_start3A_24 : memref<8x8x256xf32, #tpu.memory_space<hbm>>) target(%dma_start3A_19 : memref<8x8x256xf32, #tpu.memory_space<vmem>>) target_semaphore(%arg7 : memref<!tpu.dma_semaphore, #tpu.memory_space<semaphore_mem>>)
    %scan3A = arith.constant 0 : i32
    %scan3A_25 = arith.constant 0 : i32
    %scan3A_26 = arith.constant 16 : i32
    %scan3A_27 = arith.addi %scan3A_25, %scan3A_26 : i32
    %scan3A_28 = arith.constant 1 : i32
    scf.for %scan3A_67 = %scan3A_25 to %scan3A_27 step %scan3A_28  : i32 {
      %mul3A_68 = arith.constant 2 : i32
      %mul3A_69 = arith.muli %scan3A_67, %mul3A_68 : i32
      %add3A_70 = arith.constant 0 : i32
      %add3A_71 = arith.addi %mul3A_69, %add3A_70 : i32
      %ge3A = arith.constant 1 : i32
      %ge3A_72 = arith.cmpi sge, %scan3A_67, %ge3A : i32
      %convert_element_type3A = arith.extui %ge3A_72 : i1 to i32
      %cond3A = arith.constant 0 : i32
      %cond3A_73 = arith.cmpi ne, %convert_element_type3A, %cond3A : i32
      scf.if %cond3A_73 {
        %dma_wait3A_525 = arith.constant 0 : i32
        %dma_wait3A_526 = tpu.memref_slice %arg5[%dma_wait3A_525] : memref<32960xf32, #tpu.memory_space<vmem>> -> memref<32896xf32, #tpu.memory_space<vmem>>
        %dma_wait3A_527 = arith.constant 0 : i32
        %dma_wait3A_528 = tpu.memref_slice %arg3[%dma_wait3A_527] : memref<33685504xf32, #tpu.memory_space<hbm>> -> memref<32896xf32, #tpu.memory_space<hbm>>
        %dma_wait3A_529 = arith.constant 0 : i32
        %dma_wait3A_530 = tpu.memref_slice %arg3[%dma_wait3A_529] : memref<33685504xf32, #tpu.memory_space<hbm>> -> memref<32896xf32, #tpu.memory_space<hbm>>
        %dma_wait3A_531 = arith.constant 0 : i32
        %dma_wait3A_532 = tpu.memref_slice %arg5[%dma_wait3A_531] : memref<32960xf32, #tpu.memory_space<vmem>> -> memref<32896xf32, #tpu.memory_space<vmem>>
        tpu.wait_dma2 semaphore(%arg9 : memref<!tpu.dma_semaphore, #tpu.memory_space<semaphore_mem>>) src(%dma_wait3A_532 : memref<32896xf32, #tpu.memory_space<vmem>>) dst(%dma_wait3A_530 : memref<32896xf32, #tpu.memory_space<hbm>>)
      } else {
      }
      %dma_wait3A_74 = arith.constant 0 : i32
      %dma_wait3A_75 = arith.constant 0 : i32
      %dma_wait3A_76 = arith.constant 0 : i32
      %dma_wait3A_77 = arith.constant 0 : i32
      %dma_wait3A_78 = arith.constant 0 : i32
      %dma_wait3A_79 = tpu.memref_slice %arg4[%dma_wait3A_75, %dma_wait3A_76, %dma_wait3A_77, %dma_wait3A_78] : memref<2x8x8x256xf32, #tpu.memory_space<vmem>> -> memref<1x8x8x256xf32, #tpu.memory_space<vmem>>
      %dma_wait3A_80 = tpu.memref_squeeze %dma_wait3A_79 : memref<1x8x8x256xf32, #tpu.memory_space<vmem>> -> memref<8x8x256xf32, #tpu.memory_space<vmem>>
      %dma_wait3A_81 = arith.constant 0 : i32
      %dma_wait3A_82 = arith.constant 0 : i32
      %dma_wait3A_83 = arith.constant 0 : i32
      %dma_wait3A_84 = tpu.memref_slice %arg2[%dma_wait3A_74, %dma_wait3A_81, %dma_wait3A_82, %dma_wait3A_83] : memref<1024x32x8x256xf32, #tpu.memory_space<hbm>> -> memref<1x8x8x256xf32, #tpu.memory_space<hbm>>
      %dma_wait3A_85 = tpu.memref_squeeze %dma_wait3A_84 : memref<1x8x8x256xf32, #tpu.memory_space<hbm>> -> memref<8x8x256xf32, #tpu.memory_space<hbm>>
      %dma_wait3A_86 = arith.constant 0 : i32
      %dma_wait3A_87 = arith.constant 0 : i32
      %dma_wait3A_88 = arith.constant 0 : i32
      %dma_wait3A_89 = tpu.memref_slice %arg4[%dma_wait3A_75, %dma_wait3A_86, %dma_wait3A_87, %dma_wait3A_88] : memref<2x8x8x256xf32, #tpu.memory_space<vmem>> -> memref<1x8x8x256xf32, #tpu.memory_space<vmem>>
      %dma_wait3A_90 = tpu.memref_squeeze %dma_wait3A_89 : memref<1x8x8x256xf32, #tpu.memory_space<vmem>> -> memref<8x8x256xf32, #tpu.memory_space<vmem>>
      %dma_wait3A_91 = arith.constant 0 : i32
      %dma_wait3A_92 = arith.constant 0 : i32
      %dma_wait3A_93 = arith.constant 0 : i32
      %dma_wait3A_94 = tpu.memref_slice %arg2[%dma_wait3A_74, %dma_wait3A_91, %dma_wait3A_92, %dma_wait3A_93] : memref<1024x32x8x256xf32, #tpu.memory_space<hbm>> -> memref<1x8x8x256xf32, #tpu.memory_space<hbm>>
      %dma_wait3A_95 = tpu.memref_squeeze %dma_wait3A_94 : memref<1x8x8x256xf32, #tpu.memory_space<hbm>> -> memref<8x8x256xf32, #tpu.memory_space<hbm>>
      tpu.wait_dma2 semaphore(%arg7 : memref<!tpu.dma_semaphore, #tpu.memory_space<semaphore_mem>>) src(%dma_wait3A_95 : memref<8x8x256xf32, #tpu.memory_space<hbm>>) dst(%dma_wait3A_90 : memref<8x8x256xf32, #tpu.memory_space<vmem>>)
      %add3A_96 = arith.addi %mul3A_2, %add3A_71 : i32
      %dma_start3A_97 = arith.constant 1 : i32
      %dma_start3A_98 = arith.constant 0 : i32
      %dma_start3A_99 = arith.constant 0 : i32
      %dma_start3A_100 = arith.constant 0 : i32
      %dma_start3A_101 = tpu.memref_slice %arg4[%dma_start3A_97, %dma_start3A_98, %dma_start3A_99, %dma_start3A_100] : memref<2x8x8x256xf32, #tpu.memory_space<vmem>> -> memref<1x8x8x256xf32, #tpu.memory_space<vmem>>
      %dma_start3A_102 = tpu.memref_squeeze %dma_start3A_101 : memref<1x8x8x256xf32, #tpu.memory_space<vmem>> -> memref<8x8x256xf32, #tpu.memory_space<vmem>>
      %dma_start3A_103 = arith.constant 8 : i32
      %dma_start3A_104 = arith.constant 0 : i32
      %dma_start3A_105 = arith.constant 0 : i32
      %dma_start3A_106 = tpu.memref_slice %arg2[%add3A_96, %dma_start3A_103, %dma_start3A_104, %dma_start3A_105] : memref<1024x32x8x256xf32, #tpu.memory_space<hbm>> -> memref<1x8x8x256xf32, #tpu.memory_space<hbm>>
      %dma_start3A_107 = tpu.memref_squeeze %dma_start3A_106 : memref<1x8x8x256xf32, #tpu.memory_space<hbm>> -> memref<8x8x256xf32, #tpu.memory_space<hbm>>
      %dma_start3A_108 = arith.constant 0 : i32
      %dma_start3A_109 = arith.constant 0 : i32
      %dma_start3A_110 = arith.constant 0 : i32
      %dma_start3A_111 = tpu.memref_slice %arg4[%dma_start3A_97, %dma_start3A_108, %dma_start3A_109, %dma_start3A_110] : memref<2x8x8x256xf32, #tpu.memory_space<vmem>> -> memref<1x8x8x256xf32, #tpu.memory_space<vmem>>
      %dma_start3A_112 = tpu.memref_squeeze %dma_start3A_111 : memref<1x8x8x256xf32, #tpu.memory_space<vmem>> -> memref<8x8x256xf32, #tpu.memory_space<vmem>>
      %dma_start3A_113 = arith.constant 8 : i32
      %dma_start3A_114 = arith.constant 0 : i32
      %dma_start3A_115 = arith.constant 0 : i32
      %dma_start3A_116 = tpu.memref_slice %arg2[%add3A_96, %dma_start3A_113, %dma_start3A_114, %dma_start3A_115] : memref<1024x32x8x256xf32, #tpu.memory_space<hbm>> -> memref<1x8x8x256xf32, #tpu.memory_space<hbm>>
      %dma_start3A_117 = tpu.memref_squeeze %dma_start3A_116 : memref<1x8x8x256xf32, #tpu.memory_space<hbm>> -> memref<8x8x256xf32, #tpu.memory_space<hbm>>
      tpu.enqueue_dma source(%dma_start3A_117 : memref<8x8x256xf32, #tpu.memory_space<hbm>>) target(%dma_start3A_112 : memref<8x8x256xf32, #tpu.memory_space<vmem>>) target_semaphore(%arg8 : memref<!tpu.dma_semaphore, #tpu.memory_space<semaphore_mem>>)
      %scan3A_118 = arith.constant 0 : i32
      %scan3A_119 = arith.constant 0 : i32
      %scan3A_120 = arith.constant 0 : i32
      %scan3A_121 = arith.constant 32 : i32
      %scan3A_122 = arith.addi %scan3A_120, %scan3A_121 : i32
      %scan3A_123 = arith.constant 1 : i32
      %scan3A_124 = scf.for %scan3A_525 = %scan3A_120 to %scan3A_122 step %scan3A_123 iter_args(%scan3A_526 = %scan3A_119) -> (i32)  : i32 {
        %mul3A_527 = arith.constant 2 : i32
        %mul3A_528 = arith.muli %mul3A_527, %scan3A_525 : i32
        %add3A_529 = arith.constant 0 : i32
        %add3A_530 = arith.addi %mul3A_528, %add3A_529 : i32
        %jit3A = arith.constant 8 : i32
        %div3A = arith.divsi %add3A_530, %jit3A : i32
        %sign3A = arith.constant 0 : i32
        %sign3A_531 = arith.cmpi sgt, %add3A_530, %sign3A : i32
        %sign3A_532 = arith.extui %sign3A_531 : i1 to i32
        %sign3A_533 = arith.constant 0 : i32
        %sign3A_534 = arith.cmpi slt, %add3A_530, %sign3A_533 : i32
        %sign3A_535 = arith.extui %sign3A_534 : i1 to i32
        %sign3A_536 = arith.subi %sign3A_532, %sign3A_535 : i32
        %sign3A_537 = arith.constant 0 : i32
        %sign3A_538 = arith.cmpi sgt, %jit3A, %sign3A_537 : i32
        %sign3A_539 = arith.extui %sign3A_538 : i1 to i32
        %sign3A_540 = arith.constant 0 : i32
        %sign3A_541 = arith.cmpi slt, %jit3A, %sign3A_540 : i32
        %sign3A_542 = arith.extui %sign3A_541 : i1 to i32
        %sign3A_543 = arith.subi %sign3A_539, %sign3A_542 : i32
        %ne3A = arith.cmpi ne, %sign3A_536, %sign3A_543 : i32
        %rem3A = arith.remsi %add3A_530, %jit3A : i32
        %ne3A_544 = arith.constant 0 : i32
        %ne3A_545 = arith.cmpi ne, %rem3A, %ne3A_544 : i32
        %and3A = arith.andi %ne3A, %ne3A_545 : i1
        %sub3A = arith.constant 1 : i32
        %sub3A_546 = arith.subi %div3A, %sub3A : i32
        %select_n3A = arith.select %and3A, %sub3A_546, %div3A : i32
        %broadcast_in_dim3A = vector.broadcast %select_n3A : i32 to vector<16xi32>
        %jit3A_547 = arith.constant 8 : i32
        %eq3A = arith.constant 0 : i32
        %eq3A_548 = arith.cmpi eq, %jit3A_547, %eq3A : i32
        %jit3A_549 = arith.constant 1 : i32
        %select_n3A_550 = arith.select %eq3A_548, %jit3A_549, %jit3A_547 : i32
        %rem3A_551 = arith.remsi %add3A_530, %select_n3A_550 : i32
        %ne3A_552 = arith.constant 0 : i32
        %ne3A_553 = arith.cmpi ne, %rem3A_551, %ne3A_552 : i32
        %lt3A = arith.constant 0 : i32
        %lt3A_554 = arith.cmpi slt, %rem3A_551, %lt3A : i32
        %lt3A_555 = arith.constant 0 : i32
        %lt3A_556 = arith.cmpi slt, %select_n3A_550, %lt3A_555 : i32
        %ne3A_557 = arith.xori %lt3A_554, %lt3A_556 : i1
        %and3A_558 = arith.andi %ne3A_557, %ne3A_553 : i1
        %add3A_559 = arith.addi %rem3A_551, %select_n3A_550 : i32
        %select_n3A_560 = arith.select %and3A_558, %add3A_559, %rem3A_551 : i32
        %broadcast_in_dim3A_561 = vector.broadcast %select_n3A_560 : i32 to vector<16xi32>
        %add3A_562 = arith.constant 0 : i32
        %add3A_563 = arith.addi %add3A_562, %add3A_530 : i32
        %add3A_564 = vector.broadcast %add3A_563 : i32 to vector<16xi32>
        %add3A_565 = arith.addi %add3A_564, %iota3A : vector<16xi32>
        %add3A_566 = arith.constant 0 : i32
        %add3A_567 = vector.broadcast %add3A_566 : i32 to vector<16xi32>
        %add3A_568 = arith.addi %add3A_565, %add3A_567 : vector<16xi32>
        %gather3A = arith.constant 0 : i32
        %gather3A_569 = arith.constant 0 : i32
        %gather3A_570 = arith.constant 0 : i32
        %gather3A_571 = tpu.memref_slice %arg4[%scan3A_118, %gather3A, %gather3A_569, %gather3A_570] : memref<2x8x8x256xf32, #tpu.memory_space<vmem>> -> memref<1x8x8x256xf32, #tpu.memory_space<vmem>>
        %gather3A_572 = tpu.memref_squeeze %gather3A_571 : memref<1x8x8x256xf32, #tpu.memory_space<vmem>> -> memref<8x8x256xf32, #tpu.memory_space<vmem>>
        %gather3A_573 = tpu.vector_load_idx %gather3A_572[%broadcast_in_dim3A, %broadcast_in_dim3A_561, %add3A_568] : memref<8x8x256xf32, #tpu.memory_space<vmem>>[vector<16xi32>, vector<16xi32>, vector<16xi32>], vector<16xf32>,
        %add3A_574 = arith.constant 16 : i32
        %add3A_575 = vector.broadcast %add3A_574 : i32 to vector<16xi32>
        %add3A_576 = arith.addi %add3A_565, %add3A_575 : vector<16xi32>
        %gather3A_577 = arith.constant 0 : i32
        %gather3A_578 = arith.constant 0 : i32
        %gather3A_579 = arith.constant 0 : i32
        %gather3A_580 = tpu.memref_slice %arg4[%scan3A_118, %gather3A_577, %gather3A_578, %gather3A_579] : memref<2x8x8x256xf32, #tpu.memory_space<vmem>> -> memref<1x8x8x256xf32, #tpu.memory_space<vmem>>
        %gather3A_581 = tpu.memref_squeeze %gather3A_580 : memref<1x8x8x256xf32, #tpu.memory_space<vmem>> -> memref<8x8x256xf32, #tpu.memory_space<vmem>>
        %gather3A_582 = tpu.vector_load_idx %gather3A_581[%broadcast_in_dim3A, %broadcast_in_dim3A_561, %add3A_576] : memref<8x8x256xf32, #tpu.memory_space<vmem>>[vector<16xi32>, vector<16xi32>, vector<16xi32>], vector<16xf32>,
        %add3A_583 = arith.constant 32 : i32
        %add3A_584 = vector.broadcast %add3A_583 : i32 to vector<16xi32>
        %add3A_585 = arith.addi %add3A_565, %add3A_584 : vector<16xi32>
        %gather3A_586 = arith.constant 0 : i32
        %gather3A_587 = arith.constant 0 : i32
        %gather3A_588 = arith.constant 0 : i32
        %gather3A_589 = tpu.memref_slice %arg4[%scan3A_118, %gather3A_586, %gather3A_587, %gather3A_588] : memref<2x8x8x256xf32, #tpu.memory_space<vmem>> -> memref<1x8x8x256xf32, #tpu.memory_space<vmem>>
        %gather3A_590 = tpu.memref_squeeze %gather3A_589 : memref<1x8x8x256xf32, #tpu.memory_space<vmem>> -> memref<8x8x256xf32, #tpu.memory_space<vmem>>
        %gather3A_591 = tpu.vector_load_idx %gather3A_590[%broadcast_in_dim3A, %broadcast_in_dim3A_561, %add3A_585] : memref<8x8x256xf32, #tpu.memory_space<vmem>>[vector<16xi32>, vector<16xi32>, vector<16xi32>], vector<16xf32>,
        %add3A_592 = arith.constant 48 : i32
        %add3A_593 = vector.broadcast %add3A_592 : i32 to vector<16xi32>
        %add3A_594 = arith.addi %add3A_565, %add3A_593 : vector<16xi32>
        %gather3A_595 = arith.constant 0 : i32
        %gather3A_596 = arith.constant 0 : i32
        %gather3A_597 = arith.constant 0 : i32
        %gather3A_598 = tpu.memref_slice %arg4[%scan3A_118, %gather3A_595, %gather3A_596, %gather3A_597] : memref<2x8x8x256xf32, #tpu.memory_space<vmem>> -> memref<1x8x8x256xf32, #tpu.memory_space<vmem>>
        %gather3A_599 = tpu.memref_squeeze %gather3A_598 : memref<1x8x8x256xf32, #tpu.memory_space<vmem>> -> memref<8x8x256xf32, #tpu.memory_space<vmem>>
        %gather3A_600 = tpu.vector_load_idx %gather3A_599[%broadcast_in_dim3A, %broadcast_in_dim3A_561, %add3A_594] : memref<8x8x256xf32, #tpu.memory_space<vmem>>[vector<16xi32>, vector<16xi32>, vector<16xi32>], vector<16xf32>,
        %add3A_601 = arith.constant 64 : i32
        %add3A_602 = vector.broadcast %add3A_601 : i32 to vector<16xi32>
        %add3A_603 = arith.addi %add3A_565, %add3A_602 : vector<16xi32>
        %gather3A_604 = arith.constant 0 : i32
        %gather3A_605 = arith.constant 0 : i32
        %gather3A_606 = arith.constant 0 : i32
        %gather3A_607 = tpu.memref_slice %arg4[%scan3A_118, %gather3A_604, %gather3A_605, %gather3A_606] : memref<2x8x8x256xf32, #tpu.memory_space<vmem>> -> memref<1x8x8x256xf32, #tpu.memory_space<vmem>>
        %gather3A_608 = tpu.memref_squeeze %gather3A_607 : memref<1x8x8x256xf32, #tpu.memory_space<vmem>> -> memref<8x8x256xf32, #tpu.memory_space<vmem>>
        %gather3A_609 = tpu.vector_load_idx %gather3A_608[%broadcast_in_dim3A, %broadcast_in_dim3A_561, %add3A_603] : memref<8x8x256xf32, #tpu.memory_space<vmem>>[vector<16xi32>, vector<16xi32>, vector<16xi32>], vector<16xf32>,
        %add3A_610 = arith.constant 80 : i32
        %add3A_611 = vector.broadcast %add3A_610 : i32 to vector<16xi32>
        %add3A_612 = arith.addi %add3A_565, %add3A_611 : vector<16xi32>
        %gather3A_613 = arith.constant 0 : i32
        %gather3A_614 = arith.constant 0 : i32
        %gather3A_615 = arith.constant 0 : i32
        %gather3A_616 = tpu.memref_slice %arg4[%scan3A_118, %gather3A_613, %gather3A_614, %gather3A_615] : memref<2x8x8x256xf32, #tpu.memory_space<vmem>> -> memref<1x8x8x256xf32, #tpu.memory_space<vmem>>
        %gather3A_617 = tpu.memref_squeeze %gather3A_616 : memref<1x8x8x256xf32, #tpu.memory_space<vmem>> -> memref<8x8x256xf32, #tpu.memory_space<vmem>>
        %gather3A_618 = tpu.vector_load_idx %gather3A_617[%broadcast_in_dim3A, %broadcast_in_dim3A_561, %add3A_612] : memref<8x8x256xf32, #tpu.memory_space<vmem>>[vector<16xi32>, vector<16xi32>, vector<16xi32>], vector<16xf32>,
        %add3A_619 = arith.constant 96 : i32
        %add3A_620 = vector.broadcast %add3A_619 : i32 to vector<16xi32>
        %add3A_621 = arith.addi %add3A_565, %add3A_620 : vector<16xi32>
        %gather3A_622 = arith.constant 0 : i32
        %gather3A_623 = arith.constant 0 : i32
        %gather3A_624 = arith.constant 0 : i32
        %gather3A_625 = tpu.memref_slice %arg4[%scan3A_118, %gather3A_622, %gather3A_623, %gather3A_624] : memref<2x8x8x256xf32, #tpu.memory_space<vmem>> -> memref<1x8x8x256xf32, #tpu.memory_space<vmem>>
        %gather3A_626 = tpu.memref_squeeze %gather3A_625 : memref<1x8x8x256xf32, #tpu.memory_space<vmem>> -> memref<8x8x256xf32, #tpu.memory_space<vmem>>
        %gather3A_627 = tpu.vector_load_idx %gather3A_626[%broadcast_in_dim3A, %broadcast_in_dim3A_561, %add3A_621] : memref<8x8x256xf32, #tpu.memory_space<vmem>>[vector<16xi32>, vector<16xi32>, vector<16xi32>], vector<16xf32>,
        %add3A_628 = arith.constant 112 : i32
        %add3A_629 = vector.broadcast %add3A_628 : i32 to vector<16xi32>
        %add3A_630 = arith.addi %add3A_565, %add3A_629 : vector<16xi32>
        %gather3A_631 = arith.constant 0 : i32
        %gather3A_632 = arith.constant 0 : i32
        %gather3A_633 = arith.constant 0 : i32
        %gather3A_634 = tpu.memref_slice %arg4[%scan3A_118, %gather3A_631, %gather3A_632, %gather3A_633] : memref<2x8x8x256xf32, #tpu.memory_space<vmem>> -> memref<1x8x8x256xf32, #tpu.memory_space<vmem>>
        %gather3A_635 = tpu.memref_squeeze %gather3A_634 : memref<1x8x8x256xf32, #tpu.memory_space<vmem>> -> memref<8x8x256xf32, #tpu.memory_space<vmem>>
        %gather3A_636 = tpu.vector_load_idx %gather3A_635[%broadcast_in_dim3A, %broadcast_in_dim3A_561, %add3A_630] : memref<8x8x256xf32, #tpu.memory_space<vmem>>[vector<16xi32>, vector<16xi32>, vector<16xi32>], vector<16xf32>,
        %add3A_637 = arith.constant 128 : i32
        %add3A_638 = vector.broadcast %add3A_637 : i32 to vector<16xi32>
        %add3A_639 = arith.addi %add3A_565, %add3A_638 : vector<16xi32>
        %gather3A_640 = arith.constant 0 : i32
        %gather3A_641 = arith.constant 0 : i32
        %gather3A_642 = arith.constant 0 : i32
        %gather3A_643 = tpu.memref_slice %arg4[%scan3A_118, %gather3A_640, %gather3A_641, %gather3A_642] : memref<2x8x8x256xf32, #tpu.memory_space<vmem>> -> memref<1x8x8x256xf32, #tpu.memory_space<vmem>>
        %gather3A_644 = tpu.memref_squeeze %gather3A_643 : memref<1x8x8x256xf32, #tpu.memory_space<vmem>> -> memref<8x8x256xf32, #tpu.memory_space<vmem>>
        %gather3A_645 = tpu.vector_load_idx %gather3A_644[%broadcast_in_dim3A, %broadcast_in_dim3A_561, %add3A_639] : memref<8x8x256xf32, #tpu.memory_space<vmem>>[vector<16xi32>, vector<16xi32>, vector<16xi32>], vector<16xf32>,
        %add3A_646 = arith.constant 144 : i32
        %add3A_647 = vector.broadcast %add3A_646 : i32 to vector<16xi32>
        %add3A_648 = arith.addi %add3A_565, %add3A_647 : vector<16xi32>
        %gather3A_649 = arith.constant 0 : i32
        %gather3A_650 = arith.constant 0 : i32
        %gather3A_651 = arith.constant 0 : i32
        %gather3A_652 = tpu.memref_slice %arg4[%scan3A_118, %gather3A_649, %gather3A_650, %gather3A_651] : memref<2x8x8x256xf32, #tpu.memory_space<vmem>> -> memref<1x8x8x256xf32, #tpu.memory_space<vmem>>
        %gather3A_653 = tpu.memref_squeeze %gather3A_652 : memref<1x8x8x256xf32, #tpu.memory_space<vmem>> -> memref<8x8x256xf32, #tpu.memory_space<vmem>>
        %gather3A_654 = tpu.vector_load_idx %gather3A_653[%broadcast_in_dim3A, %broadcast_in_dim3A_561, %add3A_648] : memref<8x8x256xf32, #tpu.memory_space<vmem>>[vector<16xi32>, vector<16xi32>, vector<16xi32>], vector<16xf32>,
        %add3A_655 = arith.constant 160 : i32
        %add3A_656 = vector.broadcast %add3A_655 : i32 to vector<16xi32>
        %add3A_657 = arith.addi %add3A_565, %add3A_656 : vector<16xi32>
        %gather3A_658 = arith.constant 0 : i32
        %gather3A_659 = arith.constant 0 : i32
        %gather3A_660 = arith.constant 0 : i32
        %gather3A_661 = tpu.memref_slice %arg4[%scan3A_118, %gather3A_658, %gather3A_659, %gather3A_660] : memref<2x8x8x256xf32, #tpu.memory_space<vmem>> -> memref<1x8x8x256xf32, #tpu.memory_space<vmem>>
        %gather3A_662 = tpu.memref_squeeze %gather3A_661 : memref<1x8x8x256xf32, #tpu.memory_space<vmem>> -> memref<8x8x256xf32, #tpu.memory_space<vmem>>
        %gather3A_663 = tpu.vector_load_idx %gather3A_662[%broadcast_in_dim3A, %broadcast_in_dim3A_561, %add3A_657] : memref<8x8x256xf32, #tpu.memory_space<vmem>>[vector<16xi32>, vector<16xi32>, vector<16xi32>], vector<16xf32>,
        %add3A_664 = arith.constant 176 : i32
        %add3A_665 = vector.broadcast %add3A_664 : i32 to vector<16xi32>
        %add3A_666 = arith.addi %add3A_565, %add3A_665 : vector<16xi32>
        %gather3A_667 = arith.constant 0 : i32
        %gather3A_668 = arith.constant 0 : i32
        %gather3A_669 = arith.constant 0 : i32
        %gather3A_670 = tpu.memref_slice %arg4[%scan3A_118, %gather3A_667, %gather3A_668, %gather3A_669] : memref<2x8x8x256xf32, #tpu.memory_space<vmem>> -> memref<1x8x8x256xf32, #tpu.memory_space<vmem>>
        %gather3A_671 = tpu.memref_squeeze %gather3A_670 : memref<1x8x8x256xf32, #tpu.memory_space<vmem>> -> memref<8x8x256xf32, #tpu.memory_space<vmem>>
        %gather3A_672 = tpu.vector_load_idx %gather3A_671[%broadcast_in_dim3A, %broadcast_in_dim3A_561, %add3A_666] : memref<8x8x256xf32, #tpu.memory_space<vmem>>[vector<16xi32>, vector<16xi32>, vector<16xi32>], vector<16xf32>,
        %add3A_673 = arith.constant 192 : i32
        %add3A_674 = vector.broadcast %add3A_673 : i32 to vector<16xi32>
        %add3A_675 = arith.addi %add3A_565, %add3A_674 : vector<16xi32>
        %gather3A_676 = arith.constant 0 : i32
        %gather3A_677 = arith.constant 0 : i32
        %gather3A_678 = arith.constant 0 : i32
        %gather3A_679 = tpu.memref_slice %arg4[%scan3A_118, %gather3A_676, %gather3A_677, %gather3A_678] : memref<2x8x8x256xf32, #tpu.memory_space<vmem>> -> memref<1x8x8x256xf32, #tpu.memory_space<vmem>>
        %gather3A_680 = tpu.memref_squeeze %gather3A_679 : memref<1x8x8x256xf32, #tpu.memory_space<vmem>> -> memref<8x8x256xf32, #tpu.memory_space<vmem>>
        %gather3A_681 = tpu.vector_load_idx %gather3A_680[%broadcast_in_dim3A, %broadcast_in_dim3A_561, %add3A_675] : memref<8x8x256xf32, #tpu.memory_space<vmem>>[vector<16xi32>, vector<16xi32>, vector<16xi32>], vector<16xf32>,
        %add3A_682 = arith.constant 208 : i32
        %add3A_683 = vector.broadcast %add3A_682 : i32 to vector<16xi32>
        %add3A_684 = arith.addi %add3A_565, %add3A_683 : vector<16xi32>
        %gather3A_685 = arith.constant 0 : i32
        %gather3A_686 = arith.constant 0 : i32
        %gather3A_687 = arith.constant 0 : i32
        %gather3A_688 = tpu.memref_slice %arg4[%scan3A_118, %gather3A_685, %gather3A_686, %gather3A_687] : memref<2x8x8x256xf32, #tpu.memory_space<vmem>> -> memref<1x8x8x256xf32, #tpu.memory_space<vmem>>
        %gather3A_689 = tpu.memref_squeeze %gather3A_688 : memref<1x8x8x256xf32, #tpu.memory_space<vmem>> -> memref<8x8x256xf32, #tpu.memory_space<vmem>>
        %gather3A_690 = tpu.vector_load_idx %gather3A_689[%broadcast_in_dim3A, %broadcast_in_dim3A_561, %add3A_684] : memref<8x8x256xf32, #tpu.memory_space<vmem>>[vector<16xi32>, vector<16xi32>, vector<16xi32>], vector<16xf32>,
        %add3A_691 = arith.constant 224 : i32
        %add3A_692 = vector.broadcast %add3A_691 : i32 to vector<16xi32>
        %add3A_693 = arith.addi %add3A_565, %add3A_692 : vector<16xi32>
        %gather3A_694 = arith.constant 0 : i32
        %gather3A_695 = arith.constant 0 : i32
        %gather3A_696 = arith.constant 0 : i32
        %gather3A_697 = tpu.memref_slice %arg4[%scan3A_118, %gather3A_694, %gather3A_695, %gather3A_696] : memref<2x8x8x256xf32, #tpu.memory_space<vmem>> -> memref<1x8x8x256xf32, #tpu.memory_space<vmem>>
        %gather3A_698 = tpu.memref_squeeze %gather3A_697 : memref<1x8x8x256xf32, #tpu.memory_space<vmem>> -> memref<8x8x256xf32, #tpu.memory_space<vmem>>
        %gather3A_699 = tpu.vector_load_idx %gather3A_698[%broadcast_in_dim3A, %broadcast_in_dim3A_561, %add3A_693] : memref<8x8x256xf32, #tpu.memory_space<vmem>>[vector<16xi32>, vector<16xi32>, vector<16xi32>], vector<16xf32>,
        %add3A_700 = arith.constant 240 : i32
        %add3A_701 = vector.broadcast %add3A_700 : i32 to vector<16xi32>
        %add3A_702 = arith.addi %add3A_565, %add3A_701 : vector<16xi32>
        %gather3A_703 = arith.constant 0 : i32
        %gather3A_704 = arith.constant 0 : i32
        %gather3A_705 = arith.constant 0 : i32
        %gather3A_706 = tpu.memref_slice %arg4[%scan3A_118, %gather3A_703, %gather3A_704, %gather3A_705] : memref<2x8x8x256xf32, #tpu.memory_space<vmem>> -> memref<1x8x8x256xf32, #tpu.memory_space<vmem>>
        %gather3A_707 = tpu.memref_squeeze %gather3A_706 : memref<1x8x8x256xf32, #tpu.memory_space<vmem>> -> memref<8x8x256xf32, #tpu.memory_space<vmem>>
        %gather3A_708 = tpu.vector_load_idx %gather3A_707[%broadcast_in_dim3A, %broadcast_in_dim3A_561, %add3A_702] : memref<8x8x256xf32, #tpu.memory_space<vmem>>[vector<16xi32>, vector<16xi32>, vector<16xi32>], vector<16xf32>,
        %add3A_709 = arith.constant 1 : i32
        %add3A_710 = arith.addi %mul3A_528, %add3A_709 : i32
        %jit3A_711 = arith.constant 8 : i32
        %div3A_712 = arith.divsi %add3A_710, %jit3A_711 : i32
        %sign3A_713 = arith.constant 0 : i32
        %sign3A_714 = arith.cmpi sgt, %add3A_710, %sign3A_713 : i32
        %sign3A_715 = arith.extui %sign3A_714 : i1 to i32
        %sign3A_716 = arith.constant 0 : i32
        %sign3A_717 = arith.cmpi slt, %add3A_710, %sign3A_716 : i32
        %sign3A_718 = arith.extui %sign3A_717 : i1 to i32
        %sign3A_719 = arith.subi %sign3A_715, %sign3A_718 : i32
        %sign3A_720 = arith.constant 0 : i32
        %sign3A_721 = arith.cmpi sgt, %jit3A_711, %sign3A_720 : i32
        %sign3A_722 = arith.extui %sign3A_721 : i1 to i32
        %sign3A_723 = arith.constant 0 : i32
        %sign3A_724 = arith.cmpi slt, %jit3A_711, %sign3A_723 : i32
        %sign3A_725 = arith.extui %sign3A_724 : i1 to i32
        %sign3A_726 = arith.subi %sign3A_722, %sign3A_725 : i32
        %ne3A_727 = arith.cmpi ne, %sign3A_719, %sign3A_726 : i32
        %rem3A_728 = arith.remsi %add3A_710, %jit3A_711 : i32
        %ne3A_729 = arith.constant 0 : i32
        %ne3A_730 = arith.cmpi ne, %rem3A_728, %ne3A_729 : i32
        %and3A_731 = arith.andi %ne3A_727, %ne3A_730 : i1
        %sub3A_732 = arith.constant 1 : i32
        %sub3A_733 = arith.subi %div3A_712, %sub3A_732 : i32
        %select_n3A_734 = arith.select %and3A_731, %sub3A_733, %div3A_712 : i32
        %broadcast_in_dim3A_735 = vector.broadcast %select_n3A_734 : i32 to vector<16xi32>
        %jit3A_736 = arith.constant 8 : i32
        %eq3A_737 = arith.constant 0 : i32
        %eq3A_738 = arith.cmpi eq, %jit3A_736, %eq3A_737 : i32
        %jit3A_739 = arith.constant 1 : i32
        %select_n3A_740 = arith.select %eq3A_738, %jit3A_739, %jit3A_736 : i32
        %rem3A_741 = arith.remsi %add3A_710, %select_n3A_740 : i32
        %ne3A_742 = arith.constant 0 : i32
        %ne3A_743 = arith.cmpi ne, %rem3A_741, %ne3A_742 : i32
        %lt3A_744 = arith.constant 0 : i32
        %lt3A_745 = arith.cmpi slt, %rem3A_741, %lt3A_744 : i32
        %lt3A_746 = arith.constant 0 : i32
        %lt3A_747 = arith.cmpi slt, %select_n3A_740, %lt3A_746 : i32
        %ne3A_748 = arith.xori %lt3A_745, %lt3A_747 : i1
        %and3A_749 = arith.andi %ne3A_748, %ne3A_743 : i1
        %add3A_750 = arith.addi %rem3A_741, %select_n3A_740 : i32
        %select_n3A_751 = arith.select %and3A_749, %add3A_750, %rem3A_741 : i32
        %broadcast_in_dim3A_752 = vector.broadcast %select_n3A_751 : i32 to vector<16xi32>
        %add3A_753 = arith.constant 0 : i32
        %add3A_754 = arith.addi %add3A_753, %add3A_710 : i32
        %add3A_755 = vector.broadcast %add3A_754 : i32 to vector<16xi32>
        %add3A_756 = arith.addi %add3A_755, %iota3A : vector<16xi32>
        %add3A_757 = arith.constant 0 : i32
        %add3A_758 = vector.broadcast %add3A_757 : i32 to vector<16xi32>
        %add3A_759 = arith.addi %add3A_756, %add3A_758 : vector<16xi32>
        %gather3A_760 = arith.constant 0 : i32
        %gather3A_761 = arith.constant 0 : i32
        %gather3A_762 = arith.constant 0 : i32
        %gather3A_763 = tpu.memref_slice %arg4[%scan3A_118, %gather3A_760, %gather3A_761, %gather3A_762] : memref<2x8x8x256xf32, #tpu.memory_space<vmem>> -> memref<1x8x8x256xf32, #tpu.memory_space<vmem>>
        %gather3A_764 = tpu.memref_squeeze %gather3A_763 : memref<1x8x8x256xf32, #tpu.memory_space<vmem>> -> memref<8x8x256xf32, #tpu.memory_space<vmem>>
        %gather3A_765 = tpu.vector_load_idx %gather3A_764[%broadcast_in_dim3A_735, %broadcast_in_dim3A_752, %add3A_759] : memref<8x8x256xf32, #tpu.memory_space<vmem>>[vector<16xi32>, vector<16xi32>, vector<16xi32>], vector<16xf32>,
        %add3A_766 = arith.constant 16 : i32
        %add3A_767 = vector.broadcast %add3A_766 : i32 to vector<16xi32>
        %add3A_768 = arith.addi %add3A_756, %add3A_767 : vector<16xi32>
        %gather3A_769 = arith.constant 0 : i32
        %gather3A_770 = arith.constant 0 : i32
        %gather3A_771 = arith.constant 0 : i32
        %gather3A_772 = tpu.memref_slice %arg4[%scan3A_118, %gather3A_769, %gather3A_770, %gather3A_771] : memref<2x8x8x256xf32, #tpu.memory_space<vmem>> -> memref<1x8x8x256xf32, #tpu.memory_space<vmem>>
        %gather3A_773 = tpu.memref_squeeze %gather3A_772 : memref<1x8x8x256xf32, #tpu.memory_space<vmem>> -> memref<8x8x256xf32, #tpu.memory_space<vmem>>
        %gather3A_774 = tpu.vector_load_idx %gather3A_773[%broadcast_in_dim3A_735, %broadcast_in_dim3A_752, %add3A_768] : memref<8x8x256xf32, #tpu.memory_space<vmem>>[vector<16xi32>, vector<16xi32>, vector<16xi32>], vector<16xf32>,
        %add3A_775 = arith.constant 32 : i32
        %add3A_776 = vector.broadcast %add3A_775 : i32 to vector<16xi32>
        %add3A_777 = arith.addi %add3A_756, %add3A_776 : vector<16xi32>
        %gather3A_778 = arith.constant 0 : i32
        %gather3A_779 = arith.constant 0 : i32
        %gather3A_780 = arith.constant 0 : i32
        %gather3A_781 = tpu.memref_slice %arg4[%scan3A_118, %gather3A_778, %gather3A_779, %gather3A_780] : memref<2x8x8x256xf32, #tpu.memory_space<vmem>> -> memref<1x8x8x256xf32, #tpu.memory_space<vmem>>
        %gather3A_782 = tpu.memref_squeeze %gather3A_781 : memref<1x8x8x256xf32, #tpu.memory_space<vmem>> -> memref<8x8x256xf32, #tpu.memory_space<vmem>>
        %gather3A_783 = tpu.vector_load_idx %gather3A_782[%broadcast_in_dim3A_735, %broadcast_in_dim3A_752, %add3A_777] : memref<8x8x256xf32, #tpu.memory_space<vmem>>[vector<16xi32>, vector<16xi32>, vector<16xi32>], vector<16xf32>,
        %add3A_784 = arith.constant 48 : i32
        %add3A_785 = vector.broadcast %add3A_784 : i32 to vector<16xi32>
        %add3A_786 = arith.addi %add3A_756, %add3A_785 : vector<16xi32>
        %gather3A_787 = arith.constant 0 : i32
        %gather3A_788 = arith.constant 0 : i32
        %gather3A_789 = arith.constant 0 : i32
        %gather3A_790 = tpu.memref_slice %arg4[%scan3A_118, %gather3A_787, %gather3A_788, %gather3A_789] : memref<2x8x8x256xf32, #tpu.memory_space<vmem>> -> memref<1x8x8x256xf32, #tpu.memory_space<vmem>>
        %gather3A_791 = tpu.memref_squeeze %gather3A_790 : memref<1x8x8x256xf32, #tpu.memory_space<vmem>> -> memref<8x8x256xf32, #tpu.memory_space<vmem>>
        %gather3A_792 = tpu.vector_load_idx %gather3A_791[%broadcast_in_dim3A_735, %broadcast_in_dim3A_752, %add3A_786] : memref<8x8x256xf32, #tpu.memory_space<vmem>>[vector<16xi32>, vector<16xi32>, vector<16xi32>], vector<16xf32>,
        %add3A_793 = arith.constant 64 : i32
        %add3A_794 = vector.broadcast %add3A_793 : i32 to vector<16xi32>
        %add3A_795 = arith.addi %add3A_756, %add3A_794 : vector<16xi32>
        %gather3A_796 = arith.constant 0 : i32
        %gather3A_797 = arith.constant 0 : i32
        %gather3A_798 = arith.constant 0 : i32
        %gather3A_799 = tpu.memref_slice %arg4[%scan3A_118, %gather3A_796, %gather3A_797, %gather3A_798] : memref<2x8x8x256xf32, #tpu.memory_space<vmem>> -> memref<1x8x8x256xf32, #tpu.memory_space<vmem>>
        %gather3A_800 = tpu.memref_squeeze %gather3A_799 : memref<1x8x8x256xf32, #tpu.memory_space<vmem>> -> memref<8x8x256xf32, #tpu.memory_space<vmem>>
        %gather3A_801 = tpu.vector_load_idx %gather3A_800[%broadcast_in_dim3A_735, %broadcast_in_dim3A_752, %add3A_795] : memref<8x8x256xf32, #tpu.memory_space<vmem>>[vector<16xi32>, vector<16xi32>, vector<16xi32>], vector<16xf32>,
        %add3A_802 = arith.constant 80 : i32
        %add3A_803 = vector.broadcast %add3A_802 : i32 to vector<16xi32>
        %add3A_804 = arith.addi %add3A_756, %add3A_803 : vector<16xi32>
        %gather3A_805 = arith.constant 0 : i32
        %gather3A_806 = arith.constant 0 : i32
        %gather3A_807 = arith.constant 0 : i32
        %gather3A_808 = tpu.memref_slice %arg4[%scan3A_118, %gather3A_805, %gather3A_806, %gather3A_807] : memref<2x8x8x256xf32, #tpu.memory_space<vmem>> -> memref<1x8x8x256xf32, #tpu.memory_space<vmem>>
        %gather3A_809 = tpu.memref_squeeze %gather3A_808 : memref<1x8x8x256xf32, #tpu.memory_space<vmem>> -> memref<8x8x256xf32, #tpu.memory_space<vmem>>
        %gather3A_810 = tpu.vector_load_idx %gather3A_809[%broadcast_in_dim3A_735, %broadcast_in_dim3A_752, %add3A_804] : memref<8x8x256xf32, #tpu.memory_space<vmem>>[vector<16xi32>, vector<16xi32>, vector<16xi32>], vector<16xf32>,
        %add3A_811 = arith.constant 96 : i32
        %add3A_812 = vector.broadcast %add3A_811 : i32 to vector<16xi32>
        %add3A_813 = arith.addi %add3A_756, %add3A_812 : vector<16xi32>
        %gather3A_814 = arith.constant 0 : i32
        %gather3A_815 = arith.constant 0 : i32
        %gather3A_816 = arith.constant 0 : i32
        %gather3A_817 = tpu.memref_slice %arg4[%scan3A_118, %gather3A_814, %gather3A_815, %gather3A_816] : memref<2x8x8x256xf32, #tpu.memory_space<vmem>> -> memref<1x8x8x256xf32, #tpu.memory_space<vmem>>
        %gather3A_818 = tpu.memref_squeeze %gather3A_817 : memref<1x8x8x256xf32, #tpu.memory_space<vmem>> -> memref<8x8x256xf32, #tpu.memory_space<vmem>>
        %gather3A_819 = tpu.vector_load_idx %gather3A_818[%broadcast_in_dim3A_735, %broadcast_in_dim3A_752, %add3A_813] : memref<8x8x256xf32, #tpu.memory_space<vmem>>[vector<16xi32>, vector<16xi32>, vector<16xi32>], vector<16xf32>,
        %add3A_820 = arith.constant 112 : i32
        %add3A_821 = vector.broadcast %add3A_820 : i32 to vector<16xi32>
        %add3A_822 = arith.addi %add3A_756, %add3A_821 : vector<16xi32>
        %gather3A_823 = arith.constant 0 : i32
        %gather3A_824 = arith.constant 0 : i32
        %gather3A_825 = arith.constant 0 : i32
        %gather3A_826 = tpu.memref_slice %arg4[%scan3A_118, %gather3A_823, %gather3A_824, %gather3A_825] : memref<2x8x8x256xf32, #tpu.memory_space<vmem>> -> memref<1x8x8x256xf32, #tpu.memory_space<vmem>>
        %gather3A_827 = tpu.memref_squeeze %gather3A_826 : memref<1x8x8x256xf32, #tpu.memory_space<vmem>> -> memref<8x8x256xf32, #tpu.memory_space<vmem>>
        %gather3A_828 = tpu.vector_load_idx %gather3A_827[%broadcast_in_dim3A_735, %broadcast_in_dim3A_752, %add3A_822] : memref<8x8x256xf32, #tpu.memory_space<vmem>>[vector<16xi32>, vector<16xi32>, vector<16xi32>], vector<16xf32>,
        %add3A_829 = arith.constant 128 : i32
        %add3A_830 = vector.broadcast %add3A_829 : i32 to vector<16xi32>
        %add3A_831 = arith.addi %add3A_756, %add3A_830 : vector<16xi32>
        %gather3A_832 = arith.constant 0 : i32
        %gather3A_833 = arith.constant 0 : i32
        %gather3A_834 = arith.constant 0 : i32
        %gather3A_835 = tpu.memref_slice %arg4[%scan3A_118, %gather3A_832, %gather3A_833, %gather3A_834] : memref<2x8x8x256xf32, #tpu.memory_space<vmem>> -> memref<1x8x8x256xf32, #tpu.memory_space<vmem>>
        %gather3A_836 = tpu.memref_squeeze %gather3A_835 : memref<1x8x8x256xf32, #tpu.memory_space<vmem>> -> memref<8x8x256xf32, #tpu.memory_space<vmem>>
        %gather3A_837 = tpu.vector_load_idx %gather3A_836[%broadcast_in_dim3A_735, %broadcast_in_dim3A_752, %add3A_831] : memref<8x8x256xf32, #tpu.memory_space<vmem>>[vector<16xi32>, vector<16xi32>, vector<16xi32>], vector<16xf32>,
        %add3A_838 = arith.constant 144 : i32
        %add3A_839 = vector.broadcast %add3A_838 : i32 to vector<16xi32>
        %add3A_840 = arith.addi %add3A_756, %add3A_839 : vector<16xi32>
        %gather3A_841 = arith.constant 0 : i32
        %gather3A_842 = arith.constant 0 : i32
        %gather3A_843 = arith.constant 0 : i32
        %gather3A_844 = tpu.memref_slice %arg4[%scan3A_118, %gather3A_841, %gather3A_842, %gather3A_843] : memref<2x8x8x256xf32, #tpu.memory_space<vmem>> -> memref<1x8x8x256xf32, #tpu.memory_space<vmem>>
        %gather3A_845 = tpu.memref_squeeze %gather3A_844 : memref<1x8x8x256xf32, #tpu.memory_space<vmem>> -> memref<8x8x256xf32, #tpu.memory_space<vmem>>
        %gather3A_846 = tpu.vector_load_idx %gather3A_845[%broadcast_in_dim3A_735, %broadcast_in_dim3A_752, %add3A_840] : memref<8x8x256xf32, #tpu.memory_space<vmem>>[vector<16xi32>, vector<16xi32>, vector<16xi32>], vector<16xf32>,
        %add3A_847 = arith.constant 160 : i32
        %add3A_848 = vector.broadcast %add3A_847 : i32 to vector<16xi32>
        %add3A_849 = arith.addi %add3A_756, %add3A_848 : vector<16xi32>
        %gather3A_850 = arith.constant 0 : i32
        %gather3A_851 = arith.constant 0 : i32
        %gather3A_852 = arith.constant 0 : i32
        %gather3A_853 = tpu.memref_slice %arg4[%scan3A_118, %gather3A_850, %gather3A_851, %gather3A_852] : memref<2x8x8x256xf32, #tpu.memory_space<vmem>> -> memref<1x8x8x256xf32, #tpu.memory_space<vmem>>
        %gather3A_854 = tpu.memref_squeeze %gather3A_853 : memref<1x8x8x256xf32, #tpu.memory_space<vmem>> -> memref<8x8x256xf32, #tpu.memory_space<vmem>>
        %gather3A_855 = tpu.vector_load_idx %gather3A_854[%broadcast_in_dim3A_735, %broadcast_in_dim3A_752, %add3A_849] : memref<8x8x256xf32, #tpu.memory_space<vmem>>[vector<16xi32>, vector<16xi32>, vector<16xi32>], vector<16xf32>,
        %add3A_856 = arith.constant 176 : i32
        %add3A_857 = vector.broadcast %add3A_856 : i32 to vector<16xi32>
        %add3A_858 = arith.addi %add3A_756, %add3A_857 : vector<16xi32>
        %gather3A_859 = arith.constant 0 : i32
        %gather3A_860 = arith.constant 0 : i32
        %gather3A_861 = arith.constant 0 : i32
        %gather3A_862 = tpu.memref_slice %arg4[%scan3A_118, %gather3A_859, %gather3A_860, %gather3A_861] : memref<2x8x8x256xf32, #tpu.memory_space<vmem>> -> memref<1x8x8x256xf32, #tpu.memory_space<vmem>>
        %gather3A_863 = tpu.memref_squeeze %gather3A_862 : memref<1x8x8x256xf32, #tpu.memory_space<vmem>> -> memref<8x8x256xf32, #tpu.memory_space<vmem>>
        %gather3A_864 = tpu.vector_load_idx %gather3A_863[%broadcast_in_dim3A_735, %broadcast_in_dim3A_752, %add3A_858] : memref<8x8x256xf32, #tpu.memory_space<vmem>>[vector<16xi32>, vector<16xi32>, vector<16xi32>], vector<16xf32>,
        %add3A_865 = arith.constant 192 : i32
        %add3A_866 = vector.broadcast %add3A_865 : i32 to vector<16xi32>
        %add3A_867 = arith.addi %add3A_756, %add3A_866 : vector<16xi32>
        %gather3A_868 = arith.constant 0 : i32
        %gather3A_869 = arith.constant 0 : i32
        %gather3A_870 = arith.constant 0 : i32
        %gather3A_871 = tpu.memref_slice %arg4[%scan3A_118, %gather3A_868, %gather3A_869, %gather3A_870] : memref<2x8x8x256xf32, #tpu.memory_space<vmem>> -> memref<1x8x8x256xf32, #tpu.memory_space<vmem>>
        %gather3A_872 = tpu.memref_squeeze %gather3A_871 : memref<1x8x8x256xf32, #tpu.memory_space<vmem>> -> memref<8x8x256xf32, #tpu.memory_space<vmem>>
        %gather3A_873 = tpu.vector_load_idx %gather3A_872[%broadcast_in_dim3A_735, %broadcast_in_dim3A_752, %add3A_867] : memref<8x8x256xf32, #tpu.memory_space<vmem>>[vector<16xi32>, vector<16xi32>, vector<16xi32>], vector<16xf32>,
        %add3A_874 = arith.constant 208 : i32
        %add3A_875 = vector.broadcast %add3A_874 : i32 to vector<16xi32>
        %add3A_876 = arith.addi %add3A_756, %add3A_875 : vector<16xi32>
        %gather3A_877 = arith.constant 0 : i32
        %gather3A_878 = arith.constant 0 : i32
        %gather3A_879 = arith.constant 0 : i32
        %gather3A_880 = tpu.memref_slice %arg4[%scan3A_118, %gather3A_877, %gather3A_878, %gather3A_879] : memref<2x8x8x256xf32, #tpu.memory_space<vmem>> -> memref<1x8x8x256xf32, #tpu.memory_space<vmem>>
        %gather3A_881 = tpu.memref_squeeze %gather3A_880 : memref<1x8x8x256xf32, #tpu.memory_space<vmem>> -> memref<8x8x256xf32, #tpu.memory_space<vmem>>
        %gather3A_882 = tpu.vector_load_idx %gather3A_881[%broadcast_in_dim3A_735, %broadcast_in_dim3A_752, %add3A_876] : memref<8x8x256xf32, #tpu.memory_space<vmem>>[vector<16xi32>, vector<16xi32>, vector<16xi32>], vector<16xf32>,
        %add3A_883 = arith.constant 224 : i32
        %add3A_884 = vector.broadcast %add3A_883 : i32 to vector<16xi32>
        %add3A_885 = arith.addi %add3A_756, %add3A_884 : vector<16xi32>
        %gather3A_886 = arith.constant 0 : i32
        %gather3A_887 = arith.constant 0 : i32
        %gather3A_888 = arith.constant 0 : i32
        %gather3A_889 = tpu.memref_slice %arg4[%scan3A_118, %gather3A_886, %gather3A_887, %gather3A_888] : memref<2x8x8x256xf32, #tpu.memory_space<vmem>> -> memref<1x8x8x256xf32, #tpu.memory_space<vmem>>
        %gather3A_890 = tpu.memref_squeeze %gather3A_889 : memref<1x8x8x256xf32, #tpu.memory_space<vmem>> -> memref<8x8x256xf32, #tpu.memory_space<vmem>>
        %gather3A_891 = tpu.vector_load_idx %gather3A_890[%broadcast_in_dim3A_735, %broadcast_in_dim3A_752, %add3A_885] : memref<8x8x256xf32, #tpu.memory_space<vmem>>[vector<16xi32>, vector<16xi32>, vector<16xi32>], vector<16xf32>,
        %add3A_892 = arith.constant 240 : i32
        %add3A_893 = vector.broadcast %add3A_892 : i32 to vector<16xi32>
        %add3A_894 = arith.addi %add3A_756, %add3A_893 : vector<16xi32>
        %gather3A_895 = arith.constant 0 : i32
        %gather3A_896 = arith.constant 0 : i32
        %gather3A_897 = arith.constant 0 : i32
        %gather3A_898 = tpu.memref_slice %arg4[%scan3A_118, %gather3A_895, %gather3A_896, %gather3A_897] : memref<2x8x8x256xf32, #tpu.memory_space<vmem>> -> memref<1x8x8x256xf32, #tpu.memory_space<vmem>>
        %gather3A_899 = tpu.memref_squeeze %gather3A_898 : memref<1x8x8x256xf32, #tpu.memory_space<vmem>> -> memref<8x8x256xf32, #tpu.memory_space<vmem>>
        %gather3A_900 = tpu.vector_load_idx %gather3A_899[%broadcast_in_dim3A_735, %broadcast_in_dim3A_752, %add3A_894] : memref<8x8x256xf32, #tpu.memory_space<vmem>>[vector<16xi32>, vector<16xi32>, vector<16xi32>], vector<16xf32>,
        %add3A_901 = arith.constant 0 : i32
        %add3A_902 = arith.addi %scan3A_526, %add3A_901 : i32
        %swap3A = arith.index_cast %add3A_902 : i32 to index
        %swap3A_903 = tpu.vector_load %arg5[%swap3A] {strides = array<i32>} : memref<32960xf32, #tpu.memory_space<vmem>>, vector<16xf32>,
        tpu.vector_store %arg5[%swap3A], %gather3A_573 {strides = array<i32>} : memref<32960xf32, #tpu.memory_space<vmem>>, vector<16xf32>,
        %add3A_904 = arith.constant 16 : i32
        %add3A_905 = arith.addi %scan3A_526, %add3A_904 : i32
        %swap3A_906 = arith.index_cast %add3A_905 : i32 to index
        %swap3A_907 = tpu.vector_load %arg5[%swap3A_906] {strides = array<i32>} : memref<32960xf32, #tpu.memory_space<vmem>>, vector<16xf32>,
        tpu.vector_store %arg5[%swap3A_906], %gather3A_582 {strides = array<i32>} : memref<32960xf32, #tpu.memory_space<vmem>>, vector<16xf32>,
        %add3A_908 = arith.constant 32 : i32
        %add3A_909 = arith.addi %scan3A_526, %add3A_908 : i32
        %swap3A_910 = arith.index_cast %add3A_909 : i32 to index
        %swap3A_911 = tpu.vector_load %arg5[%swap3A_910] {strides = array<i32>} : memref<32960xf32, #tpu.memory_space<vmem>>, vector<16xf32>,
        tpu.vector_store %arg5[%swap3A_910], %gather3A_591 {strides = array<i32>} : memref<32960xf32, #tpu.memory_space<vmem>>, vector<16xf32>,
        %add3A_912 = arith.constant 48 : i32
        %add3A_913 = arith.addi %scan3A_526, %add3A_912 : i32
        %swap3A_914 = arith.index_cast %add3A_913 : i32 to index
        %swap3A_915 = tpu.vector_load %arg5[%swap3A_914] {strides = array<i32>} : memref<32960xf32, #tpu.memory_space<vmem>>, vector<16xf32>,
        tpu.vector_store %arg5[%swap3A_914], %gather3A_600 {strides = array<i32>} : memref<32960xf32, #tpu.memory_space<vmem>>, vector<16xf32>,
        %add3A_916 = arith.constant 64 : i32
        %add3A_917 = arith.addi %scan3A_526, %add3A_916 : i32
        %swap3A_918 = arith.index_cast %add3A_917 : i32 to index
        %swap3A_919 = tpu.vector_load %arg5[%swap3A_918] {strides = array<i32>} : memref<32960xf32, #tpu.memory_space<vmem>>, vector<16xf32>,
        tpu.vector_store %arg5[%swap3A_918], %gather3A_609 {strides = array<i32>} : memref<32960xf32, #tpu.memory_space<vmem>>, vector<16xf32>,
        %add3A_920 = arith.constant 80 : i32
        %add3A_921 = arith.addi %scan3A_526, %add3A_920 : i32
        %swap3A_922 = arith.index_cast %add3A_921 : i32 to index
        %swap3A_923 = tpu.vector_load %arg5[%swap3A_922] {strides = array<i32>} : memref<32960xf32, #tpu.memory_space<vmem>>, vector<16xf32>,
        tpu.vector_store %arg5[%swap3A_922], %gather3A_618 {strides = array<i32>} : memref<32960xf32, #tpu.memory_space<vmem>>, vector<16xf32>,
        %add3A_924 = arith.constant 96 : i32
        %add3A_925 = arith.addi %scan3A_526, %add3A_924 : i32
        %swap3A_926 = arith.index_cast %add3A_925 : i32 to index
        %swap3A_927 = tpu.vector_load %arg5[%swap3A_926] {strides = array<i32>} : memref<32960xf32, #tpu.memory_space<vmem>>, vector<16xf32>,
        tpu.vector_store %arg5[%swap3A_926], %gather3A_627 {strides = array<i32>} : memref<32960xf32, #tpu.memory_space<vmem>>, vector<16xf32>,
        %add3A_928 = arith.constant 112 : i32
        %add3A_929 = arith.addi %scan3A_526, %add3A_928 : i32
        %swap3A_930 = arith.index_cast %add3A_929 : i32 to index
        %swap3A_931 = tpu.vector_load %arg5[%swap3A_930] {strides = array<i32>} : memref<32960xf32, #tpu.memory_space<vmem>>, vector<16xf32>,
        tpu.vector_store %arg5[%swap3A_930], %gather3A_636 {strides = array<i32>} : memref<32960xf32, #tpu.memory_space<vmem>>, vector<16xf32>,
        %add3A_932 = arith.constant 128 : i32
        %add3A_933 = arith.addi %scan3A_526, %add3A_932 : i32
        %swap3A_934 = arith.index_cast %add3A_933 : i32 to index
        %swap3A_935 = tpu.vector_load %arg5[%swap3A_934] {strides = array<i32>} : memref<32960xf32, #tpu.memory_space<vmem>>, vector<16xf32>,
        tpu.vector_store %arg5[%swap3A_934], %gather3A_645 {strides = array<i32>} : memref<32960xf32, #tpu.memory_space<vmem>>, vector<16xf32>,
        %add3A_936 = arith.constant 144 : i32
        %add3A_937 = arith.addi %scan3A_526, %add3A_936 : i32
        %swap3A_938 = arith.index_cast %add3A_937 : i32 to index
        %swap3A_939 = tpu.vector_load %arg5[%swap3A_938] {strides = array<i32>} : memref<32960xf32, #tpu.memory_space<vmem>>, vector<16xf32>,
        tpu.vector_store %arg5[%swap3A_938], %gather3A_654 {strides = array<i32>} : memref<32960xf32, #tpu.memory_space<vmem>>, vector<16xf32>,
        %add3A_940 = arith.constant 160 : i32
        %add3A_941 = arith.addi %scan3A_526, %add3A_940 : i32
        %swap3A_942 = arith.index_cast %add3A_941 : i32 to index
        %swap3A_943 = tpu.vector_load %arg5[%swap3A_942] {strides = array<i32>} : memref<32960xf32, #tpu.memory_space<vmem>>, vector<16xf32>,
        tpu.vector_store %arg5[%swap3A_942], %gather3A_663 {strides = array<i32>} : memref<32960xf32, #tpu.memory_space<vmem>>, vector<16xf32>,
        %add3A_944 = arith.constant 176 : i32
        %add3A_945 = arith.addi %scan3A_526, %add3A_944 : i32
        %swap3A_946 = arith.index_cast %add3A_945 : i32 to index
        %swap3A_947 = tpu.vector_load %arg5[%swap3A_946] {strides = array<i32>} : memref<32960xf32, #tpu.memory_space<vmem>>, vector<16xf32>,
        tpu.vector_store %arg5[%swap3A_946], %gather3A_672 {strides = array<i32>} : memref<32960xf32, #tpu.memory_space<vmem>>, vector<16xf32>,
        %add3A_948 = arith.constant 192 : i32
        %add3A_949 = arith.addi %scan3A_526, %add3A_948 : i32
        %swap3A_950 = arith.index_cast %add3A_949 : i32 to index
        %swap3A_951 = tpu.vector_load %arg5[%swap3A_950] {strides = array<i32>} : memref<32960xf32, #tpu.memory_space<vmem>>, vector<16xf32>,
        tpu.vector_store %arg5[%swap3A_950], %gather3A_681 {strides = array<i32>} : memref<32960xf32, #tpu.memory_space<vmem>>, vector<16xf32>,
        %add3A_952 = arith.constant 208 : i32
        %add3A_953 = arith.addi %scan3A_526, %add3A_952 : i32
        %swap3A_954 = arith.index_cast %add3A_953 : i32 to index
        %swap3A_955 = tpu.vector_load %arg5[%swap3A_954] {strides = array<i32>} : memref<32960xf32, #tpu.memory_space<vmem>>, vector<16xf32>,
        tpu.vector_store %arg5[%swap3A_954], %gather3A_690 {strides = array<i32>} : memref<32960xf32, #tpu.memory_space<vmem>>, vector<16xf32>,
        %add3A_956 = arith.constant 224 : i32
        %add3A_957 = arith.addi %scan3A_526, %add3A_956 : i32
        %swap3A_958 = arith.index_cast %add3A_957 : i32 to index
        %swap3A_959 = tpu.vector_load %arg5[%swap3A_958] {strides = array<i32>} : memref<32960xf32, #tpu.memory_space<vmem>>, vector<16xf32>,
        tpu.vector_store %arg5[%swap3A_958], %gather3A_699 {strides = array<i32>} : memref<32960xf32, #tpu.memory_space<vmem>>, vector<16xf32>,
        %add3A_960 = arith.constant 240 : i32
        %add3A_961 = arith.addi %scan3A_526, %add3A_960 : i32
        %swap3A_962 = arith.index_cast %add3A_961 : i32 to index
        %swap3A_963 = tpu.vector_load %arg5[%swap3A_962] {strides = array<i32>} : memref<32960xf32, #tpu.memory_space<vmem>>, vector<16xf32>,
        tpu.vector_store %arg5[%swap3A_962], %gather3A_708 {strides = array<i32>} : memref<32960xf32, #tpu.memory_space<vmem>>, vector<16xf32>,
        %sub3A_964 = arith.constant 256 : i32
        %sub3A_965 = arith.subi %sub3A_964, %mul3A_528 : i32
        %sub3A_966 = arith.constant 0 : i32
        %sub3A_967 = arith.subi %sub3A_965, %sub3A_966 : i32
        %add3A_968 = arith.addi %scan3A_526, %sub3A_967 : i32
        %add3A_969 = arith.constant 0 : i32
        %add3A_970 = arith.addi %add3A_968, %add3A_969 : i32
        %swap3A_971 = arith.index_cast %add3A_970 : i32 to index
        %swap3A_972 = tpu.vector_load %arg5[%swap3A_971] {strides = array<i32>} : memref<32960xf32, #tpu.memory_space<vmem>>, vector<16xf32>,
        tpu.vector_store %arg5[%swap3A_971], %gather3A_765 {strides = array<i32>} : memref<32960xf32, #tpu.memory_space<vmem>>, vector<16xf32>,
        %add3A_973 = arith.constant 16 : i32
        %add3A_974 = arith.addi %add3A_968, %add3A_973 : i32
        %swap3A_975 = arith.index_cast %add3A_974 : i32 to index
        %swap3A_976 = tpu.vector_load %arg5[%swap3A_975] {strides = array<i32>} : memref<32960xf32, #tpu.memory_space<vmem>>, vector<16xf32>,
        tpu.vector_store %arg5[%swap3A_975], %gather3A_774 {strides = array<i32>} : memref<32960xf32, #tpu.memory_space<vmem>>, vector<16xf32>,
        %add3A_977 = arith.constant 32 : i32
        %add3A_978 = arith.addi %add3A_968, %add3A_977 : i32
        %swap3A_979 = arith.index_cast %add3A_978 : i32 to index
        %swap3A_980 = tpu.vector_load %arg5[%swap3A_979] {strides = array<i32>} : memref<32960xf32, #tpu.memory_space<vmem>>, vector<16xf32>,
        tpu.vector_store %arg5[%swap3A_979], %gather3A_783 {strides = array<i32>} : memref<32960xf32, #tpu.memory_space<vmem>>, vector<16xf32>,
        %add3A_981 = arith.constant 48 : i32
        %add3A_982 = arith.addi %add3A_968, %add3A_981 : i32
        %swap3A_983 = arith.index_cast %add3A_982 : i32 to index
        %swap3A_984 = tpu.vector_load %arg5[%swap3A_983] {strides = array<i32>} : memref<32960xf32, #tpu.memory_space<vmem>>, vector<16xf32>,
        tpu.vector_store %arg5[%swap3A_983], %gather3A_792 {strides = array<i32>} : memref<32960xf32, #tpu.memory_space<vmem>>, vector<16xf32>,
        %add3A_985 = arith.constant 64 : i32
        %add3A_986 = arith.addi %add3A_968, %add3A_985 : i32
        %swap3A_987 = arith.index_cast %add3A_986 : i32 to index
        %swap3A_988 = tpu.vector_load %arg5[%swap3A_987] {strides = array<i32>} : memref<32960xf32, #tpu.memory_space<vmem>>, vector<16xf32>,
        tpu.vector_store %arg5[%swap3A_987], %gather3A_801 {strides = array<i32>} : memref<32960xf32, #tpu.memory_space<vmem>>, vector<16xf32>,
        %add3A_989 = arith.constant 80 : i32
        %add3A_990 = arith.addi %add3A_968, %add3A_989 : i32
        %swap3A_991 = arith.index_cast %add3A_990 : i32 to index
        %swap3A_992 = tpu.vector_load %arg5[%swap3A_991] {strides = array<i32>} : memref<32960xf32, #tpu.memory_space<vmem>>, vector<16xf32>,
        tpu.vector_store %arg5[%swap3A_991], %gather3A_810 {strides = array<i32>} : memref<32960xf32, #tpu.memory_space<vmem>>, vector<16xf32>,
        %add3A_993 = arith.constant 96 : i32
        %add3A_994 = arith.addi %add3A_968, %add3A_993 : i32
        %swap3A_995 = arith.index_cast %add3A_994 : i32 to index
        %swap3A_996 = tpu.vector_load %arg5[%swap3A_995] {strides = array<i32>} : memref<32960xf32, #tpu.memory_space<vmem>>, vector<16xf32>,
        tpu.vector_store %arg5[%swap3A_995], %gather3A_819 {strides = array<i32>} : memref<32960xf32, #tpu.memory_space<vmem>>, vector<16xf32>,
        %add3A_997 = arith.constant 112 : i32
        %add3A_998 = arith.addi %add3A_968, %add3A_997 : i32
        %swap3A_999 = arith.index_cast %add3A_998 : i32 to index
        %swap3A_1000 = tpu.vector_load %arg5[%swap3A_999] {strides = array<i32>} : memref<32960xf32, #tpu.memory_space<vmem>>, vector<16xf32>,
        tpu.vector_store %arg5[%swap3A_999], %gather3A_828 {strides = array<i32>} : memref<32960xf32, #tpu.memory_space<vmem>>, vector<16xf32>,
        %add3A_1001 = arith.constant 128 : i32
        %add3A_1002 = arith.addi %add3A_968, %add3A_1001 : i32
        %swap3A_1003 = arith.index_cast %add3A_1002 : i32 to index
        %swap3A_1004 = tpu.vector_load %arg5[%swap3A_1003] {strides = array<i32>} : memref<32960xf32, #tpu.memory_space<vmem>>, vector<16xf32>,
        tpu.vector_store %arg5[%swap3A_1003], %gather3A_837 {strides = array<i32>} : memref<32960xf32, #tpu.memory_space<vmem>>, vector<16xf32>,
        %add3A_1005 = arith.constant 144 : i32
        %add3A_1006 = arith.addi %add3A_968, %add3A_1005 : i32
        %swap3A_1007 = arith.index_cast %add3A_1006 : i32 to index
        %swap3A_1008 = tpu.vector_load %arg5[%swap3A_1007] {strides = array<i32>} : memref<32960xf32, #tpu.memory_space<vmem>>, vector<16xf32>,
        tpu.vector_store %arg5[%swap3A_1007], %gather3A_846 {strides = array<i32>} : memref<32960xf32, #tpu.memory_space<vmem>>, vector<16xf32>,
        %add3A_1009 = arith.constant 160 : i32
        %add3A_1010 = arith.addi %add3A_968, %add3A_1009 : i32
        %swap3A_1011 = arith.index_cast %add3A_1010 : i32 to index
        %swap3A_1012 = tpu.vector_load %arg5[%swap3A_1011] {strides = array<i32>} : memref<32960xf32, #tpu.memory_space<vmem>>, vector<16xf32>,
        tpu.vector_store %arg5[%swap3A_1011], %gather3A_855 {strides = array<i32>} : memref<32960xf32, #tpu.memory_space<vmem>>, vector<16xf32>,
        %add3A_1013 = arith.constant 176 : i32
        %add3A_1014 = arith.addi %add3A_968, %add3A_1013 : i32
        %swap3A_1015 = arith.index_cast %add3A_1014 : i32 to index
        %swap3A_1016 = tpu.vector_load %arg5[%swap3A_1015] {strides = array<i32>} : memref<32960xf32, #tpu.memory_space<vmem>>, vector<16xf32>,
        tpu.vector_store %arg5[%swap3A_1015], %gather3A_864 {strides = array<i32>} : memref<32960xf32, #tpu.memory_space<vmem>>, vector<16xf32>,
        %add3A_1017 = arith.constant 192 : i32
        %add3A_1018 = arith.addi %add3A_968, %add3A_1017 : i32
        %swap3A_1019 = arith.index_cast %add3A_1018 : i32 to index
        %swap3A_1020 = tpu.vector_load %arg5[%swap3A_1019] {strides = array<i32>} : memref<32960xf32, #tpu.memory_space<vmem>>, vector<16xf32>,
        tpu.vector_store %arg5[%swap3A_1019], %gather3A_873 {strides = array<i32>} : memref<32960xf32, #tpu.memory_space<vmem>>, vector<16xf32>,
        %add3A_1021 = arith.constant 208 : i32
        %add3A_1022 = arith.addi %add3A_968, %add3A_1021 : i32
        %swap3A_1023 = arith.index_cast %add3A_1022 : i32 to index
        %swap3A_1024 = tpu.vector_load %arg5[%swap3A_1023] {strides = array<i32>} : memref<32960xf32, #tpu.memory_space<vmem>>, vector<16xf32>,
        tpu.vector_store %arg5[%swap3A_1023], %gather3A_882 {strides = array<i32>} : memref<32960xf32, #tpu.memory_space<vmem>>, vector<16xf32>,
        %add3A_1025 = arith.constant 224 : i32
        %add3A_1026 = arith.addi %add3A_968, %add3A_1025 : i32
        %swap3A_1027 = arith.index_cast %add3A_1026 : i32 to index
        %swap3A_1028 = tpu.vector_load %arg5[%swap3A_1027] {strides = array<i32>} : memref<32960xf32, #tpu.memory_space<vmem>>, vector<16xf32>,
        tpu.vector_store %arg5[%swap3A_1027], %gather3A_891 {strides = array<i32>} : memref<32960xf32, #tpu.memory_space<vmem>>, vector<16xf32>,
        %add3A_1029 = arith.constant 240 : i32
        %add3A_1030 = arith.addi %add3A_968, %add3A_1029 : i32
        %swap3A_1031 = arith.index_cast %add3A_1030 : i32 to index
        %swap3A_1032 = tpu.vector_load %arg5[%swap3A_1031] {strides = array<i32>} : memref<32960xf32, #tpu.memory_space<vmem>>, vector<16xf32>,
        tpu.vector_store %arg5[%swap3A_1031], %gather3A_900 {strides = array<i32>} : memref<32960xf32, #tpu.memory_space<vmem>>, vector<16xf32>,
        %sub3A_1033 = arith.constant 256 : i32
        %sub3A_1034 = arith.subi %sub3A_1033, %mul3A_528 : i32
        %sub3A_1035 = arith.constant 1 : i32
        %sub3A_1036 = arith.subi %sub3A_1034, %sub3A_1035 : i32
        %add3A_1037 = arith.addi %add3A_968, %sub3A_1036 : i32
        scf.yield %add3A_1037 : i32
      }
      %scan3A_125 = arith.constant 32 : i32
      %dma_wait3A_126 = arith.constant 0 : i32
      %dma_wait3A_127 = arith.constant 1 : i32
      %dma_wait3A_128 = arith.constant 0 : i32
      %dma_wait3A_129 = arith.constant 0 : i32
      %dma_wait3A_130 = arith.constant 0 : i32
      %dma_wait3A_131 = tpu.memref_slice %arg4[%dma_wait3A_127, %dma_wait3A_128, %dma_wait3A_129, %dma_wait3A_130] : memref<2x8x8x256xf32, #tpu.memory_space<vmem>> -> memref<1x8x8x256xf32, #tpu.memory_space<vmem>>
      %dma_wait3A_132 = tpu.memref_squeeze %dma_wait3A_131 : memref<1x8x8x256xf32, #tpu.memory_space<vmem>> -> memref<8x8x256xf32, #tpu.memory_space<vmem>>
      %dma_wait3A_133 = arith.constant 8 : i32
      %dma_wait3A_134 = arith.constant 0 : i32
      %dma_wait3A_135 = arith.constant 0 : i32
      %dma_wait3A_136 = tpu.memref_slice %arg2[%dma_wait3A_126, %dma_wait3A_133, %dma_wait3A_134, %dma_wait3A_135] : memref<1024x32x8x256xf32, #tpu.memory_space<hbm>> -> memref<1x8x8x256xf32, #tpu.memory_space<hbm>>
      %dma_wait3A_137 = tpu.memref_squeeze %dma_wait3A_136 : memref<1x8x8x256xf32, #tpu.memory_space<hbm>> -> memref<8x8x256xf32, #tpu.memory_space<hbm>>
      %dma_wait3A_138 = arith.constant 0 : i32
      %dma_wait3A_139 = arith.constant 0 : i32
      %dma_wait3A_140 = arith.constant 0 : i32
      %dma_wait3A_141 = tpu.memref_slice %arg4[%dma_wait3A_127, %dma_wait3A_138, %dma_wait3A_139, %dma_wait3A_140] : memref<2x8x8x256xf32, #tpu.memory_space<vmem>> -> memref<1x8x8x256xf32, #tpu.memory_space<vmem>>
      %dma_wait3A_142 = tpu.memref_squeeze %dma_wait3A_141 : memref<1x8x8x256xf32, #tpu.memory_space<vmem>> -> memref<8x8x256xf32, #tpu.memory_space<vmem>>
      %dma_wait3A_143 = arith.constant 8 : i32
      %dma_wait3A_144 = arith.constant 0 : i32
      %dma_wait3A_145 = arith.constant 0 : i32
      %dma_wait3A_146 = tpu.memref_slice %arg2[%dma_wait3A_126, %dma_wait3A_143, %dma_wait3A_144, %dma_wait3A_145] : memref<1024x32x8x256xf32, #tpu.memory_space<hbm>> -> memref<1x8x8x256xf32, #tpu.memory_space<hbm>>
      %dma_wait3A_147 = tpu.memref_squeeze %dma_wait3A_146 : memref<1x8x8x256xf32, #tpu.memory_space<hbm>> -> memref<8x8x256xf32, #tpu.memory_space<hbm>>
      tpu.wait_dma2 semaphore(%arg8 : memref<!tpu.dma_semaphore, #tpu.memory_space<semaphore_mem>>) src(%dma_wait3A_147 : memref<8x8x256xf32, #tpu.memory_space<hbm>>) dst(%dma_wait3A_142 : memref<8x8x256xf32, #tpu.memory_space<vmem>>)
      %add3A_148 = arith.addi %mul3A_2, %add3A_71 : i32
      %dma_start3A_149 = arith.constant 0 : i32
      %dma_start3A_150 = arith.constant 0 : i32
      %dma_start3A_151 = arith.constant 0 : i32
      %dma_start3A_152 = arith.constant 128 : i32
      %dma_start3A_153 = tpu.memref_slice %arg4[%dma_start3A_149, %dma_start3A_150, %dma_start3A_151, %dma_start3A_152] : memref<2x8x8x256xf32, #tpu.memory_space<vmem>> -> memref<1x8x8x128xf32, #tpu.memory_space<vmem>>
      %dma_start3A_154 = tpu.memref_squeeze %dma_start3A_153 : memref<1x8x8x128xf32, #tpu.memory_space<vmem>> -> memref<8x8x128xf32, #tpu.memory_space<vmem>>
      %dma_start3A_155 = arith.constant 16 : i32
      %dma_start3A_156 = arith.constant 0 : i32
      %dma_start3A_157 = arith.constant 128 : i32
      %dma_start3A_158 = tpu.memref_slice %arg2[%add3A_148, %dma_start3A_155, %dma_start3A_156, %dma_start3A_157] : memref<1024x32x8x256xf32, #tpu.memory_space<hbm>> -> memref<1x8x8x128xf32, #tpu.memory_space<hbm>>
      %dma_start3A_159 = tpu.memref_squeeze %dma_start3A_158 : memref<1x8x8x128xf32, #tpu.memory_space<hbm>> -> memref<8x8x128xf32, #tpu.memory_space<hbm>>
      %dma_start3A_160 = arith.constant 0 : i32
      %dma_start3A_161 = arith.constant 0 : i32
      %dma_start3A_162 = arith.constant 128 : i32
      %dma_start3A_163 = tpu.memref_slice %arg4[%dma_start3A_149, %dma_start3A_160, %dma_start3A_161, %dma_start3A_162] : memref<2x8x8x256xf32, #tpu.memory_space<vmem>> -> memref<1x8x8x128xf32, #tpu.memory_space<vmem>>
      %dma_start3A_164 = tpu.memref_squeeze %dma_start3A_163 : memref<1x8x8x128xf32, #tpu.memory_space<vmem>> -> memref<8x8x128xf32, #tpu.memory_space<vmem>>
      %dma_start3A_165 = arith.constant 16 : i32
      %dma_start3A_166 = arith.constant 0 : i32
      %dma_start3A_167 = arith.constant 128 : i32
      %dma_start3A_168 = tpu.memref_slice %arg2[%add3A_148, %dma_start3A_165, %dma_start3A_166, %dma_start3A_167] : memref<1024x32x8x256xf32, #tpu.memory_space<hbm>> -> memref<1x8x8x128xf32, #tpu.memory_space<hbm>>
      %dma_start3A_169 = tpu.memref_squeeze %dma_start3A_168 : memref<1x8x8x128xf32, #tpu.memory_space<hbm>> -> memref<8x8x128xf32, #tpu.memory_space<hbm>>
      tpu.enqueue_dma source(%dma_start3A_169 : memref<8x8x128xf32, #tpu.memory_space<hbm>>) target(%dma_start3A_164 : memref<8x8x128xf32, #tpu.memory_space<vmem>>) target_semaphore(%arg7 : memref<!tpu.dma_semaphore, #tpu.memory_space<semaphore_mem>>)
      %scan3A_170 = arith.constant 1 : i32
      %scan3A_171 = arith.constant 14368 : i32
      %scan3A_172 = arith.constant 0 : i32
      %scan3A_173 = arith.constant 32 : i32
      %scan3A_174 = arith.addi %scan3A_172, %scan3A_173 : i32
      %scan3A_175 = arith.constant 1 : i32
      %scan3A_176 = scf.for %scan3A_525 = %scan3A_172 to %scan3A_174 step %scan3A_175 iter_args(%scan3A_526 = %scan3A_171) -> (i32)  : i32 {
        %mul3A_527 = arith.constant 2 : i32
        %mul3A_528 = arith.muli %mul3A_527, %scan3A_525 : i32
        %add3A_529 = arith.constant 0 : i32
        %add3A_530 = arith.addi %mul3A_528, %add3A_529 : i32
        %jit3A = arith.constant 8 : i32
        %div3A = arith.divsi %add3A_530, %jit3A : i32
        %sign3A = arith.constant 0 : i32
        %sign3A_531 = arith.cmpi sgt, %add3A_530, %sign3A : i32
        %sign3A_532 = arith.extui %sign3A_531 : i1 to i32
        %sign3A_533 = arith.constant 0 : i32
        %sign3A_534 = arith.cmpi slt, %add3A_530, %sign3A_533 : i32
        %sign3A_535 = arith.extui %sign3A_534 : i1 to i32
        %sign3A_536 = arith.subi %sign3A_532, %sign3A_535 : i32
        %sign3A_537 = arith.constant 0 : i32
        %sign3A_538 = arith.cmpi sgt, %jit3A, %sign3A_537 : i32
        %sign3A_539 = arith.extui %sign3A_538 : i1 to i32
        %sign3A_540 = arith.constant 0 : i32
        %sign3A_541 = arith.cmpi slt, %jit3A, %sign3A_540 : i32
        %sign3A_542 = arith.extui %sign3A_541 : i1 to i32
        %sign3A_543 = arith.subi %sign3A_539, %sign3A_542 : i32
        %ne3A = arith.cmpi ne, %sign3A_536, %sign3A_543 : i32
        %rem3A = arith.remsi %add3A_530, %jit3A : i32
        %ne3A_544 = arith.constant 0 : i32
        %ne3A_545 = arith.cmpi ne, %rem3A, %ne3A_544 : i32
        %and3A = arith.andi %ne3A, %ne3A_545 : i1
        %sub3A = arith.constant 1 : i32
        %sub3A_546 = arith.subi %div3A, %sub3A : i32
        %select_n3A = arith.select %and3A, %sub3A_546, %div3A : i32
        %broadcast_in_dim3A = vector.broadcast %select_n3A : i32 to vector<16xi32>
        %jit3A_547 = arith.constant 8 : i32
        %eq3A = arith.constant 0 : i32
        %eq3A_548 = arith.cmpi eq, %jit3A_547, %eq3A : i32
        %jit3A_549 = arith.constant 1 : i32
        %select_n3A_550 = arith.select %eq3A_548, %jit3A_549, %jit3A_547 : i32
        %rem3A_551 = arith.remsi %add3A_530, %select_n3A_550 : i32
        %ne3A_552 = arith.constant 0 : i32
        %ne3A_553 = arith.cmpi ne, %rem3A_551, %ne3A_552 : i32
        %lt3A = arith.constant 0 : i32
        %lt3A_554 = arith.cmpi slt, %rem3A_551, %lt3A : i32
        %lt3A_555 = arith.constant 0 : i32
        %lt3A_556 = arith.cmpi slt, %select_n3A_550, %lt3A_555 : i32
        %ne3A_557 = arith.xori %lt3A_554, %lt3A_556 : i1
        %and3A_558 = arith.andi %ne3A_557, %ne3A_553 : i1
        %add3A_559 = arith.addi %rem3A_551, %select_n3A_550 : i32
        %select_n3A_560 = arith.select %and3A_558, %add3A_559, %rem3A_551 : i32
        %broadcast_in_dim3A_561 = vector.broadcast %select_n3A_560 : i32 to vector<16xi32>
        %add3A_562 = arith.constant 64 : i32
        %add3A_563 = arith.addi %add3A_562, %add3A_530 : i32
        %add3A_564 = vector.broadcast %add3A_563 : i32 to vector<16xi32>
        %add3A_565 = arith.addi %add3A_564, %iota3A : vector<16xi32>
        %add3A_566 = arith.constant 0 : i32
        %add3A_567 = vector.broadcast %add3A_566 : i32 to vector<16xi32>
        %add3A_568 = arith.addi %add3A_565, %add3A_567 : vector<16xi32>
        %gather3A = arith.constant 0 : i32
        %gather3A_569 = arith.constant 0 : i32
        %gather3A_570 = arith.constant 0 : i32
        %gather3A_571 = tpu.memref_slice %arg4[%scan3A_170, %gather3A, %gather3A_569, %gather3A_570] : memref<2x8x8x256xf32, #tpu.memory_space<vmem>> -> memref<1x8x8x256xf32, #tpu.memory_space<vmem>>
        %gather3A_572 = tpu.memref_squeeze %gather3A_571 : memref<1x8x8x256xf32, #tpu.memory_space<vmem>> -> memref<8x8x256xf32, #tpu.memory_space<vmem>>
        %gather3A_573 = tpu.vector_load_idx %gather3A_572[%broadcast_in_dim3A, %broadcast_in_dim3A_561, %add3A_568] : memref<8x8x256xf32, #tpu.memory_space<vmem>>[vector<16xi32>, vector<16xi32>, vector<16xi32>], vector<16xf32>,
        %add3A_574 = arith.constant 16 : i32
        %add3A_575 = vector.broadcast %add3A_574 : i32 to vector<16xi32>
        %add3A_576 = arith.addi %add3A_565, %add3A_575 : vector<16xi32>
        %gather3A_577 = arith.constant 0 : i32
        %gather3A_578 = arith.constant 0 : i32
        %gather3A_579 = arith.constant 0 : i32
        %gather3A_580 = tpu.memref_slice %arg4[%scan3A_170, %gather3A_577, %gather3A_578, %gather3A_579] : memref<2x8x8x256xf32, #tpu.memory_space<vmem>> -> memref<1x8x8x256xf32, #tpu.memory_space<vmem>>
        %gather3A_581 = tpu.memref_squeeze %gather3A_580 : memref<1x8x8x256xf32, #tpu.memory_space<vmem>> -> memref<8x8x256xf32, #tpu.memory_space<vmem>>
        %gather3A_582 = tpu.vector_load_idx %gather3A_581[%broadcast_in_dim3A, %broadcast_in_dim3A_561, %add3A_576] : memref<8x8x256xf32, #tpu.memory_space<vmem>>[vector<16xi32>, vector<16xi32>, vector<16xi32>], vector<16xf32>,
        %add3A_583 = arith.constant 32 : i32
        %add3A_584 = vector.broadcast %add3A_583 : i32 to vector<16xi32>
        %add3A_585 = arith.addi %add3A_565, %add3A_584 : vector<16xi32>
        %gather3A_586 = arith.constant 0 : i32
        %gather3A_587 = arith.constant 0 : i32
        %gather3A_588 = arith.constant 0 : i32
        %gather3A_589 = tpu.memref_slice %arg4[%scan3A_170, %gather3A_586, %gather3A_587, %gather3A_588] : memref<2x8x8x256xf32, #tpu.memory_space<vmem>> -> memref<1x8x8x256xf32, #tpu.memory_space<vmem>>
        %gather3A_590 = tpu.memref_squeeze %gather3A_589 : memref<1x8x8x256xf32, #tpu.memory_space<vmem>> -> memref<8x8x256xf32, #tpu.memory_space<vmem>>
        %gather3A_591 = tpu.vector_load_idx %gather3A_590[%broadcast_in_dim3A, %broadcast_in_dim3A_561, %add3A_585] : memref<8x8x256xf32, #tpu.memory_space<vmem>>[vector<16xi32>, vector<16xi32>, vector<16xi32>], vector<16xf32>,
        %add3A_592 = arith.constant 48 : i32
        %add3A_593 = vector.broadcast %add3A_592 : i32 to vector<16xi32>
        %add3A_594 = arith.addi %add3A_565, %add3A_593 : vector<16xi32>
        %gather3A_595 = arith.constant 0 : i32
        %gather3A_596 = arith.constant 0 : i32
        %gather3A_597 = arith.constant 0 : i32
        %gather3A_598 = tpu.memref_slice %arg4[%scan3A_170, %gather3A_595, %gather3A_596, %gather3A_597] : memref<2x8x8x256xf32, #tpu.memory_space<vmem>> -> memref<1x8x8x256xf32, #tpu.memory_space<vmem>>
        %gather3A_599 = tpu.memref_squeeze %gather3A_598 : memref<1x8x8x256xf32, #tpu.memory_space<vmem>> -> memref<8x8x256xf32, #tpu.memory_space<vmem>>
        %gather3A_600 = tpu.vector_load_idx %gather3A_599[%broadcast_in_dim3A, %broadcast_in_dim3A_561, %add3A_594] : memref<8x8x256xf32, #tpu.memory_space<vmem>>[vector<16xi32>, vector<16xi32>, vector<16xi32>], vector<16xf32>,
        %add3A_601 = arith.constant 64 : i32
        %add3A_602 = vector.broadcast %add3A_601 : i32 to vector<16xi32>
        %add3A_603 = arith.addi %add3A_565, %add3A_602 : vector<16xi32>
        %gather3A_604 = arith.constant 0 : i32
        %gather3A_605 = arith.constant 0 : i32
        %gather3A_606 = arith.constant 0 : i32
        %gather3A_607 = tpu.memref_slice %arg4[%scan3A_170, %gather3A_604, %gather3A_605, %gather3A_606] : memref<2x8x8x256xf32, #tpu.memory_space<vmem>> -> memref<1x8x8x256xf32, #tpu.memory_space<vmem>>
        %gather3A_608 = tpu.memref_squeeze %gather3A_607 : memref<1x8x8x256xf32, #tpu.memory_space<vmem>> -> memref<8x8x256xf32, #tpu.memory_space<vmem>>
        %gather3A_609 = tpu.vector_load_idx %gather3A_608[%broadcast_in_dim3A, %broadcast_in_dim3A_561, %add3A_603] : memref<8x8x256xf32, #tpu.memory_space<vmem>>[vector<16xi32>, vector<16xi32>, vector<16xi32>], vector<16xf32>,
        %add3A_610 = arith.constant 80 : i32
        %add3A_611 = vector.broadcast %add3A_610 : i32 to vector<16xi32>
        %add3A_612 = arith.addi %add3A_565, %add3A_611 : vector<16xi32>
        %gather3A_613 = arith.constant 0 : i32
        %gather3A_614 = arith.constant 0 : i32
        %gather3A_615 = arith.constant 0 : i32
        %gather3A_616 = tpu.memref_slice %arg4[%scan3A_170, %gather3A_613, %gather3A_614, %gather3A_615] : memref<2x8x8x256xf32, #tpu.memory_space<vmem>> -> memref<1x8x8x256xf32, #tpu.memory_space<vmem>>
        %gather3A_617 = tpu.memref_squeeze %gather3A_616 : memref<1x8x8x256xf32, #tpu.memory_space<vmem>> -> memref<8x8x256xf32, #tpu.memory_space<vmem>>
        %gather3A_618 = tpu.vector_load_idx %gather3A_617[%broadcast_in_dim3A, %broadcast_in_dim3A_561, %add3A_612] : memref<8x8x256xf32, #tpu.memory_space<vmem>>[vector<16xi32>, vector<16xi32>, vector<16xi32>], vector<16xf32>,
        %add3A_619 = arith.constant 96 : i32
        %add3A_620 = vector.broadcast %add3A_619 : i32 to vector<16xi32>
        %add3A_621 = arith.addi %add3A_565, %add3A_620 : vector<16xi32>
        %gather3A_622 = arith.constant 0 : i32
        %gather3A_623 = arith.constant 0 : i32
        %gather3A_624 = arith.constant 0 : i32
        %gather3A_625 = tpu.memref_slice %arg4[%scan3A_170, %gather3A_622, %gather3A_623, %gather3A_624] : memref<2x8x8x256xf32, #tpu.memory_space<vmem>> -> memref<1x8x8x256xf32, #tpu.memory_space<vmem>>
        %gather3A_626 = tpu.memref_squeeze %gather3A_625 : memref<1x8x8x256xf32, #tpu.memory_space<vmem>> -> memref<8x8x256xf32, #tpu.memory_space<vmem>>
        %gather3A_627 = tpu.vector_load_idx %gather3A_626[%broadcast_in_dim3A, %broadcast_in_dim3A_561, %add3A_621] : memref<8x8x256xf32, #tpu.memory_space<vmem>>[vector<16xi32>, vector<16xi32>, vector<16xi32>], vector<16xf32>,
        %add3A_628 = arith.constant 112 : i32
        %add3A_629 = vector.broadcast %add3A_628 : i32 to vector<16xi32>
        %add3A_630 = arith.addi %add3A_565, %add3A_629 : vector<16xi32>
        %gather3A_631 = arith.constant 0 : i32
        %gather3A_632 = arith.constant 0 : i32
        %gather3A_633 = arith.constant 0 : i32
        %gather3A_634 = tpu.memref_slice %arg4[%scan3A_170, %gather3A_631, %gather3A_632, %gather3A_633] : memref<2x8x8x256xf32, #tpu.memory_space<vmem>> -> memref<1x8x8x256xf32, #tpu.memory_space<vmem>>
        %gather3A_635 = tpu.memref_squeeze %gather3A_634 : memref<1x8x8x256xf32, #tpu.memory_space<vmem>> -> memref<8x8x256xf32, #tpu.memory_space<vmem>>
        %gather3A_636 = tpu.vector_load_idx %gather3A_635[%broadcast_in_dim3A, %broadcast_in_dim3A_561, %add3A_630] : memref<8x8x256xf32, #tpu.memory_space<vmem>>[vector<16xi32>, vector<16xi32>, vector<16xi32>], vector<16xf32>,
        %add3A_637 = arith.constant 128 : i32
        %add3A_638 = vector.broadcast %add3A_637 : i32 to vector<16xi32>
        %add3A_639 = arith.addi %add3A_565, %add3A_638 : vector<16xi32>
        %gather3A_640 = arith.constant 0 : i32
        %gather3A_641 = arith.constant 0 : i32
        %gather3A_642 = arith.constant 0 : i32
        %gather3A_643 = tpu.memref_slice %arg4[%scan3A_170, %gather3A_640, %gather3A_641, %gather3A_642] : memref<2x8x8x256xf32, #tpu.memory_space<vmem>> -> memref<1x8x8x256xf32, #tpu.memory_space<vmem>>
        %gather3A_644 = tpu.memref_squeeze %gather3A_643 : memref<1x8x8x256xf32, #tpu.memory_space<vmem>> -> memref<8x8x256xf32, #tpu.memory_space<vmem>>
        %gather3A_645 = tpu.vector_load_idx %gather3A_644[%broadcast_in_dim3A, %broadcast_in_dim3A_561, %add3A_639] : memref<8x8x256xf32, #tpu.memory_space<vmem>>[vector<16xi32>, vector<16xi32>, vector<16xi32>], vector<16xf32>,
        %add3A_646 = arith.constant 144 : i32
        %add3A_647 = vector.broadcast %add3A_646 : i32 to vector<16xi32>
        %add3A_648 = arith.addi %add3A_565, %add3A_647 : vector<16xi32>
        %gather3A_649 = arith.constant 0 : i32
        %gather3A_650 = arith.constant 0 : i32
        %gather3A_651 = arith.constant 0 : i32
        %gather3A_652 = tpu.memref_slice %arg4[%scan3A_170, %gather3A_649, %gather3A_650, %gather3A_651] : memref<2x8x8x256xf32, #tpu.memory_space<vmem>> -> memref<1x8x8x256xf32, #tpu.memory_space<vmem>>
        %gather3A_653 = tpu.memref_squeeze %gather3A_652 : memref<1x8x8x256xf32, #tpu.memory_space<vmem>> -> memref<8x8x256xf32, #tpu.memory_space<vmem>>
        %gather3A_654 = tpu.vector_load_idx %gather3A_653[%broadcast_in_dim3A, %broadcast_in_dim3A_561, %add3A_648] : memref<8x8x256xf32, #tpu.memory_space<vmem>>[vector<16xi32>, vector<16xi32>, vector<16xi32>], vector<16xf32>,
        %add3A_655 = arith.constant 160 : i32
        %add3A_656 = vector.broadcast %add3A_655 : i32 to vector<16xi32>
        %add3A_657 = arith.addi %add3A_565, %add3A_656 : vector<16xi32>
        %gather3A_658 = arith.constant 0 : i32
        %gather3A_659 = arith.constant 0 : i32
        %gather3A_660 = arith.constant 0 : i32
        %gather3A_661 = tpu.memref_slice %arg4[%scan3A_170, %gather3A_658, %gather3A_659, %gather3A_660] : memref<2x8x8x256xf32, #tpu.memory_space<vmem>> -> memref<1x8x8x256xf32, #tpu.memory_space<vmem>>
        %gather3A_662 = tpu.memref_squeeze %gather3A_661 : memref<1x8x8x256xf32, #tpu.memory_space<vmem>> -> memref<8x8x256xf32, #tpu.memory_space<vmem>>
        %gather3A_663 = tpu.vector_load_idx %gather3A_662[%broadcast_in_dim3A, %broadcast_in_dim3A_561, %add3A_657] : memref<8x8x256xf32, #tpu.memory_space<vmem>>[vector<16xi32>, vector<16xi32>, vector<16xi32>], vector<16xf32>,
        %add3A_664 = arith.constant 176 : i32
        %add3A_665 = vector.broadcast %add3A_664 : i32 to vector<16xi32>
        %add3A_666 = arith.addi %add3A_565, %add3A_665 : vector<16xi32>
        %gather3A_667 = arith.constant 0 : i32
        %gather3A_668 = arith.constant 0 : i32
        %gather3A_669 = arith.constant 0 : i32
        %gather3A_670 = tpu.memref_slice %arg4[%scan3A_170, %gather3A_667, %gather3A_668, %gather3A_669] : memref<2x8x8x256xf32, #tpu.memory_space<vmem>> -> memref<1x8x8x256xf32, #tpu.memory_space<vmem>>
        %gather3A_671 = tpu.memref_squeeze %gather3A_670 : memref<1x8x8x256xf32, #tpu.memory_space<vmem>> -> memref<8x8x256xf32, #tpu.memory_space<vmem>>
        %gather3A_672 = tpu.vector_load_idx %gather3A_671[%broadcast_in_dim3A, %broadcast_in_dim3A_561, %add3A_666] : memref<8x8x256xf32, #tpu.memory_space<vmem>>[vector<16xi32>, vector<16xi32>, vector<16xi32>], vector<16xf32>,
        %add3A_673 = arith.constant 1 : i32
        %add3A_674 = arith.addi %mul3A_528, %add3A_673 : i32
        %jit3A_675 = arith.constant 8 : i32
        %div3A_676 = arith.divsi %add3A_674, %jit3A_675 : i32
        %sign3A_677 = arith.constant 0 : i32
        %sign3A_678 = arith.cmpi sgt, %add3A_674, %sign3A_677 : i32
        %sign3A_679 = arith.extui %sign3A_678 : i1 to i32
        %sign3A_680 = arith.constant 0 : i32
        %sign3A_681 = arith.cmpi slt, %add3A_674, %sign3A_680 : i32
        %sign3A_682 = arith.extui %sign3A_681 : i1 to i32
        %sign3A_683 = arith.subi %sign3A_679, %sign3A_682 : i32
        %sign3A_684 = arith.constant 0 : i32
        %sign3A_685 = arith.cmpi sgt, %jit3A_675, %sign3A_684 : i32
        %sign3A_686 = arith.extui %sign3A_685 : i1 to i32
        %sign3A_687 = arith.constant 0 : i32
        %sign3A_688 = arith.cmpi slt, %jit3A_675, %sign3A_687 : i32
        %sign3A_689 = arith.extui %sign3A_688 : i1 to i32
        %sign3A_690 = arith.subi %sign3A_686, %sign3A_689 : i32
        %ne3A_691 = arith.cmpi ne, %sign3A_683, %sign3A_690 : i32
        %rem3A_692 = arith.remsi %add3A_674, %jit3A_675 : i32
        %ne3A_693 = arith.constant 0 : i32
        %ne3A_694 = arith.cmpi ne, %rem3A_692, %ne3A_693 : i32
        %and3A_695 = arith.andi %ne3A_691, %ne3A_694 : i1
        %sub3A_696 = arith.constant 1 : i32
        %sub3A_697 = arith.subi %div3A_676, %sub3A_696 : i32
        %select_n3A_698 = arith.select %and3A_695, %sub3A_697, %div3A_676 : i32
        %broadcast_in_dim3A_699 = vector.broadcast %select_n3A_698 : i32 to vector<16xi32>
        %jit3A_700 = arith.constant 8 : i32
        %eq3A_701 = arith.constant 0 : i32
        %eq3A_702 = arith.cmpi eq, %jit3A_700, %eq3A_701 : i32
        %jit3A_703 = arith.constant 1 : i32
        %select_n3A_704 = arith.select %eq3A_702, %jit3A_703, %jit3A_700 : i32
        %rem3A_705 = arith.remsi %add3A_674, %select_n3A_704 : i32
        %ne3A_706 = arith.constant 0 : i32
        %ne3A_707 = arith.cmpi ne, %rem3A_705, %ne3A_706 : i32
        %lt3A_708 = arith.constant 0 : i32
        %lt3A_709 = arith.cmpi slt, %rem3A_705, %lt3A_708 : i32
        %lt3A_710 = arith.constant 0 : i32
        %lt3A_711 = arith.cmpi slt, %select_n3A_704, %lt3A_710 : i32
        %ne3A_712 = arith.xori %lt3A_709, %lt3A_711 : i1
        %and3A_713 = arith.andi %ne3A_712, %ne3A_707 : i1
        %add3A_714 = arith.addi %rem3A_705, %select_n3A_704 : i32
        %select_n3A_715 = arith.select %and3A_713, %add3A_714, %rem3A_705 : i32
        %broadcast_in_dim3A_716 = vector.broadcast %select_n3A_715 : i32 to vector<16xi32>
        %add3A_717 = arith.constant 64 : i32
        %add3A_718 = arith.addi %add3A_717, %add3A_674 : i32
        %add3A_719 = vector.broadcast %add3A_718 : i32 to vector<16xi32>
        %add3A_720 = arith.addi %add3A_719, %iota3A : vector<16xi32>
        %add3A_721 = arith.constant 0 : i32
        %add3A_722 = vector.broadcast %add3A_721 : i32 to vector<16xi32>
        %add3A_723 = arith.addi %add3A_720, %add3A_722 : vector<16xi32>
        %gather3A_724 = arith.constant 0 : i32
        %gather3A_725 = arith.constant 0 : i32
        %gather3A_726 = arith.constant 0 : i32
        %gather3A_727 = tpu.memref_slice %arg4[%scan3A_170, %gather3A_724, %gather3A_725, %gather3A_726] : memref<2x8x8x256xf32, #tpu.memory_space<vmem>> -> memref<1x8x8x256xf32, #tpu.memory_space<vmem>>
        %gather3A_728 = tpu.memref_squeeze %gather3A_727 : memref<1x8x8x256xf32, #tpu.memory_space<vmem>> -> memref<8x8x256xf32, #tpu.memory_space<vmem>>
        %gather3A_729 = tpu.vector_load_idx %gather3A_728[%broadcast_in_dim3A_699, %broadcast_in_dim3A_716, %add3A_723] : memref<8x8x256xf32, #tpu.memory_space<vmem>>[vector<16xi32>, vector<16xi32>, vector<16xi32>], vector<16xf32>,
        %add3A_730 = arith.constant 16 : i32
        %add3A_731 = vector.broadcast %add3A_730 : i32 to vector<16xi32>
        %add3A_732 = arith.addi %add3A_720, %add3A_731 : vector<16xi32>
        %gather3A_733 = arith.constant 0 : i32
        %gather3A_734 = arith.constant 0 : i32
        %gather3A_735 = arith.constant 0 : i32
        %gather3A_736 = tpu.memref_slice %arg4[%scan3A_170, %gather3A_733, %gather3A_734, %gather3A_735] : memref<2x8x8x256xf32, #tpu.memory_space<vmem>> -> memref<1x8x8x256xf32, #tpu.memory_space<vmem>>
        %gather3A_737 = tpu.memref_squeeze %gather3A_736 : memref<1x8x8x256xf32, #tpu.memory_space<vmem>> -> memref<8x8x256xf32, #tpu.memory_space<vmem>>
        %gather3A_738 = tpu.vector_load_idx %gather3A_737[%broadcast_in_dim3A_699, %broadcast_in_dim3A_716, %add3A_732] : memref<8x8x256xf32, #tpu.memory_space<vmem>>[vector<16xi32>, vector<16xi32>, vector<16xi32>], vector<16xf32>,
        %add3A_739 = arith.constant 32 : i32
        %add3A_740 = vector.broadcast %add3A_739 : i32 to vector<16xi32>
        %add3A_741 = arith.addi %add3A_720, %add3A_740 : vector<16xi32>
        %gather3A_742 = arith.constant 0 : i32
        %gather3A_743 = arith.constant 0 : i32
        %gather3A_744 = arith.constant 0 : i32
        %gather3A_745 = tpu.memref_slice %arg4[%scan3A_170, %gather3A_742, %gather3A_743, %gather3A_744] : memref<2x8x8x256xf32, #tpu.memory_space<vmem>> -> memref<1x8x8x256xf32, #tpu.memory_space<vmem>>
        %gather3A_746 = tpu.memref_squeeze %gather3A_745 : memref<1x8x8x256xf32, #tpu.memory_space<vmem>> -> memref<8x8x256xf32, #tpu.memory_space<vmem>>
        %gather3A_747 = tpu.vector_load_idx %gather3A_746[%broadcast_in_dim3A_699, %broadcast_in_dim3A_716, %add3A_741] : memref<8x8x256xf32, #tpu.memory_space<vmem>>[vector<16xi32>, vector<16xi32>, vector<16xi32>], vector<16xf32>,
        %add3A_748 = arith.constant 48 : i32
        %add3A_749 = vector.broadcast %add3A_748 : i32 to vector<16xi32>
        %add3A_750 = arith.addi %add3A_720, %add3A_749 : vector<16xi32>
        %gather3A_751 = arith.constant 0 : i32
        %gather3A_752 = arith.constant 0 : i32
        %gather3A_753 = arith.constant 0 : i32
        %gather3A_754 = tpu.memref_slice %arg4[%scan3A_170, %gather3A_751, %gather3A_752, %gather3A_753] : memref<2x8x8x256xf32, #tpu.memory_space<vmem>> -> memref<1x8x8x256xf32, #tpu.memory_space<vmem>>
        %gather3A_755 = tpu.memref_squeeze %gather3A_754 : memref<1x8x8x256xf32, #tpu.memory_space<vmem>> -> memref<8x8x256xf32, #tpu.memory_space<vmem>>
        %gather3A_756 = tpu.vector_load_idx %gather3A_755[%broadcast_in_dim3A_699, %broadcast_in_dim3A_716, %add3A_750] : memref<8x8x256xf32, #tpu.memory_space<vmem>>[vector<16xi32>, vector<16xi32>, vector<16xi32>], vector<16xf32>,
        %add3A_757 = arith.constant 64 : i32
        %add3A_758 = vector.broadcast %add3A_757 : i32 to vector<16xi32>
        %add3A_759 = arith.addi %add3A_720, %add3A_758 : vector<16xi32>
        %gather3A_760 = arith.constant 0 : i32
        %gather3A_761 = arith.constant 0 : i32
        %gather3A_762 = arith.constant 0 : i32
        %gather3A_763 = tpu.memref_slice %arg4[%scan3A_170, %gather3A_760, %gather3A_761, %gather3A_762] : memref<2x8x8x256xf32, #tpu.memory_space<vmem>> -> memref<1x8x8x256xf32, #tpu.memory_space<vmem>>
        %gather3A_764 = tpu.memref_squeeze %gather3A_763 : memref<1x8x8x256xf32, #tpu.memory_space<vmem>> -> memref<8x8x256xf32, #tpu.memory_space<vmem>>
        %gather3A_765 = tpu.vector_load_idx %gather3A_764[%broadcast_in_dim3A_699, %broadcast_in_dim3A_716, %add3A_759] : memref<8x8x256xf32, #tpu.memory_space<vmem>>[vector<16xi32>, vector<16xi32>, vector<16xi32>], vector<16xf32>,
        %add3A_766 = arith.constant 80 : i32
        %add3A_767 = vector.broadcast %add3A_766 : i32 to vector<16xi32>
        %add3A_768 = arith.addi %add3A_720, %add3A_767 : vector<16xi32>
        %gather3A_769 = arith.constant 0 : i32
        %gather3A_770 = arith.constant 0 : i32
        %gather3A_771 = arith.constant 0 : i32
        %gather3A_772 = tpu.memref_slice %arg4[%scan3A_170, %gather3A_769, %gather3A_770, %gather3A_771] : memref<2x8x8x256xf32, #tpu.memory_space<vmem>> -> memref<1x8x8x256xf32, #tpu.memory_space<vmem>>
        %gather3A_773 = tpu.memref_squeeze %gather3A_772 : memref<1x8x8x256xf32, #tpu.memory_space<vmem>> -> memref<8x8x256xf32, #tpu.memory_space<vmem>>
        %gather3A_774 = tpu.vector_load_idx %gather3A_773[%broadcast_in_dim3A_699, %broadcast_in_dim3A_716, %add3A_768] : memref<8x8x256xf32, #tpu.memory_space<vmem>>[vector<16xi32>, vector<16xi32>, vector<16xi32>], vector<16xf32>,
        %add3A_775 = arith.constant 96 : i32
        %add3A_776 = vector.broadcast %add3A_775 : i32 to vector<16xi32>
        %add3A_777 = arith.addi %add3A_720, %add3A_776 : vector<16xi32>
        %gather3A_778 = arith.constant 0 : i32
        %gather3A_779 = arith.constant 0 : i32
        %gather3A_780 = arith.constant 0 : i32
        %gather3A_781 = tpu.memref_slice %arg4[%scan3A_170, %gather3A_778, %gather3A_779, %gather3A_780] : memref<2x8x8x256xf32, #tpu.memory_space<vmem>> -> memref<1x8x8x256xf32, #tpu.memory_space<vmem>>
        %gather3A_782 = tpu.memref_squeeze %gather3A_781 : memref<1x8x8x256xf32, #tpu.memory_space<vmem>> -> memref<8x8x256xf32, #tpu.memory_space<vmem>>
        %gather3A_783 = tpu.vector_load_idx %gather3A_782[%broadcast_in_dim3A_699, %broadcast_in_dim3A_716, %add3A_777] : memref<8x8x256xf32, #tpu.memory_space<vmem>>[vector<16xi32>, vector<16xi32>, vector<16xi32>], vector<16xf32>,
        %add3A_784 = arith.constant 112 : i32
        %add3A_785 = vector.broadcast %add3A_784 : i32 to vector<16xi32>
        %add3A_786 = arith.addi %add3A_720, %add3A_785 : vector<16xi32>
        %gather3A_787 = arith.constant 0 : i32
        %gather3A_788 = arith.constant 0 : i32
        %gather3A_789 = arith.constant 0 : i32
        %gather3A_790 = tpu.memref_slice %arg4[%scan3A_170, %gather3A_787, %gather3A_788, %gather3A_789] : memref<2x8x8x256xf32, #tpu.memory_space<vmem>> -> memref<1x8x8x256xf32, #tpu.memory_space<vmem>>
        %gather3A_791 = tpu.memref_squeeze %gather3A_790 : memref<1x8x8x256xf32, #tpu.memory_space<vmem>> -> memref<8x8x256xf32, #tpu.memory_space<vmem>>
        %gather3A_792 = tpu.vector_load_idx %gather3A_791[%broadcast_in_dim3A_699, %broadcast_in_dim3A_716, %add3A_786] : memref<8x8x256xf32, #tpu.memory_space<vmem>>[vector<16xi32>, vector<16xi32>, vector<16xi32>], vector<16xf32>,
        %add3A_793 = arith.constant 128 : i32
        %add3A_794 = vector.broadcast %add3A_793 : i32 to vector<16xi32>
        %add3A_795 = arith.addi %add3A_720, %add3A_794 : vector<16xi32>
        %gather3A_796 = arith.constant 0 : i32
        %gather3A_797 = arith.constant 0 : i32
        %gather3A_798 = arith.constant 0 : i32
        %gather3A_799 = tpu.memref_slice %arg4[%scan3A_170, %gather3A_796, %gather3A_797, %gather3A_798] : memref<2x8x8x256xf32, #tpu.memory_space<vmem>> -> memref<1x8x8x256xf32, #tpu.memory_space<vmem>>
        %gather3A_800 = tpu.memref_squeeze %gather3A_799 : memref<1x8x8x256xf32, #tpu.memory_space<vmem>> -> memref<8x8x256xf32, #tpu.memory_space<vmem>>
        %gather3A_801 = tpu.vector_load_idx %gather3A_800[%broadcast_in_dim3A_699, %broadcast_in_dim3A_716, %add3A_795] : memref<8x8x256xf32, #tpu.memory_space<vmem>>[vector<16xi32>, vector<16xi32>, vector<16xi32>], vector<16xf32>,
        %add3A_802 = arith.constant 144 : i32
        %add3A_803 = vector.broadcast %add3A_802 : i32 to vector<16xi32>
        %add3A_804 = arith.addi %add3A_720, %add3A_803 : vector<16xi32>
        %gather3A_805 = arith.constant 0 : i32
        %gather3A_806 = arith.constant 0 : i32
        %gather3A_807 = arith.constant 0 : i32
        %gather3A_808 = tpu.memref_slice %arg4[%scan3A_170, %gather3A_805, %gather3A_806, %gather3A_807] : memref<2x8x8x256xf32, #tpu.memory_space<vmem>> -> memref<1x8x8x256xf32, #tpu.memory_space<vmem>>
        %gather3A_809 = tpu.memref_squeeze %gather3A_808 : memref<1x8x8x256xf32, #tpu.memory_space<vmem>> -> memref<8x8x256xf32, #tpu.memory_space<vmem>>
        %gather3A_810 = tpu.vector_load_idx %gather3A_809[%broadcast_in_dim3A_699, %broadcast_in_dim3A_716, %add3A_804] : memref<8x8x256xf32, #tpu.memory_space<vmem>>[vector<16xi32>, vector<16xi32>, vector<16xi32>], vector<16xf32>,
        %add3A_811 = arith.constant 160 : i32
        %add3A_812 = vector.broadcast %add3A_811 : i32 to vector<16xi32>
        %add3A_813 = arith.addi %add3A_720, %add3A_812 : vector<16xi32>
        %gather3A_814 = arith.constant 0 : i32
        %gather3A_815 = arith.constant 0 : i32
        %gather3A_816 = arith.constant 0 : i32
        %gather3A_817 = tpu.memref_slice %arg4[%scan3A_170, %gather3A_814, %gather3A_815, %gather3A_816] : memref<2x8x8x256xf32, #tpu.memory_space<vmem>> -> memref<1x8x8x256xf32, #tpu.memory_space<vmem>>
        %gather3A_818 = tpu.memref_squeeze %gather3A_817 : memref<1x8x8x256xf32, #tpu.memory_space<vmem>> -> memref<8x8x256xf32, #tpu.memory_space<vmem>>
        %gather3A_819 = tpu.vector_load_idx %gather3A_818[%broadcast_in_dim3A_699, %broadcast_in_dim3A_716, %add3A_813] : memref<8x8x256xf32, #tpu.memory_space<vmem>>[vector<16xi32>, vector<16xi32>, vector<16xi32>], vector<16xf32>,
        %add3A_820 = arith.constant 176 : i32
        %add3A_821 = vector.broadcast %add3A_820 : i32 to vector<16xi32>
        %add3A_822 = arith.addi %add3A_720, %add3A_821 : vector<16xi32>
        %gather3A_823 = arith.constant 0 : i32
        %gather3A_824 = arith.constant 0 : i32
        %gather3A_825 = arith.constant 0 : i32
        %gather3A_826 = tpu.memref_slice %arg4[%scan3A_170, %gather3A_823, %gather3A_824, %gather3A_825] : memref<2x8x8x256xf32, #tpu.memory_space<vmem>> -> memref<1x8x8x256xf32, #tpu.memory_space<vmem>>
        %gather3A_827 = tpu.memref_squeeze %gather3A_826 : memref<1x8x8x256xf32, #tpu.memory_space<vmem>> -> memref<8x8x256xf32, #tpu.memory_space<vmem>>
        %gather3A_828 = tpu.vector_load_idx %gather3A_827[%broadcast_in_dim3A_699, %broadcast_in_dim3A_716, %add3A_822] : memref<8x8x256xf32, #tpu.memory_space<vmem>>[vector<16xi32>, vector<16xi32>, vector<16xi32>], vector<16xf32>,
        %add3A_829 = arith.constant 0 : i32
        %add3A_830 = arith.addi %scan3A_526, %add3A_829 : i32
        %swap3A = arith.index_cast %add3A_830 : i32 to index
        %swap3A_831 = tpu.vector_load %arg5[%swap3A] {strides = array<i32>} : memref<32960xf32, #tpu.memory_space<vmem>>, vector<16xf32>,
        tpu.vector_store %arg5[%swap3A], %gather3A_573 {strides = array<i32>} : memref<32960xf32, #tpu.memory_space<vmem>>, vector<16xf32>,
        %add3A_832 = arith.constant 16 : i32
        %add3A_833 = arith.addi %scan3A_526, %add3A_832 : i32
        %swap3A_834 = arith.index_cast %add3A_833 : i32 to index
        %swap3A_835 = tpu.vector_load %arg5[%swap3A_834] {strides = array<i32>} : memref<32960xf32, #tpu.memory_space<vmem>>, vector<16xf32>,
        tpu.vector_store %arg5[%swap3A_834], %gather3A_582 {strides = array<i32>} : memref<32960xf32, #tpu.memory_space<vmem>>, vector<16xf32>,
        %add3A_836 = arith.constant 32 : i32
        %add3A_837 = arith.addi %scan3A_526, %add3A_836 : i32
        %swap3A_838 = arith.index_cast %add3A_837 : i32 to index
        %swap3A_839 = tpu.vector_load %arg5[%swap3A_838] {strides = array<i32>} : memref<32960xf32, #tpu.memory_space<vmem>>, vector<16xf32>,
        tpu.vector_store %arg5[%swap3A_838], %gather3A_591 {strides = array<i32>} : memref<32960xf32, #tpu.memory_space<vmem>>, vector<16xf32>,
        %add3A_840 = arith.constant 48 : i32
        %add3A_841 = arith.addi %scan3A_526, %add3A_840 : i32
        %swap3A_842 = arith.index_cast %add3A_841 : i32 to index
        %swap3A_843 = tpu.vector_load %arg5[%swap3A_842] {strides = array<i32>} : memref<32960xf32, #tpu.memory_space<vmem>>, vector<16xf32>,
        tpu.vector_store %arg5[%swap3A_842], %gather3A_600 {strides = array<i32>} : memref<32960xf32, #tpu.memory_space<vmem>>, vector<16xf32>,
        %add3A_844 = arith.constant 64 : i32
        %add3A_845 = arith.addi %scan3A_526, %add3A_844 : i32
        %swap3A_846 = arith.index_cast %add3A_845 : i32 to index
        %swap3A_847 = tpu.vector_load %arg5[%swap3A_846] {strides = array<i32>} : memref<32960xf32, #tpu.memory_space<vmem>>, vector<16xf32>,
        tpu.vector_store %arg5[%swap3A_846], %gather3A_609 {strides = array<i32>} : memref<32960xf32, #tpu.memory_space<vmem>>, vector<16xf32>,
        %add3A_848 = arith.constant 80 : i32
        %add3A_849 = arith.addi %scan3A_526, %add3A_848 : i32
        %swap3A_850 = arith.index_cast %add3A_849 : i32 to index
        %swap3A_851 = tpu.vector_load %arg5[%swap3A_850] {strides = array<i32>} : memref<32960xf32, #tpu.memory_space<vmem>>, vector<16xf32>,
        tpu.vector_store %arg5[%swap3A_850], %gather3A_618 {strides = array<i32>} : memref<32960xf32, #tpu.memory_space<vmem>>, vector<16xf32>,
        %add3A_852 = arith.constant 96 : i32
        %add3A_853 = arith.addi %scan3A_526, %add3A_852 : i32
        %swap3A_854 = arith.index_cast %add3A_853 : i32 to index
        %swap3A_855 = tpu.vector_load %arg5[%swap3A_854] {strides = array<i32>} : memref<32960xf32, #tpu.memory_space<vmem>>, vector<16xf32>,
        tpu.vector_store %arg5[%swap3A_854], %gather3A_627 {strides = array<i32>} : memref<32960xf32, #tpu.memory_space<vmem>>, vector<16xf32>,
        %add3A_856 = arith.constant 112 : i32
        %add3A_857 = arith.addi %scan3A_526, %add3A_856 : i32
        %swap3A_858 = arith.index_cast %add3A_857 : i32 to index
        %swap3A_859 = tpu.vector_load %arg5[%swap3A_858] {strides = array<i32>} : memref<32960xf32, #tpu.memory_space<vmem>>, vector<16xf32>,
        tpu.vector_store %arg5[%swap3A_858], %gather3A_636 {strides = array<i32>} : memref<32960xf32, #tpu.memory_space<vmem>>, vector<16xf32>,
        %add3A_860 = arith.constant 128 : i32
        %add3A_861 = arith.addi %scan3A_526, %add3A_860 : i32
        %swap3A_862 = arith.index_cast %add3A_861 : i32 to index
        %swap3A_863 = tpu.vector_load %arg5[%swap3A_862] {strides = array<i32>} : memref<32960xf32, #tpu.memory_space<vmem>>, vector<16xf32>,
        tpu.vector_store %arg5[%swap3A_862], %gather3A_645 {strides = array<i32>} : memref<32960xf32, #tpu.memory_space<vmem>>, vector<16xf32>,
        %add3A_864 = arith.constant 144 : i32
        %add3A_865 = arith.addi %scan3A_526, %add3A_864 : i32
        %swap3A_866 = arith.index_cast %add3A_865 : i32 to index
        %swap3A_867 = tpu.vector_load %arg5[%swap3A_866] {strides = array<i32>} : memref<32960xf32, #tpu.memory_space<vmem>>, vector<16xf32>,
        tpu.vector_store %arg5[%swap3A_866], %gather3A_654 {strides = array<i32>} : memref<32960xf32, #tpu.memory_space<vmem>>, vector<16xf32>,
        %add3A_868 = arith.constant 160 : i32
        %add3A_869 = arith.addi %scan3A_526, %add3A_868 : i32
        %swap3A_870 = arith.index_cast %add3A_869 : i32 to index
        %swap3A_871 = tpu.vector_load %arg5[%swap3A_870] {strides = array<i32>} : memref<32960xf32, #tpu.memory_space<vmem>>, vector<16xf32>,
        tpu.vector_store %arg5[%swap3A_870], %gather3A_663 {strides = array<i32>} : memref<32960xf32, #tpu.memory_space<vmem>>, vector<16xf32>,
        %add3A_872 = arith.constant 176 : i32
        %add3A_873 = arith.addi %scan3A_526, %add3A_872 : i32
        %swap3A_874 = arith.index_cast %add3A_873 : i32 to index
        %swap3A_875 = tpu.vector_load %arg5[%swap3A_874] {strides = array<i32>} : memref<32960xf32, #tpu.memory_space<vmem>>, vector<16xf32>,
        tpu.vector_store %arg5[%swap3A_874], %gather3A_672 {strides = array<i32>} : memref<32960xf32, #tpu.memory_space<vmem>>, vector<16xf32>,
        %sub3A_876 = arith.constant 192 : i32
        %sub3A_877 = arith.subi %sub3A_876, %mul3A_528 : i32
        %sub3A_878 = arith.constant 0 : i32
        %sub3A_879 = arith.subi %sub3A_877, %sub3A_878 : i32
        %add3A_880 = arith.addi %scan3A_526, %sub3A_879 : i32
        %add3A_881 = arith.constant 0 : i32
        %add3A_882 = arith.addi %add3A_880, %add3A_881 : i32
        %swap3A_883 = arith.index_cast %add3A_882 : i32 to index
        %swap3A_884 = tpu.vector_load %arg5[%swap3A_883] {strides = array<i32>} : memref<32960xf32, #tpu.memory_space<vmem>>, vector<16xf32>,
        tpu.vector_store %arg5[%swap3A_883], %gather3A_729 {strides = array<i32>} : memref<32960xf32, #tpu.memory_space<vmem>>, vector<16xf32>,
        %add3A_885 = arith.constant 16 : i32
        %add3A_886 = arith.addi %add3A_880, %add3A_885 : i32
        %swap3A_887 = arith.index_cast %add3A_886 : i32 to index
        %swap3A_888 = tpu.vector_load %arg5[%swap3A_887] {strides = array<i32>} : memref<32960xf32, #tpu.memory_space<vmem>>, vector<16xf32>,
        tpu.vector_store %arg5[%swap3A_887], %gather3A_738 {strides = array<i32>} : memref<32960xf32, #tpu.memory_space<vmem>>, vector<16xf32>,
        %add3A_889 = arith.constant 32 : i32
        %add3A_890 = arith.addi %add3A_880, %add3A_889 : i32
        %swap3A_891 = arith.index_cast %add3A_890 : i32 to index
        %swap3A_892 = tpu.vector_load %arg5[%swap3A_891] {strides = array<i32>} : memref<32960xf32, #tpu.memory_space<vmem>>, vector<16xf32>,
        tpu.vector_store %arg5[%swap3A_891], %gather3A_747 {strides = array<i32>} : memref<32960xf32, #tpu.memory_space<vmem>>, vector<16xf32>,
        %add3A_893 = arith.constant 48 : i32
        %add3A_894 = arith.addi %add3A_880, %add3A_893 : i32
        %swap3A_895 = arith.index_cast %add3A_894 : i32 to index
        %swap3A_896 = tpu.vector_load %arg5[%swap3A_895] {strides = array<i32>} : memref<32960xf32, #tpu.memory_space<vmem>>, vector<16xf32>,
        tpu.vector_store %arg5[%swap3A_895], %gather3A_756 {strides = array<i32>} : memref<32960xf32, #tpu.memory_space<vmem>>, vector<16xf32>,
        %add3A_897 = arith.constant 64 : i32
        %add3A_898 = arith.addi %add3A_880, %add3A_897 : i32
        %swap3A_899 = arith.index_cast %add3A_898 : i32 to index
        %swap3A_900 = tpu.vector_load %arg5[%swap3A_899] {strides = array<i32>} : memref<32960xf32, #tpu.memory_space<vmem>>, vector<16xf32>,
        tpu.vector_store %arg5[%swap3A_899], %gather3A_765 {strides = array<i32>} : memref<32960xf32, #tpu.memory_space<vmem>>, vector<16xf32>,
        %add3A_901 = arith.constant 80 : i32
        %add3A_902 = arith.addi %add3A_880, %add3A_901 : i32
        %swap3A_903 = arith.index_cast %add3A_902 : i32 to index
        %swap3A_904 = tpu.vector_load %arg5[%swap3A_903] {strides = array<i32>} : memref<32960xf32, #tpu.memory_space<vmem>>, vector<16xf32>,
        tpu.vector_store %arg5[%swap3A_903], %gather3A_774 {strides = array<i32>} : memref<32960xf32, #tpu.memory_space<vmem>>, vector<16xf32>,
        %add3A_905 = arith.constant 96 : i32
        %add3A_906 = arith.addi %add3A_880, %add3A_905 : i32
        %swap3A_907 = arith.index_cast %add3A_906 : i32 to index
        %swap3A_908 = tpu.vector_load %arg5[%swap3A_907] {strides = array<i32>} : memref<32960xf32, #tpu.memory_space<vmem>>, vector<16xf32>,
        tpu.vector_store %arg5[%swap3A_907], %gather3A_783 {strides = array<i32>} : memref<32960xf32, #tpu.memory_space<vmem>>, vector<16xf32>,
        %add3A_909 = arith.constant 112 : i32
        %add3A_910 = arith.addi %add3A_880, %add3A_909 : i32
        %swap3A_911 = arith.index_cast %add3A_910 : i32 to index
        %swap3A_912 = tpu.vector_load %arg5[%swap3A_911] {strides = array<i32>} : memref<32960xf32, #tpu.memory_space<vmem>>, vector<16xf32>,
        tpu.vector_store %arg5[%swap3A_911], %gather3A_792 {strides = array<i32>} : memref<32960xf32, #tpu.memory_space<vmem>>, vector<16xf32>,
        %add3A_913 = arith.constant 128 : i32
        %add3A_914 = arith.addi %add3A_880, %add3A_913 : i32
        %swap3A_915 = arith.index_cast %add3A_914 : i32 to index
        %swap3A_916 = tpu.vector_load %arg5[%swap3A_915] {strides = array<i32>} : memref<32960xf32, #tpu.memory_space<vmem>>, vector<16xf32>,
        tpu.vector_store %arg5[%swap3A_915], %gather3A_801 {strides = array<i32>} : memref<32960xf32, #tpu.memory_space<vmem>>, vector<16xf32>,
        %add3A_917 = arith.constant 144 : i32
        %add3A_918 = arith.addi %add3A_880, %add3A_917 : i32
        %swap3A_919 = arith.index_cast %add3A_918 : i32 to index
        %swap3A_920 = tpu.vector_load %arg5[%swap3A_919] {strides = array<i32>} : memref<32960xf32, #tpu.memory_space<vmem>>, vector<16xf32>,
        tpu.vector_store %arg5[%swap3A_919], %gather3A_810 {strides = array<i32>} : memref<32960xf32, #tpu.memory_space<vmem>>, vector<16xf32>,
        %add3A_921 = arith.constant 160 : i32
        %add3A_922 = arith.addi %add3A_880, %add3A_921 : i32
        %swap3A_923 = arith.index_cast %add3A_922 : i32 to index
        %swap3A_924 = tpu.vector_load %arg5[%swap3A_923] {strides = array<i32>} : memref<32960xf32, #tpu.memory_space<vmem>>, vector<16xf32>,
        tpu.vector_store %arg5[%swap3A_923], %gather3A_819 {strides = array<i32>} : memref<32960xf32, #tpu.memory_space<vmem>>, vector<16xf32>,
        %add3A_925 = arith.constant 176 : i32
        %add3A_926 = arith.addi %add3A_880, %add3A_925 : i32
        %swap3A_927 = arith.index_cast %add3A_926 : i32 to index
        %swap3A_928 = tpu.vector_load %arg5[%swap3A_927] {strides = array<i32>} : memref<32960xf32, #tpu.memory_space<vmem>>, vector<16xf32>,
        tpu.vector_store %arg5[%swap3A_927], %gather3A_828 {strides = array<i32>} : memref<32960xf32, #tpu.memory_space<vmem>>, vector<16xf32>,
        %sub3A_929 = arith.constant 192 : i32
        %sub3A_930 = arith.subi %sub3A_929, %mul3A_528 : i32
        %sub3A_931 = arith.constant 1 : i32
        %sub3A_932 = arith.subi %sub3A_930, %sub3A_931 : i32
        %add3A_933 = arith.addi %add3A_880, %sub3A_932 : i32
        scf.yield %add3A_933 : i32
      }
      %scan3A_177 = arith.constant 32 : i32
      %dma_wait3A_178 = arith.constant 0 : i32
      %dma_wait3A_179 = arith.constant 0 : i32
      %dma_wait3A_180 = arith.constant 0 : i32
      %dma_wait3A_181 = arith.constant 0 : i32
      %dma_wait3A_182 = arith.constant 128 : i32
      %dma_wait3A_183 = tpu.memref_slice %arg4[%dma_wait3A_179, %dma_wait3A_180, %dma_wait3A_181, %dma_wait3A_182] : memref<2x8x8x256xf32, #tpu.memory_space<vmem>> -> memref<1x8x8x128xf32, #tpu.memory_space<vmem>>
      %dma_wait3A_184 = tpu.memref_squeeze %dma_wait3A_183 : memref<1x8x8x128xf32, #tpu.memory_space<vmem>> -> memref<8x8x128xf32, #tpu.memory_space<vmem>>
      %dma_wait3A_185 = arith.constant 16 : i32
      %dma_wait3A_186 = arith.constant 0 : i32
      %dma_wait3A_187 = arith.constant 128 : i32
      %dma_wait3A_188 = tpu.memref_slice %arg2[%dma_wait3A_178, %dma_wait3A_185, %dma_wait3A_186, %dma_wait3A_187] : memref<1024x32x8x256xf32, #tpu.memory_space<hbm>> -> memref<1x8x8x128xf32, #tpu.memory_space<hbm>>
      %dma_wait3A_189 = tpu.memref_squeeze %dma_wait3A_188 : memref<1x8x8x128xf32, #tpu.memory_space<hbm>> -> memref<8x8x128xf32, #tpu.memory_space<hbm>>
      %dma_wait3A_190 = arith.constant 0 : i32
      %dma_wait3A_191 = arith.constant 0 : i32
      %dma_wait3A_192 = arith.constant 128 : i32
      %dma_wait3A_193 = tpu.memref_slice %arg4[%dma_wait3A_179, %dma_wait3A_190, %dma_wait3A_191, %dma_wait3A_192] : memref<2x8x8x256xf32, #tpu.memory_space<vmem>> -> memref<1x8x8x128xf32, #tpu.memory_space<vmem>>
      %dma_wait3A_194 = tpu.memref_squeeze %dma_wait3A_193 : memref<1x8x8x128xf32, #tpu.memory_space<vmem>> -> memref<8x8x128xf32, #tpu.memory_space<vmem>>
      %dma_wait3A_195 = arith.constant 16 : i32
      %dma_wait3A_196 = arith.constant 0 : i32
      %dma_wait3A_197 = arith.constant 128 : i32
      %dma_wait3A_198 = tpu.memref_slice %arg2[%dma_wait3A_178, %dma_wait3A_195, %dma_wait3A_196, %dma_wait3A_197] : memref<1024x32x8x256xf32, #tpu.memory_space<hbm>> -> memref<1x8x8x128xf32, #tpu.memory_space<hbm>>
      %dma_wait3A_199 = tpu.memref_squeeze %dma_wait3A_198 : memref<1x8x8x128xf32, #tpu.memory_space<hbm>> -> memref<8x8x128xf32, #tpu.memory_space<hbm>>
      tpu.wait_dma2 semaphore(%arg7 : memref<!tpu.dma_semaphore, #tpu.memory_space<semaphore_mem>>) src(%dma_wait3A_199 : memref<8x8x128xf32, #tpu.memory_space<hbm>>) dst(%dma_wait3A_194 : memref<8x8x128xf32, #tpu.memory_space<vmem>>)
      %add3A_200 = arith.addi %mul3A_2, %add3A_71 : i32
      %dma_start3A_201 = arith.constant 1 : i32
      %dma_start3A_202 = arith.constant 0 : i32
      %dma_start3A_203 = arith.constant 0 : i32
      %dma_start3A_204 = arith.constant 128 : i32
      %dma_start3A_205 = tpu.memref_slice %arg4[%dma_start3A_201, %dma_start3A_202, %dma_start3A_203, %dma_start3A_204] : memref<2x8x8x256xf32, #tpu.memory_space<vmem>> -> memref<1x8x8x128xf32, #tpu.memory_space<vmem>>
      %dma_start3A_206 = tpu.memref_squeeze %dma_start3A_205 : memref<1x8x8x128xf32, #tpu.memory_space<vmem>> -> memref<8x8x128xf32, #tpu.memory_space<vmem>>
      %dma_start3A_207 = arith.constant 24 : i32
      %dma_start3A_208 = arith.constant 0 : i32
      %dma_start3A_209 = arith.constant 128 : i32
      %dma_start3A_210 = tpu.memref_slice %arg2[%add3A_200, %dma_start3A_207, %dma_start3A_208, %dma_start3A_209] : memref<1024x32x8x256xf32, #tpu.memory_space<hbm>> -> memref<1x8x8x128xf32, #tpu.memory_space<hbm>>
      %dma_start3A_211 = tpu.memref_squeeze %dma_start3A_210 : memref<1x8x8x128xf32, #tpu.memory_space<hbm>> -> memref<8x8x128xf32, #tpu.memory_space<hbm>>
      %dma_start3A_212 = arith.constant 0 : i32
      %dma_start3A_213 = arith.constant 0 : i32
      %dma_start3A_214 = arith.constant 128 : i32
      %dma_start3A_215 = tpu.memref_slice %arg4[%dma_start3A_201, %dma_start3A_212, %dma_start3A_213, %dma_start3A_214] : memref<2x8x8x256xf32, #tpu.memory_space<vmem>> -> memref<1x8x8x128xf32, #tpu.memory_space<vmem>>
      %dma_start3A_216 = tpu.memref_squeeze %dma_start3A_215 : memref<1x8x8x128xf32, #tpu.memory_space<vmem>> -> memref<8x8x128xf32, #tpu.memory_space<vmem>>
      %dma_start3A_217 = arith.constant 24 : i32
      %dma_start3A_218 = arith.constant 0 : i32
      %dma_start3A_219 = arith.constant 128 : i32
      %dma_start3A_220 = tpu.memref_slice %arg2[%add3A_200, %dma_start3A_217, %dma_start3A_218, %dma_start3A_219] : memref<1024x32x8x256xf32, #tpu.memory_space<hbm>> -> memref<1x8x8x128xf32, #tpu.memory_space<hbm>>
      %dma_start3A_221 = tpu.memref_squeeze %dma_start3A_220 : memref<1x8x8x128xf32, #tpu.memory_space<hbm>> -> memref<8x8x128xf32, #tpu.memory_space<hbm>>
      tpu.enqueue_dma source(%dma_start3A_221 : memref<8x8x128xf32, #tpu.memory_space<hbm>>) target(%dma_start3A_216 : memref<8x8x128xf32, #tpu.memory_space<vmem>>) target_semaphore(%arg8 : memref<!tpu.dma_semaphore, #tpu.memory_space<semaphore_mem>>)
      %scan3A_222 = arith.constant 0 : i32
      %scan3A_223 = arith.constant 24640 : i32
      %scan3A_224 = arith.constant 0 : i32
      %scan3A_225 = arith.constant 32 : i32
      %scan3A_226 = arith.addi %scan3A_224, %scan3A_225 : i32
      %scan3A_227 = arith.constant 1 : i32
      %scan3A_228 = scf.for %scan3A_525 = %scan3A_224 to %scan3A_226 step %scan3A_227 iter_args(%scan3A_526 = %scan3A_223) -> (i32)  : i32 {
        %mul3A_527 = arith.constant 2 : i32
        %mul3A_528 = arith.muli %mul3A_527, %scan3A_525 : i32
        %add3A_529 = arith.constant 0 : i32
        %add3A_530 = arith.addi %mul3A_528, %add3A_529 : i32
        %jit3A = arith.constant 8 : i32
        %div3A = arith.divsi %add3A_530, %jit3A : i32
        %sign3A = arith.constant 0 : i32
        %sign3A_531 = arith.cmpi sgt, %add3A_530, %sign3A : i32
        %sign3A_532 = arith.extui %sign3A_531 : i1 to i32
        %sign3A_533 = arith.constant 0 : i32
        %sign3A_534 = arith.cmpi slt, %add3A_530, %sign3A_533 : i32
        %sign3A_535 = arith.extui %sign3A_534 : i1 to i32
        %sign3A_536 = arith.subi %sign3A_532, %sign3A_535 : i32
        %sign3A_537 = arith.constant 0 : i32
        %sign3A_538 = arith.cmpi sgt, %jit3A, %sign3A_537 : i32
        %sign3A_539 = arith.extui %sign3A_538 : i1 to i32
        %sign3A_540 = arith.constant 0 : i32
        %sign3A_541 = arith.cmpi slt, %jit3A, %sign3A_540 : i32
        %sign3A_542 = arith.extui %sign3A_541 : i1 to i32
        %sign3A_543 = arith.subi %sign3A_539, %sign3A_542 : i32
        %ne3A = arith.cmpi ne, %sign3A_536, %sign3A_543 : i32
        %rem3A = arith.remsi %add3A_530, %jit3A : i32
        %ne3A_544 = arith.constant 0 : i32
        %ne3A_545 = arith.cmpi ne, %rem3A, %ne3A_544 : i32
        %and3A = arith.andi %ne3A, %ne3A_545 : i1
        %sub3A = arith.constant 1 : i32
        %sub3A_546 = arith.subi %div3A, %sub3A : i32
        %select_n3A = arith.select %and3A, %sub3A_546, %div3A : i32
        %broadcast_in_dim3A = vector.broadcast %select_n3A : i32 to vector<16xi32>
        %jit3A_547 = arith.constant 8 : i32
        %eq3A = arith.constant 0 : i32
        %eq3A_548 = arith.cmpi eq, %jit3A_547, %eq3A : i32
        %jit3A_549 = arith.constant 1 : i32
        %select_n3A_550 = arith.select %eq3A_548, %jit3A_549, %jit3A_547 : i32
        %rem3A_551 = arith.remsi %add3A_530, %select_n3A_550 : i32
        %ne3A_552 = arith.constant 0 : i32
        %ne3A_553 = arith.cmpi ne, %rem3A_551, %ne3A_552 : i32
        %lt3A = arith.constant 0 : i32
        %lt3A_554 = arith.cmpi slt, %rem3A_551, %lt3A : i32
        %lt3A_555 = arith.constant 0 : i32
        %lt3A_556 = arith.cmpi slt, %select_n3A_550, %lt3A_555 : i32
        %ne3A_557 = arith.xori %lt3A_554, %lt3A_556 : i1
        %and3A_558 = arith.andi %ne3A_557, %ne3A_553 : i1
        %add3A_559 = arith.addi %rem3A_551, %select_n3A_550 : i32
        %select_n3A_560 = arith.select %and3A_558, %add3A_559, %rem3A_551 : i32
        %broadcast_in_dim3A_561 = vector.broadcast %select_n3A_560 : i32 to vector<16xi32>
        %add3A_562 = arith.constant 128 : i32
        %add3A_563 = arith.addi %add3A_562, %add3A_530 : i32
        %add3A_564 = vector.broadcast %add3A_563 : i32 to vector<16xi32>
        %add3A_565 = arith.addi %add3A_564, %iota3A : vector<16xi32>
        %add3A_566 = arith.constant 0 : i32
        %add3A_567 = vector.broadcast %add3A_566 : i32 to vector<16xi32>
        %add3A_568 = arith.addi %add3A_565, %add3A_567 : vector<16xi32>
        %gather3A = arith.constant 0 : i32
        %gather3A_569 = arith.constant 0 : i32
        %gather3A_570 = arith.constant 0 : i32
        %gather3A_571 = tpu.memref_slice %arg4[%scan3A_222, %gather3A, %gather3A_569, %gather3A_570] : memref<2x8x8x256xf32, #tpu.memory_space<vmem>> -> memref<1x8x8x256xf32, #tpu.memory_space<vmem>>
        %gather3A_572 = tpu.memref_squeeze %gather3A_571 : memref<1x8x8x256xf32, #tpu.memory_space<vmem>> -> memref<8x8x256xf32, #tpu.memory_space<vmem>>
        %gather3A_573 = tpu.vector_load_idx %gather3A_572[%broadcast_in_dim3A, %broadcast_in_dim3A_561, %add3A_568] : memref<8x8x256xf32, #tpu.memory_space<vmem>>[vector<16xi32>, vector<16xi32>, vector<16xi32>], vector<16xf32>,
        %add3A_574 = arith.constant 16 : i32
        %add3A_575 = vector.broadcast %add3A_574 : i32 to vector<16xi32>
        %add3A_576 = arith.addi %add3A_565, %add3A_575 : vector<16xi32>
        %gather3A_577 = arith.constant 0 : i32
        %gather3A_578 = arith.constant 0 : i32
        %gather3A_579 = arith.constant 0 : i32
        %gather3A_580 = tpu.memref_slice %arg4[%scan3A_222, %gather3A_577, %gather3A_578, %gather3A_579] : memref<2x8x8x256xf32, #tpu.memory_space<vmem>> -> memref<1x8x8x256xf32, #tpu.memory_space<vmem>>
        %gather3A_581 = tpu.memref_squeeze %gather3A_580 : memref<1x8x8x256xf32, #tpu.memory_space<vmem>> -> memref<8x8x256xf32, #tpu.memory_space<vmem>>
        %gather3A_582 = tpu.vector_load_idx %gather3A_581[%broadcast_in_dim3A, %broadcast_in_dim3A_561, %add3A_576] : memref<8x8x256xf32, #tpu.memory_space<vmem>>[vector<16xi32>, vector<16xi32>, vector<16xi32>], vector<16xf32>,
        %add3A_583 = arith.constant 32 : i32
        %add3A_584 = vector.broadcast %add3A_583 : i32 to vector<16xi32>
        %add3A_585 = arith.addi %add3A_565, %add3A_584 : vector<16xi32>
        %gather3A_586 = arith.constant 0 : i32
        %gather3A_587 = arith.constant 0 : i32
        %gather3A_588 = arith.constant 0 : i32
        %gather3A_589 = tpu.memref_slice %arg4[%scan3A_222, %gather3A_586, %gather3A_587, %gather3A_588] : memref<2x8x8x256xf32, #tpu.memory_space<vmem>> -> memref<1x8x8x256xf32, #tpu.memory_space<vmem>>
        %gather3A_590 = tpu.memref_squeeze %gather3A_589 : memref<1x8x8x256xf32, #tpu.memory_space<vmem>> -> memref<8x8x256xf32, #tpu.memory_space<vmem>>
        %gather3A_591 = tpu.vector_load_idx %gather3A_590[%broadcast_in_dim3A, %broadcast_in_dim3A_561, %add3A_585] : memref<8x8x256xf32, #tpu.memory_space<vmem>>[vector<16xi32>, vector<16xi32>, vector<16xi32>], vector<16xf32>,
        %add3A_592 = arith.constant 48 : i32
        %add3A_593 = vector.broadcast %add3A_592 : i32 to vector<16xi32>
        %add3A_594 = arith.addi %add3A_565, %add3A_593 : vector<16xi32>
        %gather3A_595 = arith.constant 0 : i32
        %gather3A_596 = arith.constant 0 : i32
        %gather3A_597 = arith.constant 0 : i32
        %gather3A_598 = tpu.memref_slice %arg4[%scan3A_222, %gather3A_595, %gather3A_596, %gather3A_597] : memref<2x8x8x256xf32, #tpu.memory_space<vmem>> -> memref<1x8x8x256xf32, #tpu.memory_space<vmem>>
        %gather3A_599 = tpu.memref_squeeze %gather3A_598 : memref<1x8x8x256xf32, #tpu.memory_space<vmem>> -> memref<8x8x256xf32, #tpu.memory_space<vmem>>
        %gather3A_600 = tpu.vector_load_idx %gather3A_599[%broadcast_in_dim3A, %broadcast_in_dim3A_561, %add3A_594] : memref<8x8x256xf32, #tpu.memory_space<vmem>>[vector<16xi32>, vector<16xi32>, vector<16xi32>], vector<16xf32>,
        %add3A_601 = arith.constant 64 : i32
        %add3A_602 = vector.broadcast %add3A_601 : i32 to vector<16xi32>
        %add3A_603 = arith.addi %add3A_565, %add3A_602 : vector<16xi32>
        %gather3A_604 = arith.constant 0 : i32
        %gather3A_605 = arith.constant 0 : i32
        %gather3A_606 = arith.constant 0 : i32
        %gather3A_607 = tpu.memref_slice %arg4[%scan3A_222, %gather3A_604, %gather3A_605, %gather3A_606] : memref<2x8x8x256xf32, #tpu.memory_space<vmem>> -> memref<1x8x8x256xf32, #tpu.memory_space<vmem>>
        %gather3A_608 = tpu.memref_squeeze %gather3A_607 : memref<1x8x8x256xf32, #tpu.memory_space<vmem>> -> memref<8x8x256xf32, #tpu.memory_space<vmem>>
        %gather3A_609 = tpu.vector_load_idx %gather3A_608[%broadcast_in_dim3A, %broadcast_in_dim3A_561, %add3A_603] : memref<8x8x256xf32, #tpu.memory_space<vmem>>[vector<16xi32>, vector<16xi32>, vector<16xi32>], vector<16xf32>,
        %add3A_610 = arith.constant 80 : i32
        %add3A_611 = vector.broadcast %add3A_610 : i32 to vector<16xi32>
        %add3A_612 = arith.addi %add3A_565, %add3A_611 : vector<16xi32>
        %gather3A_613 = arith.constant 0 : i32
        %gather3A_614 = arith.constant 0 : i32
        %gather3A_615 = arith.constant 0 : i32
        %gather3A_616 = tpu.memref_slice %arg4[%scan3A_222, %gather3A_613, %gather3A_614, %gather3A_615] : memref<2x8x8x256xf32, #tpu.memory_space<vmem>> -> memref<1x8x8x256xf32, #tpu.memory_space<vmem>>
        %gather3A_617 = tpu.memref_squeeze %gather3A_616 : memref<1x8x8x256xf32, #tpu.memory_space<vmem>> -> memref<8x8x256xf32, #tpu.memory_space<vmem>>
        %gather3A_618 = tpu.vector_load_idx %gather3A_617[%broadcast_in_dim3A, %broadcast_in_dim3A_561, %add3A_612] : memref<8x8x256xf32, #tpu.memory_space<vmem>>[vector<16xi32>, vector<16xi32>, vector<16xi32>], vector<16xf32>,
        %add3A_619 = arith.constant 96 : i32
        %add3A_620 = vector.broadcast %add3A_619 : i32 to vector<16xi32>
        %add3A_621 = arith.addi %add3A_565, %add3A_620 : vector<16xi32>
        %gather3A_622 = arith.constant 0 : i32
        %gather3A_623 = arith.constant 0 : i32
        %gather3A_624 = arith.constant 0 : i32
        %gather3A_625 = tpu.memref_slice %arg4[%scan3A_222, %gather3A_622, %gather3A_623, %gather3A_624] : memref<2x8x8x256xf32, #tpu.memory_space<vmem>> -> memref<1x8x8x256xf32, #tpu.memory_space<vmem>>
        %gather3A_626 = tpu.memref_squeeze %gather3A_625 : memref<1x8x8x256xf32, #tpu.memory_space<vmem>> -> memref<8x8x256xf32, #tpu.memory_space<vmem>>
        %gather3A_627 = tpu.vector_load_idx %gather3A_626[%broadcast_in_dim3A, %broadcast_in_dim3A_561, %add3A_621] : memref<8x8x256xf32, #tpu.memory_space<vmem>>[vector<16xi32>, vector<16xi32>, vector<16xi32>], vector<16xf32>,
        %add3A_628 = arith.constant 112 : i32
        %add3A_629 = vector.broadcast %add3A_628 : i32 to vector<16xi32>
        %add3A_630 = arith.addi %add3A_565, %add3A_629 : vector<16xi32>
        %gather3A_631 = arith.constant 0 : i32
        %gather3A_632 = arith.constant 0 : i32
        %gather3A_633 = arith.constant 0 : i32
        %gather3A_634 = tpu.memref_slice %arg4[%scan3A_222, %gather3A_631, %gather3A_632, %gather3A_633] : memref<2x8x8x256xf32, #tpu.memory_space<vmem>> -> memref<1x8x8x256xf32, #tpu.memory_space<vmem>>
        %gather3A_635 = tpu.memref_squeeze %gather3A_634 : memref<1x8x8x256xf32, #tpu.memory_space<vmem>> -> memref<8x8x256xf32, #tpu.memory_space<vmem>>
        %gather3A_636 = tpu.vector_load_idx %gather3A_635[%broadcast_in_dim3A, %broadcast_in_dim3A_561, %add3A_630] : memref<8x8x256xf32, #tpu.memory_space<vmem>>[vector<16xi32>, vector<16xi32>, vector<16xi32>], vector<16xf32>,
        %add3A_637 = arith.constant 1 : i32
        %add3A_638 = arith.addi %mul3A_528, %add3A_637 : i32
        %jit3A_639 = arith.constant 8 : i32
        %div3A_640 = arith.divsi %add3A_638, %jit3A_639 : i32
        %sign3A_641 = arith.constant 0 : i32
        %sign3A_642 = arith.cmpi sgt, %add3A_638, %sign3A_641 : i32
        %sign3A_643 = arith.extui %sign3A_642 : i1 to i32
        %sign3A_644 = arith.constant 0 : i32
        %sign3A_645 = arith.cmpi slt, %add3A_638, %sign3A_644 : i32
        %sign3A_646 = arith.extui %sign3A_645 : i1 to i32
        %sign3A_647 = arith.subi %sign3A_643, %sign3A_646 : i32
        %sign3A_648 = arith.constant 0 : i32
        %sign3A_649 = arith.cmpi sgt, %jit3A_639, %sign3A_648 : i32
        %sign3A_650 = arith.extui %sign3A_649 : i1 to i32
        %sign3A_651 = arith.constant 0 : i32
        %sign3A_652 = arith.cmpi slt, %jit3A_639, %sign3A_651 : i32
        %sign3A_653 = arith.extui %sign3A_652 : i1 to i32
        %sign3A_654 = arith.subi %sign3A_650, %sign3A_653 : i32
        %ne3A_655 = arith.cmpi ne, %sign3A_647, %sign3A_654 : i32
        %rem3A_656 = arith.remsi %add3A_638, %jit3A_639 : i32
        %ne3A_657 = arith.constant 0 : i32
        %ne3A_658 = arith.cmpi ne, %rem3A_656, %ne3A_657 : i32
        %and3A_659 = arith.andi %ne3A_655, %ne3A_658 : i1
        %sub3A_660 = arith.constant 1 : i32
        %sub3A_661 = arith.subi %div3A_640, %sub3A_660 : i32
        %select_n3A_662 = arith.select %and3A_659, %sub3A_661, %div3A_640 : i32
        %broadcast_in_dim3A_663 = vector.broadcast %select_n3A_662 : i32 to vector<16xi32>
        %jit3A_664 = arith.constant 8 : i32
        %eq3A_665 = arith.constant 0 : i32
        %eq3A_666 = arith.cmpi eq, %jit3A_664, %eq3A_665 : i32
        %jit3A_667 = arith.constant 1 : i32
        %select_n3A_668 = arith.select %eq3A_666, %jit3A_667, %jit3A_664 : i32
        %rem3A_669 = arith.remsi %add3A_638, %select_n3A_668 : i32
        %ne3A_670 = arith.constant 0 : i32
        %ne3A_671 = arith.cmpi ne, %rem3A_669, %ne3A_670 : i32
        %lt3A_672 = arith.constant 0 : i32
        %lt3A_673 = arith.cmpi slt, %rem3A_669, %lt3A_672 : i32
        %lt3A_674 = arith.constant 0 : i32
        %lt3A_675 = arith.cmpi slt, %select_n3A_668, %lt3A_674 : i32
        %ne3A_676 = arith.xori %lt3A_673, %lt3A_675 : i1
        %and3A_677 = arith.andi %ne3A_676, %ne3A_671 : i1
        %add3A_678 = arith.addi %rem3A_669, %select_n3A_668 : i32
        %select_n3A_679 = arith.select %and3A_677, %add3A_678, %rem3A_669 : i32
        %broadcast_in_dim3A_680 = vector.broadcast %select_n3A_679 : i32 to vector<16xi32>
        %add3A_681 = arith.constant 128 : i32
        %add3A_682 = arith.addi %add3A_681, %add3A_638 : i32
        %add3A_683 = vector.broadcast %add3A_682 : i32 to vector<16xi32>
        %add3A_684 = arith.addi %add3A_683, %iota3A : vector<16xi32>
        %add3A_685 = arith.constant 0 : i32
        %add3A_686 = vector.broadcast %add3A_685 : i32 to vector<16xi32>
        %add3A_687 = arith.addi %add3A_684, %add3A_686 : vector<16xi32>
        %gather3A_688 = arith.constant 0 : i32
        %gather3A_689 = arith.constant 0 : i32
        %gather3A_690 = arith.constant 0 : i32
        %gather3A_691 = tpu.memref_slice %arg4[%scan3A_222, %gather3A_688, %gather3A_689, %gather3A_690] : memref<2x8x8x256xf32, #tpu.memory_space<vmem>> -> memref<1x8x8x256xf32, #tpu.memory_space<vmem>>
        %gather3A_692 = tpu.memref_squeeze %gather3A_691 : memref<1x8x8x256xf32, #tpu.memory_space<vmem>> -> memref<8x8x256xf32, #tpu.memory_space<vmem>>
        %gather3A_693 = tpu.vector_load_idx %gather3A_692[%broadcast_in_dim3A_663, %broadcast_in_dim3A_680, %add3A_687] : memref<8x8x256xf32, #tpu.memory_space<vmem>>[vector<16xi32>, vector<16xi32>, vector<16xi32>], vector<16xf32>,
        %add3A_694 = arith.constant 16 : i32
        %add3A_695 = vector.broadcast %add3A_694 : i32 to vector<16xi32>
        %add3A_696 = arith.addi %add3A_684, %add3A_695 : vector<16xi32>
        %gather3A_697 = arith.constant 0 : i32
        %gather3A_698 = arith.constant 0 : i32
        %gather3A_699 = arith.constant 0 : i32
        %gather3A_700 = tpu.memref_slice %arg4[%scan3A_222, %gather3A_697, %gather3A_698, %gather3A_699] : memref<2x8x8x256xf32, #tpu.memory_space<vmem>> -> memref<1x8x8x256xf32, #tpu.memory_space<vmem>>
        %gather3A_701 = tpu.memref_squeeze %gather3A_700 : memref<1x8x8x256xf32, #tpu.memory_space<vmem>> -> memref<8x8x256xf32, #tpu.memory_space<vmem>>
        %gather3A_702 = tpu.vector_load_idx %gather3A_701[%broadcast_in_dim3A_663, %broadcast_in_dim3A_680, %add3A_696] : memref<8x8x256xf32, #tpu.memory_space<vmem>>[vector<16xi32>, vector<16xi32>, vector<16xi32>], vector<16xf32>,
        %add3A_703 = arith.constant 32 : i32
        %add3A_704 = vector.broadcast %add3A_703 : i32 to vector<16xi32>
        %add3A_705 = arith.addi %add3A_684, %add3A_704 : vector<16xi32>
        %gather3A_706 = arith.constant 0 : i32
        %gather3A_707 = arith.constant 0 : i32
        %gather3A_708 = arith.constant 0 : i32
        %gather3A_709 = tpu.memref_slice %arg4[%scan3A_222, %gather3A_706, %gather3A_707, %gather3A_708] : memref<2x8x8x256xf32, #tpu.memory_space<vmem>> -> memref<1x8x8x256xf32, #tpu.memory_space<vmem>>
        %gather3A_710 = tpu.memref_squeeze %gather3A_709 : memref<1x8x8x256xf32, #tpu.memory_space<vmem>> -> memref<8x8x256xf32, #tpu.memory_space<vmem>>
        %gather3A_711 = tpu.vector_load_idx %gather3A_710[%broadcast_in_dim3A_663, %broadcast_in_dim3A_680, %add3A_705] : memref<8x8x256xf32, #tpu.memory_space<vmem>>[vector<16xi32>, vector<16xi32>, vector<16xi32>], vector<16xf32>,
        %add3A_712 = arith.constant 48 : i32
        %add3A_713 = vector.broadcast %add3A_712 : i32 to vector<16xi32>
        %add3A_714 = arith.addi %add3A_684, %add3A_713 : vector<16xi32>
        %gather3A_715 = arith.constant 0 : i32
        %gather3A_716 = arith.constant 0 : i32
        %gather3A_717 = arith.constant 0 : i32
        %gather3A_718 = tpu.memref_slice %arg4[%scan3A_222, %gather3A_715, %gather3A_716, %gather3A_717] : memref<2x8x8x256xf32, #tpu.memory_space<vmem>> -> memref<1x8x8x256xf32, #tpu.memory_space<vmem>>
        %gather3A_719 = tpu.memref_squeeze %gather3A_718 : memref<1x8x8x256xf32, #tpu.memory_space<vmem>> -> memref<8x8x256xf32, #tpu.memory_space<vmem>>
        %gather3A_720 = tpu.vector_load_idx %gather3A_719[%broadcast_in_dim3A_663, %broadcast_in_dim3A_680, %add3A_714] : memref<8x8x256xf32, #tpu.memory_space<vmem>>[vector<16xi32>, vector<16xi32>, vector<16xi32>], vector<16xf32>,
        %add3A_721 = arith.constant 64 : i32
        %add3A_722 = vector.broadcast %add3A_721 : i32 to vector<16xi32>
        %add3A_723 = arith.addi %add3A_684, %add3A_722 : vector<16xi32>
        %gather3A_724 = arith.constant 0 : i32
        %gather3A_725 = arith.constant 0 : i32
        %gather3A_726 = arith.constant 0 : i32
        %gather3A_727 = tpu.memref_slice %arg4[%scan3A_222, %gather3A_724, %gather3A_725, %gather3A_726] : memref<2x8x8x256xf32, #tpu.memory_space<vmem>> -> memref<1x8x8x256xf32, #tpu.memory_space<vmem>>
        %gather3A_728 = tpu.memref_squeeze %gather3A_727 : memref<1x8x8x256xf32, #tpu.memory_space<vmem>> -> memref<8x8x256xf32, #tpu.memory_space<vmem>>
        %gather3A_729 = tpu.vector_load_idx %gather3A_728[%broadcast_in_dim3A_663, %broadcast_in_dim3A_680, %add3A_723] : memref<8x8x256xf32, #tpu.memory_space<vmem>>[vector<16xi32>, vector<16xi32>, vector<16xi32>], vector<16xf32>,
        %add3A_730 = arith.constant 80 : i32
        %add3A_731 = vector.broadcast %add3A_730 : i32 to vector<16xi32>
        %add3A_732 = arith.addi %add3A_684, %add3A_731 : vector<16xi32>
        %gather3A_733 = arith.constant 0 : i32
        %gather3A_734 = arith.constant 0 : i32
        %gather3A_735 = arith.constant 0 : i32
        %gather3A_736 = tpu.memref_slice %arg4[%scan3A_222, %gather3A_733, %gather3A_734, %gather3A_735] : memref<2x8x8x256xf32, #tpu.memory_space<vmem>> -> memref<1x8x8x256xf32, #tpu.memory_space<vmem>>
        %gather3A_737 = tpu.memref_squeeze %gather3A_736 : memref<1x8x8x256xf32, #tpu.memory_space<vmem>> -> memref<8x8x256xf32, #tpu.memory_space<vmem>>
        %gather3A_738 = tpu.vector_load_idx %gather3A_737[%broadcast_in_dim3A_663, %broadcast_in_dim3A_680, %add3A_732] : memref<8x8x256xf32, #tpu.memory_space<vmem>>[vector<16xi32>, vector<16xi32>, vector<16xi32>], vector<16xf32>,
        %add3A_739 = arith.constant 96 : i32
        %add3A_740 = vector.broadcast %add3A_739 : i32 to vector<16xi32>
        %add3A_741 = arith.addi %add3A_684, %add3A_740 : vector<16xi32>
        %gather3A_742 = arith.constant 0 : i32
        %gather3A_743 = arith.constant 0 : i32
        %gather3A_744 = arith.constant 0 : i32
        %gather3A_745 = tpu.memref_slice %arg4[%scan3A_222, %gather3A_742, %gather3A_743, %gather3A_744] : memref<2x8x8x256xf32, #tpu.memory_space<vmem>> -> memref<1x8x8x256xf32, #tpu.memory_space<vmem>>
        %gather3A_746 = tpu.memref_squeeze %gather3A_745 : memref<1x8x8x256xf32, #tpu.memory_space<vmem>> -> memref<8x8x256xf32, #tpu.memory_space<vmem>>
        %gather3A_747 = tpu.vector_load_idx %gather3A_746[%broadcast_in_dim3A_663, %broadcast_in_dim3A_680, %add3A_741] : memref<8x8x256xf32, #tpu.memory_space<vmem>>[vector<16xi32>, vector<16xi32>, vector<16xi32>], vector<16xf32>,
        %add3A_748 = arith.constant 112 : i32
        %add3A_749 = vector.broadcast %add3A_748 : i32 to vector<16xi32>
        %add3A_750 = arith.addi %add3A_684, %add3A_749 : vector<16xi32>
        %gather3A_751 = arith.constant 0 : i32
        %gather3A_752 = arith.constant 0 : i32
        %gather3A_753 = arith.constant 0 : i32
        %gather3A_754 = tpu.memref_slice %arg4[%scan3A_222, %gather3A_751, %gather3A_752, %gather3A_753] : memref<2x8x8x256xf32, #tpu.memory_space<vmem>> -> memref<1x8x8x256xf32, #tpu.memory_space<vmem>>
        %gather3A_755 = tpu.memref_squeeze %gather3A_754 : memref<1x8x8x256xf32, #tpu.memory_space<vmem>> -> memref<8x8x256xf32, #tpu.memory_space<vmem>>
        %gather3A_756 = tpu.vector_load_idx %gather3A_755[%broadcast_in_dim3A_663, %broadcast_in_dim3A_680, %add3A_750] : memref<8x8x256xf32, #tpu.memory_space<vmem>>[vector<16xi32>, vector<16xi32>, vector<16xi32>], vector<16xf32>,
        %add3A_757 = arith.constant 0 : i32
        %add3A_758 = arith.addi %scan3A_526, %add3A_757 : i32
        %swap3A = arith.index_cast %add3A_758 : i32 to index
        %swap3A_759 = tpu.vector_load %arg5[%swap3A] {strides = array<i32>} : memref<32960xf32, #tpu.memory_space<vmem>>, vector<16xf32>,
        tpu.vector_store %arg5[%swap3A], %gather3A_573 {strides = array<i32>} : memref<32960xf32, #tpu.memory_space<vmem>>, vector<16xf32>,
        %add3A_760 = arith.constant 16 : i32
        %add3A_761 = arith.addi %scan3A_526, %add3A_760 : i32
        %swap3A_762 = arith.index_cast %add3A_761 : i32 to index
        %swap3A_763 = tpu.vector_load %arg5[%swap3A_762] {strides = array<i32>} : memref<32960xf32, #tpu.memory_space<vmem>>, vector<16xf32>,
        tpu.vector_store %arg5[%swap3A_762], %gather3A_582 {strides = array<i32>} : memref<32960xf32, #tpu.memory_space<vmem>>, vector<16xf32>,
        %add3A_764 = arith.constant 32 : i32
        %add3A_765 = arith.addi %scan3A_526, %add3A_764 : i32
        %swap3A_766 = arith.index_cast %add3A_765 : i32 to index
        %swap3A_767 = tpu.vector_load %arg5[%swap3A_766] {strides = array<i32>} : memref<32960xf32, #tpu.memory_space<vmem>>, vector<16xf32>,
        tpu.vector_store %arg5[%swap3A_766], %gather3A_591 {strides = array<i32>} : memref<32960xf32, #tpu.memory_space<vmem>>, vector<16xf32>,
        %add3A_768 = arith.constant 48 : i32
        %add3A_769 = arith.addi %scan3A_526, %add3A_768 : i32
        %swap3A_770 = arith.index_cast %add3A_769 : i32 to index
        %swap3A_771 = tpu.vector_load %arg5[%swap3A_770] {strides = array<i32>} : memref<32960xf32, #tpu.memory_space<vmem>>, vector<16xf32>,
        tpu.vector_store %arg5[%swap3A_770], %gather3A_600 {strides = array<i32>} : memref<32960xf32, #tpu.memory_space<vmem>>, vector<16xf32>,
        %add3A_772 = arith.constant 64 : i32
        %add3A_773 = arith.addi %scan3A_526, %add3A_772 : i32
        %swap3A_774 = arith.index_cast %add3A_773 : i32 to index
        %swap3A_775 = tpu.vector_load %arg5[%swap3A_774] {strides = array<i32>} : memref<32960xf32, #tpu.memory_space<vmem>>, vector<16xf32>,
        tpu.vector_store %arg5[%swap3A_774], %gather3A_609 {strides = array<i32>} : memref<32960xf32, #tpu.memory_space<vmem>>, vector<16xf32>,
        %add3A_776 = arith.constant 80 : i32
        %add3A_777 = arith.addi %scan3A_526, %add3A_776 : i32
        %swap3A_778 = arith.index_cast %add3A_777 : i32 to index
        %swap3A_779 = tpu.vector_load %arg5[%swap3A_778] {strides = array<i32>} : memref<32960xf32, #tpu.memory_space<vmem>>, vector<16xf32>,
        tpu.vector_store %arg5[%swap3A_778], %gather3A_618 {strides = array<i32>} : memref<32960xf32, #tpu.memory_space<vmem>>, vector<16xf32>,
        %add3A_780 = arith.constant 96 : i32
        %add3A_781 = arith.addi %scan3A_526, %add3A_780 : i32
        %swap3A_782 = arith.index_cast %add3A_781 : i32 to index
        %swap3A_783 = tpu.vector_load %arg5[%swap3A_782] {strides = array<i32>} : memref<32960xf32, #tpu.memory_space<vmem>>, vector<16xf32>,
        tpu.vector_store %arg5[%swap3A_782], %gather3A_627 {strides = array<i32>} : memref<32960xf32, #tpu.memory_space<vmem>>, vector<16xf32>,
        %add3A_784 = arith.constant 112 : i32
        %add3A_785 = arith.addi %scan3A_526, %add3A_784 : i32
        %swap3A_786 = arith.index_cast %add3A_785 : i32 to index
        %swap3A_787 = tpu.vector_load %arg5[%swap3A_786] {strides = array<i32>} : memref<32960xf32, #tpu.memory_space<vmem>>, vector<16xf32>,
        tpu.vector_store %arg5[%swap3A_786], %gather3A_636 {strides = array<i32>} : memref<32960xf32, #tpu.memory_space<vmem>>, vector<16xf32>,
        %sub3A_788 = arith.constant 128 : i32
        %sub3A_789 = arith.subi %sub3A_788, %mul3A_528 : i32
        %sub3A_790 = arith.constant 0 : i32
        %sub3A_791 = arith.subi %sub3A_789, %sub3A_790 : i32
        %add3A_792 = arith.addi %scan3A_526, %sub3A_791 : i32
        %add3A_793 = arith.constant 0 : i32
        %add3A_794 = arith.addi %add3A_792, %add3A_793 : i32
        %swap3A_795 = arith.index_cast %add3A_794 : i32 to index
        %swap3A_796 = tpu.vector_load %arg5[%swap3A_795] {strides = array<i32>} : memref<32960xf32, #tpu.memory_space<vmem>>, vector<16xf32>,
        tpu.vector_store %arg5[%swap3A_795], %gather3A_693 {strides = array<i32>} : memref<32960xf32, #tpu.memory_space<vmem>>, vector<16xf32>,
        %add3A_797 = arith.constant 16 : i32
        %add3A_798 = arith.addi %add3A_792, %add3A_797 : i32
        %swap3A_799 = arith.index_cast %add3A_798 : i32 to index
        %swap3A_800 = tpu.vector_load %arg5[%swap3A_799] {strides = array<i32>} : memref<32960xf32, #tpu.memory_space<vmem>>, vector<16xf32>,
        tpu.vector_store %arg5[%swap3A_799], %gather3A_702 {strides = array<i32>} : memref<32960xf32, #tpu.memory_space<vmem>>, vector<16xf32>,
        %add3A_801 = arith.constant 32 : i32
        %add3A_802 = arith.addi %add3A_792, %add3A_801 : i32
        %swap3A_803 = arith.index_cast %add3A_802 : i32 to index
        %swap3A_804 = tpu.vector_load %arg5[%swap3A_803] {strides = array<i32>} : memref<32960xf32, #tpu.memory_space<vmem>>, vector<16xf32>,
        tpu.vector_store %arg5[%swap3A_803], %gather3A_711 {strides = array<i32>} : memref<32960xf32, #tpu.memory_space<vmem>>, vector<16xf32>,
        %add3A_805 = arith.constant 48 : i32
        %add3A_806 = arith.addi %add3A_792, %add3A_805 : i32
        %swap3A_807 = arith.index_cast %add3A_806 : i32 to index
        %swap3A_808 = tpu.vector_load %arg5[%swap3A_807] {strides = array<i32>} : memref<32960xf32, #tpu.memory_space<vmem>>, vector<16xf32>,
        tpu.vector_store %arg5[%swap3A_807], %gather3A_720 {strides = array<i32>} : memref<32960xf32, #tpu.memory_space<vmem>>, vector<16xf32>,
        %add3A_809 = arith.constant 64 : i32
        %add3A_810 = arith.addi %add3A_792, %add3A_809 : i32
        %swap3A_811 = arith.index_cast %add3A_810 : i32 to index
        %swap3A_812 = tpu.vector_load %arg5[%swap3A_811] {strides = array<i32>} : memref<32960xf32, #tpu.memory_space<vmem>>, vector<16xf32>,
        tpu.vector_store %arg5[%swap3A_811], %gather3A_729 {strides = array<i32>} : memref<32960xf32, #tpu.memory_space<vmem>>, vector<16xf32>,
        %add3A_813 = arith.constant 80 : i32
        %add3A_814 = arith.addi %add3A_792, %add3A_813 : i32
        %swap3A_815 = arith.index_cast %add3A_814 : i32 to index
        %swap3A_816 = tpu.vector_load %arg5[%swap3A_815] {strides = array<i32>} : memref<32960xf32, #tpu.memory_space<vmem>>, vector<16xf32>,
        tpu.vector_store %arg5[%swap3A_815], %gather3A_738 {strides = array<i32>} : memref<32960xf32, #tpu.memory_space<vmem>>, vector<16xf32>,
        %add3A_817 = arith.constant 96 : i32
        %add3A_818 = arith.addi %add3A_792, %add3A_817 : i32
        %swap3A_819 = arith.index_cast %add3A_818 : i32 to index
        %swap3A_820 = tpu.vector_load %arg5[%swap3A_819] {strides = array<i32>} : memref<32960xf32, #tpu.memory_space<vmem>>, vector<16xf32>,
        tpu.vector_store %arg5[%swap3A_819], %gather3A_747 {strides = array<i32>} : memref<32960xf32, #tpu.memory_space<vmem>>, vector<16xf32>,
        %add3A_821 = arith.constant 112 : i32
        %add3A_822 = arith.addi %add3A_792, %add3A_821 : i32
        %swap3A_823 = arith.index_cast %add3A_822 : i32 to index
        %swap3A_824 = tpu.vector_load %arg5[%swap3A_823] {strides = array<i32>} : memref<32960xf32, #tpu.memory_space<vmem>>, vector<16xf32>,
        tpu.vector_store %arg5[%swap3A_823], %gather3A_756 {strides = array<i32>} : memref<32960xf32, #tpu.memory_space<vmem>>, vector<16xf32>,
        %sub3A_825 = arith.constant 128 : i32
        %sub3A_826 = arith.subi %sub3A_825, %mul3A_528 : i32
        %sub3A_827 = arith.constant 1 : i32
        %sub3A_828 = arith.subi %sub3A_826, %sub3A_827 : i32
        %add3A_829 = arith.addi %add3A_792, %sub3A_828 : i32
        scf.yield %add3A_829 : i32
      }
      %scan3A_229 = arith.constant 32 : i32
      %dma_wait3A_230 = arith.constant 0 : i32
      %dma_wait3A_231 = arith.constant 1 : i32
      %dma_wait3A_232 = arith.constant 0 : i32
      %dma_wait3A_233 = arith.constant 0 : i32
      %dma_wait3A_234 = arith.constant 128 : i32
      %dma_wait3A_235 = tpu.memref_slice %arg4[%dma_wait3A_231, %dma_wait3A_232, %dma_wait3A_233, %dma_wait3A_234] : memref<2x8x8x256xf32, #tpu.memory_space<vmem>> -> memref<1x8x8x128xf32, #tpu.memory_space<vmem>>
      %dma_wait3A_236 = tpu.memref_squeeze %dma_wait3A_235 : memref<1x8x8x128xf32, #tpu.memory_space<vmem>> -> memref<8x8x128xf32, #tpu.memory_space<vmem>>
      %dma_wait3A_237 = arith.constant 24 : i32
      %dma_wait3A_238 = arith.constant 0 : i32
      %dma_wait3A_239 = arith.constant 128 : i32
      %dma_wait3A_240 = tpu.memref_slice %arg2[%dma_wait3A_230, %dma_wait3A_237, %dma_wait3A_238, %dma_wait3A_239] : memref<1024x32x8x256xf32, #tpu.memory_space<hbm>> -> memref<1x8x8x128xf32, #tpu.memory_space<hbm>>
      %dma_wait3A_241 = tpu.memref_squeeze %dma_wait3A_240 : memref<1x8x8x128xf32, #tpu.memory_space<hbm>> -> memref<8x8x128xf32, #tpu.memory_space<hbm>>
      %dma_wait3A_242 = arith.constant 0 : i32
      %dma_wait3A_243 = arith.constant 0 : i32
      %dma_wait3A_244 = arith.constant 128 : i32
      %dma_wait3A_245 = tpu.memref_slice %arg4[%dma_wait3A_231, %dma_wait3A_242, %dma_wait3A_243, %dma_wait3A_244] : memref<2x8x8x256xf32, #tpu.memory_space<vmem>> -> memref<1x8x8x128xf32, #tpu.memory_space<vmem>>
      %dma_wait3A_246 = tpu.memref_squeeze %dma_wait3A_245 : memref<1x8x8x128xf32, #tpu.memory_space<vmem>> -> memref<8x8x128xf32, #tpu.memory_space<vmem>>
      %dma_wait3A_247 = arith.constant 24 : i32
      %dma_wait3A_248 = arith.constant 0 : i32
      %dma_wait3A_249 = arith.constant 128 : i32
      %dma_wait3A_250 = tpu.memref_slice %arg2[%dma_wait3A_230, %dma_wait3A_247, %dma_wait3A_248, %dma_wait3A_249] : memref<1024x32x8x256xf32, #tpu.memory_space<hbm>> -> memref<1x8x8x128xf32, #tpu.memory_space<hbm>>
      %dma_wait3A_251 = tpu.memref_squeeze %dma_wait3A_250 : memref<1x8x8x128xf32, #tpu.memory_space<hbm>> -> memref<8x8x128xf32, #tpu.memory_space<hbm>>
      tpu.wait_dma2 semaphore(%arg8 : memref<!tpu.dma_semaphore, #tpu.memory_space<semaphore_mem>>) src(%dma_wait3A_251 : memref<8x8x128xf32, #tpu.memory_space<hbm>>) dst(%dma_wait3A_246 : memref<8x8x128xf32, #tpu.memory_space<vmem>>)
      %add3A_252 = arith.constant 1 : i32
      %add3A_253 = arith.addi %add3A_71, %add3A_252 : i32
      %min3A = arith.constant 31 : i32
      %min3A_254 = arith.minsi %add3A_253, %min3A : i32
      %add3A_255 = arith.addi %mul3A_2, %min3A_254 : i32
      %dma_start3A_256 = arith.constant 0 : i32
      %dma_start3A_257 = arith.constant 0 : i32
      %dma_start3A_258 = arith.constant 0 : i32
      %dma_start3A_259 = arith.constant 0 : i32
      %dma_start3A_260 = tpu.memref_slice %arg4[%dma_start3A_256, %dma_start3A_257, %dma_start3A_258, %dma_start3A_259] : memref<2x8x8x256xf32, #tpu.memory_space<vmem>> -> memref<1x8x8x256xf32, #tpu.memory_space<vmem>>
      %dma_start3A_261 = tpu.memref_squeeze %dma_start3A_260 : memref<1x8x8x256xf32, #tpu.memory_space<vmem>> -> memref<8x8x256xf32, #tpu.memory_space<vmem>>
      %dma_start3A_262 = arith.constant 0 : i32
      %dma_start3A_263 = arith.constant 0 : i32
      %dma_start3A_264 = arith.constant 0 : i32
      %dma_start3A_265 = tpu.memref_slice %arg2[%add3A_255, %dma_start3A_262, %dma_start3A_263, %dma_start3A_264] : memref<1024x32x8x256xf32, #tpu.memory_space<hbm>> -> memref<1x8x8x256xf32, #tpu.memory_space<hbm>>
      %dma_start3A_266 = tpu.memref_squeeze %dma_start3A_265 : memref<1x8x8x256xf32, #tpu.memory_space<hbm>> -> memref<8x8x256xf32, #tpu.memory_space<hbm>>
      %dma_start3A_267 = arith.constant 0 : i32
      %dma_start3A_268 = arith.constant 0 : i32
      %dma_start3A_269 = arith.constant 0 : i32
      %dma_start3A_270 = tpu.memref_slice %arg4[%dma_start3A_256, %dma_start3A_267, %dma_start3A_268, %dma_start3A_269] : memref<2x8x8x256xf32, #tpu.memory_space<vmem>> -> memref<1x8x8x256xf32, #tpu.memory_space<vmem>>
      %dma_start3A_271 = tpu.memref_squeeze %dma_start3A_270 : memref<1x8x8x256xf32, #tpu.memory_space<vmem>> -> memref<8x8x256xf32, #tpu.memory_space<vmem>>
      %dma_start3A_272 = arith.constant 0 : i32
      %dma_start3A_273 = arith.constant 0 : i32
      %dma_start3A_274 = arith.constant 0 : i32
      %dma_start3A_275 = tpu.memref_slice %arg2[%add3A_255, %dma_start3A_272, %dma_start3A_273, %dma_start3A_274] : memref<1024x32x8x256xf32, #tpu.memory_space<hbm>> -> memref<1x8x8x256xf32, #tpu.memory_space<hbm>>
      %dma_start3A_276 = tpu.memref_squeeze %dma_start3A_275 : memref<1x8x8x256xf32, #tpu.memory_space<hbm>> -> memref<8x8x256xf32, #tpu.memory_space<hbm>>
      tpu.enqueue_dma source(%dma_start3A_276 : memref<8x8x256xf32, #tpu.memory_space<hbm>>) target(%dma_start3A_271 : memref<8x8x256xf32, #tpu.memory_space<vmem>>) target_semaphore(%arg7 : memref<!tpu.dma_semaphore, #tpu.memory_space<semaphore_mem>>)
      %scan3A_277 = arith.constant 1 : i32
      %scan3A_278 = arith.constant 30816 : i32
      %scan3A_279 = arith.constant 0 : i32
      %scan3A_280 = arith.constant 32 : i32
      %scan3A_281 = arith.addi %scan3A_279, %scan3A_280 : i32
      %scan3A_282 = arith.constant 1 : i32
      %scan3A_283 = scf.for %scan3A_525 = %scan3A_279 to %scan3A_281 step %scan3A_282 iter_args(%scan3A_526 = %scan3A_278) -> (i32)  : i32 {
        %mul3A_527 = arith.constant 2 : i32
        %mul3A_528 = arith.muli %mul3A_527, %scan3A_525 : i32
        %add3A_529 = arith.constant 0 : i32
        %add3A_530 = arith.addi %mul3A_528, %add3A_529 : i32
        %jit3A = arith.constant 8 : i32
        %div3A = arith.divsi %add3A_530, %jit3A : i32
        %sign3A = arith.constant 0 : i32
        %sign3A_531 = arith.cmpi sgt, %add3A_530, %sign3A : i32
        %sign3A_532 = arith.extui %sign3A_531 : i1 to i32
        %sign3A_533 = arith.constant 0 : i32
        %sign3A_534 = arith.cmpi slt, %add3A_530, %sign3A_533 : i32
        %sign3A_535 = arith.extui %sign3A_534 : i1 to i32
        %sign3A_536 = arith.subi %sign3A_532, %sign3A_535 : i32
        %sign3A_537 = arith.constant 0 : i32
        %sign3A_538 = arith.cmpi sgt, %jit3A, %sign3A_537 : i32
        %sign3A_539 = arith.extui %sign3A_538 : i1 to i32
        %sign3A_540 = arith.constant 0 : i32
        %sign3A_541 = arith.cmpi slt, %jit3A, %sign3A_540 : i32
        %sign3A_542 = arith.extui %sign3A_541 : i1 to i32
        %sign3A_543 = arith.subi %sign3A_539, %sign3A_542 : i32
        %ne3A = arith.cmpi ne, %sign3A_536, %sign3A_543 : i32
        %rem3A = arith.remsi %add3A_530, %jit3A : i32
        %ne3A_544 = arith.constant 0 : i32
        %ne3A_545 = arith.cmpi ne, %rem3A, %ne3A_544 : i32
        %and3A = arith.andi %ne3A, %ne3A_545 : i1
        %sub3A = arith.constant 1 : i32
        %sub3A_546 = arith.subi %div3A, %sub3A : i32
        %select_n3A = arith.select %and3A, %sub3A_546, %div3A : i32
        %broadcast_in_dim3A = vector.broadcast %select_n3A : i32 to vector<16xi32>
        %jit3A_547 = arith.constant 8 : i32
        %eq3A = arith.constant 0 : i32
        %eq3A_548 = arith.cmpi eq, %jit3A_547, %eq3A : i32
        %jit3A_549 = arith.constant 1 : i32
        %select_n3A_550 = arith.select %eq3A_548, %jit3A_549, %jit3A_547 : i32
        %rem3A_551 = arith.remsi %add3A_530, %select_n3A_550 : i32
        %ne3A_552 = arith.constant 0 : i32
        %ne3A_553 = arith.cmpi ne, %rem3A_551, %ne3A_552 : i32
        %lt3A = arith.constant 0 : i32
        %lt3A_554 = arith.cmpi slt, %rem3A_551, %lt3A : i32
        %lt3A_555 = arith.constant 0 : i32
        %lt3A_556 = arith.cmpi slt, %select_n3A_550, %lt3A_555 : i32
        %ne3A_557 = arith.xori %lt3A_554, %lt3A_556 : i1
        %and3A_558 = arith.andi %ne3A_557, %ne3A_553 : i1
        %add3A_559 = arith.addi %rem3A_551, %select_n3A_550 : i32
        %select_n3A_560 = arith.select %and3A_558, %add3A_559, %rem3A_551 : i32
        %broadcast_in_dim3A_561 = vector.broadcast %select_n3A_560 : i32 to vector<16xi32>
        %add3A_562 = arith.constant 192 : i32
        %add3A_563 = arith.addi %add3A_562, %add3A_530 : i32
        %add3A_564 = vector.broadcast %add3A_563 : i32 to vector<16xi32>
        %add3A_565 = arith.addi %add3A_564, %iota3A : vector<16xi32>
        %add3A_566 = arith.constant 0 : i32
        %add3A_567 = vector.broadcast %add3A_566 : i32 to vector<16xi32>
        %add3A_568 = arith.addi %add3A_565, %add3A_567 : vector<16xi32>
        %gather3A = arith.constant 0 : i32
        %gather3A_569 = arith.constant 0 : i32
        %gather3A_570 = arith.constant 0 : i32
        %gather3A_571 = tpu.memref_slice %arg4[%scan3A_277, %gather3A, %gather3A_569, %gather3A_570] : memref<2x8x8x256xf32, #tpu.memory_space<vmem>> -> memref<1x8x8x256xf32, #tpu.memory_space<vmem>>
        %gather3A_572 = tpu.memref_squeeze %gather3A_571 : memref<1x8x8x256xf32, #tpu.memory_space<vmem>> -> memref<8x8x256xf32, #tpu.memory_space<vmem>>
        %gather3A_573 = tpu.vector_load_idx %gather3A_572[%broadcast_in_dim3A, %broadcast_in_dim3A_561, %add3A_568] : memref<8x8x256xf32, #tpu.memory_space<vmem>>[vector<16xi32>, vector<16xi32>, vector<16xi32>], vector<16xf32>,
        %add3A_574 = arith.constant 16 : i32
        %add3A_575 = vector.broadcast %add3A_574 : i32 to vector<16xi32>
        %add3A_576 = arith.addi %add3A_565, %add3A_575 : vector<16xi32>
        %gather3A_577 = arith.constant 0 : i32
        %gather3A_578 = arith.constant 0 : i32
        %gather3A_579 = arith.constant 0 : i32
        %gather3A_580 = tpu.memref_slice %arg4[%scan3A_277, %gather3A_577, %gather3A_578, %gather3A_579] : memref<2x8x8x256xf32, #tpu.memory_space<vmem>> -> memref<1x8x8x256xf32, #tpu.memory_space<vmem>>
        %gather3A_581 = tpu.memref_squeeze %gather3A_580 : memref<1x8x8x256xf32, #tpu.memory_space<vmem>> -> memref<8x8x256xf32, #tpu.memory_space<vmem>>
        %gather3A_582 = tpu.vector_load_idx %gather3A_581[%broadcast_in_dim3A, %broadcast_in_dim3A_561, %add3A_576] : memref<8x8x256xf32, #tpu.memory_space<vmem>>[vector<16xi32>, vector<16xi32>, vector<16xi32>], vector<16xf32>,
        %add3A_583 = arith.constant 32 : i32
        %add3A_584 = vector.broadcast %add3A_583 : i32 to vector<16xi32>
        %add3A_585 = arith.addi %add3A_565, %add3A_584 : vector<16xi32>
        %gather3A_586 = arith.constant 0 : i32
        %gather3A_587 = arith.constant 0 : i32
        %gather3A_588 = arith.constant 0 : i32
        %gather3A_589 = tpu.memref_slice %arg4[%scan3A_277, %gather3A_586, %gather3A_587, %gather3A_588] : memref<2x8x8x256xf32, #tpu.memory_space<vmem>> -> memref<1x8x8x256xf32, #tpu.memory_space<vmem>>
        %gather3A_590 = tpu.memref_squeeze %gather3A_589 : memref<1x8x8x256xf32, #tpu.memory_space<vmem>> -> memref<8x8x256xf32, #tpu.memory_space<vmem>>
        %gather3A_591 = tpu.vector_load_idx %gather3A_590[%broadcast_in_dim3A, %broadcast_in_dim3A_561, %add3A_585] : memref<8x8x256xf32, #tpu.memory_space<vmem>>[vector<16xi32>, vector<16xi32>, vector<16xi32>], vector<16xf32>,
        %add3A_592 = arith.constant 48 : i32
        %add3A_593 = vector.broadcast %add3A_592 : i32 to vector<16xi32>
        %add3A_594 = arith.addi %add3A_565, %add3A_593 : vector<16xi32>
        %gather3A_595 = arith.constant 0 : i32
        %gather3A_596 = arith.constant 0 : i32
        %gather3A_597 = arith.constant 0 : i32
        %gather3A_598 = tpu.memref_slice %arg4[%scan3A_277, %gather3A_595, %gather3A_596, %gather3A_597] : memref<2x8x8x256xf32, #tpu.memory_space<vmem>> -> memref<1x8x8x256xf32, #tpu.memory_space<vmem>>
        %gather3A_599 = tpu.memref_squeeze %gather3A_598 : memref<1x8x8x256xf32, #tpu.memory_space<vmem>> -> memref<8x8x256xf32, #tpu.memory_space<vmem>>
        %gather3A_600 = tpu.vector_load_idx %gather3A_599[%broadcast_in_dim3A, %broadcast_in_dim3A_561, %add3A_594] : memref<8x8x256xf32, #tpu.memory_space<vmem>>[vector<16xi32>, vector<16xi32>, vector<16xi32>], vector<16xf32>,
        %add3A_601 = arith.constant 1 : i32
        %add3A_602 = arith.addi %mul3A_528, %add3A_601 : i32
        %jit3A_603 = arith.constant 8 : i32
        %div3A_604 = arith.divsi %add3A_602, %jit3A_603 : i32
        %sign3A_605 = arith.constant 0 : i32
        %sign3A_606 = arith.cmpi sgt, %add3A_602, %sign3A_605 : i32
        %sign3A_607 = arith.extui %sign3A_606 : i1 to i32
        %sign3A_608 = arith.constant 0 : i32
        %sign3A_609 = arith.cmpi slt, %add3A_602, %sign3A_608 : i32
        %sign3A_610 = arith.extui %sign3A_609 : i1 to i32
        %sign3A_611 = arith.subi %sign3A_607, %sign3A_610 : i32
        %sign3A_612 = arith.constant 0 : i32
        %sign3A_613 = arith.cmpi sgt, %jit3A_603, %sign3A_612 : i32
        %sign3A_614 = arith.extui %sign3A_613 : i1 to i32
        %sign3A_615 = arith.constant 0 : i32
        %sign3A_616 = arith.cmpi slt, %jit3A_603, %sign3A_615 : i32
        %sign3A_617 = arith.extui %sign3A_616 : i1 to i32
        %sign3A_618 = arith.subi %sign3A_614, %sign3A_617 : i32
        %ne3A_619 = arith.cmpi ne, %sign3A_611, %sign3A_618 : i32
        %rem3A_620 = arith.remsi %add3A_602, %jit3A_603 : i32
        %ne3A_621 = arith.constant 0 : i32
        %ne3A_622 = arith.cmpi ne, %rem3A_620, %ne3A_621 : i32
        %and3A_623 = arith.andi %ne3A_619, %ne3A_622 : i1
        %sub3A_624 = arith.constant 1 : i32
        %sub3A_625 = arith.subi %div3A_604, %sub3A_624 : i32
        %select_n3A_626 = arith.select %and3A_623, %sub3A_625, %div3A_604 : i32
        %broadcast_in_dim3A_627 = vector.broadcast %select_n3A_626 : i32 to vector<16xi32>
        %jit3A_628 = arith.constant 8 : i32
        %eq3A_629 = arith.constant 0 : i32
        %eq3A_630 = arith.cmpi eq, %jit3A_628, %eq3A_629 : i32
        %jit3A_631 = arith.constant 1 : i32
        %select_n3A_632 = arith.select %eq3A_630, %jit3A_631, %jit3A_628 : i32
        %rem3A_633 = arith.remsi %add3A_602, %select_n3A_632 : i32
        %ne3A_634 = arith.constant 0 : i32
        %ne3A_635 = arith.cmpi ne, %rem3A_633, %ne3A_634 : i32
        %lt3A_636 = arith.constant 0 : i32
        %lt3A_637 = arith.cmpi slt, %rem3A_633, %lt3A_636 : i32
        %lt3A_638 = arith.constant 0 : i32
        %lt3A_639 = arith.cmpi slt, %select_n3A_632, %lt3A_638 : i32
        %ne3A_640 = arith.xori %lt3A_637, %lt3A_639 : i1
        %and3A_641 = arith.andi %ne3A_640, %ne3A_635 : i1
        %add3A_642 = arith.addi %rem3A_633, %select_n3A_632 : i32
        %select_n3A_643 = arith.select %and3A_641, %add3A_642, %rem3A_633 : i32
        %broadcast_in_dim3A_644 = vector.broadcast %select_n3A_643 : i32 to vector<16xi32>
        %add3A_645 = arith.constant 192 : i32
        %add3A_646 = arith.addi %add3A_645, %add3A_602 : i32
        %add3A_647 = vector.broadcast %add3A_646 : i32 to vector<16xi32>
        %add3A_648 = arith.addi %add3A_647, %iota3A : vector<16xi32>
        %add3A_649 = arith.constant 0 : i32
        %add3A_650 = vector.broadcast %add3A_649 : i32 to vector<16xi32>
        %add3A_651 = arith.addi %add3A_648, %add3A_650 : vector<16xi32>
        %gather3A_652 = arith.constant 0 : i32
        %gather3A_653 = arith.constant 0 : i32
        %gather3A_654 = arith.constant 0 : i32
        %gather3A_655 = tpu.memref_slice %arg4[%scan3A_277, %gather3A_652, %gather3A_653, %gather3A_654] : memref<2x8x8x256xf32, #tpu.memory_space<vmem>> -> memref<1x8x8x256xf32, #tpu.memory_space<vmem>>
        %gather3A_656 = tpu.memref_squeeze %gather3A_655 : memref<1x8x8x256xf32, #tpu.memory_space<vmem>> -> memref<8x8x256xf32, #tpu.memory_space<vmem>>
        %gather3A_657 = tpu.vector_load_idx %gather3A_656[%broadcast_in_dim3A_627, %broadcast_in_dim3A_644, %add3A_651] : memref<8x8x256xf32, #tpu.memory_space<vmem>>[vector<16xi32>, vector<16xi32>, vector<16xi32>], vector<16xf32>,
        %add3A_658 = arith.constant 16 : i32
        %add3A_659 = vector.broadcast %add3A_658 : i32 to vector<16xi32>
        %add3A_660 = arith.addi %add3A_648, %add3A_659 : vector<16xi32>
        %gather3A_661 = arith.constant 0 : i32
        %gather3A_662 = arith.constant 0 : i32
        %gather3A_663 = arith.constant 0 : i32
        %gather3A_664 = tpu.memref_slice %arg4[%scan3A_277, %gather3A_661, %gather3A_662, %gather3A_663] : memref<2x8x8x256xf32, #tpu.memory_space<vmem>> -> memref<1x8x8x256xf32, #tpu.memory_space<vmem>>
        %gather3A_665 = tpu.memref_squeeze %gather3A_664 : memref<1x8x8x256xf32, #tpu.memory_space<vmem>> -> memref<8x8x256xf32, #tpu.memory_space<vmem>>
        %gather3A_666 = tpu.vector_load_idx %gather3A_665[%broadcast_in_dim3A_627, %broadcast_in_dim3A_644, %add3A_660] : memref<8x8x256xf32, #tpu.memory_space<vmem>>[vector<16xi32>, vector<16xi32>, vector<16xi32>], vector<16xf32>,
        %add3A_667 = arith.constant 32 : i32
        %add3A_668 = vector.broadcast %add3A_667 : i32 to vector<16xi32>
        %add3A_669 = arith.addi %add3A_648, %add3A_668 : vector<16xi32>
        %gather3A_670 = arith.constant 0 : i32
        %gather3A_671 = arith.constant 0 : i32
        %gather3A_672 = arith.constant 0 : i32
        %gather3A_673 = tpu.memref_slice %arg4[%scan3A_277, %gather3A_670, %gather3A_671, %gather3A_672] : memref<2x8x8x256xf32, #tpu.memory_space<vmem>> -> memref<1x8x8x256xf32, #tpu.memory_space<vmem>>
        %gather3A_674 = tpu.memref_squeeze %gather3A_673 : memref<1x8x8x256xf32, #tpu.memory_space<vmem>> -> memref<8x8x256xf32, #tpu.memory_space<vmem>>
        %gather3A_675 = tpu.vector_load_idx %gather3A_674[%broadcast_in_dim3A_627, %broadcast_in_dim3A_644, %add3A_669] : memref<8x8x256xf32, #tpu.memory_space<vmem>>[vector<16xi32>, vector<16xi32>, vector<16xi32>], vector<16xf32>,
        %add3A_676 = arith.constant 48 : i32
        %add3A_677 = vector.broadcast %add3A_676 : i32 to vector<16xi32>
        %add3A_678 = arith.addi %add3A_648, %add3A_677 : vector<16xi32>
        %gather3A_679 = arith.constant 0 : i32
        %gather3A_680 = arith.constant 0 : i32
        %gather3A_681 = arith.constant 0 : i32
        %gather3A_682 = tpu.memref_slice %arg4[%scan3A_277, %gather3A_679, %gather3A_680, %gather3A_681] : memref<2x8x8x256xf32, #tpu.memory_space<vmem>> -> memref<1x8x8x256xf32, #tpu.memory_space<vmem>>
        %gather3A_683 = tpu.memref_squeeze %gather3A_682 : memref<1x8x8x256xf32, #tpu.memory_space<vmem>> -> memref<8x8x256xf32, #tpu.memory_space<vmem>>
        %gather3A_684 = tpu.vector_load_idx %gather3A_683[%broadcast_in_dim3A_627, %broadcast_in_dim3A_644, %add3A_678] : memref<8x8x256xf32, #tpu.memory_space<vmem>>[vector<16xi32>, vector<16xi32>, vector<16xi32>], vector<16xf32>,
        %add3A_685 = arith.constant 0 : i32
        %add3A_686 = arith.addi %scan3A_526, %add3A_685 : i32
        %swap3A = arith.index_cast %add3A_686 : i32 to index
        %swap3A_687 = tpu.vector_load %arg5[%swap3A] {strides = array<i32>} : memref<32960xf32, #tpu.memory_space<vmem>>, vector<16xf32>,
        tpu.vector_store %arg5[%swap3A], %gather3A_573 {strides = array<i32>} : memref<32960xf32, #tpu.memory_space<vmem>>, vector<16xf32>,
        %add3A_688 = arith.constant 16 : i32
        %add3A_689 = arith.addi %scan3A_526, %add3A_688 : i32
        %swap3A_690 = arith.index_cast %add3A_689 : i32 to index
        %swap3A_691 = tpu.vector_load %arg5[%swap3A_690] {strides = array<i32>} : memref<32960xf32, #tpu.memory_space<vmem>>, vector<16xf32>,
        tpu.vector_store %arg5[%swap3A_690], %gather3A_582 {strides = array<i32>} : memref<32960xf32, #tpu.memory_space<vmem>>, vector<16xf32>,
        %add3A_692 = arith.constant 32 : i32
        %add3A_693 = arith.addi %scan3A_526, %add3A_692 : i32
        %swap3A_694 = arith.index_cast %add3A_693 : i32 to index
        %swap3A_695 = tpu.vector_load %arg5[%swap3A_694] {strides = array<i32>} : memref<32960xf32, #tpu.memory_space<vmem>>, vector<16xf32>,
        tpu.vector_store %arg5[%swap3A_694], %gather3A_591 {strides = array<i32>} : memref<32960xf32, #tpu.memory_space<vmem>>, vector<16xf32>,
        %add3A_696 = arith.constant 48 : i32
        %add3A_697 = arith.addi %scan3A_526, %add3A_696 : i32
        %swap3A_698 = arith.index_cast %add3A_697 : i32 to index
        %swap3A_699 = tpu.vector_load %arg5[%swap3A_698] {strides = array<i32>} : memref<32960xf32, #tpu.memory_space<vmem>>, vector<16xf32>,
        tpu.vector_store %arg5[%swap3A_698], %gather3A_600 {strides = array<i32>} : memref<32960xf32, #tpu.memory_space<vmem>>, vector<16xf32>,
        %sub3A_700 = arith.constant 64 : i32
        %sub3A_701 = arith.subi %sub3A_700, %mul3A_528 : i32
        %sub3A_702 = arith.constant 0 : i32
        %sub3A_703 = arith.subi %sub3A_701, %sub3A_702 : i32
        %add3A_704 = arith.addi %scan3A_526, %sub3A_703 : i32
        %add3A_705 = arith.constant 0 : i32
        %add3A_706 = arith.addi %add3A_704, %add3A_705 : i32
        %swap3A_707 = arith.index_cast %add3A_706 : i32 to index
        %swap3A_708 = tpu.vector_load %arg5[%swap3A_707] {strides = array<i32>} : memref<32960xf32, #tpu.memory_space<vmem>>, vector<16xf32>,
        tpu.vector_store %arg5[%swap3A_707], %gather3A_657 {strides = array<i32>} : memref<32960xf32, #tpu.memory_space<vmem>>, vector<16xf32>,
        %add3A_709 = arith.constant 16 : i32
        %add3A_710 = arith.addi %add3A_704, %add3A_709 : i32
        %swap3A_711 = arith.index_cast %add3A_710 : i32 to index
        %swap3A_712 = tpu.vector_load %arg5[%swap3A_711] {strides = array<i32>} : memref<32960xf32, #tpu.memory_space<vmem>>, vector<16xf32>,
        tpu.vector_store %arg5[%swap3A_711], %gather3A_666 {strides = array<i32>} : memref<32960xf32, #tpu.memory_space<vmem>>, vector<16xf32>,
        %add3A_713 = arith.constant 32 : i32
        %add3A_714 = arith.addi %add3A_704, %add3A_713 : i32
        %swap3A_715 = arith.index_cast %add3A_714 : i32 to index
        %swap3A_716 = tpu.vector_load %arg5[%swap3A_715] {strides = array<i32>} : memref<32960xf32, #tpu.memory_space<vmem>>, vector<16xf32>,
        tpu.vector_store %arg5[%swap3A_715], %gather3A_675 {strides = array<i32>} : memref<32960xf32, #tpu.memory_space<vmem>>, vector<16xf32>,
        %add3A_717 = arith.constant 48 : i32
        %add3A_718 = arith.addi %add3A_704, %add3A_717 : i32
        %swap3A_719 = arith.index_cast %add3A_718 : i32 to index
        %swap3A_720 = tpu.vector_load %arg5[%swap3A_719] {strides = array<i32>} : memref<32960xf32, #tpu.memory_space<vmem>>, vector<16xf32>,
        tpu.vector_store %arg5[%swap3A_719], %gather3A_684 {strides = array<i32>} : memref<32960xf32, #tpu.memory_space<vmem>>, vector<16xf32>,
        %sub3A_721 = arith.constant 64 : i32
        %sub3A_722 = arith.subi %sub3A_721, %mul3A_528 : i32
        %sub3A_723 = arith.constant 1 : i32
        %sub3A_724 = arith.subi %sub3A_722, %sub3A_723 : i32
        %add3A_725 = arith.addi %add3A_704, %sub3A_724 : i32
        scf.yield %add3A_725 : i32
      }
      %scan3A_284 = arith.constant 32 : i32
      %add3A_285 = arith.addi %mul3A_2, %add3A_71 : i32
      %mul3A_286 = arith.constant 32896 : i32
      %mul3A_287 = arith.muli %add3A_285, %mul3A_286 : i32
      %multiple_of3A = tpu.assume_multiple %mul3A_287, 8 : i32
      %dma_start3A_288 = arith.constant 0 : i32
      %dma_start3A_289 = tpu.memref_slice %arg5[%dma_start3A_288] : memref<32960xf32, #tpu.memory_space<vmem>> -> memref<32896xf32, #tpu.memory_space<vmem>>
      %dma_start3A_290 = tpu.memref_slice %arg3[%multiple_of3A] : memref<33685504xf32, #tpu.memory_space<hbm>> -> memref<32896xf32, #tpu.memory_space<hbm>>
      %dma_start3A_291 = tpu.memref_slice %arg3[%multiple_of3A] : memref<33685504xf32, #tpu.memory_space<hbm>> -> memref<32896xf32, #tpu.memory_space<hbm>>
      %dma_start3A_292 = arith.constant 0 : i32
      %dma_start3A_293 = tpu.memref_slice %arg5[%dma_start3A_292] : memref<32960xf32, #tpu.memory_space<vmem>> -> memref<32896xf32, #tpu.memory_space<vmem>>
      tpu.enqueue_dma source(%dma_start3A_293 : memref<32896xf32, #tpu.memory_space<vmem>>) target(%dma_start3A_291 : memref<32896xf32, #tpu.memory_space<hbm>>) target_semaphore(%arg9 : memref<!tpu.dma_semaphore, #tpu.memory_space<semaphore_mem>>)
      %mul3A_294 = arith.constant 2 : i32
      %mul3A_295 = arith.muli %scan3A_67, %mul3A_294 : i32
      %add3A_296 = arith.constant 1 : i32
      %add3A_297 = arith.addi %mul3A_295, %add3A_296 : i32
      %ge3A_298 = arith.constant 1 : i32
      %ge3A_299 = arith.cmpi sge, %scan3A_67, %ge3A_298 : i32
      %convert_element_type3A_300 = arith.extui %ge3A_299 : i1 to i32
      %cond3A_301 = arith.constant 0 : i32
      %cond3A_302 = arith.cmpi ne, %convert_element_type3A_300, %cond3A_301 : i32
      scf.if %cond3A_302 {
        %dma_wait3A_525 = arith.constant 0 : i32
        %dma_wait3A_526 = tpu.memref_slice %arg6[%dma_wait3A_525] : memref<32960xf32, #tpu.memory_space<vmem>> -> memref<32896xf32, #tpu.memory_space<vmem>>
        %dma_wait3A_527 = arith.constant 0 : i32
        %dma_wait3A_528 = tpu.memref_slice %arg3[%dma_wait3A_527] : memref<33685504xf32, #tpu.memory_space<hbm>> -> memref<32896xf32, #tpu.memory_space<hbm>>
        %dma_wait3A_529 = arith.constant 0 : i32
        %dma_wait3A_530 = tpu.memref_slice %arg3[%dma_wait3A_529] : memref<33685504xf32, #tpu.memory_space<hbm>> -> memref<32896xf32, #tpu.memory_space<hbm>>
        %dma_wait3A_531 = arith.constant 0 : i32
        %dma_wait3A_532 = tpu.memref_slice %arg6[%dma_wait3A_531] : memref<32960xf32, #tpu.memory_space<vmem>> -> memref<32896xf32, #tpu.memory_space<vmem>>
        tpu.wait_dma2 semaphore(%arg10 : memref<!tpu.dma_semaphore, #tpu.memory_space<semaphore_mem>>) src(%dma_wait3A_532 : memref<32896xf32, #tpu.memory_space<vmem>>) dst(%dma_wait3A_530 : memref<32896xf32, #tpu.memory_space<hbm>>)
      } else {
      }
      %dma_wait3A_303 = arith.constant 0 : i32
      %dma_wait3A_304 = arith.constant 0 : i32
      %dma_wait3A_305 = arith.constant 0 : i32
      %dma_wait3A_306 = arith.constant 0 : i32
      %dma_wait3A_307 = arith.constant 0 : i32
      %dma_wait3A_308 = tpu.memref_slice %arg4[%dma_wait3A_304, %dma_wait3A_305, %dma_wait3A_306, %dma_wait3A_307] : memref<2x8x8x256xf32, #tpu.memory_space<vmem>> -> memref<1x8x8x256xf32, #tpu.memory_space<vmem>>
      %dma_wait3A_309 = tpu.memref_squeeze %dma_wait3A_308 : memref<1x8x8x256xf32, #tpu.memory_space<vmem>> -> memref<8x8x256xf32, #tpu.memory_space<vmem>>
      %dma_wait3A_310 = arith.constant 0 : i32
      %dma_wait3A_311 = arith.constant 0 : i32
      %dma_wait3A_312 = arith.constant 0 : i32
      %dma_wait3A_313 = tpu.memref_slice %arg2[%dma_wait3A_303, %dma_wait3A_310, %dma_wait3A_311, %dma_wait3A_312] : memref<1024x32x8x256xf32, #tpu.memory_space<hbm>> -> memref<1x8x8x256xf32, #tpu.memory_space<hbm>>
      %dma_wait3A_314 = tpu.memref_squeeze %dma_wait3A_313 : memref<1x8x8x256xf32, #tpu.memory_space<hbm>> -> memref<8x8x256xf32, #tpu.memory_space<hbm>>
      %dma_wait3A_315 = arith.constant 0 : i32
      %dma_wait3A_316 = arith.constant 0 : i32
      %dma_wait3A_317 = arith.constant 0 : i32
      %dma_wait3A_318 = tpu.memref_slice %arg4[%dma_wait3A_304, %dma_wait3A_315, %dma_wait3A_316, %dma_wait3A_317] : memref<2x8x8x256xf32, #tpu.memory_space<vmem>> -> memref<1x8x8x256xf32, #tpu.memory_space<vmem>>
      %dma_wait3A_319 = tpu.memref_squeeze %dma_wait3A_318 : memref<1x8x8x256xf32, #tpu.memory_space<vmem>> -> memref<8x8x256xf32, #tpu.memory_space<vmem>>
      %dma_wait3A_320 = arith.constant 0 : i32
      %dma_wait3A_321 = arith.constant 0 : i32
      %dma_wait3A_322 = arith.constant 0 : i32
      %dma_wait3A_323 = tpu.memref_slice %arg2[%dma_wait3A_303, %dma_wait3A_320, %dma_wait3A_321, %dma_wait3A_322] : memref<1024x32x8x256xf32, #tpu.memory_space<hbm>> -> memref<1x8x8x256xf32, #tpu.memory_space<hbm>>
      %dma_wait3A_324 = tpu.memref_squeeze %dma_wait3A_323 : memref<1x8x8x256xf32, #tpu.memory_space<hbm>> -> memref<8x8x256xf32, #tpu.memory_space<hbm>>
      tpu.wait_dma2 semaphore(%arg7 : memref<!tpu.dma_semaphore, #tpu.memory_space<semaphore_mem>>) src(%dma_wait3A_324 : memref<8x8x256xf32, #tpu.memory_space<hbm>>) dst(%dma_wait3A_319 : memref<8x8x256xf32, #tpu.memory_space<vmem>>)
      %add3A_325 = arith.addi %mul3A_2, %add3A_297 : i32
      %dma_start3A_326 = arith.constant 1 : i32
      %dma_start3A_327 = arith.constant 0 : i32
      %dma_start3A_328 = arith.constant 0 : i32
      %dma_start3A_329 = arith.constant 0 : i32
      %dma_start3A_330 = tpu.memref_slice %arg4[%dma_start3A_326, %dma_start3A_327, %dma_start3A_328, %dma_start3A_329] : memref<2x8x8x256xf32, #tpu.memory_space<vmem>> -> memref<1x8x8x256xf32, #tpu.memory_space<vmem>>
      %dma_start3A_331 = tpu.memref_squeeze %dma_start3A_330 : memref<1x8x8x256xf32, #tpu.memory_space<vmem>> -> memref<8x8x256xf32, #tpu.memory_space<vmem>>
      %dma_start3A_332 = arith.constant 8 : i32
      %dma_start3A_333 = arith.constant 0 : i32
      %dma_start3A_334 = arith.constant 0 : i32
      %dma_start3A_335 = tpu.memref_slice %arg2[%add3A_325, %dma_start3A_332, %dma_start3A_333, %dma_start3A_334] : memref<1024x32x8x256xf32, #tpu.memory_space<hbm>> -> memref<1x8x8x256xf32, #tpu.memory_space<hbm>>
      %dma_start3A_336 = tpu.memref_squeeze %dma_start3A_335 : memref<1x8x8x256xf32, #tpu.memory_space<hbm>> -> memref<8x8x256xf32, #tpu.memory_space<hbm>>
      %dma_start3A_337 = arith.constant 0 : i32
      %dma_start3A_338 = arith.constant 0 : i32
      %dma_start3A_339 = arith.constant 0 : i32
      %dma_start3A_340 = tpu.memref_slice %arg4[%dma_start3A_326, %dma_start3A_337, %dma_start3A_338, %dma_start3A_339] : memref<2x8x8x256xf32, #tpu.memory_space<vmem>> -> memref<1x8x8x256xf32, #tpu.memory_space<vmem>>
      %dma_start3A_341 = tpu.memref_squeeze %dma_start3A_340 : memref<1x8x8x256xf32, #tpu.memory_space<vmem>> -> memref<8x8x256xf32, #tpu.memory_space<vmem>>
      %dma_start3A_342 = arith.constant 8 : i32
      %dma_start3A_343 = arith.constant 0 : i32
      %dma_start3A_344 = arith.constant 0 : i32
      %dma_start3A_345 = tpu.memref_slice %arg2[%add3A_325, %dma_start3A_342, %dma_start3A_343, %dma_start3A_344] : memref<1024x32x8x256xf32, #tpu.memory_space<hbm>> -> memref<1x8x8x256xf32, #tpu.memory_space<hbm>>
      %dma_start3A_346 = tpu.memref_squeeze %dma_start3A_345 : memref<1x8x8x256xf32, #tpu.memory_space<hbm>> -> memref<8x8x256xf32, #tpu.memory_space<hbm>>
      tpu.enqueue_dma source(%dma_start3A_346 : memref<8x8x256xf32, #tpu.memory_space<hbm>>) target(%dma_start3A_341 : memref<8x8x256xf32, #tpu.memory_space<vmem>>) target_semaphore(%arg8 : memref<!tpu.dma_semaphore, #tpu.memory_space<semaphore_mem>>)
      %scan3A_347 = arith.constant 0 : i32
      %scan3A_348 = arith.constant 0 : i32
      %scan3A_349 = arith.constant 0 : i32
      %scan3A_350 = arith.constant 32 : i32
      %scan3A_351 = arith.addi %scan3A_349, %scan3A_350 : i32
      %scan3A_352 = arith.constant 1 : i32
      %scan3A_353 = scf.for %scan3A_525 = %scan3A_349 to %scan3A_351 step %scan3A_352 iter_args(%scan3A_526 = %scan3A_348) -> (i32)  : i32 {
        %mul3A_527 = arith.constant 2 : i32
        %mul3A_528 = arith.muli %mul3A_527, %scan3A_525 : i32
        %add3A_529 = arith.constant 0 : i32
        %add3A_530 = arith.addi %mul3A_528, %add3A_529 : i32
        %jit3A = arith.constant 8 : i32
        %div3A = arith.divsi %add3A_530, %jit3A : i32
        %sign3A = arith.constant 0 : i32
        %sign3A_531 = arith.cmpi sgt, %add3A_530, %sign3A : i32
        %sign3A_532 = arith.extui %sign3A_531 : i1 to i32
        %sign3A_533 = arith.constant 0 : i32
        %sign3A_534 = arith.cmpi slt, %add3A_530, %sign3A_533 : i32
        %sign3A_535 = arith.extui %sign3A_534 : i1 to i32
        %sign3A_536 = arith.subi %sign3A_532, %sign3A_535 : i32
        %sign3A_537 = arith.constant 0 : i32
        %sign3A_538 = arith.cmpi sgt, %jit3A, %sign3A_537 : i32
        %sign3A_539 = arith.extui %sign3A_538 : i1 to i32
        %sign3A_540 = arith.constant 0 : i32
        %sign3A_541 = arith.cmpi slt, %jit3A, %sign3A_540 : i32
        %sign3A_542 = arith.extui %sign3A_541 : i1 to i32
        %sign3A_543 = arith.subi %sign3A_539, %sign3A_542 : i32
        %ne3A = arith.cmpi ne, %sign3A_536, %sign3A_543 : i32
        %rem3A = arith.remsi %add3A_530, %jit3A : i32
        %ne3A_544 = arith.constant 0 : i32
        %ne3A_545 = arith.cmpi ne, %rem3A, %ne3A_544 : i32
        %and3A = arith.andi %ne3A, %ne3A_545 : i1
        %sub3A = arith.constant 1 : i32
        %sub3A_546 = arith.subi %div3A, %sub3A : i32
        %select_n3A = arith.select %and3A, %sub3A_546, %div3A : i32
        %broadcast_in_dim3A = vector.broadcast %select_n3A : i32 to vector<16xi32>
        %jit3A_547 = arith.constant 8 : i32
        %eq3A = arith.constant 0 : i32
        %eq3A_548 = arith.cmpi eq, %jit3A_547, %eq3A : i32
        %jit3A_549 = arith.constant 1 : i32
        %select_n3A_550 = arith.select %eq3A_548, %jit3A_549, %jit3A_547 : i32
        %rem3A_551 = arith.remsi %add3A_530, %select_n3A_550 : i32
        %ne3A_552 = arith.constant 0 : i32
        %ne3A_553 = arith.cmpi ne, %rem3A_551, %ne3A_552 : i32
        %lt3A = arith.constant 0 : i32
        %lt3A_554 = arith.cmpi slt, %rem3A_551, %lt3A : i32
        %lt3A_555 = arith.constant 0 : i32
        %lt3A_556 = arith.cmpi slt, %select_n3A_550, %lt3A_555 : i32
        %ne3A_557 = arith.xori %lt3A_554, %lt3A_556 : i1
        %and3A_558 = arith.andi %ne3A_557, %ne3A_553 : i1
        %add3A_559 = arith.addi %rem3A_551, %select_n3A_550 : i32
        %select_n3A_560 = arith.select %and3A_558, %add3A_559, %rem3A_551 : i32
        %broadcast_in_dim3A_561 = vector.broadcast %select_n3A_560 : i32 to vector<16xi32>
        %add3A_562 = arith.constant 0 : i32
        %add3A_563 = arith.addi %add3A_562, %add3A_530 : i32
        %add3A_564 = vector.broadcast %add3A_563 : i32 to vector<16xi32>
        %add3A_565 = arith.addi %add3A_564, %iota3A : vector<16xi32>
        %add3A_566 = arith.constant 0 : i32
        %add3A_567 = vector.broadcast %add3A_566 : i32 to vector<16xi32>
        %add3A_568 = arith.addi %add3A_565, %add3A_567 : vector<16xi32>
        %gather3A = arith.constant 0 : i32
        %gather3A_569 = arith.constant 0 : i32
        %gather3A_570 = arith.constant 0 : i32
        %gather3A_571 = tpu.memref_slice %arg4[%scan3A_347, %gather3A, %gather3A_569, %gather3A_570] : memref<2x8x8x256xf32, #tpu.memory_space<vmem>> -> memref<1x8x8x256xf32, #tpu.memory_space<vmem>>
        %gather3A_572 = tpu.memref_squeeze %gather3A_571 : memref<1x8x8x256xf32, #tpu.memory_space<vmem>> -> memref<8x8x256xf32, #tpu.memory_space<vmem>>
        %gather3A_573 = tpu.vector_load_idx %gather3A_572[%broadcast_in_dim3A, %broadcast_in_dim3A_561, %add3A_568] : memref<8x8x256xf32, #tpu.memory_space<vmem>>[vector<16xi32>, vector<16xi32>, vector<16xi32>], vector<16xf32>,
        %add3A_574 = arith.constant 16 : i32
        %add3A_575 = vector.broadcast %add3A_574 : i32 to vector<16xi32>
        %add3A_576 = arith.addi %add3A_565, %add3A_575 : vector<16xi32>
        %gather3A_577 = arith.constant 0 : i32
        %gather3A_578 = arith.constant 0 : i32
        %gather3A_579 = arith.constant 0 : i32
        %gather3A_580 = tpu.memref_slice %arg4[%scan3A_347, %gather3A_577, %gather3A_578, %gather3A_579] : memref<2x8x8x256xf32, #tpu.memory_space<vmem>> -> memref<1x8x8x256xf32, #tpu.memory_space<vmem>>
        %gather3A_581 = tpu.memref_squeeze %gather3A_580 : memref<1x8x8x256xf32, #tpu.memory_space<vmem>> -> memref<8x8x256xf32, #tpu.memory_space<vmem>>
        %gather3A_582 = tpu.vector_load_idx %gather3A_581[%broadcast_in_dim3A, %broadcast_in_dim3A_561, %add3A_576] : memref<8x8x256xf32, #tpu.memory_space<vmem>>[vector<16xi32>, vector<16xi32>, vector<16xi32>], vector<16xf32>,
        %add3A_583 = arith.constant 32 : i32
        %add3A_584 = vector.broadcast %add3A_583 : i32 to vector<16xi32>
        %add3A_585 = arith.addi %add3A_565, %add3A_584 : vector<16xi32>
        %gather3A_586 = arith.constant 0 : i32
        %gather3A_587 = arith.constant 0 : i32
        %gather3A_588 = arith.constant 0 : i32
        %gather3A_589 = tpu.memref_slice %arg4[%scan3A_347, %gather3A_586, %gather3A_587, %gather3A_588] : memref<2x8x8x256xf32, #tpu.memory_space<vmem>> -> memref<1x8x8x256xf32, #tpu.memory_space<vmem>>
        %gather3A_590 = tpu.memref_squeeze %gather3A_589 : memref<1x8x8x256xf32, #tpu.memory_space<vmem>> -> memref<8x8x256xf32, #tpu.memory_space<vmem>>
        %gather3A_591 = tpu.vector_load_idx %gather3A_590[%broadcast_in_dim3A, %broadcast_in_dim3A_561, %add3A_585] : memref<8x8x256xf32, #tpu.memory_space<vmem>>[vector<16xi32>, vector<16xi32>, vector<16xi32>], vector<16xf32>,
        %add3A_592 = arith.constant 48 : i32
        %add3A_593 = vector.broadcast %add3A_592 : i32 to vector<16xi32>
        %add3A_594 = arith.addi %add3A_565, %add3A_593 : vector<16xi32>
        %gather3A_595 = arith.constant 0 : i32
        %gather3A_596 = arith.constant 0 : i32
        %gather3A_597 = arith.constant 0 : i32
        %gather3A_598 = tpu.memref_slice %arg4[%scan3A_347, %gather3A_595, %gather3A_596, %gather3A_597] : memref<2x8x8x256xf32, #tpu.memory_space<vmem>> -> memref<1x8x8x256xf32, #tpu.memory_space<vmem>>
        %gather3A_599 = tpu.memref_squeeze %gather3A_598 : memref<1x8x8x256xf32, #tpu.memory_space<vmem>> -> memref<8x8x256xf32, #tpu.memory_space<vmem>>
        %gather3A_600 = tpu.vector_load_idx %gather3A_599[%broadcast_in_dim3A, %broadcast_in_dim3A_561, %add3A_594] : memref<8x8x256xf32, #tpu.memory_space<vmem>>[vector<16xi32>, vector<16xi32>, vector<16xi32>], vector<16xf32>,
        %add3A_601 = arith.constant 64 : i32
        %add3A_602 = vector.broadcast %add3A_601 : i32 to vector<16xi32>
        %add3A_603 = arith.addi %add3A_565, %add3A_602 : vector<16xi32>
        %gather3A_604 = arith.constant 0 : i32
        %gather3A_605 = arith.constant 0 : i32
        %gather3A_606 = arith.constant 0 : i32
        %gather3A_607 = tpu.memref_slice %arg4[%scan3A_347, %gather3A_604, %gather3A_605, %gather3A_606] : memref<2x8x8x256xf32, #tpu.memory_space<vmem>> -> memref<1x8x8x256xf32, #tpu.memory_space<vmem>>
        %gather3A_608 = tpu.memref_squeeze %gather3A_607 : memref<1x8x8x256xf32, #tpu.memory_space<vmem>> -> memref<8x8x256xf32, #tpu.memory_space<vmem>>
        %gather3A_609 = tpu.vector_load_idx %gather3A_608[%broadcast_in_dim3A, %broadcast_in_dim3A_561, %add3A_603] : memref<8x8x256xf32, #tpu.memory_space<vmem>>[vector<16xi32>, vector<16xi32>, vector<16xi32>], vector<16xf32>,
        %add3A_610 = arith.constant 80 : i32
        %add3A_611 = vector.broadcast %add3A_610 : i32 to vector<16xi32>
        %add3A_612 = arith.addi %add3A_565, %add3A_611 : vector<16xi32>
        %gather3A_613 = arith.constant 0 : i32
        %gather3A_614 = arith.constant 0 : i32
        %gather3A_615 = arith.constant 0 : i32
        %gather3A_616 = tpu.memref_slice %arg4[%scan3A_347, %gather3A_613, %gather3A_614, %gather3A_615] : memref<2x8x8x256xf32, #tpu.memory_space<vmem>> -> memref<1x8x8x256xf32, #tpu.memory_space<vmem>>
        %gather3A_617 = tpu.memref_squeeze %gather3A_616 : memref<1x8x8x256xf32, #tpu.memory_space<vmem>> -> memref<8x8x256xf32, #tpu.memory_space<vmem>>
        %gather3A_618 = tpu.vector_load_idx %gather3A_617[%broadcast_in_dim3A, %broadcast_in_dim3A_561, %add3A_612] : memref<8x8x256xf32, #tpu.memory_space<vmem>>[vector<16xi32>, vector<16xi32>, vector<16xi32>], vector<16xf32>,
        %add3A_619 = arith.constant 96 : i32
        %add3A_620 = vector.broadcast %add3A_619 : i32 to vector<16xi32>
        %add3A_621 = arith.addi %add3A_565, %add3A_620 : vector<16xi32>
        %gather3A_622 = arith.constant 0 : i32
        %gather3A_623 = arith.constant 0 : i32
        %gather3A_624 = arith.constant 0 : i32
        %gather3A_625 = tpu.memref_slice %arg4[%scan3A_347, %gather3A_622, %gather3A_623, %gather3A_624] : memref<2x8x8x256xf32, #tpu.memory_space<vmem>> -> memref<1x8x8x256xf32, #tpu.memory_space<vmem>>
        %gather3A_626 = tpu.memref_squeeze %gather3A_625 : memref<1x8x8x256xf32, #tpu.memory_space<vmem>> -> memref<8x8x256xf32, #tpu.memory_space<vmem>>
        %gather3A_627 = tpu.vector_load_idx %gather3A_626[%broadcast_in_dim3A, %broadcast_in_dim3A_561, %add3A_621] : memref<8x8x256xf32, #tpu.memory_space<vmem>>[vector<16xi32>, vector<16xi32>, vector<16xi32>], vector<16xf32>,
        %add3A_628 = arith.constant 112 : i32
        %add3A_629 = vector.broadcast %add3A_628 : i32 to vector<16xi32>
        %add3A_630 = arith.addi %add3A_565, %add3A_629 : vector<16xi32>
        %gather3A_631 = arith.constant 0 : i32
        %gather3A_632 = arith.constant 0 : i32
        %gather3A_633 = arith.constant 0 : i32
        %gather3A_634 = tpu.memref_slice %arg4[%scan3A_347, %gather3A_631, %gather3A_632, %gather3A_633] : memref<2x8x8x256xf32, #tpu.memory_space<vmem>> -> memref<1x8x8x256xf32, #tpu.memory_space<vmem>>
        %gather3A_635 = tpu.memref_squeeze %gather3A_634 : memref<1x8x8x256xf32, #tpu.memory_space<vmem>> -> memref<8x8x256xf32, #tpu.memory_space<vmem>>
        %gather3A_636 = tpu.vector_load_idx %gather3A_635[%broadcast_in_dim3A, %broadcast_in_dim3A_561, %add3A_630] : memref<8x8x256xf32, #tpu.memory_space<vmem>>[vector<16xi32>, vector<16xi32>, vector<16xi32>], vector<16xf32>,
        %add3A_637 = arith.constant 128 : i32
        %add3A_638 = vector.broadcast %add3A_637 : i32 to vector<16xi32>
        %add3A_639 = arith.addi %add3A_565, %add3A_638 : vector<16xi32>
        %gather3A_640 = arith.constant 0 : i32
        %gather3A_641 = arith.constant 0 : i32
        %gather3A_642 = arith.constant 0 : i32
        %gather3A_643 = tpu.memref_slice %arg4[%scan3A_347, %gather3A_640, %gather3A_641, %gather3A_642] : memref<2x8x8x256xf32, #tpu.memory_space<vmem>> -> memref<1x8x8x256xf32, #tpu.memory_space<vmem>>
        %gather3A_644 = tpu.memref_squeeze %gather3A_643 : memref<1x8x8x256xf32, #tpu.memory_space<vmem>> -> memref<8x8x256xf32, #tpu.memory_space<vmem>>
        %gather3A_645 = tpu.vector_load_idx %gather3A_644[%broadcast_in_dim3A, %broadcast_in_dim3A_561, %add3A_639] : memref<8x8x256xf32, #tpu.memory_space<vmem>>[vector<16xi32>, vector<16xi32>, vector<16xi32>], vector<16xf32>,
        %add3A_646 = arith.constant 144 : i32
        %add3A_647 = vector.broadcast %add3A_646 : i32 to vector<16xi32>
        %add3A_648 = arith.addi %add3A_565, %add3A_647 : vector<16xi32>
        %gather3A_649 = arith.constant 0 : i32
        %gather3A_650 = arith.constant 0 : i32
        %gather3A_651 = arith.constant 0 : i32
        %gather3A_652 = tpu.memref_slice %arg4[%scan3A_347, %gather3A_649, %gather3A_650, %gather3A_651] : memref<2x8x8x256xf32, #tpu.memory_space<vmem>> -> memref<1x8x8x256xf32, #tpu.memory_space<vmem>>
        %gather3A_653 = tpu.memref_squeeze %gather3A_652 : memref<1x8x8x256xf32, #tpu.memory_space<vmem>> -> memref<8x8x256xf32, #tpu.memory_space<vmem>>
        %gather3A_654 = tpu.vector_load_idx %gather3A_653[%broadcast_in_dim3A, %broadcast_in_dim3A_561, %add3A_648] : memref<8x8x256xf32, #tpu.memory_space<vmem>>[vector<16xi32>, vector<16xi32>, vector<16xi32>], vector<16xf32>,
        %add3A_655 = arith.constant 160 : i32
        %add3A_656 = vector.broadcast %add3A_655 : i32 to vector<16xi32>
        %add3A_657 = arith.addi %add3A_565, %add3A_656 : vector<16xi32>
        %gather3A_658 = arith.constant 0 : i32
        %gather3A_659 = arith.constant 0 : i32
        %gather3A_660 = arith.constant 0 : i32
        %gather3A_661 = tpu.memref_slice %arg4[%scan3A_347, %gather3A_658, %gather3A_659, %gather3A_660] : memref<2x8x8x256xf32, #tpu.memory_space<vmem>> -> memref<1x8x8x256xf32, #tpu.memory_space<vmem>>
        %gather3A_662 = tpu.memref_squeeze %gather3A_661 : memref<1x8x8x256xf32, #tpu.memory_space<vmem>> -> memref<8x8x256xf32, #tpu.memory_space<vmem>>
        %gather3A_663 = tpu.vector_load_idx %gather3A_662[%broadcast_in_dim3A, %broadcast_in_dim3A_561, %add3A_657] : memref<8x8x256xf32, #tpu.memory_space<vmem>>[vector<16xi32>, vector<16xi32>, vector<16xi32>], vector<16xf32>,
        %add3A_664 = arith.constant 176 : i32
        %add3A_665 = vector.broadcast %add3A_664 : i32 to vector<16xi32>
        %add3A_666 = arith.addi %add3A_565, %add3A_665 : vector<16xi32>
        %gather3A_667 = arith.constant 0 : i32
        %gather3A_668 = arith.constant 0 : i32
        %gather3A_669 = arith.constant 0 : i32
        %gather3A_670 = tpu.memref_slice %arg4[%scan3A_347, %gather3A_667, %gather3A_668, %gather3A_669] : memref<2x8x8x256xf32, #tpu.memory_space<vmem>> -> memref<1x8x8x256xf32, #tpu.memory_space<vmem>>
        %gather3A_671 = tpu.memref_squeeze %gather3A_670 : memref<1x8x8x256xf32, #tpu.memory_space<vmem>> -> memref<8x8x256xf32, #tpu.memory_space<vmem>>
        %gather3A_672 = tpu.vector_load_idx %gather3A_671[%broadcast_in_dim3A, %broadcast_in_dim3A_561, %add3A_666] : memref<8x8x256xf32, #tpu.memory_space<vmem>>[vector<16xi32>, vector<16xi32>, vector<16xi32>], vector<16xf32>,
        %add3A_673 = arith.constant 192 : i32
        %add3A_674 = vector.broadcast %add3A_673 : i32 to vector<16xi32>
        %add3A_675 = arith.addi %add3A_565, %add3A_674 : vector<16xi32>
        %gather3A_676 = arith.constant 0 : i32
        %gather3A_677 = arith.constant 0 : i32
        %gather3A_678 = arith.constant 0 : i32
        %gather3A_679 = tpu.memref_slice %arg4[%scan3A_347, %gather3A_676, %gather3A_677, %gather3A_678] : memref<2x8x8x256xf32, #tpu.memory_space<vmem>> -> memref<1x8x8x256xf32, #tpu.memory_space<vmem>>
        %gather3A_680 = tpu.memref_squeeze %gather3A_679 : memref<1x8x8x256xf32, #tpu.memory_space<vmem>> -> memref<8x8x256xf32, #tpu.memory_space<vmem>>
        %gather3A_681 = tpu.vector_load_idx %gather3A_680[%broadcast_in_dim3A, %broadcast_in_dim3A_561, %add3A_675] : memref<8x8x256xf32, #tpu.memory_space<vmem>>[vector<16xi32>, vector<16xi32>, vector<16xi32>], vector<16xf32>,
        %add3A_682 = arith.constant 208 : i32
        %add3A_683 = vector.broadcast %add3A_682 : i32 to vector<16xi32>
        %add3A_684 = arith.addi %add3A_565, %add3A_683 : vector<16xi32>
        %gather3A_685 = arith.constant 0 : i32
        %gather3A_686 = arith.constant 0 : i32
        %gather3A_687 = arith.constant 0 : i32
        %gather3A_688 = tpu.memref_slice %arg4[%scan3A_347, %gather3A_685, %gather3A_686, %gather3A_687] : memref<2x8x8x256xf32, #tpu.memory_space<vmem>> -> memref<1x8x8x256xf32, #tpu.memory_space<vmem>>
        %gather3A_689 = tpu.memref_squeeze %gather3A_688 : memref<1x8x8x256xf32, #tpu.memory_space<vmem>> -> memref<8x8x256xf32, #tpu.memory_space<vmem>>
        %gather3A_690 = tpu.vector_load_idx %gather3A_689[%broadcast_in_dim3A, %broadcast_in_dim3A_561, %add3A_684] : memref<8x8x256xf32, #tpu.memory_space<vmem>>[vector<16xi32>, vector<16xi32>, vector<16xi32>], vector<16xf32>,
        %add3A_691 = arith.constant 224 : i32
        %add3A_692 = vector.broadcast %add3A_691 : i32 to vector<16xi32>
        %add3A_693 = arith.addi %add3A_565, %add3A_692 : vector<16xi32>
        %gather3A_694 = arith.constant 0 : i32
        %gather3A_695 = arith.constant 0 : i32
        %gather3A_696 = arith.constant 0 : i32
        %gather3A_697 = tpu.memref_slice %arg4[%scan3A_347, %gather3A_694, %gather3A_695, %gather3A_696] : memref<2x8x8x256xf32, #tpu.memory_space<vmem>> -> memref<1x8x8x256xf32, #tpu.memory_space<vmem>>
        %gather3A_698 = tpu.memref_squeeze %gather3A_697 : memref<1x8x8x256xf32, #tpu.memory_space<vmem>> -> memref<8x8x256xf32, #tpu.memory_space<vmem>>
        %gather3A_699 = tpu.vector_load_idx %gather3A_698[%broadcast_in_dim3A, %broadcast_in_dim3A_561, %add3A_693] : memref<8x8x256xf32, #tpu.memory_space<vmem>>[vector<16xi32>, vector<16xi32>, vector<16xi32>], vector<16xf32>,
        %add3A_700 = arith.constant 240 : i32
        %add3A_701 = vector.broadcast %add3A_700 : i32 to vector<16xi32>
        %add3A_702 = arith.addi %add3A_565, %add3A_701 : vector<16xi32>
        %gather3A_703 = arith.constant 0 : i32
        %gather3A_704 = arith.constant 0 : i32
        %gather3A_705 = arith.constant 0 : i32
        %gather3A_706 = tpu.memref_slice %arg4[%scan3A_347, %gather3A_703, %gather3A_704, %gather3A_705] : memref<2x8x8x256xf32, #tpu.memory_space<vmem>> -> memref<1x8x8x256xf32, #tpu.memory_space<vmem>>
        %gather3A_707 = tpu.memref_squeeze %gather3A_706 : memref<1x8x8x256xf32, #tpu.memory_space<vmem>> -> memref<8x8x256xf32, #tpu.memory_space<vmem>>
        %gather3A_708 = tpu.vector_load_idx %gather3A_707[%broadcast_in_dim3A, %broadcast_in_dim3A_561, %add3A_702] : memref<8x8x256xf32, #tpu.memory_space<vmem>>[vector<16xi32>, vector<16xi32>, vector<16xi32>], vector<16xf32>,
        %add3A_709 = arith.constant 1 : i32
        %add3A_710 = arith.addi %mul3A_528, %add3A_709 : i32
        %jit3A_711 = arith.constant 8 : i32
        %div3A_712 = arith.divsi %add3A_710, %jit3A_711 : i32
        %sign3A_713 = arith.constant 0 : i32
        %sign3A_714 = arith.cmpi sgt, %add3A_710, %sign3A_713 : i32
        %sign3A_715 = arith.extui %sign3A_714 : i1 to i32
        %sign3A_716 = arith.constant 0 : i32
        %sign3A_717 = arith.cmpi slt, %add3A_710, %sign3A_716 : i32
        %sign3A_718 = arith.extui %sign3A_717 : i1 to i32
        %sign3A_719 = arith.subi %sign3A_715, %sign3A_718 : i32
        %sign3A_720 = arith.constant 0 : i32
        %sign3A_721 = arith.cmpi sgt, %jit3A_711, %sign3A_720 : i32
        %sign3A_722 = arith.extui %sign3A_721 : i1 to i32
        %sign3A_723 = arith.constant 0 : i32
        %sign3A_724 = arith.cmpi slt, %jit3A_711, %sign3A_723 : i32
        %sign3A_725 = arith.extui %sign3A_724 : i1 to i32
        %sign3A_726 = arith.subi %sign3A_722, %sign3A_725 : i32
        %ne3A_727 = arith.cmpi ne, %sign3A_719, %sign3A_726 : i32
        %rem3A_728 = arith.remsi %add3A_710, %jit3A_711 : i32
        %ne3A_729 = arith.constant 0 : i32
        %ne3A_730 = arith.cmpi ne, %rem3A_728, %ne3A_729 : i32
        %and3A_731 = arith.andi %ne3A_727, %ne3A_730 : i1
        %sub3A_732 = arith.constant 1 : i32
        %sub3A_733 = arith.subi %div3A_712, %sub3A_732 : i32
        %select_n3A_734 = arith.select %and3A_731, %sub3A_733, %div3A_712 : i32
        %broadcast_in_dim3A_735 = vector.broadcast %select_n3A_734 : i32 to vector<16xi32>
        %jit3A_736 = arith.constant 8 : i32
        %eq3A_737 = arith.constant 0 : i32
        %eq3A_738 = arith.cmpi eq, %jit3A_736, %eq3A_737 : i32
        %jit3A_739 = arith.constant 1 : i32
        %select_n3A_740 = arith.select %eq3A_738, %jit3A_739, %jit3A_736 : i32
        %rem3A_741 = arith.remsi %add3A_710, %select_n3A_740 : i32
        %ne3A_742 = arith.constant 0 : i32
        %ne3A_743 = arith.cmpi ne, %rem3A_741, %ne3A_742 : i32
        %lt3A_744 = arith.constant 0 : i32
        %lt3A_745 = arith.cmpi slt, %rem3A_741, %lt3A_744 : i32
        %lt3A_746 = arith.constant 0 : i32
        %lt3A_747 = arith.cmpi slt, %select_n3A_740, %lt3A_746 : i32
        %ne3A_748 = arith.xori %lt3A_745, %lt3A_747 : i1
        %and3A_749 = arith.andi %ne3A_748, %ne3A_743 : i1
        %add3A_750 = arith.addi %rem3A_741, %select_n3A_740 : i32
        %select_n3A_751 = arith.select %and3A_749, %add3A_750, %rem3A_741 : i32
        %broadcast_in_dim3A_752 = vector.broadcast %select_n3A_751 : i32 to vector<16xi32>
        %add3A_753 = arith.constant 0 : i32
        %add3A_754 = arith.addi %add3A_753, %add3A_710 : i32
        %add3A_755 = vector.broadcast %add3A_754 : i32 to vector<16xi32>
        %add3A_756 = arith.addi %add3A_755, %iota3A : vector<16xi32>
        %add3A_757 = arith.constant 0 : i32
        %add3A_758 = vector.broadcast %add3A_757 : i32 to vector<16xi32>
        %add3A_759 = arith.addi %add3A_756, %add3A_758 : vector<16xi32>
        %gather3A_760 = arith.constant 0 : i32
        %gather3A_761 = arith.constant 0 : i32
        %gather3A_762 = arith.constant 0 : i32
        %gather3A_763 = tpu.memref_slice %arg4[%scan3A_347, %gather3A_760, %gather3A_761, %gather3A_762] : memref<2x8x8x256xf32, #tpu.memory_space<vmem>> -> memref<1x8x8x256xf32, #tpu.memory_space<vmem>>
        %gather3A_764 = tpu.memref_squeeze %gather3A_763 : memref<1x8x8x256xf32, #tpu.memory_space<vmem>> -> memref<8x8x256xf32, #tpu.memory_space<vmem>>
        %gather3A_765 = tpu.vector_load_idx %gather3A_764[%broadcast_in_dim3A_735, %broadcast_in_dim3A_752, %add3A_759] : memref<8x8x256xf32, #tpu.memory_space<vmem>>[vector<16xi32>, vector<16xi32>, vector<16xi32>], vector<16xf32>,
        %add3A_766 = arith.constant 16 : i32
        %add3A_767 = vector.broadcast %add3A_766 : i32 to vector<16xi32>
        %add3A_768 = arith.addi %add3A_756, %add3A_767 : vector<16xi32>
        %gather3A_769 = arith.constant 0 : i32
        %gather3A_770 = arith.constant 0 : i32
        %gather3A_771 = arith.constant 0 : i32
        %gather3A_772 = tpu.memref_slice %arg4[%scan3A_347, %gather3A_769, %gather3A_770, %gather3A_771] : memref<2x8x8x256xf32, #tpu.memory_space<vmem>> -> memref<1x8x8x256xf32, #tpu.memory_space<vmem>>
        %gather3A_773 = tpu.memref_squeeze %gather3A_772 : memref<1x8x8x256xf32, #tpu.memory_space<vmem>> -> memref<8x8x256xf32, #tpu.memory_space<vmem>>
        %gather3A_774 = tpu.vector_load_idx %gather3A_773[%broadcast_in_dim3A_735, %broadcast_in_dim3A_752, %add3A_768] : memref<8x8x256xf32, #tpu.memory_space<vmem>>[vector<16xi32>, vector<16xi32>, vector<16xi32>], vector<16xf32>,
        %add3A_775 = arith.constant 32 : i32
        %add3A_776 = vector.broadcast %add3A_775 : i32 to vector<16xi32>
        %add3A_777 = arith.addi %add3A_756, %add3A_776 : vector<16xi32>
        %gather3A_778 = arith.constant 0 : i32
        %gather3A_779 = arith.constant 0 : i32
        %gather3A_780 = arith.constant 0 : i32
        %gather3A_781 = tpu.memref_slice %arg4[%scan3A_347, %gather3A_778, %gather3A_779, %gather3A_780] : memref<2x8x8x256xf32, #tpu.memory_space<vmem>> -> memref<1x8x8x256xf32, #tpu.memory_space<vmem>>
        %gather3A_782 = tpu.memref_squeeze %gather3A_781 : memref<1x8x8x256xf32, #tpu.memory_space<vmem>> -> memref<8x8x256xf32, #tpu.memory_space<vmem>>
        %gather3A_783 = tpu.vector_load_idx %gather3A_782[%broadcast_in_dim3A_735, %broadcast_in_dim3A_752, %add3A_777] : memref<8x8x256xf32, #tpu.memory_space<vmem>>[vector<16xi32>, vector<16xi32>, vector<16xi32>], vector<16xf32>,
        %add3A_784 = arith.constant 48 : i32
        %add3A_785 = vector.broadcast %add3A_784 : i32 to vector<16xi32>
        %add3A_786 = arith.addi %add3A_756, %add3A_785 : vector<16xi32>
        %gather3A_787 = arith.constant 0 : i32
        %gather3A_788 = arith.constant 0 : i32
        %gather3A_789 = arith.constant 0 : i32
        %gather3A_790 = tpu.memref_slice %arg4[%scan3A_347, %gather3A_787, %gather3A_788, %gather3A_789] : memref<2x8x8x256xf32, #tpu.memory_space<vmem>> -> memref<1x8x8x256xf32, #tpu.memory_space<vmem>>
        %gather3A_791 = tpu.memref_squeeze %gather3A_790 : memref<1x8x8x256xf32, #tpu.memory_space<vmem>> -> memref<8x8x256xf32, #tpu.memory_space<vmem>>
        %gather3A_792 = tpu.vector_load_idx %gather3A_791[%broadcast_in_dim3A_735, %broadcast_in_dim3A_752, %add3A_786] : memref<8x8x256xf32, #tpu.memory_space<vmem>>[vector<16xi32>, vector<16xi32>, vector<16xi32>], vector<16xf32>,
        %add3A_793 = arith.constant 64 : i32
        %add3A_794 = vector.broadcast %add3A_793 : i32 to vector<16xi32>
        %add3A_795 = arith.addi %add3A_756, %add3A_794 : vector<16xi32>
        %gather3A_796 = arith.constant 0 : i32
        %gather3A_797 = arith.constant 0 : i32
        %gather3A_798 = arith.constant 0 : i32
        %gather3A_799 = tpu.memref_slice %arg4[%scan3A_347, %gather3A_796, %gather3A_797, %gather3A_798] : memref<2x8x8x256xf32, #tpu.memory_space<vmem>> -> memref<1x8x8x256xf32, #tpu.memory_space<vmem>>
        %gather3A_800 = tpu.memref_squeeze %gather3A_799 : memref<1x8x8x256xf32, #tpu.memory_space<vmem>> -> memref<8x8x256xf32, #tpu.memory_space<vmem>>
        %gather3A_801 = tpu.vector_load_idx %gather3A_800[%broadcast_in_dim3A_735, %broadcast_in_dim3A_752, %add3A_795] : memref<8x8x256xf32, #tpu.memory_space<vmem>>[vector<16xi32>, vector<16xi32>, vector<16xi32>], vector<16xf32>,
        %add3A_802 = arith.constant 80 : i32
        %add3A_803 = vector.broadcast %add3A_802 : i32 to vector<16xi32>
        %add3A_804 = arith.addi %add3A_756, %add3A_803 : vector<16xi32>
        %gather3A_805 = arith.constant 0 : i32
        %gather3A_806 = arith.constant 0 : i32
        %gather3A_807 = arith.constant 0 : i32
        %gather3A_808 = tpu.memref_slice %arg4[%scan3A_347, %gather3A_805, %gather3A_806, %gather3A_807] : memref<2x8x8x256xf32, #tpu.memory_space<vmem>> -> memref<1x8x8x256xf32, #tpu.memory_space<vmem>>
        %gather3A_809 = tpu.memref_squeeze %gather3A_808 : memref<1x8x8x256xf32, #tpu.memory_space<vmem>> -> memref<8x8x256xf32, #tpu.memory_space<vmem>>
        %gather3A_810 = tpu.vector_load_idx %gather3A_809[%broadcast_in_dim3A_735, %broadcast_in_dim3A_752, %add3A_804] : memref<8x8x256xf32, #tpu.memory_space<vmem>>[vector<16xi32>, vector<16xi32>, vector<16xi32>], vector<16xf32>,
        %add3A_811 = arith.constant 96 : i32
        %add3A_812 = vector.broadcast %add3A_811 : i32 to vector<16xi32>
        %add3A_813 = arith.addi %add3A_756, %add3A_812 : vector<16xi32>
        %gather3A_814 = arith.constant 0 : i32
        %gather3A_815 = arith.constant 0 : i32
        %gather3A_816 = arith.constant 0 : i32
        %gather3A_817 = tpu.memref_slice %arg4[%scan3A_347, %gather3A_814, %gather3A_815, %gather3A_816] : memref<2x8x8x256xf32, #tpu.memory_space<vmem>> -> memref<1x8x8x256xf32, #tpu.memory_space<vmem>>
        %gather3A_818 = tpu.memref_squeeze %gather3A_817 : memref<1x8x8x256xf32, #tpu.memory_space<vmem>> -> memref<8x8x256xf32, #tpu.memory_space<vmem>>
        %gather3A_819 = tpu.vector_load_idx %gather3A_818[%broadcast_in_dim3A_735, %broadcast_in_dim3A_752, %add3A_813] : memref<8x8x256xf32, #tpu.memory_space<vmem>>[vector<16xi32>, vector<16xi32>, vector<16xi32>], vector<16xf32>,
        %add3A_820 = arith.constant 112 : i32
        %add3A_821 = vector.broadcast %add3A_820 : i32 to vector<16xi32>
        %add3A_822 = arith.addi %add3A_756, %add3A_821 : vector<16xi32>
        %gather3A_823 = arith.constant 0 : i32
        %gather3A_824 = arith.constant 0 : i32
        %gather3A_825 = arith.constant 0 : i32
        %gather3A_826 = tpu.memref_slice %arg4[%scan3A_347, %gather3A_823, %gather3A_824, %gather3A_825] : memref<2x8x8x256xf32, #tpu.memory_space<vmem>> -> memref<1x8x8x256xf32, #tpu.memory_space<vmem>>
        %gather3A_827 = tpu.memref_squeeze %gather3A_826 : memref<1x8x8x256xf32, #tpu.memory_space<vmem>> -> memref<8x8x256xf32, #tpu.memory_space<vmem>>
        %gather3A_828 = tpu.vector_load_idx %gather3A_827[%broadcast_in_dim3A_735, %broadcast_in_dim3A_752, %add3A_822] : memref<8x8x256xf32, #tpu.memory_space<vmem>>[vector<16xi32>, vector<16xi32>, vector<16xi32>], vector<16xf32>,
        %add3A_829 = arith.constant 128 : i32
        %add3A_830 = vector.broadcast %add3A_829 : i32 to vector<16xi32>
        %add3A_831 = arith.addi %add3A_756, %add3A_830 : vector<16xi32>
        %gather3A_832 = arith.constant 0 : i32
        %gather3A_833 = arith.constant 0 : i32
        %gather3A_834 = arith.constant 0 : i32
        %gather3A_835 = tpu.memref_slice %arg4[%scan3A_347, %gather3A_832, %gather3A_833, %gather3A_834] : memref<2x8x8x256xf32, #tpu.memory_space<vmem>> -> memref<1x8x8x256xf32, #tpu.memory_space<vmem>>
        %gather3A_836 = tpu.memref_squeeze %gather3A_835 : memref<1x8x8x256xf32, #tpu.memory_space<vmem>> -> memref<8x8x256xf32, #tpu.memory_space<vmem>>
        %gather3A_837 = tpu.vector_load_idx %gather3A_836[%broadcast_in_dim3A_735, %broadcast_in_dim3A_752, %add3A_831] : memref<8x8x256xf32, #tpu.memory_space<vmem>>[vector<16xi32>, vector<16xi32>, vector<16xi32>], vector<16xf32>,
        %add3A_838 = arith.constant 144 : i32
        %add3A_839 = vector.broadcast %add3A_838 : i32 to vector<16xi32>
        %add3A_840 = arith.addi %add3A_756, %add3A_839 : vector<16xi32>
        %gather3A_841 = arith.constant 0 : i32
        %gather3A_842 = arith.constant 0 : i32
        %gather3A_843 = arith.constant 0 : i32
        %gather3A_844 = tpu.memref_slice %arg4[%scan3A_347, %gather3A_841, %gather3A_842, %gather3A_843] : memref<2x8x8x256xf32, #tpu.memory_space<vmem>> -> memref<1x8x8x256xf32, #tpu.memory_space<vmem>>
        %gather3A_845 = tpu.memref_squeeze %gather3A_844 : memref<1x8x8x256xf32, #tpu.memory_space<vmem>> -> memref<8x8x256xf32, #tpu.memory_space<vmem>>
        %gather3A_846 = tpu.vector_load_idx %gather3A_845[%broadcast_in_dim3A_735, %broadcast_in_dim3A_752, %add3A_840] : memref<8x8x256xf32, #tpu.memory_space<vmem>>[vector<16xi32>, vector<16xi32>, vector<16xi32>], vector<16xf32>,
        %add3A_847 = arith.constant 160 : i32
        %add3A_848 = vector.broadcast %add3A_847 : i32 to vector<16xi32>
        %add3A_849 = arith.addi %add3A_756, %add3A_848 : vector<16xi32>
        %gather3A_850 = arith.constant 0 : i32
        %gather3A_851 = arith.constant 0 : i32
        %gather3A_852 = arith.constant 0 : i32
        %gather3A_853 = tpu.memref_slice %arg4[%scan3A_347, %gather3A_850, %gather3A_851, %gather3A_852] : memref<2x8x8x256xf32, #tpu.memory_space<vmem>> -> memref<1x8x8x256xf32, #tpu.memory_space<vmem>>
        %gather3A_854 = tpu.memref_squeeze %gather3A_853 : memref<1x8x8x256xf32, #tpu.memory_space<vmem>> -> memref<8x8x256xf32, #tpu.memory_space<vmem>>
        %gather3A_855 = tpu.vector_load_idx %gather3A_854[%broadcast_in_dim3A_735, %broadcast_in_dim3A_752, %add3A_849] : memref<8x8x256xf32, #tpu.memory_space<vmem>>[vector<16xi32>, vector<16xi32>, vector<16xi32>], vector<16xf32>,
        %add3A_856 = arith.constant 176 : i32
        %add3A_857 = vector.broadcast %add3A_856 : i32 to vector<16xi32>
        %add3A_858 = arith.addi %add3A_756, %add3A_857 : vector<16xi32>
        %gather3A_859 = arith.constant 0 : i32
        %gather3A_860 = arith.constant 0 : i32
        %gather3A_861 = arith.constant 0 : i32
        %gather3A_862 = tpu.memref_slice %arg4[%scan3A_347, %gather3A_859, %gather3A_860, %gather3A_861] : memref<2x8x8x256xf32, #tpu.memory_space<vmem>> -> memref<1x8x8x256xf32, #tpu.memory_space<vmem>>
        %gather3A_863 = tpu.memref_squeeze %gather3A_862 : memref<1x8x8x256xf32, #tpu.memory_space<vmem>> -> memref<8x8x256xf32, #tpu.memory_space<vmem>>
        %gather3A_864 = tpu.vector_load_idx %gather3A_863[%broadcast_in_dim3A_735, %broadcast_in_dim3A_752, %add3A_858] : memref<8x8x256xf32, #tpu.memory_space<vmem>>[vector<16xi32>, vector<16xi32>, vector<16xi32>], vector<16xf32>,
        %add3A_865 = arith.constant 192 : i32
        %add3A_866 = vector.broadcast %add3A_865 : i32 to vector<16xi32>
        %add3A_867 = arith.addi %add3A_756, %add3A_866 : vector<16xi32>
        %gather3A_868 = arith.constant 0 : i32
        %gather3A_869 = arith.constant 0 : i32
        %gather3A_870 = arith.constant 0 : i32
        %gather3A_871 = tpu.memref_slice %arg4[%scan3A_347, %gather3A_868, %gather3A_869, %gather3A_870] : memref<2x8x8x256xf32, #tpu.memory_space<vmem>> -> memref<1x8x8x256xf32, #tpu.memory_space<vmem>>
        %gather3A_872 = tpu.memref_squeeze %gather3A_871 : memref<1x8x8x256xf32, #tpu.memory_space<vmem>> -> memref<8x8x256xf32, #tpu.memory_space<vmem>>
        %gather3A_873 = tpu.vector_load_idx %gather3A_872[%broadcast_in_dim3A_735, %broadcast_in_dim3A_752, %add3A_867] : memref<8x8x256xf32, #tpu.memory_space<vmem>>[vector<16xi32>, vector<16xi32>, vector<16xi32>], vector<16xf32>,
        %add3A_874 = arith.constant 208 : i32
        %add3A_875 = vector.broadcast %add3A_874 : i32 to vector<16xi32>
        %add3A_876 = arith.addi %add3A_756, %add3A_875 : vector<16xi32>
        %gather3A_877 = arith.constant 0 : i32
        %gather3A_878 = arith.constant 0 : i32
        %gather3A_879 = arith.constant 0 : i32
        %gather3A_880 = tpu.memref_slice %arg4[%scan3A_347, %gather3A_877, %gather3A_878, %gather3A_879] : memref<2x8x8x256xf32, #tpu.memory_space<vmem>> -> memref<1x8x8x256xf32, #tpu.memory_space<vmem>>
        %gather3A_881 = tpu.memref_squeeze %gather3A_880 : memref<1x8x8x256xf32, #tpu.memory_space<vmem>> -> memref<8x8x256xf32, #tpu.memory_space<vmem>>
        %gather3A_882 = tpu.vector_load_idx %gather3A_881[%broadcast_in_dim3A_735, %broadcast_in_dim3A_752, %add3A_876] : memref<8x8x256xf32, #tpu.memory_space<vmem>>[vector<16xi32>, vector<16xi32>, vector<16xi32>], vector<16xf32>,
        %add3A_883 = arith.constant 224 : i32
        %add3A_884 = vector.broadcast %add3A_883 : i32 to vector<16xi32>
        %add3A_885 = arith.addi %add3A_756, %add3A_884 : vector<16xi32>
        %gather3A_886 = arith.constant 0 : i32
        %gather3A_887 = arith.constant 0 : i32
        %gather3A_888 = arith.constant 0 : i32
        %gather3A_889 = tpu.memref_slice %arg4[%scan3A_347, %gather3A_886, %gather3A_887, %gather3A_888] : memref<2x8x8x256xf32, #tpu.memory_space<vmem>> -> memref<1x8x8x256xf32, #tpu.memory_space<vmem>>
        %gather3A_890 = tpu.memref_squeeze %gather3A_889 : memref<1x8x8x256xf32, #tpu.memory_space<vmem>> -> memref<8x8x256xf32, #tpu.memory_space<vmem>>
        %gather3A_891 = tpu.vector_load_idx %gather3A_890[%broadcast_in_dim3A_735, %broadcast_in_dim3A_752, %add3A_885] : memref<8x8x256xf32, #tpu.memory_space<vmem>>[vector<16xi32>, vector<16xi32>, vector<16xi32>], vector<16xf32>,
        %add3A_892 = arith.constant 240 : i32
        %add3A_893 = vector.broadcast %add3A_892 : i32 to vector<16xi32>
        %add3A_894 = arith.addi %add3A_756, %add3A_893 : vector<16xi32>
        %gather3A_895 = arith.constant 0 : i32
        %gather3A_896 = arith.constant 0 : i32
        %gather3A_897 = arith.constant 0 : i32
        %gather3A_898 = tpu.memref_slice %arg4[%scan3A_347, %gather3A_895, %gather3A_896, %gather3A_897] : memref<2x8x8x256xf32, #tpu.memory_space<vmem>> -> memref<1x8x8x256xf32, #tpu.memory_space<vmem>>
        %gather3A_899 = tpu.memref_squeeze %gather3A_898 : memref<1x8x8x256xf32, #tpu.memory_space<vmem>> -> memref<8x8x256xf32, #tpu.memory_space<vmem>>
        %gather3A_900 = tpu.vector_load_idx %gather3A_899[%broadcast_in_dim3A_735, %broadcast_in_dim3A_752, %add3A_894] : memref<8x8x256xf32, #tpu.memory_space<vmem>>[vector<16xi32>, vector<16xi32>, vector<16xi32>], vector<16xf32>,
        %add3A_901 = arith.constant 0 : i32
        %add3A_902 = arith.addi %scan3A_526, %add3A_901 : i32
        %swap3A = arith.index_cast %add3A_902 : i32 to index
        %swap3A_903 = tpu.vector_load %arg6[%swap3A] {strides = array<i32>} : memref<32960xf32, #tpu.memory_space<vmem>>, vector<16xf32>,
        tpu.vector_store %arg6[%swap3A], %gather3A_573 {strides = array<i32>} : memref<32960xf32, #tpu.memory_space<vmem>>, vector<16xf32>,
        %add3A_904 = arith.constant 16 : i32
        %add3A_905 = arith.addi %scan3A_526, %add3A_904 : i32
        %swap3A_906 = arith.index_cast %add3A_905 : i32 to index
        %swap3A_907 = tpu.vector_load %arg6[%swap3A_906] {strides = array<i32>} : memref<32960xf32, #tpu.memory_space<vmem>>, vector<16xf32>,
        tpu.vector_store %arg6[%swap3A_906], %gather3A_582 {strides = array<i32>} : memref<32960xf32, #tpu.memory_space<vmem>>, vector<16xf32>,
        %add3A_908 = arith.constant 32 : i32
        %add3A_909 = arith.addi %scan3A_526, %add3A_908 : i32
        %swap3A_910 = arith.index_cast %add3A_909 : i32 to index
        %swap3A_911 = tpu.vector_load %arg6[%swap3A_910] {strides = array<i32>} : memref<32960xf32, #tpu.memory_space<vmem>>, vector<16xf32>,
        tpu.vector_store %arg6[%swap3A_910], %gather3A_591 {strides = array<i32>} : memref<32960xf32, #tpu.memory_space<vmem>>, vector<16xf32>,
        %add3A_912 = arith.constant 48 : i32
        %add3A_913 = arith.addi %scan3A_526, %add3A_912 : i32
        %swap3A_914 = arith.index_cast %add3A_913 : i32 to index
        %swap3A_915 = tpu.vector_load %arg6[%swap3A_914] {strides = array<i32>} : memref<32960xf32, #tpu.memory_space<vmem>>, vector<16xf32>,
        tpu.vector_store %arg6[%swap3A_914], %gather3A_600 {strides = array<i32>} : memref<32960xf32, #tpu.memory_space<vmem>>, vector<16xf32>,
        %add3A_916 = arith.constant 64 : i32
        %add3A_917 = arith.addi %scan3A_526, %add3A_916 : i32
        %swap3A_918 = arith.index_cast %add3A_917 : i32 to index
        %swap3A_919 = tpu.vector_load %arg6[%swap3A_918] {strides = array<i32>} : memref<32960xf32, #tpu.memory_space<vmem>>, vector<16xf32>,
        tpu.vector_store %arg6[%swap3A_918], %gather3A_609 {strides = array<i32>} : memref<32960xf32, #tpu.memory_space<vmem>>, vector<16xf32>,
        %add3A_920 = arith.constant 80 : i32
        %add3A_921 = arith.addi %scan3A_526, %add3A_920 : i32
        %swap3A_922 = arith.index_cast %add3A_921 : i32 to index
        %swap3A_923 = tpu.vector_load %arg6[%swap3A_922] {strides = array<i32>} : memref<32960xf32, #tpu.memory_space<vmem>>, vector<16xf32>,
        tpu.vector_store %arg6[%swap3A_922], %gather3A_618 {strides = array<i32>} : memref<32960xf32, #tpu.memory_space<vmem>>, vector<16xf32>,
        %add3A_924 = arith.constant 96 : i32
        %add3A_925 = arith.addi %scan3A_526, %add3A_924 : i32
        %swap3A_926 = arith.index_cast %add3A_925 : i32 to index
        %swap3A_927 = tpu.vector_load %arg6[%swap3A_926] {strides = array<i32>} : memref<32960xf32, #tpu.memory_space<vmem>>, vector<16xf32>,
        tpu.vector_store %arg6[%swap3A_926], %gather3A_627 {strides = array<i32>} : memref<32960xf32, #tpu.memory_space<vmem>>, vector<16xf32>,
        %add3A_928 = arith.constant 112 : i32
        %add3A_929 = arith.addi %scan3A_526, %add3A_928 : i32
        %swap3A_930 = arith.index_cast %add3A_929 : i32 to index
        %swap3A_931 = tpu.vector_load %arg6[%swap3A_930] {strides = array<i32>} : memref<32960xf32, #tpu.memory_space<vmem>>, vector<16xf32>,
        tpu.vector_store %arg6[%swap3A_930], %gather3A_636 {strides = array<i32>} : memref<32960xf32, #tpu.memory_space<vmem>>, vector<16xf32>,
        %add3A_932 = arith.constant 128 : i32
        %add3A_933 = arith.addi %scan3A_526, %add3A_932 : i32
        %swap3A_934 = arith.index_cast %add3A_933 : i32 to index
        %swap3A_935 = tpu.vector_load %arg6[%swap3A_934] {strides = array<i32>} : memref<32960xf32, #tpu.memory_space<vmem>>, vector<16xf32>,
        tpu.vector_store %arg6[%swap3A_934], %gather3A_645 {strides = array<i32>} : memref<32960xf32, #tpu.memory_space<vmem>>, vector<16xf32>,
        %add3A_936 = arith.constant 144 : i32
        %add3A_937 = arith.addi %scan3A_526, %add3A_936 : i32
        %swap3A_938 = arith.index_cast %add3A_937 : i32 to index
        %swap3A_939 = tpu.vector_load %arg6[%swap3A_938] {strides = array<i32>} : memref<32960xf32, #tpu.memory_space<vmem>>, vector<16xf32>,
        tpu.vector_store %arg6[%swap3A_938], %gather3A_654 {strides = array<i32>} : memref<32960xf32, #tpu.memory_space<vmem>>, vector<16xf32>,
        %add3A_940 = arith.constant 160 : i32
        %add3A_941 = arith.addi %scan3A_526, %add3A_940 : i32
        %swap3A_942 = arith.index_cast %add3A_941 : i32 to index
        %swap3A_943 = tpu.vector_load %arg6[%swap3A_942] {strides = array<i32>} : memref<32960xf32, #tpu.memory_space<vmem>>, vector<16xf32>,
        tpu.vector_store %arg6[%swap3A_942], %gather3A_663 {strides = array<i32>} : memref<32960xf32, #tpu.memory_space<vmem>>, vector<16xf32>,
        %add3A_944 = arith.constant 176 : i32
        %add3A_945 = arith.addi %scan3A_526, %add3A_944 : i32
        %swap3A_946 = arith.index_cast %add3A_945 : i32 to index
        %swap3A_947 = tpu.vector_load %arg6[%swap3A_946] {strides = array<i32>} : memref<32960xf32, #tpu.memory_space<vmem>>, vector<16xf32>,
        tpu.vector_store %arg6[%swap3A_946], %gather3A_672 {strides = array<i32>} : memref<32960xf32, #tpu.memory_space<vmem>>, vector<16xf32>,
        %add3A_948 = arith.constant 192 : i32
        %add3A_949 = arith.addi %scan3A_526, %add3A_948 : i32
        %swap3A_950 = arith.index_cast %add3A_949 : i32 to index
        %swap3A_951 = tpu.vector_load %arg6[%swap3A_950] {strides = array<i32>} : memref<32960xf32, #tpu.memory_space<vmem>>, vector<16xf32>,
        tpu.vector_store %arg6[%swap3A_950], %gather3A_681 {strides = array<i32>} : memref<32960xf32, #tpu.memory_space<vmem>>, vector<16xf32>,
        %add3A_952 = arith.constant 208 : i32
        %add3A_953 = arith.addi %scan3A_526, %add3A_952 : i32
        %swap3A_954 = arith.index_cast %add3A_953 : i32 to index
        %swap3A_955 = tpu.vector_load %arg6[%swap3A_954] {strides = array<i32>} : memref<32960xf32, #tpu.memory_space<vmem>>, vector<16xf32>,
        tpu.vector_store %arg6[%swap3A_954], %gather3A_690 {strides = array<i32>} : memref<32960xf32, #tpu.memory_space<vmem>>, vector<16xf32>,
        %add3A_956 = arith.constant 224 : i32
        %add3A_957 = arith.addi %scan3A_526, %add3A_956 : i32
        %swap3A_958 = arith.index_cast %add3A_957 : i32 to index
        %swap3A_959 = tpu.vector_load %arg6[%swap3A_958] {strides = array<i32>} : memref<32960xf32, #tpu.memory_space<vmem>>, vector<16xf32>,
        tpu.vector_store %arg6[%swap3A_958], %gather3A_699 {strides = array<i32>} : memref<32960xf32, #tpu.memory_space<vmem>>, vector<16xf32>,
        %add3A_960 = arith.constant 240 : i32
        %add3A_961 = arith.addi %scan3A_526, %add3A_960 : i32
        %swap3A_962 = arith.index_cast %add3A_961 : i32 to index
        %swap3A_963 = tpu.vector_load %arg6[%swap3A_962] {strides = array<i32>} : memref<32960xf32, #tpu.memory_space<vmem>>, vector<16xf32>,
        tpu.vector_store %arg6[%swap3A_962], %gather3A_708 {strides = array<i32>} : memref<32960xf32, #tpu.memory_space<vmem>>, vector<16xf32>,
        %sub3A_964 = arith.constant 256 : i32
        %sub3A_965 = arith.subi %sub3A_964, %mul3A_528 : i32
        %sub3A_966 = arith.constant 0 : i32
        %sub3A_967 = arith.subi %sub3A_965, %sub3A_966 : i32
        %add3A_968 = arith.addi %scan3A_526, %sub3A_967 : i32
        %add3A_969 = arith.constant 0 : i32
        %add3A_970 = arith.addi %add3A_968, %add3A_969 : i32
        %swap3A_971 = arith.index_cast %add3A_970 : i32 to index
        %swap3A_972 = tpu.vector_load %arg6[%swap3A_971] {strides = array<i32>} : memref<32960xf32, #tpu.memory_space<vmem>>, vector<16xf32>,
        tpu.vector_store %arg6[%swap3A_971], %gather3A_765 {strides = array<i32>} : memref<32960xf32, #tpu.memory_space<vmem>>, vector<16xf32>,
        %add3A_973 = arith.constant 16 : i32
        %add3A_974 = arith.addi %add3A_968, %add3A_973 : i32
        %swap3A_975 = arith.index_cast %add3A_974 : i32 to index
        %swap3A_976 = tpu.vector_load %arg6[%swap3A_975] {strides = array<i32>} : memref<32960xf32, #tpu.memory_space<vmem>>, vector<16xf32>,
        tpu.vector_store %arg6[%swap3A_975], %gather3A_774 {strides = array<i32>} : memref<32960xf32, #tpu.memory_space<vmem>>, vector<16xf32>,
        %add3A_977 = arith.constant 32 : i32
        %add3A_978 = arith.addi %add3A_968, %add3A_977 : i32
        %swap3A_979 = arith.index_cast %add3A_978 : i32 to index
        %swap3A_980 = tpu.vector_load %arg6[%swap3A_979] {strides = array<i32>} : memref<32960xf32, #tpu.memory_space<vmem>>, vector<16xf32>,
        tpu.vector_store %arg6[%swap3A_979], %gather3A_783 {strides = array<i32>} : memref<32960xf32, #tpu.memory_space<vmem>>, vector<16xf32>,
        %add3A_981 = arith.constant 48 : i32
        %add3A_982 = arith.addi %add3A_968, %add3A_981 : i32
        %swap3A_983 = arith.index_cast %add3A_982 : i32 to index
        %swap3A_984 = tpu.vector_load %arg6[%swap3A_983] {strides = array<i32>} : memref<32960xf32, #tpu.memory_space<vmem>>, vector<16xf32>,
        tpu.vector_store %arg6[%swap3A_983], %gather3A_792 {strides = array<i32>} : memref<32960xf32, #tpu.memory_space<vmem>>, vector<16xf32>,
        %add3A_985 = arith.constant 64 : i32
        %add3A_986 = arith.addi %add3A_968, %add3A_985 : i32
        %swap3A_987 = arith.index_cast %add3A_986 : i32 to index
        %swap3A_988 = tpu.vector_load %arg6[%swap3A_987] {strides = array<i32>} : memref<32960xf32, #tpu.memory_space<vmem>>, vector<16xf32>,
        tpu.vector_store %arg6[%swap3A_987], %gather3A_801 {strides = array<i32>} : memref<32960xf32, #tpu.memory_space<vmem>>, vector<16xf32>,
        %add3A_989 = arith.constant 80 : i32
        %add3A_990 = arith.addi %add3A_968, %add3A_989 : i32
        %swap3A_991 = arith.index_cast %add3A_990 : i32 to index
        %swap3A_992 = tpu.vector_load %arg6[%swap3A_991] {strides = array<i32>} : memref<32960xf32, #tpu.memory_space<vmem>>, vector<16xf32>,
        tpu.vector_store %arg6[%swap3A_991], %gather3A_810 {strides = array<i32>} : memref<32960xf32, #tpu.memory_space<vmem>>, vector<16xf32>,
        %add3A_993 = arith.constant 96 : i32
        %add3A_994 = arith.addi %add3A_968, %add3A_993 : i32
        %swap3A_995 = arith.index_cast %add3A_994 : i32 to index
        %swap3A_996 = tpu.vector_load %arg6[%swap3A_995] {strides = array<i32>} : memref<32960xf32, #tpu.memory_space<vmem>>, vector<16xf32>,
        tpu.vector_store %arg6[%swap3A_995], %gather3A_819 {strides = array<i32>} : memref<32960xf32, #tpu.memory_space<vmem>>, vector<16xf32>,
        %add3A_997 = arith.constant 112 : i32
        %add3A_998 = arith.addi %add3A_968, %add3A_997 : i32
        %swap3A_999 = arith.index_cast %add3A_998 : i32 to index
        %swap3A_1000 = tpu.vector_load %arg6[%swap3A_999] {strides = array<i32>} : memref<32960xf32, #tpu.memory_space<vmem>>, vector<16xf32>,
        tpu.vector_store %arg6[%swap3A_999], %gather3A_828 {strides = array<i32>} : memref<32960xf32, #tpu.memory_space<vmem>>, vector<16xf32>,
        %add3A_1001 = arith.constant 128 : i32
        %add3A_1002 = arith.addi %add3A_968, %add3A_1001 : i32
        %swap3A_1003 = arith.index_cast %add3A_1002 : i32 to index
        %swap3A_1004 = tpu.vector_load %arg6[%swap3A_1003] {strides = array<i32>} : memref<32960xf32, #tpu.memory_space<vmem>>, vector<16xf32>,
        tpu.vector_store %arg6[%swap3A_1003], %gather3A_837 {strides = array<i32>} : memref<32960xf32, #tpu.memory_space<vmem>>, vector<16xf32>,
        %add3A_1005 = arith.constant 144 : i32
        %add3A_1006 = arith.addi %add3A_968, %add3A_1005 : i32
        %swap3A_1007 = arith.index_cast %add3A_1006 : i32 to index
        %swap3A_1008 = tpu.vector_load %arg6[%swap3A_1007] {strides = array<i32>} : memref<32960xf32, #tpu.memory_space<vmem>>, vector<16xf32>,
        tpu.vector_store %arg6[%swap3A_1007], %gather3A_846 {strides = array<i32>} : memref<32960xf32, #tpu.memory_space<vmem>>, vector<16xf32>,
        %add3A_1009 = arith.constant 160 : i32
        %add3A_1010 = arith.addi %add3A_968, %add3A_1009 : i32
        %swap3A_1011 = arith.index_cast %add3A_1010 : i32 to index
        %swap3A_1012 = tpu.vector_load %arg6[%swap3A_1011] {strides = array<i32>} : memref<32960xf32, #tpu.memory_space<vmem>>, vector<16xf32>,
        tpu.vector_store %arg6[%swap3A_1011], %gather3A_855 {strides = array<i32>} : memref<32960xf32, #tpu.memory_space<vmem>>, vector<16xf32>,
        %add3A_1013 = arith.constant 176 : i32
        %add3A_1014 = arith.addi %add3A_968, %add3A_1013 : i32
        %swap3A_1015 = arith.index_cast %add3A_1014 : i32 to index
        %swap3A_1016 = tpu.vector_load %arg6[%swap3A_1015] {strides = array<i32>} : memref<32960xf32, #tpu.memory_space<vmem>>, vector<16xf32>,
        tpu.vector_store %arg6[%swap3A_1015], %gather3A_864 {strides = array<i32>} : memref<32960xf32, #tpu.memory_space<vmem>>, vector<16xf32>,
        %add3A_1017 = arith.constant 192 : i32
        %add3A_1018 = arith.addi %add3A_968, %add3A_1017 : i32
        %swap3A_1019 = arith.index_cast %add3A_1018 : i32 to index
        %swap3A_1020 = tpu.vector_load %arg6[%swap3A_1019] {strides = array<i32>} : memref<32960xf32, #tpu.memory_space<vmem>>, vector<16xf32>,
        tpu.vector_store %arg6[%swap3A_1019], %gather3A_873 {strides = array<i32>} : memref<32960xf32, #tpu.memory_space<vmem>>, vector<16xf32>,
        %add3A_1021 = arith.constant 208 : i32
        %add3A_1022 = arith.addi %add3A_968, %add3A_1021 : i32
        %swap3A_1023 = arith.index_cast %add3A_1022 : i32 to index
        %swap3A_1024 = tpu.vector_load %arg6[%swap3A_1023] {strides = array<i32>} : memref<32960xf32, #tpu.memory_space<vmem>>, vector<16xf32>,
        tpu.vector_store %arg6[%swap3A_1023], %gather3A_882 {strides = array<i32>} : memref<32960xf32, #tpu.memory_space<vmem>>, vector<16xf32>,
        %add3A_1025 = arith.constant 224 : i32
        %add3A_1026 = arith.addi %add3A_968, %add3A_1025 : i32
        %swap3A_1027 = arith.index_cast %add3A_1026 : i32 to index
        %swap3A_1028 = tpu.vector_load %arg6[%swap3A_1027] {strides = array<i32>} : memref<32960xf32, #tpu.memory_space<vmem>>, vector<16xf32>,
        tpu.vector_store %arg6[%swap3A_1027], %gather3A_891 {strides = array<i32>} : memref<32960xf32, #tpu.memory_space<vmem>>, vector<16xf32>,
        %add3A_1029 = arith.constant 240 : i32
        %add3A_1030 = arith.addi %add3A_968, %add3A_1029 : i32
        %swap3A_1031 = arith.index_cast %add3A_1030 : i32 to index
        %swap3A_1032 = tpu.vector_load %arg6[%swap3A_1031] {strides = array<i32>} : memref<32960xf32, #tpu.memory_space<vmem>>, vector<16xf32>,
        tpu.vector_store %arg6[%swap3A_1031], %gather3A_900 {strides = array<i32>} : memref<32960xf32, #tpu.memory_space<vmem>>, vector<16xf32>,
        %sub3A_1033 = arith.constant 256 : i32
        %sub3A_1034 = arith.subi %sub3A_1033, %mul3A_528 : i32
        %sub3A_1035 = arith.constant 1 : i32
        %sub3A_1036 = arith.subi %sub3A_1034, %sub3A_1035 : i32
        %add3A_1037 = arith.addi %add3A_968, %sub3A_1036 : i32
        scf.yield %add3A_1037 : i32
      }
      %scan3A_354 = arith.constant 32 : i32
      %dma_wait3A_355 = arith.constant 0 : i32
      %dma_wait3A_356 = arith.constant 1 : i32
      %dma_wait3A_357 = arith.constant 0 : i32
      %dma_wait3A_358 = arith.constant 0 : i32
      %dma_wait3A_359 = arith.constant 0 : i32
      %dma_wait3A_360 = tpu.memref_slice %arg4[%dma_wait3A_356, %dma_wait3A_357, %dma_wait3A_358, %dma_wait3A_359] : memref<2x8x8x256xf32, #tpu.memory_space<vmem>> -> memref<1x8x8x256xf32, #tpu.memory_space<vmem>>
      %dma_wait3A_361 = tpu.memref_squeeze %dma_wait3A_360 : memref<1x8x8x256xf32, #tpu.memory_space<vmem>> -> memref<8x8x256xf32, #tpu.memory_space<vmem>>
      %dma_wait3A_362 = arith.constant 8 : i32
      %dma_wait3A_363 = arith.constant 0 : i32
      %dma_wait3A_364 = arith.constant 0 : i32
      %dma_wait3A_365 = tpu.memref_slice %arg2[%dma_wait3A_355, %dma_wait3A_362, %dma_wait3A_363, %dma_wait3A_364] : memref<1024x32x8x256xf32, #tpu.memory_space<hbm>> -> memref<1x8x8x256xf32, #tpu.memory_space<hbm>>
      %dma_wait3A_366 = tpu.memref_squeeze %dma_wait3A_365 : memref<1x8x8x256xf32, #tpu.memory_space<hbm>> -> memref<8x8x256xf32, #tpu.memory_space<hbm>>
      %dma_wait3A_367 = arith.constant 0 : i32
      %dma_wait3A_368 = arith.constant 0 : i32
      %dma_wait3A_369 = arith.constant 0 : i32
      %dma_wait3A_370 = tpu.memref_slice %arg4[%dma_wait3A_356, %dma_wait3A_367, %dma_wait3A_368, %dma_wait3A_369] : memref<2x8x8x256xf32, #tpu.memory_space<vmem>> -> memref<1x8x8x256xf32, #tpu.memory_space<vmem>>
      %dma_wait3A_371 = tpu.memref_squeeze %dma_wait3A_370 : memref<1x8x8x256xf32, #tpu.memory_space<vmem>> -> memref<8x8x256xf32, #tpu.memory_space<vmem>>
      %dma_wait3A_372 = arith.constant 8 : i32
      %dma_wait3A_373 = arith.constant 0 : i32
      %dma_wait3A_374 = arith.constant 0 : i32
      %dma_wait3A_375 = tpu.memref_slice %arg2[%dma_wait3A_355, %dma_wait3A_372, %dma_wait3A_373, %dma_wait3A_374] : memref<1024x32x8x256xf32, #tpu.memory_space<hbm>> -> memref<1x8x8x256xf32, #tpu.memory_space<hbm>>
      %dma_wait3A_376 = tpu.memref_squeeze %dma_wait3A_375 : memref<1x8x8x256xf32, #tpu.memory_space<hbm>> -> memref<8x8x256xf32, #tpu.memory_space<hbm>>
      tpu.wait_dma2 semaphore(%arg8 : memref<!tpu.dma_semaphore, #tpu.memory_space<semaphore_mem>>) src(%dma_wait3A_376 : memref<8x8x256xf32, #tpu.memory_space<hbm>>) dst(%dma_wait3A_371 : memref<8x8x256xf32, #tpu.memory_space<vmem>>)
      %add3A_377 = arith.addi %mul3A_2, %add3A_297 : i32
      %dma_start3A_378 = arith.constant 0 : i32
      %dma_start3A_379 = arith.constant 0 : i32
      %dma_start3A_380 = arith.constant 0 : i32
      %dma_start3A_381 = arith.constant 128 : i32
      %dma_start3A_382 = tpu.memref_slice %arg4[%dma_start3A_378, %dma_start3A_379, %dma_start3A_380, %dma_start3A_381] : memref<2x8x8x256xf32, #tpu.memory_space<vmem>> -> memref<1x8x8x128xf32, #tpu.memory_space<vmem>>
      %dma_start3A_383 = tpu.memref_squeeze %dma_start3A_382 : memref<1x8x8x128xf32, #tpu.memory_space<vmem>> -> memref<8x8x128xf32, #tpu.memory_space<vmem>>
      %dma_start3A_384 = arith.constant 16 : i32
      %dma_start3A_385 = arith.constant 0 : i32
      %dma_start3A_386 = arith.constant 128 : i32
      %dma_start3A_387 = tpu.memref_slice %arg2[%add3A_377, %dma_start3A_384, %dma_start3A_385, %dma_start3A_386] : memref<1024x32x8x256xf32, #tpu.memory_space<hbm>> -> memref<1x8x8x128xf32, #tpu.memory_space<hbm>>
      %dma_start3A_388 = tpu.memref_squeeze %dma_start3A_387 : memref<1x8x8x128xf32, #tpu.memory_space<hbm>> -> memref<8x8x128xf32, #tpu.memory_space<hbm>>
      %dma_start3A_389 = arith.constant 0 : i32
      %dma_start3A_390 = arith.constant 0 : i32
      %dma_start3A_391 = arith.constant 128 : i32
      %dma_start3A_392 = tpu.memref_slice %arg4[%dma_start3A_378, %dma_start3A_389, %dma_start3A_390, %dma_start3A_391] : memref<2x8x8x256xf32, #tpu.memory_space<vmem>> -> memref<1x8x8x128xf32, #tpu.memory_space<vmem>>
      %dma_start3A_393 = tpu.memref_squeeze %dma_start3A_392 : memref<1x8x8x128xf32, #tpu.memory_space<vmem>> -> memref<8x8x128xf32, #tpu.memory_space<vmem>>
      %dma_start3A_394 = arith.constant 16 : i32
      %dma_start3A_395 = arith.constant 0 : i32
      %dma_start3A_396 = arith.constant 128 : i32
      %dma_start3A_397 = tpu.memref_slice %arg2[%add3A_377, %dma_start3A_394, %dma_start3A_395, %dma_start3A_396] : memref<1024x32x8x256xf32, #tpu.memory_space<hbm>> -> memref<1x8x8x128xf32, #tpu.memory_space<hbm>>
      %dma_start3A_398 = tpu.memref_squeeze %dma_start3A_397 : memref<1x8x8x128xf32, #tpu.memory_space<hbm>> -> memref<8x8x128xf32, #tpu.memory_space<hbm>>
      tpu.enqueue_dma source(%dma_start3A_398 : memref<8x8x128xf32, #tpu.memory_space<hbm>>) target(%dma_start3A_393 : memref<8x8x128xf32, #tpu.memory_space<vmem>>) target_semaphore(%arg7 : memref<!tpu.dma_semaphore, #tpu.memory_space<semaphore_mem>>)
      %scan3A_399 = arith.constant 1 : i32
      %scan3A_400 = arith.constant 14368 : i32
      %scan3A_401 = arith.constant 0 : i32
      %scan3A_402 = arith.constant 32 : i32
      %scan3A_403 = arith.addi %scan3A_401, %scan3A_402 : i32
      %scan3A_404 = arith.constant 1 : i32
      %scan3A_405 = scf.for %scan3A_525 = %scan3A_401 to %scan3A_403 step %scan3A_404 iter_args(%scan3A_526 = %scan3A_400) -> (i32)  : i32 {
        %mul3A_527 = arith.constant 2 : i32
        %mul3A_528 = arith.muli %mul3A_527, %scan3A_525 : i32
        %add3A_529 = arith.constant 0 : i32
        %add3A_530 = arith.addi %mul3A_528, %add3A_529 : i32
        %jit3A = arith.constant 8 : i32
        %div3A = arith.divsi %add3A_530, %jit3A : i32
        %sign3A = arith.constant 0 : i32
        %sign3A_531 = arith.cmpi sgt, %add3A_530, %sign3A : i32
        %sign3A_532 = arith.extui %sign3A_531 : i1 to i32
        %sign3A_533 = arith.constant 0 : i32
        %sign3A_534 = arith.cmpi slt, %add3A_530, %sign3A_533 : i32
        %sign3A_535 = arith.extui %sign3A_534 : i1 to i32
        %sign3A_536 = arith.subi %sign3A_532, %sign3A_535 : i32
        %sign3A_537 = arith.constant 0 : i32
        %sign3A_538 = arith.cmpi sgt, %jit3A, %sign3A_537 : i32
        %sign3A_539 = arith.extui %sign3A_538 : i1 to i32
        %sign3A_540 = arith.constant 0 : i32
        %sign3A_541 = arith.cmpi slt, %jit3A, %sign3A_540 : i32
        %sign3A_542 = arith.extui %sign3A_541 : i1 to i32
        %sign3A_543 = arith.subi %sign3A_539, %sign3A_542 : i32
        %ne3A = arith.cmpi ne, %sign3A_536, %sign3A_543 : i32
        %rem3A = arith.remsi %add3A_530, %jit3A : i32
        %ne3A_544 = arith.constant 0 : i32
        %ne3A_545 = arith.cmpi ne, %rem3A, %ne3A_544 : i32
        %and3A = arith.andi %ne3A, %ne3A_545 : i1
        %sub3A = arith.constant 1 : i32
        %sub3A_546 = arith.subi %div3A, %sub3A : i32
        %select_n3A = arith.select %and3A, %sub3A_546, %div3A : i32
        %broadcast_in_dim3A = vector.broadcast %select_n3A : i32 to vector<16xi32>
        %jit3A_547 = arith.constant 8 : i32
        %eq3A = arith.constant 0 : i32
        %eq3A_548 = arith.cmpi eq, %jit3A_547, %eq3A : i32
        %jit3A_549 = arith.constant 1 : i32
        %select_n3A_550 = arith.select %eq3A_548, %jit3A_549, %jit3A_547 : i32
        %rem3A_551 = arith.remsi %add3A_530, %select_n3A_550 : i32
        %ne3A_552 = arith.constant 0 : i32
        %ne3A_553 = arith.cmpi ne, %rem3A_551, %ne3A_552 : i32
        %lt3A = arith.constant 0 : i32
        %lt3A_554 = arith.cmpi slt, %rem3A_551, %lt3A : i32
        %lt3A_555 = arith.constant 0 : i32
        %lt3A_556 = arith.cmpi slt, %select_n3A_550, %lt3A_555 : i32
        %ne3A_557 = arith.xori %lt3A_554, %lt3A_556 : i1
        %and3A_558 = arith.andi %ne3A_557, %ne3A_553 : i1
        %add3A_559 = arith.addi %rem3A_551, %select_n3A_550 : i32
        %select_n3A_560 = arith.select %and3A_558, %add3A_559, %rem3A_551 : i32
        %broadcast_in_dim3A_561 = vector.broadcast %select_n3A_560 : i32 to vector<16xi32>
        %add3A_562 = arith.constant 64 : i32
        %add3A_563 = arith.addi %add3A_562, %add3A_530 : i32
        %add3A_564 = vector.broadcast %add3A_563 : i32 to vector<16xi32>
        %add3A_565 = arith.addi %add3A_564, %iota3A : vector<16xi32>
        %add3A_566 = arith.constant 0 : i32
        %add3A_567 = vector.broadcast %add3A_566 : i32 to vector<16xi32>
        %add3A_568 = arith.addi %add3A_565, %add3A_567 : vector<16xi32>
        %gather3A = arith.constant 0 : i32
        %gather3A_569 = arith.constant 0 : i32
        %gather3A_570 = arith.constant 0 : i32
        %gather3A_571 = tpu.memref_slice %arg4[%scan3A_399, %gather3A, %gather3A_569, %gather3A_570] : memref<2x8x8x256xf32, #tpu.memory_space<vmem>> -> memref<1x8x8x256xf32, #tpu.memory_space<vmem>>
        %gather3A_572 = tpu.memref_squeeze %gather3A_571 : memref<1x8x8x256xf32, #tpu.memory_space<vmem>> -> memref<8x8x256xf32, #tpu.memory_space<vmem>>
        %gather3A_573 = tpu.vector_load_idx %gather3A_572[%broadcast_in_dim3A, %broadcast_in_dim3A_561, %add3A_568] : memref<8x8x256xf32, #tpu.memory_space<vmem>>[vector<16xi32>, vector<16xi32>, vector<16xi32>], vector<16xf32>,
        %add3A_574 = arith.constant 16 : i32
        %add3A_575 = vector.broadcast %add3A_574 : i32 to vector<16xi32>
        %add3A_576 = arith.addi %add3A_565, %add3A_575 : vector<16xi32>
        %gather3A_577 = arith.constant 0 : i32
        %gather3A_578 = arith.constant 0 : i32
        %gather3A_579 = arith.constant 0 : i32
        %gather3A_580 = tpu.memref_slice %arg4[%scan3A_399, %gather3A_577, %gather3A_578, %gather3A_579] : memref<2x8x8x256xf32, #tpu.memory_space<vmem>> -> memref<1x8x8x256xf32, #tpu.memory_space<vmem>>
        %gather3A_581 = tpu.memref_squeeze %gather3A_580 : memref<1x8x8x256xf32, #tpu.memory_space<vmem>> -> memref<8x8x256xf32, #tpu.memory_space<vmem>>
        %gather3A_582 = tpu.vector_load_idx %gather3A_581[%broadcast_in_dim3A, %broadcast_in_dim3A_561, %add3A_576] : memref<8x8x256xf32, #tpu.memory_space<vmem>>[vector<16xi32>, vector<16xi32>, vector<16xi32>], vector<16xf32>,
        %add3A_583 = arith.constant 32 : i32
        %add3A_584 = vector.broadcast %add3A_583 : i32 to vector<16xi32>
        %add3A_585 = arith.addi %add3A_565, %add3A_584 : vector<16xi32>
        %gather3A_586 = arith.constant 0 : i32
        %gather3A_587 = arith.constant 0 : i32
        %gather3A_588 = arith.constant 0 : i32
        %gather3A_589 = tpu.memref_slice %arg4[%scan3A_399, %gather3A_586, %gather3A_587, %gather3A_588] : memref<2x8x8x256xf32, #tpu.memory_space<vmem>> -> memref<1x8x8x256xf32, #tpu.memory_space<vmem>>
        %gather3A_590 = tpu.memref_squeeze %gather3A_589 : memref<1x8x8x256xf32, #tpu.memory_space<vmem>> -> memref<8x8x256xf32, #tpu.memory_space<vmem>>
        %gather3A_591 = tpu.vector_load_idx %gather3A_590[%broadcast_in_dim3A, %broadcast_in_dim3A_561, %add3A_585] : memref<8x8x256xf32, #tpu.memory_space<vmem>>[vector<16xi32>, vector<16xi32>, vector<16xi32>], vector<16xf32>,
        %add3A_592 = arith.constant 48 : i32
        %add3A_593 = vector.broadcast %add3A_592 : i32 to vector<16xi32>
        %add3A_594 = arith.addi %add3A_565, %add3A_593 : vector<16xi32>
        %gather3A_595 = arith.constant 0 : i32
        %gather3A_596 = arith.constant 0 : i32
        %gather3A_597 = arith.constant 0 : i32
        %gather3A_598 = tpu.memref_slice %arg4[%scan3A_399, %gather3A_595, %gather3A_596, %gather3A_597] : memref<2x8x8x256xf32, #tpu.memory_space<vmem>> -> memref<1x8x8x256xf32, #tpu.memory_space<vmem>>
        %gather3A_599 = tpu.memref_squeeze %gather3A_598 : memref<1x8x8x256xf32, #tpu.memory_space<vmem>> -> memref<8x8x256xf32, #tpu.memory_space<vmem>>
        %gather3A_600 = tpu.vector_load_idx %gather3A_599[%broadcast_in_dim3A, %broadcast_in_dim3A_561, %add3A_594] : memref<8x8x256xf32, #tpu.memory_space<vmem>>[vector<16xi32>, vector<16xi32>, vector<16xi32>], vector<16xf32>,
        %add3A_601 = arith.constant 64 : i32
        %add3A_602 = vector.broadcast %add3A_601 : i32 to vector<16xi32>
        %add3A_603 = arith.addi %add3A_565, %add3A_602 : vector<16xi32>
        %gather3A_604 = arith.constant 0 : i32
        %gather3A_605 = arith.constant 0 : i32
        %gather3A_606 = arith.constant 0 : i32
        %gather3A_607 = tpu.memref_slice %arg4[%scan3A_399, %gather3A_604, %gather3A_605, %gather3A_606] : memref<2x8x8x256xf32, #tpu.memory_space<vmem>> -> memref<1x8x8x256xf32, #tpu.memory_space<vmem>>
        %gather3A_608 = tpu.memref_squeeze %gather3A_607 : memref<1x8x8x256xf32, #tpu.memory_space<vmem>> -> memref<8x8x256xf32, #tpu.memory_space<vmem>>
        %gather3A_609 = tpu.vector_load_idx %gather3A_608[%broadcast_in_dim3A, %broadcast_in_dim3A_561, %add3A_603] : memref<8x8x256xf32, #tpu.memory_space<vmem>>[vector<16xi32>, vector<16xi32>, vector<16xi32>], vector<16xf32>,
        %add3A_610 = arith.constant 80 : i32
        %add3A_611 = vector.broadcast %add3A_610 : i32 to vector<16xi32>
        %add3A_612 = arith.addi %add3A_565, %add3A_611 : vector<16xi32>
        %gather3A_613 = arith.constant 0 : i32
        %gather3A_614 = arith.constant 0 : i32
        %gather3A_615 = arith.constant 0 : i32
        %gather3A_616 = tpu.memref_slice %arg4[%scan3A_399, %gather3A_613, %gather3A_614, %gather3A_615] : memref<2x8x8x256xf32, #tpu.memory_space<vmem>> -> memref<1x8x8x256xf32, #tpu.memory_space<vmem>>
        %gather3A_617 = tpu.memref_squeeze %gather3A_616 : memref<1x8x8x256xf32, #tpu.memory_space<vmem>> -> memref<8x8x256xf32, #tpu.memory_space<vmem>>
        %gather3A_618 = tpu.vector_load_idx %gather3A_617[%broadcast_in_dim3A, %broadcast_in_dim3A_561, %add3A_612] : memref<8x8x256xf32, #tpu.memory_space<vmem>>[vector<16xi32>, vector<16xi32>, vector<16xi32>], vector<16xf32>,
        %add3A_619 = arith.constant 96 : i32
        %add3A_620 = vector.broadcast %add3A_619 : i32 to vector<16xi32>
        %add3A_621 = arith.addi %add3A_565, %add3A_620 : vector<16xi32>
        %gather3A_622 = arith.constant 0 : i32
        %gather3A_623 = arith.constant 0 : i32
        %gather3A_624 = arith.constant 0 : i32
        %gather3A_625 = tpu.memref_slice %arg4[%scan3A_399, %gather3A_622, %gather3A_623, %gather3A_624] : memref<2x8x8x256xf32, #tpu.memory_space<vmem>> -> memref<1x8x8x256xf32, #tpu.memory_space<vmem>>
        %gather3A_626 = tpu.memref_squeeze %gather3A_625 : memref<1x8x8x256xf32, #tpu.memory_space<vmem>> -> memref<8x8x256xf32, #tpu.memory_space<vmem>>
        %gather3A_627 = tpu.vector_load_idx %gather3A_626[%broadcast_in_dim3A, %broadcast_in_dim3A_561, %add3A_621] : memref<8x8x256xf32, #tpu.memory_space<vmem>>[vector<16xi32>, vector<16xi32>, vector<16xi32>], vector<16xf32>,
        %add3A_628 = arith.constant 112 : i32
        %add3A_629 = vector.broadcast %add3A_628 : i32 to vector<16xi32>
        %add3A_630 = arith.addi %add3A_565, %add3A_629 : vector<16xi32>
        %gather3A_631 = arith.constant 0 : i32
        %gather3A_632 = arith.constant 0 : i32
        %gather3A_633 = arith.constant 0 : i32
        %gather3A_634 = tpu.memref_slice %arg4[%scan3A_399, %gather3A_631, %gather3A_632, %gather3A_633] : memref<2x8x8x256xf32, #tpu.memory_space<vmem>> -> memref<1x8x8x256xf32, #tpu.memory_space<vmem>>
        %gather3A_635 = tpu.memref_squeeze %gather3A_634 : memref<1x8x8x256xf32, #tpu.memory_space<vmem>> -> memref<8x8x256xf32, #tpu.memory_space<vmem>>
        %gather3A_636 = tpu.vector_load_idx %gather3A_635[%broadcast_in_dim3A, %broadcast_in_dim3A_561, %add3A_630] : memref<8x8x256xf32, #tpu.memory_space<vmem>>[vector<16xi32>, vector<16xi32>, vector<16xi32>], vector<16xf32>,
        %add3A_637 = arith.constant 128 : i32
        %add3A_638 = vector.broadcast %add3A_637 : i32 to vector<16xi32>
        %add3A_639 = arith.addi %add3A_565, %add3A_638 : vector<16xi32>
        %gather3A_640 = arith.constant 0 : i32
        %gather3A_641 = arith.constant 0 : i32
        %gather3A_642 = arith.constant 0 : i32
        %gather3A_643 = tpu.memref_slice %arg4[%scan3A_399, %gather3A_640, %gather3A_641, %gather3A_642] : memref<2x8x8x256xf32, #tpu.memory_space<vmem>> -> memref<1x8x8x256xf32, #tpu.memory_space<vmem>>
        %gather3A_644 = tpu.memref_squeeze %gather3A_643 : memref<1x8x8x256xf32, #tpu.memory_space<vmem>> -> memref<8x8x256xf32, #tpu.memory_space<vmem>>
        %gather3A_645 = tpu.vector_load_idx %gather3A_644[%broadcast_in_dim3A, %broadcast_in_dim3A_561, %add3A_639] : memref<8x8x256xf32, #tpu.memory_space<vmem>>[vector<16xi32>, vector<16xi32>, vector<16xi32>], vector<16xf32>,
        %add3A_646 = arith.constant 144 : i32
        %add3A_647 = vector.broadcast %add3A_646 : i32 to vector<16xi32>
        %add3A_648 = arith.addi %add3A_565, %add3A_647 : vector<16xi32>
        %gather3A_649 = arith.constant 0 : i32
        %gather3A_650 = arith.constant 0 : i32
        %gather3A_651 = arith.constant 0 : i32
        %gather3A_652 = tpu.memref_slice %arg4[%scan3A_399, %gather3A_649, %gather3A_650, %gather3A_651] : memref<2x8x8x256xf32, #tpu.memory_space<vmem>> -> memref<1x8x8x256xf32, #tpu.memory_space<vmem>>
        %gather3A_653 = tpu.memref_squeeze %gather3A_652 : memref<1x8x8x256xf32, #tpu.memory_space<vmem>> -> memref<8x8x256xf32, #tpu.memory_space<vmem>>
        %gather3A_654 = tpu.vector_load_idx %gather3A_653[%broadcast_in_dim3A, %broadcast_in_dim3A_561, %add3A_648] : memref<8x8x256xf32, #tpu.memory_space<vmem>>[vector<16xi32>, vector<16xi32>, vector<16xi32>], vector<16xf32>,
        %add3A_655 = arith.constant 160 : i32
        %add3A_656 = vector.broadcast %add3A_655 : i32 to vector<16xi32>
        %add3A_657 = arith.addi %add3A_565, %add3A_656 : vector<16xi32>
        %gather3A_658 = arith.constant 0 : i32
        %gather3A_659 = arith.constant 0 : i32
        %gather3A_660 = arith.constant 0 : i32
        %gather3A_661 = tpu.memref_slice %arg4[%scan3A_399, %gather3A_658, %gather3A_659, %gather3A_660] : memref<2x8x8x256xf32, #tpu.memory_space<vmem>> -> memref<1x8x8x256xf32, #tpu.memory_space<vmem>>
        %gather3A_662 = tpu.memref_squeeze %gather3A_661 : memref<1x8x8x256xf32, #tpu.memory_space<vmem>> -> memref<8x8x256xf32, #tpu.memory_space<vmem>>
        %gather3A_663 = tpu.vector_load_idx %gather3A_662[%broadcast_in_dim3A, %broadcast_in_dim3A_561, %add3A_657] : memref<8x8x256xf32, #tpu.memory_space<vmem>>[vector<16xi32>, vector<16xi32>, vector<16xi32>], vector<16xf32>,
        %add3A_664 = arith.constant 176 : i32
        %add3A_665 = vector.broadcast %add3A_664 : i32 to vector<16xi32>
        %add3A_666 = arith.addi %add3A_565, %add3A_665 : vector<16xi32>
        %gather3A_667 = arith.constant 0 : i32
        %gather3A_668 = arith.constant 0 : i32
        %gather3A_669 = arith.constant 0 : i32
        %gather3A_670 = tpu.memref_slice %arg4[%scan3A_399, %gather3A_667, %gather3A_668, %gather3A_669] : memref<2x8x8x256xf32, #tpu.memory_space<vmem>> -> memref<1x8x8x256xf32, #tpu.memory_space<vmem>>
        %gather3A_671 = tpu.memref_squeeze %gather3A_670 : memref<1x8x8x256xf32, #tpu.memory_space<vmem>> -> memref<8x8x256xf32, #tpu.memory_space<vmem>>
        %gather3A_672 = tpu.vector_load_idx %gather3A_671[%broadcast_in_dim3A, %broadcast_in_dim3A_561, %add3A_666] : memref<8x8x256xf32, #tpu.memory_space<vmem>>[vector<16xi32>, vector<16xi32>, vector<16xi32>], vector<16xf32>,
        %add3A_673 = arith.constant 1 : i32
        %add3A_674 = arith.addi %mul3A_528, %add3A_673 : i32
        %jit3A_675 = arith.constant 8 : i32
        %div3A_676 = arith.divsi %add3A_674, %jit3A_675 : i32
        %sign3A_677 = arith.constant 0 : i32
        %sign3A_678 = arith.cmpi sgt, %add3A_674, %sign3A_677 : i32
        %sign3A_679 = arith.extui %sign3A_678 : i1 to i32
        %sign3A_680 = arith.constant 0 : i32
        %sign3A_681 = arith.cmpi slt, %add3A_674, %sign3A_680 : i32
        %sign3A_682 = arith.extui %sign3A_681 : i1 to i32
        %sign3A_683 = arith.subi %sign3A_679, %sign3A_682 : i32
        %sign3A_684 = arith.constant 0 : i32
        %sign3A_685 = arith.cmpi sgt, %jit3A_675, %sign3A_684 : i32
        %sign3A_686 = arith.extui %sign3A_685 : i1 to i32
        %sign3A_687 = arith.constant 0 : i32
        %sign3A_688 = arith.cmpi slt, %jit3A_675, %sign3A_687 : i32
        %sign3A_689 = arith.extui %sign3A_688 : i1 to i32
        %sign3A_690 = arith.subi %sign3A_686, %sign3A_689 : i32
        %ne3A_691 = arith.cmpi ne, %sign3A_683, %sign3A_690 : i32
        %rem3A_692 = arith.remsi %add3A_674, %jit3A_675 : i32
        %ne3A_693 = arith.constant 0 : i32
        %ne3A_694 = arith.cmpi ne, %rem3A_692, %ne3A_693 : i32
        %and3A_695 = arith.andi %ne3A_691, %ne3A_694 : i1
        %sub3A_696 = arith.constant 1 : i32
        %sub3A_697 = arith.subi %div3A_676, %sub3A_696 : i32
        %select_n3A_698 = arith.select %and3A_695, %sub3A_697, %div3A_676 : i32
        %broadcast_in_dim3A_699 = vector.broadcast %select_n3A_698 : i32 to vector<16xi32>
        %jit3A_700 = arith.constant 8 : i32
        %eq3A_701 = arith.constant 0 : i32
        %eq3A_702 = arith.cmpi eq, %jit3A_700, %eq3A_701 : i32
        %jit3A_703 = arith.constant 1 : i32
        %select_n3A_704 = arith.select %eq3A_702, %jit3A_703, %jit3A_700 : i32
        %rem3A_705 = arith.remsi %add3A_674, %select_n3A_704 : i32
        %ne3A_706 = arith.constant 0 : i32
        %ne3A_707 = arith.cmpi ne, %rem3A_705, %ne3A_706 : i32
        %lt3A_708 = arith.constant 0 : i32
        %lt3A_709 = arith.cmpi slt, %rem3A_705, %lt3A_708 : i32
        %lt3A_710 = arith.constant 0 : i32
        %lt3A_711 = arith.cmpi slt, %select_n3A_704, %lt3A_710 : i32
        %ne3A_712 = arith.xori %lt3A_709, %lt3A_711 : i1
        %and3A_713 = arith.andi %ne3A_712, %ne3A_707 : i1
        %add3A_714 = arith.addi %rem3A_705, %select_n3A_704 : i32
        %select_n3A_715 = arith.select %and3A_713, %add3A_714, %rem3A_705 : i32
        %broadcast_in_dim3A_716 = vector.broadcast %select_n3A_715 : i32 to vector<16xi32>
        %add3A_717 = arith.constant 64 : i32
        %add3A_718 = arith.addi %add3A_717, %add3A_674 : i32
        %add3A_719 = vector.broadcast %add3A_718 : i32 to vector<16xi32>
        %add3A_720 = arith.addi %add3A_719, %iota3A : vector<16xi32>
        %add3A_721 = arith.constant 0 : i32
        %add3A_722 = vector.broadcast %add3A_721 : i32 to vector<16xi32>
        %add3A_723 = arith.addi %add3A_720, %add3A_722 : vector<16xi32>
        %gather3A_724 = arith.constant 0 : i32
        %gather3A_725 = arith.constant 0 : i32
        %gather3A_726 = arith.constant 0 : i32
        %gather3A_727 = tpu.memref_slice %arg4[%scan3A_399, %gather3A_724, %gather3A_725, %gather3A_726] : memref<2x8x8x256xf32, #tpu.memory_space<vmem>> -> memref<1x8x8x256xf32, #tpu.memory_space<vmem>>
        %gather3A_728 = tpu.memref_squeeze %gather3A_727 : memref<1x8x8x256xf32, #tpu.memory_space<vmem>> -> memref<8x8x256xf32, #tpu.memory_space<vmem>>
        %gather3A_729 = tpu.vector_load_idx %gather3A_728[%broadcast_in_dim3A_699, %broadcast_in_dim3A_716, %add3A_723] : memref<8x8x256xf32, #tpu.memory_space<vmem>>[vector<16xi32>, vector<16xi32>, vector<16xi32>], vector<16xf32>,
        %add3A_730 = arith.constant 16 : i32
        %add3A_731 = vector.broadcast %add3A_730 : i32 to vector<16xi32>
        %add3A_732 = arith.addi %add3A_720, %add3A_731 : vector<16xi32>
        %gather3A_733 = arith.constant 0 : i32
        %gather3A_734 = arith.constant 0 : i32
        %gather3A_735 = arith.constant 0 : i32
        %gather3A_736 = tpu.memref_slice %arg4[%scan3A_399, %gather3A_733, %gather3A_734, %gather3A_735] : memref<2x8x8x256xf32, #tpu.memory_space<vmem>> -> memref<1x8x8x256xf32, #tpu.memory_space<vmem>>
        %gather3A_737 = tpu.memref_squeeze %gather3A_736 : memref<1x8x8x256xf32, #tpu.memory_space<vmem>> -> memref<8x8x256xf32, #tpu.memory_space<vmem>>
        %gather3A_738 = tpu.vector_load_idx %gather3A_737[%broadcast_in_dim3A_699, %broadcast_in_dim3A_716, %add3A_732] : memref<8x8x256xf32, #tpu.memory_space<vmem>>[vector<16xi32>, vector<16xi32>, vector<16xi32>], vector<16xf32>,
        %add3A_739 = arith.constant 32 : i32
        %add3A_740 = vector.broadcast %add3A_739 : i32 to vector<16xi32>
        %add3A_741 = arith.addi %add3A_720, %add3A_740 : vector<16xi32>
        %gather3A_742 = arith.constant 0 : i32
        %gather3A_743 = arith.constant 0 : i32
        %gather3A_744 = arith.constant 0 : i32
        %gather3A_745 = tpu.memref_slice %arg4[%scan3A_399, %gather3A_742, %gather3A_743, %gather3A_744] : memref<2x8x8x256xf32, #tpu.memory_space<vmem>> -> memref<1x8x8x256xf32, #tpu.memory_space<vmem>>
        %gather3A_746 = tpu.memref_squeeze %gather3A_745 : memref<1x8x8x256xf32, #tpu.memory_space<vmem>> -> memref<8x8x256xf32, #tpu.memory_space<vmem>>
        %gather3A_747 = tpu.vector_load_idx %gather3A_746[%broadcast_in_dim3A_699, %broadcast_in_dim3A_716, %add3A_741] : memref<8x8x256xf32, #tpu.memory_space<vmem>>[vector<16xi32>, vector<16xi32>, vector<16xi32>], vector<16xf32>,
        %add3A_748 = arith.constant 48 : i32
        %add3A_749 = vector.broadcast %add3A_748 : i32 to vector<16xi32>
        %add3A_750 = arith.addi %add3A_720, %add3A_749 : vector<16xi32>
        %gather3A_751 = arith.constant 0 : i32
        %gather3A_752 = arith.constant 0 : i32
        %gather3A_753 = arith.constant 0 : i32
        %gather3A_754 = tpu.memref_slice %arg4[%scan3A_399, %gather3A_751, %gather3A_752, %gather3A_753] : memref<2x8x8x256xf32, #tpu.memory_space<vmem>> -> memref<1x8x8x256xf32, #tpu.memory_space<vmem>>
        %gather3A_755 = tpu.memref_squeeze %gather3A_754 : memref<1x8x8x256xf32, #tpu.memory_space<vmem>> -> memref<8x8x256xf32, #tpu.memory_space<vmem>>
        %gather3A_756 = tpu.vector_load_idx %gather3A_755[%broadcast_in_dim3A_699, %broadcast_in_dim3A_716, %add3A_750] : memref<8x8x256xf32, #tpu.memory_space<vmem>>[vector<16xi32>, vector<16xi32>, vector<16xi32>], vector<16xf32>,
        %add3A_757 = arith.constant 64 : i32
        %add3A_758 = vector.broadcast %add3A_757 : i32 to vector<16xi32>
        %add3A_759 = arith.addi %add3A_720, %add3A_758 : vector<16xi32>
        %gather3A_760 = arith.constant 0 : i32
        %gather3A_761 = arith.constant 0 : i32
        %gather3A_762 = arith.constant 0 : i32
        %gather3A_763 = tpu.memref_slice %arg4[%scan3A_399, %gather3A_760, %gather3A_761, %gather3A_762] : memref<2x8x8x256xf32, #tpu.memory_space<vmem>> -> memref<1x8x8x256xf32, #tpu.memory_space<vmem>>
        %gather3A_764 = tpu.memref_squeeze %gather3A_763 : memref<1x8x8x256xf32, #tpu.memory_space<vmem>> -> memref<8x8x256xf32, #tpu.memory_space<vmem>>
        %gather3A_765 = tpu.vector_load_idx %gather3A_764[%broadcast_in_dim3A_699, %broadcast_in_dim3A_716, %add3A_759] : memref<8x8x256xf32, #tpu.memory_space<vmem>>[vector<16xi32>, vector<16xi32>, vector<16xi32>], vector<16xf32>,
        %add3A_766 = arith.constant 80 : i32
        %add3A_767 = vector.broadcast %add3A_766 : i32 to vector<16xi32>
        %add3A_768 = arith.addi %add3A_720, %add3A_767 : vector<16xi32>
        %gather3A_769 = arith.constant 0 : i32
        %gather3A_770 = arith.constant 0 : i32
        %gather3A_771 = arith.constant 0 : i32
        %gather3A_772 = tpu.memref_slice %arg4[%scan3A_399, %gather3A_769, %gather3A_770, %gather3A_771] : memref<2x8x8x256xf32, #tpu.memory_space<vmem>> -> memref<1x8x8x256xf32, #tpu.memory_space<vmem>>
        %gather3A_773 = tpu.memref_squeeze %gather3A_772 : memref<1x8x8x256xf32, #tpu.memory_space<vmem>> -> memref<8x8x256xf32, #tpu.memory_space<vmem>>
        %gather3A_774 = tpu.vector_load_idx %gather3A_773[%broadcast_in_dim3A_699, %broadcast_in_dim3A_716, %add3A_768] : memref<8x8x256xf32, #tpu.memory_space<vmem>>[vector<16xi32>, vector<16xi32>, vector<16xi32>], vector<16xf32>,
        %add3A_775 = arith.constant 96 : i32
        %add3A_776 = vector.broadcast %add3A_775 : i32 to vector<16xi32>
        %add3A_777 = arith.addi %add3A_720, %add3A_776 : vector<16xi32>
        %gather3A_778 = arith.constant 0 : i32
        %gather3A_779 = arith.constant 0 : i32
        %gather3A_780 = arith.constant 0 : i32
        %gather3A_781 = tpu.memref_slice %arg4[%scan3A_399, %gather3A_778, %gather3A_779, %gather3A_780] : memref<2x8x8x256xf32, #tpu.memory_space<vmem>> -> memref<1x8x8x256xf32, #tpu.memory_space<vmem>>
        %gather3A_782 = tpu.memref_squeeze %gather3A_781 : memref<1x8x8x256xf32, #tpu.memory_space<vmem>> -> memref<8x8x256xf32, #tpu.memory_space<vmem>>
        %gather3A_783 = tpu.vector_load_idx %gather3A_782[%broadcast_in_dim3A_699, %broadcast_in_dim3A_716, %add3A_777] : memref<8x8x256xf32, #tpu.memory_space<vmem>>[vector<16xi32>, vector<16xi32>, vector<16xi32>], vector<16xf32>,
        %add3A_784 = arith.constant 112 : i32
        %add3A_785 = vector.broadcast %add3A_784 : i32 to vector<16xi32>
        %add3A_786 = arith.addi %add3A_720, %add3A_785 : vector<16xi32>
        %gather3A_787 = arith.constant 0 : i32
        %gather3A_788 = arith.constant 0 : i32
        %gather3A_789 = arith.constant 0 : i32
        %gather3A_790 = tpu.memref_slice %arg4[%scan3A_399, %gather3A_787, %gather3A_788, %gather3A_789] : memref<2x8x8x256xf32, #tpu.memory_space<vmem>> -> memref<1x8x8x256xf32, #tpu.memory_space<vmem>>
        %gather3A_791 = tpu.memref_squeeze %gather3A_790 : memref<1x8x8x256xf32, #tpu.memory_space<vmem>> -> memref<8x8x256xf32, #tpu.memory_space<vmem>>
        %gather3A_792 = tpu.vector_load_idx %gather3A_791[%broadcast_in_dim3A_699, %broadcast_in_dim3A_716, %add3A_786] : memref<8x8x256xf32, #tpu.memory_space<vmem>>[vector<16xi32>, vector<16xi32>, vector<16xi32>], vector<16xf32>,
        %add3A_793 = arith.constant 128 : i32
        %add3A_794 = vector.broadcast %add3A_793 : i32 to vector<16xi32>
        %add3A_795 = arith.addi %add3A_720, %add3A_794 : vector<16xi32>
        %gather3A_796 = arith.constant 0 : i32
        %gather3A_797 = arith.constant 0 : i32
        %gather3A_798 = arith.constant 0 : i32
        %gather3A_799 = tpu.memref_slice %arg4[%scan3A_399, %gather3A_796, %gather3A_797, %gather3A_798] : memref<2x8x8x256xf32, #tpu.memory_space<vmem>> -> memref<1x8x8x256xf32, #tpu.memory_space<vmem>>
        %gather3A_800 = tpu.memref_squeeze %gather3A_799 : memref<1x8x8x256xf32, #tpu.memory_space<vmem>> -> memref<8x8x256xf32, #tpu.memory_space<vmem>>
        %gather3A_801 = tpu.vector_load_idx %gather3A_800[%broadcast_in_dim3A_699, %broadcast_in_dim3A_716, %add3A_795] : memref<8x8x256xf32, #tpu.memory_space<vmem>>[vector<16xi32>, vector<16xi32>, vector<16xi32>], vector<16xf32>,
        %add3A_802 = arith.constant 144 : i32
        %add3A_803 = vector.broadcast %add3A_802 : i32 to vector<16xi32>
        %add3A_804 = arith.addi %add3A_720, %add3A_803 : vector<16xi32>
        %gather3A_805 = arith.constant 0 : i32
        %gather3A_806 = arith.constant 0 : i32
        %gather3A_807 = arith.constant 0 : i32
        %gather3A_808 = tpu.memref_slice %arg4[%scan3A_399, %gather3A_805, %gather3A_806, %gather3A_807] : memref<2x8x8x256xf32, #tpu.memory_space<vmem>> -> memref<1x8x8x256xf32, #tpu.memory_space<vmem>>
        %gather3A_809 = tpu.memref_squeeze %gather3A_808 : memref<1x8x8x256xf32, #tpu.memory_space<vmem>> -> memref<8x8x256xf32, #tpu.memory_space<vmem>>
        %gather3A_810 = tpu.vector_load_idx %gather3A_809[%broadcast_in_dim3A_699, %broadcast_in_dim3A_716, %add3A_804] : memref<8x8x256xf32, #tpu.memory_space<vmem>>[vector<16xi32>, vector<16xi32>, vector<16xi32>], vector<16xf32>,
        %add3A_811 = arith.constant 160 : i32
        %add3A_812 = vector.broadcast %add3A_811 : i32 to vector<16xi32>
        %add3A_813 = arith.addi %add3A_720, %add3A_812 : vector<16xi32>
        %gather3A_814 = arith.constant 0 : i32
        %gather3A_815 = arith.constant 0 : i32
        %gather3A_816 = arith.constant 0 : i32
        %gather3A_817 = tpu.memref_slice %arg4[%scan3A_399, %gather3A_814, %gather3A_815, %gather3A_816] : memref<2x8x8x256xf32, #tpu.memory_space<vmem>> -> memref<1x8x8x256xf32, #tpu.memory_space<vmem>>
        %gather3A_818 = tpu.memref_squeeze %gather3A_817 : memref<1x8x8x256xf32, #tpu.memory_space<vmem>> -> memref<8x8x256xf32, #tpu.memory_space<vmem>>
        %gather3A_819 = tpu.vector_load_idx %gather3A_818[%broadcast_in_dim3A_699, %broadcast_in_dim3A_716, %add3A_813] : memref<8x8x256xf32, #tpu.memory_space<vmem>>[vector<16xi32>, vector<16xi32>, vector<16xi32>], vector<16xf32>,
        %add3A_820 = arith.constant 176 : i32
        %add3A_821 = vector.broadcast %add3A_820 : i32 to vector<16xi32>
        %add3A_822 = arith.addi %add3A_720, %add3A_821 : vector<16xi32>
        %gather3A_823 = arith.constant 0 : i32
        %gather3A_824 = arith.constant 0 : i32
        %gather3A_825 = arith.constant 0 : i32
        %gather3A_826 = tpu.memref_slice %arg4[%scan3A_399, %gather3A_823, %gather3A_824, %gather3A_825] : memref<2x8x8x256xf32, #tpu.memory_space<vmem>> -> memref<1x8x8x256xf32, #tpu.memory_space<vmem>>
        %gather3A_827 = tpu.memref_squeeze %gather3A_826 : memref<1x8x8x256xf32, #tpu.memory_space<vmem>> -> memref<8x8x256xf32, #tpu.memory_space<vmem>>
        %gather3A_828 = tpu.vector_load_idx %gather3A_827[%broadcast_in_dim3A_699, %broadcast_in_dim3A_716, %add3A_822] : memref<8x8x256xf32, #tpu.memory_space<vmem>>[vector<16xi32>, vector<16xi32>, vector<16xi32>], vector<16xf32>,
        %add3A_829 = arith.constant 0 : i32
        %add3A_830 = arith.addi %scan3A_526, %add3A_829 : i32
        %swap3A = arith.index_cast %add3A_830 : i32 to index
        %swap3A_831 = tpu.vector_load %arg6[%swap3A] {strides = array<i32>} : memref<32960xf32, #tpu.memory_space<vmem>>, vector<16xf32>,
        tpu.vector_store %arg6[%swap3A], %gather3A_573 {strides = array<i32>} : memref<32960xf32, #tpu.memory_space<vmem>>, vector<16xf32>,
        %add3A_832 = arith.constant 16 : i32
        %add3A_833 = arith.addi %scan3A_526, %add3A_832 : i32
        %swap3A_834 = arith.index_cast %add3A_833 : i32 to index
        %swap3A_835 = tpu.vector_load %arg6[%swap3A_834] {strides = array<i32>} : memref<32960xf32, #tpu.memory_space<vmem>>, vector<16xf32>,
        tpu.vector_store %arg6[%swap3A_834], %gather3A_582 {strides = array<i32>} : memref<32960xf32, #tpu.memory_space<vmem>>, vector<16xf32>,
        %add3A_836 = arith.constant 32 : i32
        %add3A_837 = arith.addi %scan3A_526, %add3A_836 : i32
        %swap3A_838 = arith.index_cast %add3A_837 : i32 to index
        %swap3A_839 = tpu.vector_load %arg6[%swap3A_838] {strides = array<i32>} : memref<32960xf32, #tpu.memory_space<vmem>>, vector<16xf32>,
        tpu.vector_store %arg6[%swap3A_838], %gather3A_591 {strides = array<i32>} : memref<32960xf32, #tpu.memory_space<vmem>>, vector<16xf32>,
        %add3A_840 = arith.constant 48 : i32
        %add3A_841 = arith.addi %scan3A_526, %add3A_840 : i32
        %swap3A_842 = arith.index_cast %add3A_841 : i32 to index
        %swap3A_843 = tpu.vector_load %arg6[%swap3A_842] {strides = array<i32>} : memref<32960xf32, #tpu.memory_space<vmem>>, vector<16xf32>,
        tpu.vector_store %arg6[%swap3A_842], %gather3A_600 {strides = array<i32>} : memref<32960xf32, #tpu.memory_space<vmem>>, vector<16xf32>,
        %add3A_844 = arith.constant 64 : i32
        %add3A_845 = arith.addi %scan3A_526, %add3A_844 : i32
        %swap3A_846 = arith.index_cast %add3A_845 : i32 to index
        %swap3A_847 = tpu.vector_load %arg6[%swap3A_846] {strides = array<i32>} : memref<32960xf32, #tpu.memory_space<vmem>>, vector<16xf32>,
        tpu.vector_store %arg6[%swap3A_846], %gather3A_609 {strides = array<i32>} : memref<32960xf32, #tpu.memory_space<vmem>>, vector<16xf32>,
        %add3A_848 = arith.constant 80 : i32
        %add3A_849 = arith.addi %scan3A_526, %add3A_848 : i32
        %swap3A_850 = arith.index_cast %add3A_849 : i32 to index
        %swap3A_851 = tpu.vector_load %arg6[%swap3A_850] {strides = array<i32>} : memref<32960xf32, #tpu.memory_space<vmem>>, vector<16xf32>,
        tpu.vector_store %arg6[%swap3A_850], %gather3A_618 {strides = array<i32>} : memref<32960xf32, #tpu.memory_space<vmem>>, vector<16xf32>,
        %add3A_852 = arith.constant 96 : i32
        %add3A_853 = arith.addi %scan3A_526, %add3A_852 : i32
        %swap3A_854 = arith.index_cast %add3A_853 : i32 to index
        %swap3A_855 = tpu.vector_load %arg6[%swap3A_854] {strides = array<i32>} : memref<32960xf32, #tpu.memory_space<vmem>>, vector<16xf32>,
        tpu.vector_store %arg6[%swap3A_854], %gather3A_627 {strides = array<i32>} : memref<32960xf32, #tpu.memory_space<vmem>>, vector<16xf32>,
        %add3A_856 = arith.constant 112 : i32
        %add3A_857 = arith.addi %scan3A_526, %add3A_856 : i32
        %swap3A_858 = arith.index_cast %add3A_857 : i32 to index
        %swap3A_859 = tpu.vector_load %arg6[%swap3A_858] {strides = array<i32>} : memref<32960xf32, #tpu.memory_space<vmem>>, vector<16xf32>,
        tpu.vector_store %arg6[%swap3A_858], %gather3A_636 {strides = array<i32>} : memref<32960xf32, #tpu.memory_space<vmem>>, vector<16xf32>,
        %add3A_860 = arith.constant 128 : i32
        %add3A_861 = arith.addi %scan3A_526, %add3A_860 : i32
        %swap3A_862 = arith.index_cast %add3A_861 : i32 to index
        %swap3A_863 = tpu.vector_load %arg6[%swap3A_862] {strides = array<i32>} : memref<32960xf32, #tpu.memory_space<vmem>>, vector<16xf32>,
        tpu.vector_store %arg6[%swap3A_862], %gather3A_645 {strides = array<i32>} : memref<32960xf32, #tpu.memory_space<vmem>>, vector<16xf32>,
        %add3A_864 = arith.constant 144 : i32
        %add3A_865 = arith.addi %scan3A_526, %add3A_864 : i32
        %swap3A_866 = arith.index_cast %add3A_865 : i32 to index
        %swap3A_867 = tpu.vector_load %arg6[%swap3A_866] {strides = array<i32>} : memref<32960xf32, #tpu.memory_space<vmem>>, vector<16xf32>,
        tpu.vector_store %arg6[%swap3A_866], %gather3A_654 {strides = array<i32>} : memref<32960xf32, #tpu.memory_space<vmem>>, vector<16xf32>,
        %add3A_868 = arith.constant 160 : i32
        %add3A_869 = arith.addi %scan3A_526, %add3A_868 : i32
        %swap3A_870 = arith.index_cast %add3A_869 : i32 to index
        %swap3A_871 = tpu.vector_load %arg6[%swap3A_870] {strides = array<i32>} : memref<32960xf32, #tpu.memory_space<vmem>>, vector<16xf32>,
        tpu.vector_store %arg6[%swap3A_870], %gather3A_663 {strides = array<i32>} : memref<32960xf32, #tpu.memory_space<vmem>>, vector<16xf32>,
        %add3A_872 = arith.constant 176 : i32
        %add3A_873 = arith.addi %scan3A_526, %add3A_872 : i32
        %swap3A_874 = arith.index_cast %add3A_873 : i32 to index
        %swap3A_875 = tpu.vector_load %arg6[%swap3A_874] {strides = array<i32>} : memref<32960xf32, #tpu.memory_space<vmem>>, vector<16xf32>,
        tpu.vector_store %arg6[%swap3A_874], %gather3A_672 {strides = array<i32>} : memref<32960xf32, #tpu.memory_space<vmem>>, vector<16xf32>,
        %sub3A_876 = arith.constant 192 : i32
        %sub3A_877 = arith.subi %sub3A_876, %mul3A_528 : i32
        %sub3A_878 = arith.constant 0 : i32
        %sub3A_879 = arith.subi %sub3A_877, %sub3A_878 : i32
        %add3A_880 = arith.addi %scan3A_526, %sub3A_879 : i32
        %add3A_881 = arith.constant 0 : i32
        %add3A_882 = arith.addi %add3A_880, %add3A_881 : i32
        %swap3A_883 = arith.index_cast %add3A_882 : i32 to index
        %swap3A_884 = tpu.vector_load %arg6[%swap3A_883] {strides = array<i32>} : memref<32960xf32, #tpu.memory_space<vmem>>, vector<16xf32>,
        tpu.vector_store %arg6[%swap3A_883], %gather3A_729 {strides = array<i32>} : memref<32960xf32, #tpu.memory_space<vmem>>, vector<16xf32>,
        %add3A_885 = arith.constant 16 : i32
        %add3A_886 = arith.addi %add3A_880, %add3A_885 : i32
        %swap3A_887 = arith.index_cast %add3A_886 : i32 to index
        %swap3A_888 = tpu.vector_load %arg6[%swap3A_887] {strides = array<i32>} : memref<32960xf32, #tpu.memory_space<vmem>>, vector<16xf32>,
        tpu.vector_store %arg6[%swap3A_887], %gather3A_738 {strides = array<i32>} : memref<32960xf32, #tpu.memory_space<vmem>>, vector<16xf32>,
        %add3A_889 = arith.constant 32 : i32
        %add3A_890 = arith.addi %add3A_880, %add3A_889 : i32
        %swap3A_891 = arith.index_cast %add3A_890 : i32 to index
        %swap3A_892 = tpu.vector_load %arg6[%swap3A_891] {strides = array<i32>} : memref<32960xf32, #tpu.memory_space<vmem>>, vector<16xf32>,
        tpu.vector_store %arg6[%swap3A_891], %gather3A_747 {strides = array<i32>} : memref<32960xf32, #tpu.memory_space<vmem>>, vector<16xf32>,
        %add3A_893 = arith.constant 48 : i32
        %add3A_894 = arith.addi %add3A_880, %add3A_893 : i32
        %swap3A_895 = arith.index_cast %add3A_894 : i32 to index
        %swap3A_896 = tpu.vector_load %arg6[%swap3A_895] {strides = array<i32>} : memref<32960xf32, #tpu.memory_space<vmem>>, vector<16xf32>,
        tpu.vector_store %arg6[%swap3A_895], %gather3A_756 {strides = array<i32>} : memref<32960xf32, #tpu.memory_space<vmem>>, vector<16xf32>,
        %add3A_897 = arith.constant 64 : i32
        %add3A_898 = arith.addi %add3A_880, %add3A_897 : i32
        %swap3A_899 = arith.index_cast %add3A_898 : i32 to index
        %swap3A_900 = tpu.vector_load %arg6[%swap3A_899] {strides = array<i32>} : memref<32960xf32, #tpu.memory_space<vmem>>, vector<16xf32>,
        tpu.vector_store %arg6[%swap3A_899], %gather3A_765 {strides = array<i32>} : memref<32960xf32, #tpu.memory_space<vmem>>, vector<16xf32>,
        %add3A_901 = arith.constant 80 : i32
        %add3A_902 = arith.addi %add3A_880, %add3A_901 : i32
        %swap3A_903 = arith.index_cast %add3A_902 : i32 to index
        %swap3A_904 = tpu.vector_load %arg6[%swap3A_903] {strides = array<i32>} : memref<32960xf32, #tpu.memory_space<vmem>>, vector<16xf32>,
        tpu.vector_store %arg6[%swap3A_903], %gather3A_774 {strides = array<i32>} : memref<32960xf32, #tpu.memory_space<vmem>>, vector<16xf32>,
        %add3A_905 = arith.constant 96 : i32
        %add3A_906 = arith.addi %add3A_880, %add3A_905 : i32
        %swap3A_907 = arith.index_cast %add3A_906 : i32 to index
        %swap3A_908 = tpu.vector_load %arg6[%swap3A_907] {strides = array<i32>} : memref<32960xf32, #tpu.memory_space<vmem>>, vector<16xf32>,
        tpu.vector_store %arg6[%swap3A_907], %gather3A_783 {strides = array<i32>} : memref<32960xf32, #tpu.memory_space<vmem>>, vector<16xf32>,
        %add3A_909 = arith.constant 112 : i32
        %add3A_910 = arith.addi %add3A_880, %add3A_909 : i32
        %swap3A_911 = arith.index_cast %add3A_910 : i32 to index
        %swap3A_912 = tpu.vector_load %arg6[%swap3A_911] {strides = array<i32>} : memref<32960xf32, #tpu.memory_space<vmem>>, vector<16xf32>,
        tpu.vector_store %arg6[%swap3A_911], %gather3A_792 {strides = array<i32>} : memref<32960xf32, #tpu.memory_space<vmem>>, vector<16xf32>,
        %add3A_913 = arith.constant 128 : i32
        %add3A_914 = arith.addi %add3A_880, %add3A_913 : i32
        %swap3A_915 = arith.index_cast %add3A_914 : i32 to index
        %swap3A_916 = tpu.vector_load %arg6[%swap3A_915] {strides = array<i32>} : memref<32960xf32, #tpu.memory_space<vmem>>, vector<16xf32>,
        tpu.vector_store %arg6[%swap3A_915], %gather3A_801 {strides = array<i32>} : memref<32960xf32, #tpu.memory_space<vmem>>, vector<16xf32>,
        %add3A_917 = arith.constant 144 : i32
        %add3A_918 = arith.addi %add3A_880, %add3A_917 : i32
        %swap3A_919 = arith.index_cast %add3A_918 : i32 to index
        %swap3A_920 = tpu.vector_load %arg6[%swap3A_919] {strides = array<i32>} : memref<32960xf32, #tpu.memory_space<vmem>>, vector<16xf32>,
        tpu.vector_store %arg6[%swap3A_919], %gather3A_810 {strides = array<i32>} : memref<32960xf32, #tpu.memory_space<vmem>>, vector<16xf32>,
        %add3A_921 = arith.constant 160 : i32
        %add3A_922 = arith.addi %add3A_880, %add3A_921 : i32
        %swap3A_923 = arith.index_cast %add3A_922 : i32 to index
        %swap3A_924 = tpu.vector_load %arg6[%swap3A_923] {strides = array<i32>} : memref<32960xf32, #tpu.memory_space<vmem>>, vector<16xf32>,
        tpu.vector_store %arg6[%swap3A_923], %gather3A_819 {strides = array<i32>} : memref<32960xf32, #tpu.memory_space<vmem>>, vector<16xf32>,
        %add3A_925 = arith.constant 176 : i32
        %add3A_926 = arith.addi %add3A_880, %add3A_925 : i32
        %swap3A_927 = arith.index_cast %add3A_926 : i32 to index
        %swap3A_928 = tpu.vector_load %arg6[%swap3A_927] {strides = array<i32>} : memref<32960xf32, #tpu.memory_space<vmem>>, vector<16xf32>,
        tpu.vector_store %arg6[%swap3A_927], %gather3A_828 {strides = array<i32>} : memref<32960xf32, #tpu.memory_space<vmem>>, vector<16xf32>,
        %sub3A_929 = arith.constant 192 : i32
        %sub3A_930 = arith.subi %sub3A_929, %mul3A_528 : i32
        %sub3A_931 = arith.constant 1 : i32
        %sub3A_932 = arith.subi %sub3A_930, %sub3A_931 : i32
        %add3A_933 = arith.addi %add3A_880, %sub3A_932 : i32
        scf.yield %add3A_933 : i32
      }
      %scan3A_406 = arith.constant 32 : i32
      %dma_wait3A_407 = arith.constant 0 : i32
      %dma_wait3A_408 = arith.constant 0 : i32
      %dma_wait3A_409 = arith.constant 0 : i32
      %dma_wait3A_410 = arith.constant 0 : i32
      %dma_wait3A_411 = arith.constant 128 : i32
      %dma_wait3A_412 = tpu.memref_slice %arg4[%dma_wait3A_408, %dma_wait3A_409, %dma_wait3A_410, %dma_wait3A_411] : memref<2x8x8x256xf32, #tpu.memory_space<vmem>> -> memref<1x8x8x128xf32, #tpu.memory_space<vmem>>
      %dma_wait3A_413 = tpu.memref_squeeze %dma_wait3A_412 : memref<1x8x8x128xf32, #tpu.memory_space<vmem>> -> memref<8x8x128xf32, #tpu.memory_space<vmem>>
      %dma_wait3A_414 = arith.constant 16 : i32
      %dma_wait3A_415 = arith.constant 0 : i32
      %dma_wait3A_416 = arith.constant 128 : i32
      %dma_wait3A_417 = tpu.memref_slice %arg2[%dma_wait3A_407, %dma_wait3A_414, %dma_wait3A_415, %dma_wait3A_416] : memref<1024x32x8x256xf32, #tpu.memory_space<hbm>> -> memref<1x8x8x128xf32, #tpu.memory_space<hbm>>
      %dma_wait3A_418 = tpu.memref_squeeze %dma_wait3A_417 : memref<1x8x8x128xf32, #tpu.memory_space<hbm>> -> memref<8x8x128xf32, #tpu.memory_space<hbm>>
      %dma_wait3A_419 = arith.constant 0 : i32
      %dma_wait3A_420 = arith.constant 0 : i32
      %dma_wait3A_421 = arith.constant 128 : i32
      %dma_wait3A_422 = tpu.memref_slice %arg4[%dma_wait3A_408, %dma_wait3A_419, %dma_wait3A_420, %dma_wait3A_421] : memref<2x8x8x256xf32, #tpu.memory_space<vmem>> -> memref<1x8x8x128xf32, #tpu.memory_space<vmem>>
      %dma_wait3A_423 = tpu.memref_squeeze %dma_wait3A_422 : memref<1x8x8x128xf32, #tpu.memory_space<vmem>> -> memref<8x8x128xf32, #tpu.memory_space<vmem>>
      %dma_wait3A_424 = arith.constant 16 : i32
      %dma_wait3A_425 = arith.constant 0 : i32
      %dma_wait3A_426 = arith.constant 128 : i32
      %dma_wait3A_427 = tpu.memref_slice %arg2[%dma_wait3A_407, %dma_wait3A_424, %dma_wait3A_425, %dma_wait3A_426] : memref<1024x32x8x256xf32, #tpu.memory_space<hbm>> -> memref<1x8x8x128xf32, #tpu.memory_space<hbm>>
      %dma_wait3A_428 = tpu.memref_squeeze %dma_wait3A_427 : memref<1x8x8x128xf32, #tpu.memory_space<hbm>> -> memref<8x8x128xf32, #tpu.memory_space<hbm>>
      tpu.wait_dma2 semaphore(%arg7 : memref<!tpu.dma_semaphore, #tpu.memory_space<semaphore_mem>>) src(%dma_wait3A_428 : memref<8x8x128xf32, #tpu.memory_space<hbm>>) dst(%dma_wait3A_423 : memref<8x8x128xf32, #tpu.memory_space<vmem>>)
      %add3A_429 = arith.addi %mul3A_2, %add3A_297 : i32
      %dma_start3A_430 = arith.constant 1 : i32
      %dma_start3A_431 = arith.constant 0 : i32
      %dma_start3A_432 = arith.constant 0 : i32
      %dma_start3A_433 = arith.constant 128 : i32
      %dma_start3A_434 = tpu.memref_slice %arg4[%dma_start3A_430, %dma_start3A_431, %dma_start3A_432, %dma_start3A_433] : memref<2x8x8x256xf32, #tpu.memory_space<vmem>> -> memref<1x8x8x128xf32, #tpu.memory_space<vmem>>
      %dma_start3A_435 = tpu.memref_squeeze %dma_start3A_434 : memref<1x8x8x128xf32, #tpu.memory_space<vmem>> -> memref<8x8x128xf32, #tpu.memory_space<vmem>>
      %dma_start3A_436 = arith.constant 24 : i32
      %dma_start3A_437 = arith.constant 0 : i32
      %dma_start3A_438 = arith.constant 128 : i32
      %dma_start3A_439 = tpu.memref_slice %arg2[%add3A_429, %dma_start3A_436, %dma_start3A_437, %dma_start3A_438] : memref<1024x32x8x256xf32, #tpu.memory_space<hbm>> -> memref<1x8x8x128xf32, #tpu.memory_space<hbm>>
      %dma_start3A_440 = tpu.memref_squeeze %dma_start3A_439 : memref<1x8x8x128xf32, #tpu.memory_space<hbm>> -> memref<8x8x128xf32, #tpu.memory_space<hbm>>
      %dma_start3A_441 = arith.constant 0 : i32
      %dma_start3A_442 = arith.constant 0 : i32
      %dma_start3A_443 = arith.constant 128 : i32
      %dma_start3A_444 = tpu.memref_slice %arg4[%dma_start3A_430, %dma_start3A_441, %dma_start3A_442, %dma_start3A_443] : memref<2x8x8x256xf32, #tpu.memory_space<vmem>> -> memref<1x8x8x128xf32, #tpu.memory_space<vmem>>
      %dma_start3A_445 = tpu.memref_squeeze %dma_start3A_444 : memref<1x8x8x128xf32, #tpu.memory_space<vmem>> -> memref<8x8x128xf32, #tpu.memory_space<vmem>>
      %dma_start3A_446 = arith.constant 24 : i32
      %dma_start3A_447 = arith.constant 0 : i32
      %dma_start3A_448 = arith.constant 128 : i32
      %dma_start3A_449 = tpu.memref_slice %arg2[%add3A_429, %dma_start3A_446, %dma_start3A_447, %dma_start3A_448] : memref<1024x32x8x256xf32, #tpu.memory_space<hbm>> -> memref<1x8x8x128xf32, #tpu.memory_space<hbm>>
      %dma_start3A_450 = tpu.memref_squeeze %dma_start3A_449 : memref<1x8x8x128xf32, #tpu.memory_space<hbm>> -> memref<8x8x128xf32, #tpu.memory_space<hbm>>
      tpu.enqueue_dma source(%dma_start3A_450 : memref<8x8x128xf32, #tpu.memory_space<hbm>>) target(%dma_start3A_445 : memref<8x8x128xf32, #tpu.memory_space<vmem>>) target_semaphore(%arg8 : memref<!tpu.dma_semaphore, #tpu.memory_space<semaphore_mem>>)
      %scan3A_451 = arith.constant 0 : i32
      %scan3A_452 = arith.constant 24640 : i32
      %scan3A_453 = arith.constant 0 : i32
      %scan3A_454 = arith.constant 32 : i32
      %scan3A_455 = arith.addi %scan3A_453, %scan3A_454 : i32
      %scan3A_456 = arith.constant 1 : i32
      %scan3A_457 = scf.for %scan3A_525 = %scan3A_453 to %scan3A_455 step %scan3A_456 iter_args(%scan3A_526 = %scan3A_452) -> (i32)  : i32 {
        %mul3A_527 = arith.constant 2 : i32
        %mul3A_528 = arith.muli %mul3A_527, %scan3A_525 : i32
        %add3A_529 = arith.constant 0 : i32
        %add3A_530 = arith.addi %mul3A_528, %add3A_529 : i32
        %jit3A = arith.constant 8 : i32
        %div3A = arith.divsi %add3A_530, %jit3A : i32
        %sign3A = arith.constant 0 : i32
        %sign3A_531 = arith.cmpi sgt, %add3A_530, %sign3A : i32
        %sign3A_532 = arith.extui %sign3A_531 : i1 to i32
        %sign3A_533 = arith.constant 0 : i32
        %sign3A_534 = arith.cmpi slt, %add3A_530, %sign3A_533 : i32
        %sign3A_535 = arith.extui %sign3A_534 : i1 to i32
        %sign3A_536 = arith.subi %sign3A_532, %sign3A_535 : i32
        %sign3A_537 = arith.constant 0 : i32
        %sign3A_538 = arith.cmpi sgt, %jit3A, %sign3A_537 : i32
        %sign3A_539 = arith.extui %sign3A_538 : i1 to i32
        %sign3A_540 = arith.constant 0 : i32
        %sign3A_541 = arith.cmpi slt, %jit3A, %sign3A_540 : i32
        %sign3A_542 = arith.extui %sign3A_541 : i1 to i32
        %sign3A_543 = arith.subi %sign3A_539, %sign3A_542 : i32
        %ne3A = arith.cmpi ne, %sign3A_536, %sign3A_543 : i32
        %rem3A = arith.remsi %add3A_530, %jit3A : i32
        %ne3A_544 = arith.constant 0 : i32
        %ne3A_545 = arith.cmpi ne, %rem3A, %ne3A_544 : i32
        %and3A = arith.andi %ne3A, %ne3A_545 : i1
        %sub3A = arith.constant 1 : i32
        %sub3A_546 = arith.subi %div3A, %sub3A : i32
        %select_n3A = arith.select %and3A, %sub3A_546, %div3A : i32
        %broadcast_in_dim3A = vector.broadcast %select_n3A : i32 to vector<16xi32>
        %jit3A_547 = arith.constant 8 : i32
        %eq3A = arith.constant 0 : i32
        %eq3A_548 = arith.cmpi eq, %jit3A_547, %eq3A : i32
        %jit3A_549 = arith.constant 1 : i32
        %select_n3A_550 = arith.select %eq3A_548, %jit3A_549, %jit3A_547 : i32
        %rem3A_551 = arith.remsi %add3A_530, %select_n3A_550 : i32
        %ne3A_552 = arith.constant 0 : i32
        %ne3A_553 = arith.cmpi ne, %rem3A_551, %ne3A_552 : i32
        %lt3A = arith.constant 0 : i32
        %lt3A_554 = arith.cmpi slt, %rem3A_551, %lt3A : i32
        %lt3A_555 = arith.constant 0 : i32
        %lt3A_556 = arith.cmpi slt, %select_n3A_550, %lt3A_555 : i32
        %ne3A_557 = arith.xori %lt3A_554, %lt3A_556 : i1
        %and3A_558 = arith.andi %ne3A_557, %ne3A_553 : i1
        %add3A_559 = arith.addi %rem3A_551, %select_n3A_550 : i32
        %select_n3A_560 = arith.select %and3A_558, %add3A_559, %rem3A_551 : i32
        %broadcast_in_dim3A_561 = vector.broadcast %select_n3A_560 : i32 to vector<16xi32>
        %add3A_562 = arith.constant 128 : i32
        %add3A_563 = arith.addi %add3A_562, %add3A_530 : i32
        %add3A_564 = vector.broadcast %add3A_563 : i32 to vector<16xi32>
        %add3A_565 = arith.addi %add3A_564, %iota3A : vector<16xi32>
        %add3A_566 = arith.constant 0 : i32
        %add3A_567 = vector.broadcast %add3A_566 : i32 to vector<16xi32>
        %add3A_568 = arith.addi %add3A_565, %add3A_567 : vector<16xi32>
        %gather3A = arith.constant 0 : i32
        %gather3A_569 = arith.constant 0 : i32
        %gather3A_570 = arith.constant 0 : i32
        %gather3A_571 = tpu.memref_slice %arg4[%scan3A_451, %gather3A, %gather3A_569, %gather3A_570] : memref<2x8x8x256xf32, #tpu.memory_space<vmem>> -> memref<1x8x8x256xf32, #tpu.memory_space<vmem>>
        %gather3A_572 = tpu.memref_squeeze %gather3A_571 : memref<1x8x8x256xf32, #tpu.memory_space<vmem>> -> memref<8x8x256xf32, #tpu.memory_space<vmem>>
        %gather3A_573 = tpu.vector_load_idx %gather3A_572[%broadcast_in_dim3A, %broadcast_in_dim3A_561, %add3A_568] : memref<8x8x256xf32, #tpu.memory_space<vmem>>[vector<16xi32>, vector<16xi32>, vector<16xi32>], vector<16xf32>,
        %add3A_574 = arith.constant 16 : i32
        %add3A_575 = vector.broadcast %add3A_574 : i32 to vector<16xi32>
        %add3A_576 = arith.addi %add3A_565, %add3A_575 : vector<16xi32>
        %gather3A_577 = arith.constant 0 : i32
        %gather3A_578 = arith.constant 0 : i32
        %gather3A_579 = arith.constant 0 : i32
        %gather3A_580 = tpu.memref_slice %arg4[%scan3A_451, %gather3A_577, %gather3A_578, %gather3A_579] : memref<2x8x8x256xf32, #tpu.memory_space<vmem>> -> memref<1x8x8x256xf32, #tpu.memory_space<vmem>>
        %gather3A_581 = tpu.memref_squeeze %gather3A_580 : memref<1x8x8x256xf32, #tpu.memory_space<vmem>> -> memref<8x8x256xf32, #tpu.memory_space<vmem>>
        %gather3A_582 = tpu.vector_load_idx %gather3A_581[%broadcast_in_dim3A, %broadcast_in_dim3A_561, %add3A_576] : memref<8x8x256xf32, #tpu.memory_space<vmem>>[vector<16xi32>, vector<16xi32>, vector<16xi32>], vector<16xf32>,
        %add3A_583 = arith.constant 32 : i32
        %add3A_584 = vector.broadcast %add3A_583 : i32 to vector<16xi32>
        %add3A_585 = arith.addi %add3A_565, %add3A_584 : vector<16xi32>
        %gather3A_586 = arith.constant 0 : i32
        %gather3A_587 = arith.constant 0 : i32
        %gather3A_588 = arith.constant 0 : i32
        %gather3A_589 = tpu.memref_slice %arg4[%scan3A_451, %gather3A_586, %gather3A_587, %gather3A_588] : memref<2x8x8x256xf32, #tpu.memory_space<vmem>> -> memref<1x8x8x256xf32, #tpu.memory_space<vmem>>
        %gather3A_590 = tpu.memref_squeeze %gather3A_589 : memref<1x8x8x256xf32, #tpu.memory_space<vmem>> -> memref<8x8x256xf32, #tpu.memory_space<vmem>>
        %gather3A_591 = tpu.vector_load_idx %gather3A_590[%broadcast_in_dim3A, %broadcast_in_dim3A_561, %add3A_585] : memref<8x8x256xf32, #tpu.memory_space<vmem>>[vector<16xi32>, vector<16xi32>, vector<16xi32>], vector<16xf32>,
        %add3A_592 = arith.constant 48 : i32
        %add3A_593 = vector.broadcast %add3A_592 : i32 to vector<16xi32>
        %add3A_594 = arith.addi %add3A_565, %add3A_593 : vector<16xi32>
        %gather3A_595 = arith.constant 0 : i32
        %gather3A_596 = arith.constant 0 : i32
        %gather3A_597 = arith.constant 0 : i32
        %gather3A_598 = tpu.memref_slice %arg4[%scan3A_451, %gather3A_595, %gather3A_596, %gather3A_597] : memref<2x8x8x256xf32, #tpu.memory_space<vmem>> -> memref<1x8x8x256xf32, #tpu.memory_space<vmem>>
        %gather3A_599 = tpu.memref_squeeze %gather3A_598 : memref<1x8x8x256xf32, #tpu.memory_space<vmem>> -> memref<8x8x256xf32, #tpu.memory_space<vmem>>
        %gather3A_600 = tpu.vector_load_idx %gather3A_599[%broadcast_in_dim3A, %broadcast_in_dim3A_561, %add3A_594] : memref<8x8x256xf32, #tpu.memory_space<vmem>>[vector<16xi32>, vector<16xi32>, vector<16xi32>], vector<16xf32>,
        %add3A_601 = arith.constant 64 : i32
        %add3A_602 = vector.broadcast %add3A_601 : i32 to vector<16xi32>
        %add3A_603 = arith.addi %add3A_565, %add3A_602 : vector<16xi32>
        %gather3A_604 = arith.constant 0 : i32
        %gather3A_605 = arith.constant 0 : i32
        %gather3A_606 = arith.constant 0 : i32
        %gather3A_607 = tpu.memref_slice %arg4[%scan3A_451, %gather3A_604, %gather3A_605, %gather3A_606] : memref<2x8x8x256xf32, #tpu.memory_space<vmem>> -> memref<1x8x8x256xf32, #tpu.memory_space<vmem>>
        %gather3A_608 = tpu.memref_squeeze %gather3A_607 : memref<1x8x8x256xf32, #tpu.memory_space<vmem>> -> memref<8x8x256xf32, #tpu.memory_space<vmem>>
        %gather3A_609 = tpu.vector_load_idx %gather3A_608[%broadcast_in_dim3A, %broadcast_in_dim3A_561, %add3A_603] : memref<8x8x256xf32, #tpu.memory_space<vmem>>[vector<16xi32>, vector<16xi32>, vector<16xi32>], vector<16xf32>,
        %add3A_610 = arith.constant 80 : i32
        %add3A_611 = vector.broadcast %add3A_610 : i32 to vector<16xi32>
        %add3A_612 = arith.addi %add3A_565, %add3A_611 : vector<16xi32>
        %gather3A_613 = arith.constant 0 : i32
        %gather3A_614 = arith.constant 0 : i32
        %gather3A_615 = arith.constant 0 : i32
        %gather3A_616 = tpu.memref_slice %arg4[%scan3A_451, %gather3A_613, %gather3A_614, %gather3A_615] : memref<2x8x8x256xf32, #tpu.memory_space<vmem>> -> memref<1x8x8x256xf32, #tpu.memory_space<vmem>>
        %gather3A_617 = tpu.memref_squeeze %gather3A_616 : memref<1x8x8x256xf32, #tpu.memory_space<vmem>> -> memref<8x8x256xf32, #tpu.memory_space<vmem>>
        %gather3A_618 = tpu.vector_load_idx %gather3A_617[%broadcast_in_dim3A, %broadcast_in_dim3A_561, %add3A_612] : memref<8x8x256xf32, #tpu.memory_space<vmem>>[vector<16xi32>, vector<16xi32>, vector<16xi32>], vector<16xf32>,
        %add3A_619 = arith.constant 96 : i32
        %add3A_620 = vector.broadcast %add3A_619 : i32 to vector<16xi32>
        %add3A_621 = arith.addi %add3A_565, %add3A_620 : vector<16xi32>
        %gather3A_622 = arith.constant 0 : i32
        %gather3A_623 = arith.constant 0 : i32
        %gather3A_624 = arith.constant 0 : i32
        %gather3A_625 = tpu.memref_slice %arg4[%scan3A_451, %gather3A_622, %gather3A_623, %gather3A_624] : memref<2x8x8x256xf32, #tpu.memory_space<vmem>> -> memref<1x8x8x256xf32, #tpu.memory_space<vmem>>
        %gather3A_626 = tpu.memref_squeeze %gather3A_625 : memref<1x8x8x256xf32, #tpu.memory_space<vmem>> -> memref<8x8x256xf32, #tpu.memory_space<vmem>>
        %gather3A_627 = tpu.vector_load_idx %gather3A_626[%broadcast_in_dim3A, %broadcast_in_dim3A_561, %add3A_621] : memref<8x8x256xf32, #tpu.memory_space<vmem>>[vector<16xi32>, vector<16xi32>, vector<16xi32>], vector<16xf32>,
        %add3A_628 = arith.constant 112 : i32
        %add3A_629 = vector.broadcast %add3A_628 : i32 to vector<16xi32>
        %add3A_630 = arith.addi %add3A_565, %add3A_629 : vector<16xi32>
        %gather3A_631 = arith.constant 0 : i32
        %gather3A_632 = arith.constant 0 : i32
        %gather3A_633 = arith.constant 0 : i32
        %gather3A_634 = tpu.memref_slice %arg4[%scan3A_451, %gather3A_631, %gather3A_632, %gather3A_633] : memref<2x8x8x256xf32, #tpu.memory_space<vmem>> -> memref<1x8x8x256xf32, #tpu.memory_space<vmem>>
        %gather3A_635 = tpu.memref_squeeze %gather3A_634 : memref<1x8x8x256xf32, #tpu.memory_space<vmem>> -> memref<8x8x256xf32, #tpu.memory_space<vmem>>
        %gather3A_636 = tpu.vector_load_idx %gather3A_635[%broadcast_in_dim3A, %broadcast_in_dim3A_561, %add3A_630] : memref<8x8x256xf32, #tpu.memory_space<vmem>>[vector<16xi32>, vector<16xi32>, vector<16xi32>], vector<16xf32>,
        %add3A_637 = arith.constant 1 : i32
        %add3A_638 = arith.addi %mul3A_528, %add3A_637 : i32
        %jit3A_639 = arith.constant 8 : i32
        %div3A_640 = arith.divsi %add3A_638, %jit3A_639 : i32
        %sign3A_641 = arith.constant 0 : i32
        %sign3A_642 = arith.cmpi sgt, %add3A_638, %sign3A_641 : i32
        %sign3A_643 = arith.extui %sign3A_642 : i1 to i32
        %sign3A_644 = arith.constant 0 : i32
        %sign3A_645 = arith.cmpi slt, %add3A_638, %sign3A_644 : i32
        %sign3A_646 = arith.extui %sign3A_645 : i1 to i32
        %sign3A_647 = arith.subi %sign3A_643, %sign3A_646 : i32
        %sign3A_648 = arith.constant 0 : i32
        %sign3A_649 = arith.cmpi sgt, %jit3A_639, %sign3A_648 : i32
        %sign3A_650 = arith.extui %sign3A_649 : i1 to i32
        %sign3A_651 = arith.constant 0 : i32
        %sign3A_652 = arith.cmpi slt, %jit3A_639, %sign3A_651 : i32
        %sign3A_653 = arith.extui %sign3A_652 : i1 to i32
        %sign3A_654 = arith.subi %sign3A_650, %sign3A_653 : i32
        %ne3A_655 = arith.cmpi ne, %sign3A_647, %sign3A_654 : i32
        %rem3A_656 = arith.remsi %add3A_638, %jit3A_639 : i32
        %ne3A_657 = arith.constant 0 : i32
        %ne3A_658 = arith.cmpi ne, %rem3A_656, %ne3A_657 : i32
        %and3A_659 = arith.andi %ne3A_655, %ne3A_658 : i1
        %sub3A_660 = arith.constant 1 : i32
        %sub3A_661 = arith.subi %div3A_640, %sub3A_660 : i32
        %select_n3A_662 = arith.select %and3A_659, %sub3A_661, %div3A_640 : i32
        %broadcast_in_dim3A_663 = vector.broadcast %select_n3A_662 : i32 to vector<16xi32>
        %jit3A_664 = arith.constant 8 : i32
        %eq3A_665 = arith.constant 0 : i32
        %eq3A_666 = arith.cmpi eq, %jit3A_664, %eq3A_665 : i32
        %jit3A_667 = arith.constant 1 : i32
        %select_n3A_668 = arith.select %eq3A_666, %jit3A_667, %jit3A_664 : i32
        %rem3A_669 = arith.remsi %add3A_638, %select_n3A_668 : i32
        %ne3A_670 = arith.constant 0 : i32
        %ne3A_671 = arith.cmpi ne, %rem3A_669, %ne3A_670 : i32
        %lt3A_672 = arith.constant 0 : i32
        %lt3A_673 = arith.cmpi slt, %rem3A_669, %lt3A_672 : i32
        %lt3A_674 = arith.constant 0 : i32
        %lt3A_675 = arith.cmpi slt, %select_n3A_668, %lt3A_674 : i32
        %ne3A_676 = arith.xori %lt3A_673, %lt3A_675 : i1
        %and3A_677 = arith.andi %ne3A_676, %ne3A_671 : i1
        %add3A_678 = arith.addi %rem3A_669, %select_n3A_668 : i32
        %select_n3A_679 = arith.select %and3A_677, %add3A_678, %rem3A_669 : i32
        %broadcast_in_dim3A_680 = vector.broadcast %select_n3A_679 : i32 to vector<16xi32>
        %add3A_681 = arith.constant 128 : i32
        %add3A_682 = arith.addi %add3A_681, %add3A_638 : i32
        %add3A_683 = vector.broadcast %add3A_682 : i32 to vector<16xi32>
        %add3A_684 = arith.addi %add3A_683, %iota3A : vector<16xi32>
        %add3A_685 = arith.constant 0 : i32
        %add3A_686 = vector.broadcast %add3A_685 : i32 to vector<16xi32>
        %add3A_687 = arith.addi %add3A_684, %add3A_686 : vector<16xi32>
        %gather3A_688 = arith.constant 0 : i32
        %gather3A_689 = arith.constant 0 : i32
        %gather3A_690 = arith.constant 0 : i32
        %gather3A_691 = tpu.memref_slice %arg4[%scan3A_451, %gather3A_688, %gather3A_689, %gather3A_690] : memref<2x8x8x256xf32, #tpu.memory_space<vmem>> -> memref<1x8x8x256xf32, #tpu.memory_space<vmem>>
        %gather3A_692 = tpu.memref_squeeze %gather3A_691 : memref<1x8x8x256xf32, #tpu.memory_space<vmem>> -> memref<8x8x256xf32, #tpu.memory_space<vmem>>
        %gather3A_693 = tpu.vector_load_idx %gather3A_692[%broadcast_in_dim3A_663, %broadcast_in_dim3A_680, %add3A_687] : memref<8x8x256xf32, #tpu.memory_space<vmem>>[vector<16xi32>, vector<16xi32>, vector<16xi32>], vector<16xf32>,
        %add3A_694 = arith.constant 16 : i32
        %add3A_695 = vector.broadcast %add3A_694 : i32 to vector<16xi32>
        %add3A_696 = arith.addi %add3A_684, %add3A_695 : vector<16xi32>
        %gather3A_697 = arith.constant 0 : i32
        %gather3A_698 = arith.constant 0 : i32
        %gather3A_699 = arith.constant 0 : i32
        %gather3A_700 = tpu.memref_slice %arg4[%scan3A_451, %gather3A_697, %gather3A_698, %gather3A_699] : memref<2x8x8x256xf32, #tpu.memory_space<vmem>> -> memref<1x8x8x256xf32, #tpu.memory_space<vmem>>
        %gather3A_701 = tpu.memref_squeeze %gather3A_700 : memref<1x8x8x256xf32, #tpu.memory_space<vmem>> -> memref<8x8x256xf32, #tpu.memory_space<vmem>>
        %gather3A_702 = tpu.vector_load_idx %gather3A_701[%broadcast_in_dim3A_663, %broadcast_in_dim3A_680, %add3A_696] : memref<8x8x256xf32, #tpu.memory_space<vmem>>[vector<16xi32>, vector<16xi32>, vector<16xi32>], vector<16xf32>,
        %add3A_703 = arith.constant 32 : i32
        %add3A_704 = vector.broadcast %add3A_703 : i32 to vector<16xi32>
        %add3A_705 = arith.addi %add3A_684, %add3A_704 : vector<16xi32>
        %gather3A_706 = arith.constant 0 : i32
        %gather3A_707 = arith.constant 0 : i32
        %gather3A_708 = arith.constant 0 : i32
        %gather3A_709 = tpu.memref_slice %arg4[%scan3A_451, %gather3A_706, %gather3A_707, %gather3A_708] : memref<2x8x8x256xf32, #tpu.memory_space<vmem>> -> memref<1x8x8x256xf32, #tpu.memory_space<vmem>>
        %gather3A_710 = tpu.memref_squeeze %gather3A_709 : memref<1x8x8x256xf32, #tpu.memory_space<vmem>> -> memref<8x8x256xf32, #tpu.memory_space<vmem>>
        %gather3A_711 = tpu.vector_load_idx %gather3A_710[%broadcast_in_dim3A_663, %broadcast_in_dim3A_680, %add3A_705] : memref<8x8x256xf32, #tpu.memory_space<vmem>>[vector<16xi32>, vector<16xi32>, vector<16xi32>], vector<16xf32>,
        %add3A_712 = arith.constant 48 : i32
        %add3A_713 = vector.broadcast %add3A_712 : i32 to vector<16xi32>
        %add3A_714 = arith.addi %add3A_684, %add3A_713 : vector<16xi32>
        %gather3A_715 = arith.constant 0 : i32
        %gather3A_716 = arith.constant 0 : i32
        %gather3A_717 = arith.constant 0 : i32
        %gather3A_718 = tpu.memref_slice %arg4[%scan3A_451, %gather3A_715, %gather3A_716, %gather3A_717] : memref<2x8x8x256xf32, #tpu.memory_space<vmem>> -> memref<1x8x8x256xf32, #tpu.memory_space<vmem>>
        %gather3A_719 = tpu.memref_squeeze %gather3A_718 : memref<1x8x8x256xf32, #tpu.memory_space<vmem>> -> memref<8x8x256xf32, #tpu.memory_space<vmem>>
        %gather3A_720 = tpu.vector_load_idx %gather3A_719[%broadcast_in_dim3A_663, %broadcast_in_dim3A_680, %add3A_714] : memref<8x8x256xf32, #tpu.memory_space<vmem>>[vector<16xi32>, vector<16xi32>, vector<16xi32>], vector<16xf32>,
        %add3A_721 = arith.constant 64 : i32
        %add3A_722 = vector.broadcast %add3A_721 : i32 to vector<16xi32>
        %add3A_723 = arith.addi %add3A_684, %add3A_722 : vector<16xi32>
        %gather3A_724 = arith.constant 0 : i32
        %gather3A_725 = arith.constant 0 : i32
        %gather3A_726 = arith.constant 0 : i32
        %gather3A_727 = tpu.memref_slice %arg4[%scan3A_451, %gather3A_724, %gather3A_725, %gather3A_726] : memref<2x8x8x256xf32, #tpu.memory_space<vmem>> -> memref<1x8x8x256xf32, #tpu.memory_space<vmem>>
        %gather3A_728 = tpu.memref_squeeze %gather3A_727 : memref<1x8x8x256xf32, #tpu.memory_space<vmem>> -> memref<8x8x256xf32, #tpu.memory_space<vmem>>
        %gather3A_729 = tpu.vector_load_idx %gather3A_728[%broadcast_in_dim3A_663, %broadcast_in_dim3A_680, %add3A_723] : memref<8x8x256xf32, #tpu.memory_space<vmem>>[vector<16xi32>, vector<16xi32>, vector<16xi32>], vector<16xf32>,
        %add3A_730 = arith.constant 80 : i32
        %add3A_731 = vector.broadcast %add3A_730 : i32 to vector<16xi32>
        %add3A_732 = arith.addi %add3A_684, %add3A_731 : vector<16xi32>
        %gather3A_733 = arith.constant 0 : i32
        %gather3A_734 = arith.constant 0 : i32
        %gather3A_735 = arith.constant 0 : i32
        %gather3A_736 = tpu.memref_slice %arg4[%scan3A_451, %gather3A_733, %gather3A_734, %gather3A_735] : memref<2x8x8x256xf32, #tpu.memory_space<vmem>> -> memref<1x8x8x256xf32, #tpu.memory_space<vmem>>
        %gather3A_737 = tpu.memref_squeeze %gather3A_736 : memref<1x8x8x256xf32, #tpu.memory_space<vmem>> -> memref<8x8x256xf32, #tpu.memory_space<vmem>>
        %gather3A_738 = tpu.vector_load_idx %gather3A_737[%broadcast_in_dim3A_663, %broadcast_in_dim3A_680, %add3A_732] : memref<8x8x256xf32, #tpu.memory_space<vmem>>[vector<16xi32>, vector<16xi32>, vector<16xi32>], vector<16xf32>,
        %add3A_739 = arith.constant 96 : i32
        %add3A_740 = vector.broadcast %add3A_739 : i32 to vector<16xi32>
        %add3A_741 = arith.addi %add3A_684, %add3A_740 : vector<16xi32>
        %gather3A_742 = arith.constant 0 : i32
        %gather3A_743 = arith.constant 0 : i32
        %gather3A_744 = arith.constant 0 : i32
        %gather3A_745 = tpu.memref_slice %arg4[%scan3A_451, %gather3A_742, %gather3A_743, %gather3A_744] : memref<2x8x8x256xf32, #tpu.memory_space<vmem>> -> memref<1x8x8x256xf32, #tpu.memory_space<vmem>>
        %gather3A_746 = tpu.memref_squeeze %gather3A_745 : memref<1x8x8x256xf32, #tpu.memory_space<vmem>> -> memref<8x8x256xf32, #tpu.memory_space<vmem>>
        %gather3A_747 = tpu.vector_load_idx %gather3A_746[%broadcast_in_dim3A_663, %broadcast_in_dim3A_680, %add3A_741] : memref<8x8x256xf32, #tpu.memory_space<vmem>>[vector<16xi32>, vector<16xi32>, vector<16xi32>], vector<16xf32>,
        %add3A_748 = arith.constant 112 : i32
        %add3A_749 = vector.broadcast %add3A_748 : i32 to vector<16xi32>
        %add3A_750 = arith.addi %add3A_684, %add3A_749 : vector<16xi32>
        %gather3A_751 = arith.constant 0 : i32
        %gather3A_752 = arith.constant 0 : i32
        %gather3A_753 = arith.constant 0 : i32
        %gather3A_754 = tpu.memref_slice %arg4[%scan3A_451, %gather3A_751, %gather3A_752, %gather3A_753] : memref<2x8x8x256xf32, #tpu.memory_space<vmem>> -> memref<1x8x8x256xf32, #tpu.memory_space<vmem>>
        %gather3A_755 = tpu.memref_squeeze %gather3A_754 : memref<1x8x8x256xf32, #tpu.memory_space<vmem>> -> memref<8x8x256xf32, #tpu.memory_space<vmem>>
        %gather3A_756 = tpu.vector_load_idx %gather3A_755[%broadcast_in_dim3A_663, %broadcast_in_dim3A_680, %add3A_750] : memref<8x8x256xf32, #tpu.memory_space<vmem>>[vector<16xi32>, vector<16xi32>, vector<16xi32>], vector<16xf32>,
        %add3A_757 = arith.constant 0 : i32
        %add3A_758 = arith.addi %scan3A_526, %add3A_757 : i32
        %swap3A = arith.index_cast %add3A_758 : i32 to index
        %swap3A_759 = tpu.vector_load %arg6[%swap3A] {strides = array<i32>} : memref<32960xf32, #tpu.memory_space<vmem>>, vector<16xf32>,
        tpu.vector_store %arg6[%swap3A], %gather3A_573 {strides = array<i32>} : memref<32960xf32, #tpu.memory_space<vmem>>, vector<16xf32>,
        %add3A_760 = arith.constant 16 : i32
        %add3A_761 = arith.addi %scan3A_526, %add3A_760 : i32
        %swap3A_762 = arith.index_cast %add3A_761 : i32 to index
        %swap3A_763 = tpu.vector_load %arg6[%swap3A_762] {strides = array<i32>} : memref<32960xf32, #tpu.memory_space<vmem>>, vector<16xf32>,
        tpu.vector_store %arg6[%swap3A_762], %gather3A_582 {strides = array<i32>} : memref<32960xf32, #tpu.memory_space<vmem>>, vector<16xf32>,
        %add3A_764 = arith.constant 32 : i32
        %add3A_765 = arith.addi %scan3A_526, %add3A_764 : i32
        %swap3A_766 = arith.index_cast %add3A_765 : i32 to index
        %swap3A_767 = tpu.vector_load %arg6[%swap3A_766] {strides = array<i32>} : memref<32960xf32, #tpu.memory_space<vmem>>, vector<16xf32>,
        tpu.vector_store %arg6[%swap3A_766], %gather3A_591 {strides = array<i32>} : memref<32960xf32, #tpu.memory_space<vmem>>, vector<16xf32>,
        %add3A_768 = arith.constant 48 : i32
        %add3A_769 = arith.addi %scan3A_526, %add3A_768 : i32
        %swap3A_770 = arith.index_cast %add3A_769 : i32 to index
        %swap3A_771 = tpu.vector_load %arg6[%swap3A_770] {strides = array<i32>} : memref<32960xf32, #tpu.memory_space<vmem>>, vector<16xf32>,
        tpu.vector_store %arg6[%swap3A_770], %gather3A_600 {strides = array<i32>} : memref<32960xf32, #tpu.memory_space<vmem>>, vector<16xf32>,
        %add3A_772 = arith.constant 64 : i32
        %add3A_773 = arith.addi %scan3A_526, %add3A_772 : i32
        %swap3A_774 = arith.index_cast %add3A_773 : i32 to index
        %swap3A_775 = tpu.vector_load %arg6[%swap3A_774] {strides = array<i32>} : memref<32960xf32, #tpu.memory_space<vmem>>, vector<16xf32>,
        tpu.vector_store %arg6[%swap3A_774], %gather3A_609 {strides = array<i32>} : memref<32960xf32, #tpu.memory_space<vmem>>, vector<16xf32>,
        %add3A_776 = arith.constant 80 : i32
        %add3A_777 = arith.addi %scan3A_526, %add3A_776 : i32
        %swap3A_778 = arith.index_cast %add3A_777 : i32 to index
        %swap3A_779 = tpu.vector_load %arg6[%swap3A_778] {strides = array<i32>} : memref<32960xf32, #tpu.memory_space<vmem>>, vector<16xf32>,
        tpu.vector_store %arg6[%swap3A_778], %gather3A_618 {strides = array<i32>} : memref<32960xf32, #tpu.memory_space<vmem>>, vector<16xf32>,
        %add3A_780 = arith.constant 96 : i32
        %add3A_781 = arith.addi %scan3A_526, %add3A_780 : i32
        %swap3A_782 = arith.index_cast %add3A_781 : i32 to index
        %swap3A_783 = tpu.vector_load %arg6[%swap3A_782] {strides = array<i32>} : memref<32960xf32, #tpu.memory_space<vmem>>, vector<16xf32>,
        tpu.vector_store %arg6[%swap3A_782], %gather3A_627 {strides = array<i32>} : memref<32960xf32, #tpu.memory_space<vmem>>, vector<16xf32>,
        %add3A_784 = arith.constant 112 : i32
        %add3A_785 = arith.addi %scan3A_526, %add3A_784 : i32
        %swap3A_786 = arith.index_cast %add3A_785 : i32 to index
        %swap3A_787 = tpu.vector_load %arg6[%swap3A_786] {strides = array<i32>} : memref<32960xf32, #tpu.memory_space<vmem>>, vector<16xf32>,
        tpu.vector_store %arg6[%swap3A_786], %gather3A_636 {strides = array<i32>} : memref<32960xf32, #tpu.memory_space<vmem>>, vector<16xf32>,
        %sub3A_788 = arith.constant 128 : i32
        %sub3A_789 = arith.subi %sub3A_788, %mul3A_528 : i32
        %sub3A_790 = arith.constant 0 : i32
        %sub3A_791 = arith.subi %sub3A_789, %sub3A_790 : i32
        %add3A_792 = arith.addi %scan3A_526, %sub3A_791 : i32
        %add3A_793 = arith.constant 0 : i32
        %add3A_794 = arith.addi %add3A_792, %add3A_793 : i32
        %swap3A_795 = arith.index_cast %add3A_794 : i32 to index
        %swap3A_796 = tpu.vector_load %arg6[%swap3A_795] {strides = array<i32>} : memref<32960xf32, #tpu.memory_space<vmem>>, vector<16xf32>,
        tpu.vector_store %arg6[%swap3A_795], %gather3A_693 {strides = array<i32>} : memref<32960xf32, #tpu.memory_space<vmem>>, vector<16xf32>,
        %add3A_797 = arith.constant 16 : i32
        %add3A_798 = arith.addi %add3A_792, %add3A_797 : i32
        %swap3A_799 = arith.index_cast %add3A_798 : i32 to index
        %swap3A_800 = tpu.vector_load %arg6[%swap3A_799] {strides = array<i32>} : memref<32960xf32, #tpu.memory_space<vmem>>, vector<16xf32>,
        tpu.vector_store %arg6[%swap3A_799], %gather3A_702 {strides = array<i32>} : memref<32960xf32, #tpu.memory_space<vmem>>, vector<16xf32>,
        %add3A_801 = arith.constant 32 : i32
        %add3A_802 = arith.addi %add3A_792, %add3A_801 : i32
        %swap3A_803 = arith.index_cast %add3A_802 : i32 to index
        %swap3A_804 = tpu.vector_load %arg6[%swap3A_803] {strides = array<i32>} : memref<32960xf32, #tpu.memory_space<vmem>>, vector<16xf32>,
        tpu.vector_store %arg6[%swap3A_803], %gather3A_711 {strides = array<i32>} : memref<32960xf32, #tpu.memory_space<vmem>>, vector<16xf32>,
        %add3A_805 = arith.constant 48 : i32
        %add3A_806 = arith.addi %add3A_792, %add3A_805 : i32
        %swap3A_807 = arith.index_cast %add3A_806 : i32 to index
        %swap3A_808 = tpu.vector_load %arg6[%swap3A_807] {strides = array<i32>} : memref<32960xf32, #tpu.memory_space<vmem>>, vector<16xf32>,
        tpu.vector_store %arg6[%swap3A_807], %gather3A_720 {strides = array<i32>} : memref<32960xf32, #tpu.memory_space<vmem>>, vector<16xf32>,
        %add3A_809 = arith.constant 64 : i32
        %add3A_810 = arith.addi %add3A_792, %add3A_809 : i32
        %swap3A_811 = arith.index_cast %add3A_810 : i32 to index
        %swap3A_812 = tpu.vector_load %arg6[%swap3A_811] {strides = array<i32>} : memref<32960xf32, #tpu.memory_space<vmem>>, vector<16xf32>,
        tpu.vector_store %arg6[%swap3A_811], %gather3A_729 {strides = array<i32>} : memref<32960xf32, #tpu.memory_space<vmem>>, vector<16xf32>,
        %add3A_813 = arith.constant 80 : i32
        %add3A_814 = arith.addi %add3A_792, %add3A_813 : i32
        %swap3A_815 = arith.index_cast %add3A_814 : i32 to index
        %swap3A_816 = tpu.vector_load %arg6[%swap3A_815] {strides = array<i32>} : memref<32960xf32, #tpu.memory_space<vmem>>, vector<16xf32>,
        tpu.vector_store %arg6[%swap3A_815], %gather3A_738 {strides = array<i32>} : memref<32960xf32, #tpu.memory_space<vmem>>, vector<16xf32>,
        %add3A_817 = arith.constant 96 : i32
        %add3A_818 = arith.addi %add3A_792, %add3A_817 : i32
        %swap3A_819 = arith.index_cast %add3A_818 : i32 to index
        %swap3A_820 = tpu.vector_load %arg6[%swap3A_819] {strides = array<i32>} : memref<32960xf32, #tpu.memory_space<vmem>>, vector<16xf32>,
        tpu.vector_store %arg6[%swap3A_819], %gather3A_747 {strides = array<i32>} : memref<32960xf32, #tpu.memory_space<vmem>>, vector<16xf32>,
        %add3A_821 = arith.constant 112 : i32
        %add3A_822 = arith.addi %add3A_792, %add3A_821 : i32
        %swap3A_823 = arith.index_cast %add3A_822 : i32 to index
        %swap3A_824 = tpu.vector_load %arg6[%swap3A_823] {strides = array<i32>} : memref<32960xf32, #tpu.memory_space<vmem>>, vector<16xf32>,
        tpu.vector_store %arg6[%swap3A_823], %gather3A_756 {strides = array<i32>} : memref<32960xf32, #tpu.memory_space<vmem>>, vector<16xf32>,
        %sub3A_825 = arith.constant 128 : i32
        %sub3A_826 = arith.subi %sub3A_825, %mul3A_528 : i32
        %sub3A_827 = arith.constant 1 : i32
        %sub3A_828 = arith.subi %sub3A_826, %sub3A_827 : i32
        %add3A_829 = arith.addi %add3A_792, %sub3A_828 : i32
        scf.yield %add3A_829 : i32
      }
      %scan3A_458 = arith.constant 32 : i32
      %dma_wait3A_459 = arith.constant 0 : i32
      %dma_wait3A_460 = arith.constant 1 : i32
      %dma_wait3A_461 = arith.constant 0 : i32
      %dma_wait3A_462 = arith.constant 0 : i32
      %dma_wait3A_463 = arith.constant 128 : i32
      %dma_wait3A_464 = tpu.memref_slice %arg4[%dma_wait3A_460, %dma_wait3A_461, %dma_wait3A_462, %dma_wait3A_463] : memref<2x8x8x256xf32, #tpu.memory_space<vmem>> -> memref<1x8x8x128xf32, #tpu.memory_space<vmem>>
      %dma_wait3A_465 = tpu.memref_squeeze %dma_wait3A_464 : memref<1x8x8x128xf32, #tpu.memory_space<vmem>> -> memref<8x8x128xf32, #tpu.memory_space<vmem>>
      %dma_wait3A_466 = arith.constant 24 : i32
      %dma_wait3A_467 = arith.constant 0 : i32
      %dma_wait3A_468 = arith.constant 128 : i32
      %dma_wait3A_469 = tpu.memref_slice %arg2[%dma_wait3A_459, %dma_wait3A_466, %dma_wait3A_467, %dma_wait3A_468] : memref<1024x32x8x256xf32, #tpu.memory_space<hbm>> -> memref<1x8x8x128xf32, #tpu.memory_space<hbm>>
      %dma_wait3A_470 = tpu.memref_squeeze %dma_wait3A_469 : memref<1x8x8x128xf32, #tpu.memory_space<hbm>> -> memref<8x8x128xf32, #tpu.memory_space<hbm>>
      %dma_wait3A_471 = arith.constant 0 : i32
      %dma_wait3A_472 = arith.constant 0 : i32
      %dma_wait3A_473 = arith.constant 128 : i32
      %dma_wait3A_474 = tpu.memref_slice %arg4[%dma_wait3A_460, %dma_wait3A_471, %dma_wait3A_472, %dma_wait3A_473] : memref<2x8x8x256xf32, #tpu.memory_space<vmem>> -> memref<1x8x8x128xf32, #tpu.memory_space<vmem>>
      %dma_wait3A_475 = tpu.memref_squeeze %dma_wait3A_474 : memref<1x8x8x128xf32, #tpu.memory_space<vmem>> -> memref<8x8x128xf32, #tpu.memory_space<vmem>>
      %dma_wait3A_476 = arith.constant 24 : i32
      %dma_wait3A_477 = arith.constant 0 : i32
      %dma_wait3A_478 = arith.constant 128 : i32
      %dma_wait3A_479 = tpu.memref_slice %arg2[%dma_wait3A_459, %dma_wait3A_476, %dma_wait3A_477, %dma_wait3A_478] : memref<1024x32x8x256xf32, #tpu.memory_space<hbm>> -> memref<1x8x8x128xf32, #tpu.memory_space<hbm>>
      %dma_wait3A_480 = tpu.memref_squeeze %dma_wait3A_479 : memref<1x8x8x128xf32, #tpu.memory_space<hbm>> -> memref<8x8x128xf32, #tpu.memory_space<hbm>>
      tpu.wait_dma2 semaphore(%arg8 : memref<!tpu.dma_semaphore, #tpu.memory_space<semaphore_mem>>) src(%dma_wait3A_480 : memref<8x8x128xf32, #tpu.memory_space<hbm>>) dst(%dma_wait3A_475 : memref<8x8x128xf32, #tpu.memory_space<vmem>>)
      %add3A_481 = arith.constant 1 : i32
      %add3A_482 = arith.addi %add3A_297, %add3A_481 : i32
      %min3A_483 = arith.constant 31 : i32
      %min3A_484 = arith.minsi %add3A_482, %min3A_483 : i32
      %add3A_485 = arith.addi %mul3A_2, %min3A_484 : i32
      %dma_start3A_486 = arith.constant 0 : i32
      %dma_start3A_487 = arith.constant 0 : i32
      %dma_start3A_488 = arith.constant 0 : i32
      %dma_start3A_489 = arith.constant 0 : i32
      %dma_start3A_490 = tpu.memref_slice %arg4[%dma_start3A_486, %dma_start3A_487, %dma_start3A_488, %dma_start3A_489] : memref<2x8x8x256xf32, #tpu.memory_space<vmem>> -> memref<1x8x8x256xf32, #tpu.memory_space<vmem>>
      %dma_start3A_491 = tpu.memref_squeeze %dma_start3A_490 : memref<1x8x8x256xf32, #tpu.memory_space<vmem>> -> memref<8x8x256xf32, #tpu.memory_space<vmem>>
      %dma_start3A_492 = arith.constant 0 : i32
      %dma_start3A_493 = arith.constant 0 : i32
      %dma_start3A_494 = arith.constant 0 : i32
      %dma_start3A_495 = tpu.memref_slice %arg2[%add3A_485, %dma_start3A_492, %dma_start3A_493, %dma_start3A_494] : memref<1024x32x8x256xf32, #tpu.memory_space<hbm>> -> memref<1x8x8x256xf32, #tpu.memory_space<hbm>>
      %dma_start3A_496 = tpu.memref_squeeze %dma_start3A_495 : memref<1x8x8x256xf32, #tpu.memory_space<hbm>> -> memref<8x8x256xf32, #tpu.memory_space<hbm>>
      %dma_start3A_497 = arith.constant 0 : i32
      %dma_start3A_498 = arith.constant 0 : i32
      %dma_start3A_499 = arith.constant 0 : i32
      %dma_start3A_500 = tpu.memref_slice %arg4[%dma_start3A_486, %dma_start3A_497, %dma_start3A_498, %dma_start3A_499] : memref<2x8x8x256xf32, #tpu.memory_space<vmem>> -> memref<1x8x8x256xf32, #tpu.memory_space<vmem>>
      %dma_start3A_501 = tpu.memref_squeeze %dma_start3A_500 : memref<1x8x8x256xf32, #tpu.memory_space<vmem>> -> memref<8x8x256xf32, #tpu.memory_space<vmem>>
      %dma_start3A_502 = arith.constant 0 : i32
      %dma_start3A_503 = arith.constant 0 : i32
      %dma_start3A_504 = arith.constant 0 : i32
      %dma_start3A_505 = tpu.memref_slice %arg2[%add3A_485, %dma_start3A_502, %dma_start3A_503, %dma_start3A_504] : memref<1024x32x8x256xf32, #tpu.memory_space<hbm>> -> memref<1x8x8x256xf32, #tpu.memory_space<hbm>>
      %dma_start3A_506 = tpu.memref_squeeze %dma_start3A_505 : memref<1x8x8x256xf32, #tpu.memory_space<hbm>> -> memref<8x8x256xf32, #tpu.memory_space<hbm>>
      tpu.enqueue_dma source(%dma_start3A_506 : memref<8x8x256xf32, #tpu.memory_space<hbm>>) target(%dma_start3A_501 : memref<8x8x256xf32, #tpu.memory_space<vmem>>) target_semaphore(%arg7 : memref<!tpu.dma_semaphore, #tpu.memory_space<semaphore_mem>>)
      %scan3A_507 = arith.constant 1 : i32
      %scan3A_508 = arith.constant 30816 : i32
      %scan3A_509 = arith.constant 0 : i32
      %scan3A_510 = arith.constant 32 : i32
      %scan3A_511 = arith.addi %scan3A_509, %scan3A_510 : i32
      %scan3A_512 = arith.constant 1 : i32
      %scan3A_513 = scf.for %scan3A_525 = %scan3A_509 to %scan3A_511 step %scan3A_512 iter_args(%scan3A_526 = %scan3A_508) -> (i32)  : i32 {
        %mul3A_527 = arith.constant 2 : i32
        %mul3A_528 = arith.muli %mul3A_527, %scan3A_525 : i32
        %add3A_529 = arith.constant 0 : i32
        %add3A_530 = arith.addi %mul3A_528, %add3A_529 : i32
        %jit3A = arith.constant 8 : i32
        %div3A = arith.divsi %add3A_530, %jit3A : i32
        %sign3A = arith.constant 0 : i32
        %sign3A_531 = arith.cmpi sgt, %add3A_530, %sign3A : i32
        %sign3A_532 = arith.extui %sign3A_531 : i1 to i32
        %sign3A_533 = arith.constant 0 : i32
        %sign3A_534 = arith.cmpi slt, %add3A_530, %sign3A_533 : i32
        %sign3A_535 = arith.extui %sign3A_534 : i1 to i32
        %sign3A_536 = arith.subi %sign3A_532, %sign3A_535 : i32
        %sign3A_537 = arith.constant 0 : i32
        %sign3A_538 = arith.cmpi sgt, %jit3A, %sign3A_537 : i32
        %sign3A_539 = arith.extui %sign3A_538 : i1 to i32
        %sign3A_540 = arith.constant 0 : i32
        %sign3A_541 = arith.cmpi slt, %jit3A, %sign3A_540 : i32
        %sign3A_542 = arith.extui %sign3A_541 : i1 to i32
        %sign3A_543 = arith.subi %sign3A_539, %sign3A_542 : i32
        %ne3A = arith.cmpi ne, %sign3A_536, %sign3A_543 : i32
        %rem3A = arith.remsi %add3A_530, %jit3A : i32
        %ne3A_544 = arith.constant 0 : i32
        %ne3A_545 = arith.cmpi ne, %rem3A, %ne3A_544 : i32
        %and3A = arith.andi %ne3A, %ne3A_545 : i1
        %sub3A = arith.constant 1 : i32
        %sub3A_546 = arith.subi %div3A, %sub3A : i32
        %select_n3A = arith.select %and3A, %sub3A_546, %div3A : i32
        %broadcast_in_dim3A = vector.broadcast %select_n3A : i32 to vector<16xi32>
        %jit3A_547 = arith.constant 8 : i32
        %eq3A = arith.constant 0 : i32
        %eq3A_548 = arith.cmpi eq, %jit3A_547, %eq3A : i32
        %jit3A_549 = arith.constant 1 : i32
        %select_n3A_550 = arith.select %eq3A_548, %jit3A_549, %jit3A_547 : i32
        %rem3A_551 = arith.remsi %add3A_530, %select_n3A_550 : i32
        %ne3A_552 = arith.constant 0 : i32
        %ne3A_553 = arith.cmpi ne, %rem3A_551, %ne3A_552 : i32
        %lt3A = arith.constant 0 : i32
        %lt3A_554 = arith.cmpi slt, %rem3A_551, %lt3A : i32
        %lt3A_555 = arith.constant 0 : i32
        %lt3A_556 = arith.cmpi slt, %select_n3A_550, %lt3A_555 : i32
        %ne3A_557 = arith.xori %lt3A_554, %lt3A_556 : i1
        %and3A_558 = arith.andi %ne3A_557, %ne3A_553 : i1
        %add3A_559 = arith.addi %rem3A_551, %select_n3A_550 : i32
        %select_n3A_560 = arith.select %and3A_558, %add3A_559, %rem3A_551 : i32
        %broadcast_in_dim3A_561 = vector.broadcast %select_n3A_560 : i32 to vector<16xi32>
        %add3A_562 = arith.constant 192 : i32
        %add3A_563 = arith.addi %add3A_562, %add3A_530 : i32
        %add3A_564 = vector.broadcast %add3A_563 : i32 to vector<16xi32>
        %add3A_565 = arith.addi %add3A_564, %iota3A : vector<16xi32>
        %add3A_566 = arith.constant 0 : i32
        %add3A_567 = vector.broadcast %add3A_566 : i32 to vector<16xi32>
        %add3A_568 = arith.addi %add3A_565, %add3A_567 : vector<16xi32>
        %gather3A = arith.constant 0 : i32
        %gather3A_569 = arith.constant 0 : i32
        %gather3A_570 = arith.constant 0 : i32
        %gather3A_571 = tpu.memref_slice %arg4[%scan3A_507, %gather3A, %gather3A_569, %gather3A_570] : memref<2x8x8x256xf32, #tpu.memory_space<vmem>> -> memref<1x8x8x256xf32, #tpu.memory_space<vmem>>
        %gather3A_572 = tpu.memref_squeeze %gather3A_571 : memref<1x8x8x256xf32, #tpu.memory_space<vmem>> -> memref<8x8x256xf32, #tpu.memory_space<vmem>>
        %gather3A_573 = tpu.vector_load_idx %gather3A_572[%broadcast_in_dim3A, %broadcast_in_dim3A_561, %add3A_568] : memref<8x8x256xf32, #tpu.memory_space<vmem>>[vector<16xi32>, vector<16xi32>, vector<16xi32>], vector<16xf32>,
        %add3A_574 = arith.constant 16 : i32
        %add3A_575 = vector.broadcast %add3A_574 : i32 to vector<16xi32>
        %add3A_576 = arith.addi %add3A_565, %add3A_575 : vector<16xi32>
        %gather3A_577 = arith.constant 0 : i32
        %gather3A_578 = arith.constant 0 : i32
        %gather3A_579 = arith.constant 0 : i32
        %gather3A_580 = tpu.memref_slice %arg4[%scan3A_507, %gather3A_577, %gather3A_578, %gather3A_579] : memref<2x8x8x256xf32, #tpu.memory_space<vmem>> -> memref<1x8x8x256xf32, #tpu.memory_space<vmem>>
        %gather3A_581 = tpu.memref_squeeze %gather3A_580 : memref<1x8x8x256xf32, #tpu.memory_space<vmem>> -> memref<8x8x256xf32, #tpu.memory_space<vmem>>
        %gather3A_582 = tpu.vector_load_idx %gather3A_581[%broadcast_in_dim3A, %broadcast_in_dim3A_561, %add3A_576] : memref<8x8x256xf32, #tpu.memory_space<vmem>>[vector<16xi32>, vector<16xi32>, vector<16xi32>], vector<16xf32>,
        %add3A_583 = arith.constant 32 : i32
        %add3A_584 = vector.broadcast %add3A_583 : i32 to vector<16xi32>
        %add3A_585 = arith.addi %add3A_565, %add3A_584 : vector<16xi32>
        %gather3A_586 = arith.constant 0 : i32
        %gather3A_587 = arith.constant 0 : i32
        %gather3A_588 = arith.constant 0 : i32
        %gather3A_589 = tpu.memref_slice %arg4[%scan3A_507, %gather3A_586, %gather3A_587, %gather3A_588] : memref<2x8x8x256xf32, #tpu.memory_space<vmem>> -> memref<1x8x8x256xf32, #tpu.memory_space<vmem>>
        %gather3A_590 = tpu.memref_squeeze %gather3A_589 : memref<1x8x8x256xf32, #tpu.memory_space<vmem>> -> memref<8x8x256xf32, #tpu.memory_space<vmem>>
        %gather3A_591 = tpu.vector_load_idx %gather3A_590[%broadcast_in_dim3A, %broadcast_in_dim3A_561, %add3A_585] : memref<8x8x256xf32, #tpu.memory_space<vmem>>[vector<16xi32>, vector<16xi32>, vector<16xi32>], vector<16xf32>,
        %add3A_592 = arith.constant 48 : i32
        %add3A_593 = vector.broadcast %add3A_592 : i32 to vector<16xi32>
        %add3A_594 = arith.addi %add3A_565, %add3A_593 : vector<16xi32>
        %gather3A_595 = arith.constant 0 : i32
        %gather3A_596 = arith.constant 0 : i32
        %gather3A_597 = arith.constant 0 : i32
        %gather3A_598 = tpu.memref_slice %arg4[%scan3A_507, %gather3A_595, %gather3A_596, %gather3A_597] : memref<2x8x8x256xf32, #tpu.memory_space<vmem>> -> memref<1x8x8x256xf32, #tpu.memory_space<vmem>>
        %gather3A_599 = tpu.memref_squeeze %gather3A_598 : memref<1x8x8x256xf32, #tpu.memory_space<vmem>> -> memref<8x8x256xf32, #tpu.memory_space<vmem>>
        %gather3A_600 = tpu.vector_load_idx %gather3A_599[%broadcast_in_dim3A, %broadcast_in_dim3A_561, %add3A_594] : memref<8x8x256xf32, #tpu.memory_space<vmem>>[vector<16xi32>, vector<16xi32>, vector<16xi32>], vector<16xf32>,
        %add3A_601 = arith.constant 1 : i32
        %add3A_602 = arith.addi %mul3A_528, %add3A_601 : i32
        %jit3A_603 = arith.constant 8 : i32
        %div3A_604 = arith.divsi %add3A_602, %jit3A_603 : i32
        %sign3A_605 = arith.constant 0 : i32
        %sign3A_606 = arith.cmpi sgt, %add3A_602, %sign3A_605 : i32
        %sign3A_607 = arith.extui %sign3A_606 : i1 to i32
        %sign3A_608 = arith.constant 0 : i32
        %sign3A_609 = arith.cmpi slt, %add3A_602, %sign3A_608 : i32
        %sign3A_610 = arith.extui %sign3A_609 : i1 to i32
        %sign3A_611 = arith.subi %sign3A_607, %sign3A_610 : i32
        %sign3A_612 = arith.constant 0 : i32
        %sign3A_613 = arith.cmpi sgt, %jit3A_603, %sign3A_612 : i32
        %sign3A_614 = arith.extui %sign3A_613 : i1 to i32
        %sign3A_615 = arith.constant 0 : i32
        %sign3A_616 = arith.cmpi slt, %jit3A_603, %sign3A_615 : i32
        %sign3A_617 = arith.extui %sign3A_616 : i1 to i32
        %sign3A_618 = arith.subi %sign3A_614, %sign3A_617 : i32
        %ne3A_619 = arith.cmpi ne, %sign3A_611, %sign3A_618 : i32
        %rem3A_620 = arith.remsi %add3A_602, %jit3A_603 : i32
        %ne3A_621 = arith.constant 0 : i32
        %ne3A_622 = arith.cmpi ne, %rem3A_620, %ne3A_621 : i32
        %and3A_623 = arith.andi %ne3A_619, %ne3A_622 : i1
        %sub3A_624 = arith.constant 1 : i32
        %sub3A_625 = arith.subi %div3A_604, %sub3A_624 : i32
        %select_n3A_626 = arith.select %and3A_623, %sub3A_625, %div3A_604 : i32
        %broadcast_in_dim3A_627 = vector.broadcast %select_n3A_626 : i32 to vector<16xi32>
        %jit3A_628 = arith.constant 8 : i32
        %eq3A_629 = arith.constant 0 : i32
        %eq3A_630 = arith.cmpi eq, %jit3A_628, %eq3A_629 : i32
        %jit3A_631 = arith.constant 1 : i32
        %select_n3A_632 = arith.select %eq3A_630, %jit3A_631, %jit3A_628 : i32
        %rem3A_633 = arith.remsi %add3A_602, %select_n3A_632 : i32
        %ne3A_634 = arith.constant 0 : i32
        %ne3A_635 = arith.cmpi ne, %rem3A_633, %ne3A_634 : i32
        %lt3A_636 = arith.constant 0 : i32
        %lt3A_637 = arith.cmpi slt, %rem3A_633, %lt3A_636 : i32
        %lt3A_638 = arith.constant 0 : i32
        %lt3A_639 = arith.cmpi slt, %select_n3A_632, %lt3A_638 : i32
        %ne3A_640 = arith.xori %lt3A_637, %lt3A_639 : i1
        %and3A_641 = arith.andi %ne3A_640, %ne3A_635 : i1
        %add3A_642 = arith.addi %rem3A_633, %select_n3A_632 : i32
        %select_n3A_643 = arith.select %and3A_641, %add3A_642, %rem3A_633 : i32
        %broadcast_in_dim3A_644 = vector.broadcast %select_n3A_643 : i32 to vector<16xi32>
        %add3A_645 = arith.constant 192 : i32
        %add3A_646 = arith.addi %add3A_645, %add3A_602 : i32
        %add3A_647 = vector.broadcast %add3A_646 : i32 to vector<16xi32>
        %add3A_648 = arith.addi %add3A_647, %iota3A : vector<16xi32>
        %add3A_649 = arith.constant 0 : i32
        %add3A_650 = vector.broadcast %add3A_649 : i32 to vector<16xi32>
        %add3A_651 = arith.addi %add3A_648, %add3A_650 : vector<16xi32>
        %gather3A_652 = arith.constant 0 : i32
        %gather3A_653 = arith.constant 0 : i32
        %gather3A_654 = arith.constant 0 : i32
        %gather3A_655 = tpu.memref_slice %arg4[%scan3A_507, %gather3A_652, %gather3A_653, %gather3A_654] : memref<2x8x8x256xf32, #tpu.memory_space<vmem>> -> memref<1x8x8x256xf32, #tpu.memory_space<vmem>>
        %gather3A_656 = tpu.memref_squeeze %gather3A_655 : memref<1x8x8x256xf32, #tpu.memory_space<vmem>> -> memref<8x8x256xf32, #tpu.memory_space<vmem>>
        %gather3A_657 = tpu.vector_load_idx %gather3A_656[%broadcast_in_dim3A_627, %broadcast_in_dim3A_644, %add3A_651] : memref<8x8x256xf32, #tpu.memory_space<vmem>>[vector<16xi32>, vector<16xi32>, vector<16xi32>], vector<16xf32>,
        %add3A_658 = arith.constant 16 : i32
        %add3A_659 = vector.broadcast %add3A_658 : i32 to vector<16xi32>
        %add3A_660 = arith.addi %add3A_648, %add3A_659 : vector<16xi32>
        %gather3A_661 = arith.constant 0 : i32
        %gather3A_662 = arith.constant 0 : i32
        %gather3A_663 = arith.constant 0 : i32
        %gather3A_664 = tpu.memref_slice %arg4[%scan3A_507, %gather3A_661, %gather3A_662, %gather3A_663] : memref<2x8x8x256xf32, #tpu.memory_space<vmem>> -> memref<1x8x8x256xf32, #tpu.memory_space<vmem>>
        %gather3A_665 = tpu.memref_squeeze %gather3A_664 : memref<1x8x8x256xf32, #tpu.memory_space<vmem>> -> memref<8x8x256xf32, #tpu.memory_space<vmem>>
        %gather3A_666 = tpu.vector_load_idx %gather3A_665[%broadcast_in_dim3A_627, %broadcast_in_dim3A_644, %add3A_660] : memref<8x8x256xf32, #tpu.memory_space<vmem>>[vector<16xi32>, vector<16xi32>, vector<16xi32>], vector<16xf32>,
        %add3A_667 = arith.constant 32 : i32
        %add3A_668 = vector.broadcast %add3A_667 : i32 to vector<16xi32>
        %add3A_669 = arith.addi %add3A_648, %add3A_668 : vector<16xi32>
        %gather3A_670 = arith.constant 0 : i32
        %gather3A_671 = arith.constant 0 : i32
        %gather3A_672 = arith.constant 0 : i32
        %gather3A_673 = tpu.memref_slice %arg4[%scan3A_507, %gather3A_670, %gather3A_671, %gather3A_672] : memref<2x8x8x256xf32, #tpu.memory_space<vmem>> -> memref<1x8x8x256xf32, #tpu.memory_space<vmem>>
        %gather3A_674 = tpu.memref_squeeze %gather3A_673 : memref<1x8x8x256xf32, #tpu.memory_space<vmem>> -> memref<8x8x256xf32, #tpu.memory_space<vmem>>
        %gather3A_675 = tpu.vector_load_idx %gather3A_674[%broadcast_in_dim3A_627, %broadcast_in_dim3A_644, %add3A_669] : memref<8x8x256xf32, #tpu.memory_space<vmem>>[vector<16xi32>, vector<16xi32>, vector<16xi32>], vector<16xf32>,
        %add3A_676 = arith.constant 48 : i32
        %add3A_677 = vector.broadcast %add3A_676 : i32 to vector<16xi32>
        %add3A_678 = arith.addi %add3A_648, %add3A_677 : vector<16xi32>
        %gather3A_679 = arith.constant 0 : i32
        %gather3A_680 = arith.constant 0 : i32
        %gather3A_681 = arith.constant 0 : i32
        %gather3A_682 = tpu.memref_slice %arg4[%scan3A_507, %gather3A_679, %gather3A_680, %gather3A_681] : memref<2x8x8x256xf32, #tpu.memory_space<vmem>> -> memref<1x8x8x256xf32, #tpu.memory_space<vmem>>
        %gather3A_683 = tpu.memref_squeeze %gather3A_682 : memref<1x8x8x256xf32, #tpu.memory_space<vmem>> -> memref<8x8x256xf32, #tpu.memory_space<vmem>>
        %gather3A_684 = tpu.vector_load_idx %gather3A_683[%broadcast_in_dim3A_627, %broadcast_in_dim3A_644, %add3A_678] : memref<8x8x256xf32, #tpu.memory_space<vmem>>[vector<16xi32>, vector<16xi32>, vector<16xi32>], vector<16xf32>,
        %add3A_685 = arith.constant 0 : i32
        %add3A_686 = arith.addi %scan3A_526, %add3A_685 : i32
        %swap3A = arith.index_cast %add3A_686 : i32 to index
        %swap3A_687 = tpu.vector_load %arg6[%swap3A] {strides = array<i32>} : memref<32960xf32, #tpu.memory_space<vmem>>, vector<16xf32>,
        tpu.vector_store %arg6[%swap3A], %gather3A_573 {strides = array<i32>} : memref<32960xf32, #tpu.memory_space<vmem>>, vector<16xf32>,
        %add3A_688 = arith.constant 16 : i32
        %add3A_689 = arith.addi %scan3A_526, %add3A_688 : i32
        %swap3A_690 = arith.index_cast %add3A_689 : i32 to index
        %swap3A_691 = tpu.vector_load %arg6[%swap3A_690] {strides = array<i32>} : memref<32960xf32, #tpu.memory_space<vmem>>, vector<16xf32>,
        tpu.vector_store %arg6[%swap3A_690], %gather3A_582 {strides = array<i32>} : memref<32960xf32, #tpu.memory_space<vmem>>, vector<16xf32>,
        %add3A_692 = arith.constant 32 : i32
        %add3A_693 = arith.addi %scan3A_526, %add3A_692 : i32
        %swap3A_694 = arith.index_cast %add3A_693 : i32 to index
        %swap3A_695 = tpu.vector_load %arg6[%swap3A_694] {strides = array<i32>} : memref<32960xf32, #tpu.memory_space<vmem>>, vector<16xf32>,
        tpu.vector_store %arg6[%swap3A_694], %gather3A_591 {strides = array<i32>} : memref<32960xf32, #tpu.memory_space<vmem>>, vector<16xf32>,
        %add3A_696 = arith.constant 48 : i32
        %add3A_697 = arith.addi %scan3A_526, %add3A_696 : i32
        %swap3A_698 = arith.index_cast %add3A_697 : i32 to index
        %swap3A_699 = tpu.vector_load %arg6[%swap3A_698] {strides = array<i32>} : memref<32960xf32, #tpu.memory_space<vmem>>, vector<16xf32>,
        tpu.vector_store %arg6[%swap3A_698], %gather3A_600 {strides = array<i32>} : memref<32960xf32, #tpu.memory_space<vmem>>, vector<16xf32>,
        %sub3A_700 = arith.constant 64 : i32
        %sub3A_701 = arith.subi %sub3A_700, %mul3A_528 : i32
        %sub3A_702 = arith.constant 0 : i32
        %sub3A_703 = arith.subi %sub3A_701, %sub3A_702 : i32
        %add3A_704 = arith.addi %scan3A_526, %sub3A_703 : i32
        %add3A_705 = arith.constant 0 : i32
        %add3A_706 = arith.addi %add3A_704, %add3A_705 : i32
        %swap3A_707 = arith.index_cast %add3A_706 : i32 to index
        %swap3A_708 = tpu.vector_load %arg6[%swap3A_707] {strides = array<i32>} : memref<32960xf32, #tpu.memory_space<vmem>>, vector<16xf32>,
        tpu.vector_store %arg6[%swap3A_707], %gather3A_657 {strides = array<i32>} : memref<32960xf32, #tpu.memory_space<vmem>>, vector<16xf32>,
        %add3A_709 = arith.constant 16 : i32
        %add3A_710 = arith.addi %add3A_704, %add3A_709 : i32
        %swap3A_711 = arith.index_cast %add3A_710 : i32 to index
        %swap3A_712 = tpu.vector_load %arg6[%swap3A_711] {strides = array<i32>} : memref<32960xf32, #tpu.memory_space<vmem>>, vector<16xf32>,
        tpu.vector_store %arg6[%swap3A_711], %gather3A_666 {strides = array<i32>} : memref<32960xf32, #tpu.memory_space<vmem>>, vector<16xf32>,
        %add3A_713 = arith.constant 32 : i32
        %add3A_714 = arith.addi %add3A_704, %add3A_713 : i32
        %swap3A_715 = arith.index_cast %add3A_714 : i32 to index
        %swap3A_716 = tpu.vector_load %arg6[%swap3A_715] {strides = array<i32>} : memref<32960xf32, #tpu.memory_space<vmem>>, vector<16xf32>,
        tpu.vector_store %arg6[%swap3A_715], %gather3A_675 {strides = array<i32>} : memref<32960xf32, #tpu.memory_space<vmem>>, vector<16xf32>,
        %add3A_717 = arith.constant 48 : i32
        %add3A_718 = arith.addi %add3A_704, %add3A_717 : i32
        %swap3A_719 = arith.index_cast %add3A_718 : i32 to index
        %swap3A_720 = tpu.vector_load %arg6[%swap3A_719] {strides = array<i32>} : memref<32960xf32, #tpu.memory_space<vmem>>, vector<16xf32>,
        tpu.vector_store %arg6[%swap3A_719], %gather3A_684 {strides = array<i32>} : memref<32960xf32, #tpu.memory_space<vmem>>, vector<16xf32>,
        %sub3A_721 = arith.constant 64 : i32
        %sub3A_722 = arith.subi %sub3A_721, %mul3A_528 : i32
        %sub3A_723 = arith.constant 1 : i32
        %sub3A_724 = arith.subi %sub3A_722, %sub3A_723 : i32
        %add3A_725 = arith.addi %add3A_704, %sub3A_724 : i32
        scf.yield %add3A_725 : i32
      }
      %scan3A_514 = arith.constant 32 : i32
      %add3A_515 = arith.addi %mul3A_2, %add3A_297 : i32
      %mul3A_516 = arith.constant 32896 : i32
      %mul3A_517 = arith.muli %add3A_515, %mul3A_516 : i32
      %multiple_of3A_518 = tpu.assume_multiple %mul3A_517, 8 : i32
      %dma_start3A_519 = arith.constant 0 : i32
      %dma_start3A_520 = tpu.memref_slice %arg6[%dma_start3A_519] : memref<32960xf32, #tpu.memory_space<vmem>> -> memref<32896xf32, #tpu.memory_space<vmem>>
      %dma_start3A_521 = tpu.memref_slice %arg3[%multiple_of3A_518] : memref<33685504xf32, #tpu.memory_space<hbm>> -> memref<32896xf32, #tpu.memory_space<hbm>>
      %dma_start3A_522 = tpu.memref_slice %arg3[%multiple_of3A_518] : memref<33685504xf32, #tpu.memory_space<hbm>> -> memref<32896xf32, #tpu.memory_space<hbm>>
      %dma_start3A_523 = arith.constant 0 : i32
      %dma_start3A_524 = tpu.memref_slice %arg6[%dma_start3A_523] : memref<32960xf32, #tpu.memory_space<vmem>> -> memref<32896xf32, #tpu.memory_space<vmem>>
      tpu.enqueue_dma source(%dma_start3A_524 : memref<32896xf32, #tpu.memory_space<vmem>>) target(%dma_start3A_522 : memref<32896xf32, #tpu.memory_space<hbm>>) target_semaphore(%arg10 : memref<!tpu.dma_semaphore, #tpu.memory_space<semaphore_mem>>)
    }
    %scan3A_29 = arith.constant 16 : i32
    %dma_wait3A = arith.constant 0 : i32
    %dma_wait3A_30 = tpu.memref_slice %arg5[%dma_wait3A] : memref<32960xf32, #tpu.memory_space<vmem>> -> memref<32896xf32, #tpu.memory_space<vmem>>
    %dma_wait3A_31 = arith.constant 0 : i32
    %dma_wait3A_32 = tpu.memref_slice %arg3[%dma_wait3A_31] : memref<33685504xf32, #tpu.memory_space<hbm>> -> memref<32896xf32, #tpu.memory_space<hbm>>
    %dma_wait3A_33 = arith.constant 0 : i32
    %dma_wait3A_34 = tpu.memref_slice %arg3[%dma_wait3A_33] : memref<33685504xf32, #tpu.memory_space<hbm>> -> memref<32896xf32, #tpu.memory_space<hbm>>
    %dma_wait3A_35 = arith.constant 0 : i32
    %dma_wait3A_36 = tpu.memref_slice %arg5[%dma_wait3A_35] : memref<32960xf32, #tpu.memory_space<vmem>> -> memref<32896xf32, #tpu.memory_space<vmem>>
    tpu.wait_dma2 semaphore(%arg9 : memref<!tpu.dma_semaphore, #tpu.memory_space<semaphore_mem>>) src(%dma_wait3A_36 : memref<32896xf32, #tpu.memory_space<vmem>>) dst(%dma_wait3A_34 : memref<32896xf32, #tpu.memory_space<hbm>>)
    %dma_wait3A_37 = arith.constant 0 : i32
    %dma_wait3A_38 = tpu.memref_slice %arg6[%dma_wait3A_37] : memref<32960xf32, #tpu.memory_space<vmem>> -> memref<32896xf32, #tpu.memory_space<vmem>>
    %dma_wait3A_39 = arith.constant 0 : i32
    %dma_wait3A_40 = tpu.memref_slice %arg3[%dma_wait3A_39] : memref<33685504xf32, #tpu.memory_space<hbm>> -> memref<32896xf32, #tpu.memory_space<hbm>>
    %dma_wait3A_41 = arith.constant 0 : i32
    %dma_wait3A_42 = tpu.memref_slice %arg3[%dma_wait3A_41] : memref<33685504xf32, #tpu.memory_space<hbm>> -> memref<32896xf32, #tpu.memory_space<hbm>>
    %dma_wait3A_43 = arith.constant 0 : i32
    %dma_wait3A_44 = tpu.memref_slice %arg6[%dma_wait3A_43] : memref<32960xf32, #tpu.memory_space<vmem>> -> memref<32896xf32, #tpu.memory_space<vmem>>
    tpu.wait_dma2 semaphore(%arg10 : memref<!tpu.dma_semaphore, #tpu.memory_space<semaphore_mem>>) src(%dma_wait3A_44 : memref<32896xf32, #tpu.memory_space<vmem>>) dst(%dma_wait3A_42 : memref<32896xf32, #tpu.memory_space<hbm>>)
    %dma_wait3A_45 = arith.constant 0 : i32
    %dma_wait3A_46 = arith.constant 0 : i32
    %dma_wait3A_47 = arith.constant 0 : i32
    %dma_wait3A_48 = arith.constant 0 : i32
    %dma_wait3A_49 = arith.constant 0 : i32
    %dma_wait3A_50 = tpu.memref_slice %arg4[%dma_wait3A_46, %dma_wait3A_47, %dma_wait3A_48, %dma_wait3A_49] : memref<2x8x8x256xf32, #tpu.memory_space<vmem>> -> memref<1x8x8x256xf32, #tpu.memory_space<vmem>>
    %dma_wait3A_51 = tpu.memref_squeeze %dma_wait3A_50 : memref<1x8x8x256xf32, #tpu.memory_space<vmem>> -> memref<8x8x256xf32, #tpu.memory_space<vmem>>
    %dma_wait3A_52 = arith.constant 0 : i32
    %dma_wait3A_53 = arith.constant 0 : i32
    %dma_wait3A_54 = arith.constant 0 : i32
    %dma_wait3A_55 = tpu.memref_slice %arg2[%dma_wait3A_45, %dma_wait3A_52, %dma_wait3A_53, %dma_wait3A_54] : memref<1024x32x8x256xf32, #tpu.memory_space<hbm>> -> memref<1x8x8x256xf32, #tpu.memory_space<hbm>>
    %dma_wait3A_56 = tpu.memref_squeeze %dma_wait3A_55 : memref<1x8x8x256xf32, #tpu.memory_space<hbm>> -> memref<8x8x256xf32, #tpu.memory_space<hbm>>
    %dma_wait3A_57 = arith.constant 0 : i32
    %dma_wait3A_58 = arith.constant 0 : i32
    %dma_wait3A_59 = arith.constant 0 : i32
    %dma_wait3A_60 = tpu.memref_slice %arg4[%dma_wait3A_46, %dma_wait3A_57, %dma_wait3A_58, %dma_wait3A_59] : memref<2x8x8x256xf32, #tpu.memory_space<vmem>> -> memref<1x8x8x256xf32, #tpu.memory_space<vmem>>
    %dma_wait3A_61 = tpu.memref_squeeze %dma_wait3A_60 : memref<1x8x8x256xf32, #tpu.memory_space<vmem>> -> memref<8x8x256xf32, #tpu.memory_space<vmem>>
    %dma_wait3A_62 = arith.constant 0 : i32
    %dma_wait3A_63 = arith.constant 0 : i32
    %dma_wait3A_64 = arith.constant 0 : i32
    %dma_wait3A_65 = tpu.memref_slice %arg2[%dma_wait3A_45, %dma_wait3A_62, %dma_wait3A_63, %dma_wait3A_64] : memref<1024x32x8x256xf32, #tpu.memory_space<hbm>> -> memref<1x8x8x256xf32, #tpu.memory_space<hbm>>
    %dma_wait3A_66 = tpu.memref_squeeze %dma_wait3A_65 : memref<1x8x8x256xf32, #tpu.memory_space<hbm>> -> memref<8x8x256xf32, #tpu.memory_space<hbm>>
    tpu.wait_dma2 semaphore(%arg7 : memref<!tpu.dma_semaphore, #tpu.memory_space<semaphore_mem>>) src(%dma_wait3A_66 : memref<8x8x256xf32, #tpu.memory_space<hbm>>) dst(%dma_wait3A_61 : memref<8x8x256xf32, #tpu.memory_space<vmem>>)
    return
  }
}

</mosaic_0001>

<sc_bundles>
// kernel: kernel.3.cloned.1.call-start
scs
__scs_entry_jumppad:
0x0: {  	(pc) =	sbr.rel $0x88, $3  }
0x1: {  	(tag) =	ssettag $0x0;
	lr =	simm.s32 $0x1  }
0x2: {  	[smem:$0x3FA0] =	sst lr;
	_ =	strace $0xD0000000  }
0x3: {  	_ = 	snop  }
0x4: {  	_ = 	snop  }
0x5: {  	_ = 	snop  }
0x6: {  	_ = 	snop  }
0x7: {  	_ = 	snop  }
__scs_overlays_trampoline_lowered:
0x8: {  	[smem:$0x3FAF] =	sst s0  }
0x9: {  	[smem:$0x3FB0] =	sst s1  }
0xa: {  	[smem:$0x3FB1] =	sst s2  }
0xb: {  	[smem:$0x3FB2] =	sst s3  }
0xc: {  	[smem:$0x3FB3] =	sst s4  }
0xd: {  	[smem:$0x3FB4] =	sst s5  }
0xe: {  	[smem:$0x3FB5] =	sst s6  }
0xf: {  	[smem:$0x3FB6] =	sst s7  }
0x10: {  	[smem:$0x3FB7] =	sst s8  }
0x11: {  	[smem:$0x3FB8] =	sst s9;
	s0 =	simm.s32 @!p0 $0x0  }
0x12: {  	s1 =	sld [smem:$0x3F9E];
	s0 =	simm.s32 @p0 $0x1  }
0x13: {  	[smem:$0x3FB9] =	sst s0;
	s0 =	simm.s32 @!p1 $0x0  }
0x14: {  	s2 =	sld [smem:$0x3F9D];
	s0 =	simm.s32 @p1 $0x1  }
0x15: {  	[smem:$0x3FBA] =	sst s0;
	s0 =	simm.s32 @!p2 $0x0  }
0x16: {  	s3 =	sld [smem:$0x3FDB];
	s0 =	simm.s32 @p2 $0x1  }
0x17: {  	s4 =	simm.s32 $0x1BF5;
	[smem:$0x3FBC] =	sst s0  }
0x18: {  	s0 =	sld [smem:$0x3F9F];
	_ =	swait.ge [sflag:s4], $0x0  }
0x19: {  	s7 =	sld [smem:$0x3FA0]  }
0x1a: {  	s8 =	sadd.s32 $0xFFFFE003, lr  }
0x1b: {  	s9 =	sadd.s32 $0xFFFFFEF7, lr;
	s5 =	simm.s32 $0xFFFFFFFF;
	p2 =	slt.u32 s8, $0xFFFFF086  }
0x1c: {  	p1 =	slt.u32 s9, $0xF7A;
	s5 =	simm.s32 @!p2 $0x0  }
0x1d: {  	s5 =	simm.s32 @p1 $0x1;
	p0 =	seq.s32 s7, s2  }
0x1e: {  	s7 =	smul.u32 @!p0 $0xF7A, s2;
	p2 =	seq.s32 @!p0 s5, $0x0  }
0x1f: {  	s9 =	smul.u32 $0xF7A, s1;
	s8 =	simm.s32 @!p0 $0x1BF5;
	p2 =	por !p2, p0  }
0x20: {  	[sflag:s8] =	ssyncset.s32 @!p0 $0xFFFFF086;
	s6 =	sadd.s32 @!p0 s3, s7;
	s7 =	simm.s32 @!p0 $0x108  }
0x21: {  	s3 =	sadd.s32 s3, s9;
	s6 =	sadd.s32 @!p0 $0x88, s6;
	s7 =	simm.s32 @p2 $0x1082  }
0x22: {  	[simem:s7], [sflag:s8] =	dma.local @!p0 [hbm:s6], $0xF7A  }
0x23: {  	s9 =	sor.u32 $0xD0000000, s2;
	s6 =	simm.s32 $0x108;
	_ =	swait.ge @!p0 [sflag:s8], $0x0  }
0x24: {  	s3 =	sadd.s32 $0x88, s3;
	s6 =	simm.s32 @!p1 $0x1082;
	[sflag:s4] =	ssyncset.s32 $0xFFFFF086  }
0x25: {  	[simem:s6], [sflag:s4] =	dma.local [hbm:s3], $0xF7A  }
0x26: {  	[smem:$0x3FA0] =	sst s1;
	(tag) =	ssettag s2;
	_ =	strace s9  }
0x27: {  	s1 =	sld [smem:$0x3FB0]  }
0x28: {  	s2 =	sld [smem:$0x3FB1]  }
0x29: {  	s4 =	sld [smem:$0x3FB3]  }
0x2a: {  	p0 =	seq.s32 s5, $0x0;
	s5 =	sld [smem:$0x3FB4]  }
0x2b: {  	s6 =	sld [smem:$0x3FB5]  }
0x2c: {  	s7 =	sld [smem:$0x3FB6]  }
0x2d: {  	s3 =	simm.s32 $0x108;
	s8 =	sld [smem:$0x3FB7]  }
0x2e: {  	s3 =	simm.s32 @!p0 $0x1082;
	s9 =	sld [smem:$0x3FB8]  }
0x2f: {  	lr =	sadd.s32 s0, s3;
	s0 =	sld [smem:$0x3FAF]  }
0x30: {  	s3 =	sld [smem:$0x3FB2]  }
0x31: {  	[smem:$0x3FBB] =	sst s10  }
0x32: {  	s10 =	sld [smem:$0x3FB9];
	_ =	sdelay $0x3  }
0x33: {  	p0 =	seq.s32 s10, $0x1;
	s10 =	sld [smem:$0x3FBB];
	_ =	sdelay $0x3  }
0x34: {  	[smem:$0x3FBB] =	sst s10  }
0x35: {  	s10 =	sld [smem:$0x3FBA];
	_ =	sdelay $0x3  }
0x36: {  	p1 =	seq.s32 s10, $0x1;
	s10 =	sld [smem:$0x3FBB];
	_ =	sdelay $0x3  }
0x37: {  	[smem:$0x3FBB] =	sst s10  }
0x38: {  	s10 =	sld [smem:$0x3FBC]  }
0x39: {  	_ = 	snop;
	(pc) =	sbr.ind lr, $3  }
0x3a: {  	_ = 	snop  }
0x3b: {  	_ = 	snop  }
0x3c: {  	p2 =	seq.s32 s10, $0x1;
	s10 =	sld [smem:$0x3FBB]  }
0x3d: {  	_ =	shalt  }
0x3e: {  	_ =	shalt  }
0x3f: {  	_ =	shalt  }
0x40: {  	_ =	shalt  }
0x41: {  	_ =	shalt  }
0x42: {  	_ =	shalt  }
0x43: {  	_ =	shalt  }
0x44: {  	_ =	shalt  }
0x45: {  	_ =	shalt  }
0x46: {  	_ =	shalt  }
0x47: {  	_ =	shalt  }
0x48: {  	_ =	shalt  }
0x49: {  	_ =	shalt  }
0x4a: {  	_ =	shalt  }
0x4b: {  	_ =	shalt  }
0x4c: {  	_ =	shalt  }
0x4d: {  	_ =	shalt  }
0x4e: {  	_ =	shalt  }
0x4f: {  	_ =	shalt  }
0x50: {  	_ =	shalt  }
0x51: {  	_ =	shalt  }
0x52: {  	_ =	shalt  }
0x53: {  	_ =	shalt  }
0x54: {  	_ =	shalt  }
0x55: {  	_ =	shalt  }
0x56: {  	_ =	shalt  }
0x57: {  	_ =	shalt  }
0x58: {  	_ =	shalt  }
0x59: {  	_ =	shalt  }
0x5a: {  	_ =	shalt  }
0x5b: {  	_ =	shalt  }
0x5c: {  	_ =	shalt  }
0x5d: {  	_ =	shalt  }
0x5e: {  	_ =	shalt  }
0x5f: {  	_ =	shalt  }
0x60: {  	_ =	shalt  }
0x61: {  	_ =	shalt  }
0x62: {  	_ =	shalt  }
0x63: {  	_ =	shalt  }
0x64: {  	_ =	shalt  }
0x65: {  	_ =	shalt  }
0x66: {  	_ =	shalt  }
0x67: {  	_ =	shalt  }
0x68: {  	_ =	shalt  }
0x69: {  	_ =	shalt  }
0x6a: {  	_ =	shalt  }
0x6b: {  	_ =	shalt  }
0x6c: {  	_ =	shalt  }
0x6d: {  	_ =	shalt  }
0x6e: {  	_ =	shalt  }
0x6f: {  	_ =	shalt  }
0x70: {  	_ =	shalt  }
0x71: {  	_ =	shalt  }
0x72: {  	_ =	shalt  }
0x73: {  	_ =	shalt  }
0x74: {  	_ =	shalt  }
0x75: {  	_ =	shalt  }
0x76: {  	_ =	shalt  }
0x77: {  	_ =	shalt  }
0x78: {  	_ =	shalt  }
0x79: {  	_ =	shalt  }
0x7a: {  	_ =	shalt  }
0x7b: {  	_ =	shalt  }
0x7c: {  	_ =	shalt  }
0x7d: {  	_ =	shalt  }
0x7e: {  	_ =	shalt  }
0x7f: {  	_ =	shalt  }
0x80: {  	_ =	shalt  }
0x81: {  	_ =	shalt  }
0x82: {  	_ =	shalt  }
0x83: {  	_ =	shalt  }
0x84: {  	_ =	shalt  }
0x85: {  	_ =	shalt  }
0x86: {  	_ =	shalt  }
0x87: {  	_ =	shalt  }
.Lfunc_end0:
.L_simem_size_0:
called_computation_lowered:
.L_overlay_start_0:
0x88: {  	s2 =	sld [smem:$0x3FD9]  }
0x89: {  	s3 =	sld [smem:$0x3FFE];
	_ =	sdelay $0x1  }
0x8a: {  	s1 =	srdreg.scid  }
0x8b: {  	s0 =	sand.u32 $0x1, s1  }
0x8c: {  	s17 =	sshll.u32 s0, $0xA;
	s2 =	sadd.s32 s3, s2  }
0x8d: {  	s2 =	sadd.s32 s2, s17  }
0x8e: {  	[smem:$0x3FC7] =	sst s2  }
0x8f: {  	_ = 	snop  }
0x90: {  	s2 =	sld [smem:$0x3FC9];
	(tm) =	ssettm $0x1  }
0x91: {  	s18 =	sld [smem:$0x3FFB];
	_ =	sdelay $0x3  }
0x92: {  	_ =	strace s18  }
0x93: {  	s3 =	sld [smem:$0x3FFC];
	_ =	sdelay $0x3  }
0x94: {  	_ =	strace s3  }
0x95: {  	s3 =	sld [smem:$0x3FFD];
	_ =	sdelay $0x3  }
0x96: {  	_ =	strace s3  }
0x97: {  	_ =	strace $0x8FFFFFFF  }
0x98: {  	s19 =	sld [smem:$0x3FDB];
	_ =	sdelay $0x1  }
0x99: {  	s4 =	simm.s32 $_scs_section_size  }
0x9a: {  	s5 =	simm.s32 $_size__tile_overlayer_lowered;
	s6 =	simm.s32 $_tile_overlayer_lowered  }
0x9b: {  	s22 =	simm.s32 $0x1BFF;
	s21 =	sshll.u32 s6, $0x1;
	s3 =	sadd.s32 s4, s19  }
0x9c: {  	s7 =	simm.s32 $0x0;
	s20 =	sshll.u32 s5, $0x1;
	s5 =	sadd.s32 s21, s3  }
0x9d: {  	[timem:s7], [sflag:s22] =	dma.local [hbm:s5], s20  }
0x9e: {  	_ =	swait.ge [sflag:s22], s20  }
0x9f: {  	s4 =	ssub.s32 $0x0, s20;
	[sflag:s22] =	ssyncset.done $0x0  }
0xa0: {  	[sflag:s22] =	ssyncadd.s32 s4;
	_ =	sdelay $0x1  }
0xa1: {  	s23 =	simm.s32 $0x1B8B  }
0xa2: {  	_ =	swait.ge [sflag:s23], $0x1  }
0xa3: {  	[sflag:s23] =	ssyncset.done $0x0  }
0xa4: {  	s25 =	simm.s32 $0x1B8E;
	s24 =	sld [smem:$0x3FFE];
	[sflag:s23] =	ssyncadd.s32 $0xFFFFFFFF  }
0xa5: {  	s26 =	simm.s32 $execute0_lowered;
	[smem:$0x3FD2] =	sst s25  }
0xa6: {  	s5 =	sshll.u32 s26, $0x1;
	_ =	strace $0x80000046;
	[dreg:$0x1] =	wrdreg $0xFFFFFFFF  }
0xa7: {  	s28 =	simm.s32 $_size_execute0_lowered;
	s3 =	sadd.s32 s3, s5;
	[dreg:$0x0] =	wrdreg $0x0  }
0xa8: {  	s5 =	sshll.u32 s28, $0x1;
	[dreg:$0x2] =	wrdreg s3  }
0xa9: {  	[dreg:$0x3] =	wrdreg s5  }
0xaa: {  	[dreg:$0x4] =	wrdreg $0xC0  }
0xab: {  	_ =	task [dreg:s7], $0x5FFFF  }
0xac: {  	[dreg:$0x1] =	wrdreg $0xFFFFFFFF  }
0xad: {  	[dreg:$0x0] =	wrdreg $0x60  }
0xae: {  	[dreg:$0x2] =	wrdreg s2  }
0xaf: {  	[dreg:$0x3] =	wrdreg s24  }
0xb0: {  	[dreg:$0x4] =	wrdreg $0x9  }
0xb1: {  	_ =	task.clear_ibuf [dreg:s7], $0x5FFFF;
	_ =	strace $0x90000046  }
0xb2: {  	s29 =	simm.s32 $0x9;
	_ =	strace $0x80000048  }
0xb3: {  	_ =	swait.ge [sflag:s29], $0x1  }
0xb4: {  	[sflag:s29] =	ssyncadd.s32 $0xFFFFFFFF  }
0xb5: {  	_ =	strace $0x90000048  }
0xb6: {  	_ =	sfence  }
0xb7: {  	s30 =	sld [smem:$0x0];
	_ =	sdelay $0x2  }
0xb8: {  	s31 =	sshll.u32 s1, $0xD;
	s1 =	sshrl.u32 s1, $0x2  }
0xb9: {  	s3 =	sand.u32 $0x4000, s31;
	s1 =	sadd.s32 s1, s30  }
0xba: {  	s0 =	sor.u32 s3, s0;
	s1 =	sshll.u32 s1, $0x11  }
0xbb: {  	s0 =	sor.u32 s1, s0  }
0xbc: {  	s0 =	sadd.s32 $0x8F2B, s0  }
0xbd: {  	[sflag:s0] =	ssyncadd.remote.s32 $0x1  }
0xbe: {  	_ =	sfence.sel $0xFFFF  }
0xbf: {  	[dreg:$0x0] =	wrdreg $0xFFFFFFFF;
	(pc) =	sbr.abs _section_cstart, $3  }
0xc0: {  	[dreg:$0x1] =	wrdreg $0xFFFFFFFF  }
0xc1: {  	_ =	task.clear_ibuf [dreg:s7], $0x2FFFF;
	_ =	strace $0x9FFFFFFF  }
0xc2: {  	(tm) =	ssettm $0x7FFFFFFF  }
0xc3: {  	_ =	shalt  }
tec
execute0_lowered:
.L_overlay_start_1:
0x0: {  	(tag) =	ssettag $0x1  }
0x1: {  	s20 =	rddreg [dreg:$0x0];
	s3 =	simm.s32 $0x0;
	v54 =	vlaneseq.u32  }
0x2: {  	[smem:$0x7FF] =	sst s3;
	v0 =	vor.u32 $0x60, v54  }
0x3: {  	s0 =	rddreg [dreg:$0x1];
	v60 =	vor.u32 $0x10, v54;
	_ =	strace $0x80000047;
	[tilespmem:$0x1FF10] =	vst v0  }
0x4: {  	v62 =	vor.u32 $0x40, v54;
	[tilespmem:$0x1FF30] =	vst v60  }
0x5: {  	v61 =	vor.u32 $0x50, v54;
	[tilespmem:$0x1FF40] =	vst v62  }
0x6: {  	v63 =	vor.u32 $0x70, v54;
	[tilespmem:$0x1FF50] =	vst v61  }
0x7: {  	s1 =	srdreg.scid;
	s4 =	stileid.u32;
	s12 =	simm.s32 $0x1;
	v43 =	vor.u32 $0xA0, v54;
	[tilespmem:$0x1FF60] =	vst v63  }
0x8: {  	s13 =	simm.s32 $0x4000;
	s14 =	simm.s32 $0x2;
	s23 =	simm.s32 $0x4400;
	v49 =	vor.u32 $0xB0, v54;
	[tilespmem:$0x1FF70] =	vst v43  }
0x9: {  	s24 =	simm.s32 $0x4C00;
	s28 =	simm.s32 $0x6400;
	s29 =	simm.s32 $0x6C00;
	v1 =	vor.u32 $0xC0, v54;
	[tilespmem:$0x1FF80] =	vst v49  }
0xa: {  	s30 =	simm.s32 $0x7400;
	s31 =	simm.s32 $0x7C00;
	s1 =	sand.u32 $0x1, s1;
	v2 =	vor.u32 $0xD0, v54;
	[tilespmem:$0x1FF90] =	vst v1  }
0xb: {  	s4 =	sshll.u32 s4, $0x6;
	s5 =	sadd.s32 $0x400, s0;
	s7 =	sadd.s32 $0x800, s20;
	v3 =	vor.u32 $0xE0, v54;
	[tilespmem:$0x1FFA0] =	vst v2  }
0xc: {  	s8 =	sadd.s32 $0x1080, s20;
	v53 =	vor.u32 $0xF0, v54;
	s2 =	ssub.s32 $0x2, s1;
	s1 =	sshll.u32 s1, $0x5;
	[tilespmem:$0x1FFB0] =	vst v3  }
0xd: {  	s9 =	sadd.s32 $0x1880, s20;
	v55 =	vor.u32 $0x20, v54;
	[tilespmem:$0x1FFC0] =	vst v53;
	s6 =	sshrl.u32 s2, $0x1;
	s4 =	sor.u32 s1, s4  }
0xe: {  	v56 =	vor.u32 $0x30, v54;
	[tilespmem:$0x1FFD0] =	vst v55;
	s25 =	ssub.s32 s2, s6;
	s1 =	sshll.u32 s4, $0xD;
	s26 =	sor.u32 $0x2, s4  }
0xf: {  	v57 =	vor.u32 $0x80, v54;
	[tilespmem:$0x1FFE0] =	vst v56;
	s22 =	smov.u32 s4;
	s1 =	sadd.s32 s20, s1;
	[dreg:$0x4] =	wrdreg s26  }
0x10: {  	v0 =	vor.u32 $0x90, v54;
	[tilespmem:$0x1FFF0] =	vst v57;
	s0 =	smax.u32 s25, $0x1;
	s25 =	simm.s32 $0x5400;
	[dreg:$0x3] =	wrdreg s1  }
0x11: {  	[tilespmem:$0x1FF20] =	vst v0;
	s26 =	simm.s32 $0x5C00;
	[dreg:$0x5] =	wrdreg s0;
	s1 =	simm.s32 $0x0  }
.LBB2_1:
0x12: {  	[dreg:$0x6] =	wrdreg s1  }
0x13: {  	s0 =	rddreg [dreg:$0x3];
	s11 =	simm.s32 $0x0  }
0x14: {  	[tilespmem:s3], [sflag:$0x1] =	stream.linear.gather [hbm4b:s0+s3], $0x4000, $0x38;
	[tilespmem:$0x18200] =	vst v63  }
.LBB2_2:
0x15: {  	s1 =	simm.s32 $0x0  }
0x16: {  	v16 =	vmov s1;
	v17 =	vadd.s32 s1, v54  }
0x17: {  	v19 =	vadd.s32 s1, v62;
	v20 =	vadd.s32 s1, v43;
	v21 =	vadd.s32 s1, v49  }
0x18: {  	v22 =	vadd.s32 s1, v61;
	v24 =	vadd.s32 s1, v63;
	v25 =	vadd.s32 s1, v1  }
0x19: {  	s4 =	simm.s32 $0x1;
	v26 =	vadd.s32 s1, v2;
	v27 =	vadd.s32 s1, v3;
	v28 =	vadd.s32 s1, v53  }
0x1a: {  	v39 =	vadd.s32 s4, v60;
	v40 =	vadd.s32 s4, v55;
	v41 =	vadd.s32 s4, v56  }
0x1b: {  	v4 =	vmovc v43;
	v42 =	vadd.s32 s4, v62;
	v59 =	vadd.s32 s4, v61;
	v45 =	vadd.s32 s4, v63  }
0x1c: {  	v46 =	vadd.s32 s4, v57;
	v48 =	vadd.s32 s4, v4;
	v17 =	vand.u32 $0x7F, v17  }
0x1d: {  	v20 =	vand.u32 $0x7F, v20;
	v29 =	vand.u32 $0x7F, v21;
	v30 =	vand.u32 $0x7F, v25  }
0x1e: {  	v32 =	vand.u32 $0x7F, v26;
	v35 =	vand.u32 $0x7F, v27;
	v36 =	vand.u32 $0x7F, v28  }
0x1f: {  	v31 =	vand.u32 $0x7F, v19;
	v33 =	vand.u32 $0x7F, v22;
	v19 =	vshll.u32 v19, $0x3  }
0x20: {  	s0 =	simm.s32 $0x0;
	v22 =	vshll.u32 v22, $0x3;
	v38 =	vand.u32 $0x7F, v24;
	v24 =	vshll.u32 v24, $0x3  }
0x21: {  	s10 =	sand.u32 $0xFFFFF800, s0;
	v21 =	vshll.u32 v25, $0x3;
	v25 =	vshll.u32 v26, $0x3;
	v26 =	vshll.u32 v27, $0x3  }
0x22: {  	v27 =	vshll.u32 v28, $0x3;
	v28 =	vadd.s32 s4, v54;
	v16 =	vadd.s32 s10, v16  }
0x23: {  	v4 =	vshll.u32 v39, $0x3;
	v7 =	vshll.u32 v42, $0x3;
	v8 =	vshll.u32 v59, $0x3  }
0x24: {  	v13 =	vand.u32 $0x7F, v45;
	v52 =	vand.u32 $0x7F, v46;
	v34 =	vand.u32 $0xC00, v21  }
0x25: {  	v0 =	vld [tilespmem:$0x1FF20];
	s2 =	sand.u32 $0x6, s1;
	v21 =	vadd.s32 s4, v49;
	v19 =	vand.u32 $0x400, v19;
	v22 =	vand.u32 $0x400, v22  }
0x26: {  	v6 =	vld [tilespmem:$0x1FF10];
	s15 =	sshll.u32 s2, $0x7;
	v24 =	vand.u32 $0x400, v24;
	v25 =	vand.u32 $0xC00, v25;
	v26 =	vand.u32 $0xC00, v26  }
0x27: {  	v27 =	vand.u32 $0xC00, v27;
	v10 =	vadd.s32 s15, v16;
	v34 =	vadd.s32 s10, v34  }
0x28: {  	v19 =	vor.u32 v19, v31;
	v31 =	vadd.s32 s4, v2;
	v22 =	vor.u32 v22, v33  }
0x29: {  	v33 =	vadd.s32 s4, v3;
	v2 =	vand.u32 $0x7F, v42;
	v24 =	vor.u32 v24, v38  }
0x2a: {  	v3 =	vand.u32 $0x7F, v59;
	v25 =	vadd.s32 s10, v25;
	v26 =	vadd.s32 s10, v26  }
0x2b: {  	v27 =	vadd.s32 s10, v27;
	v18 =	vadd.s32 s1, v0;
	v23 =	vadd.s32 s1, v6  }
0x2c: {  	v44 =	vadd.s32 s4, v6;
	v47 =	vadd.s32 s4, v0;
	v30 =	vor.u32 v30, v34  }
0x2d: {  	v34 =	vadd.s32 s4, v1;
	v32 =	vor.u32 v32, v25;
	v25 =	vshll.u32 v28, $0x3  }
0x2e: {  	v26 =	vor.u32 v35, v26;
	v36 =	vor.u32 v36, v27;
	v27 =	vshll.u32 v40, $0x3  }
0x2f: {  	v35 =	vand.u32 $0x7FFFFC00, v4;
	v22 =	vor.u32 s10, v22;
	v24 =	vor.u32 s10, v24  }
0x30: {  	v1 =	vand.u32 $0x7F, v48;
	v18 =	vand.u32 $0x7F, v18;
	v37 =	vand.u32 $0x7F, v23  }
0x31: {  	p0 =	seq.s32 s11, $0x0;
	v23 =	vshll.u32 v23, $0x3;
	v25 =	vand.u32 $0x7FFFFC00, v25;
	v27 =	vand.u32 $0x7FFFFC00, v27  }
0x32: {  	s0 =	simm.s32 @!p0 $0x3;
	v9 =	vshll.u32 v44, $0x3;
	v16 =	vor.u32 s15, v30;
	v22 =	vor.u32 s15, v22  }
0x33: {  	_ =	swait.ge @!p0 [sflag:s0], $0x8080;
	v24 =	vor.u32 s15, v24;
	v26 =	vor.u32 s15, v26;
	v23 =	vand.u32 $0x400, v23  }
0x34: {  	[sflag:s0] =	ssyncset.done @!p0 $0x0;
	v36 =	vor.u32 s15, v36;
	v25 =	vadd.s32 s10, v25;
	v23 =	vor.u32 v23, v37  }
0x35: {  	s6 =	sshll.u32 s11, $0x1;
	[sflag:s0] =	ssyncadd.s32 @!p0 $0xFFFF7F80;
	v5 =	vadd.s32 v28, v25;
	v25 =	vadd.s32 s10, v35;
	v28 =	vmov s10  }
0x36: {  	s2 =	sor.u32 s22, s6;
	_ =	swait.ge [sflag:s12], $0x4000;
	v35 =	vadd.s32 v39, v25;
	v25 =	vadd.s32 s10, v27;
	v27 =	vand.u32 $0x7F, v44  }
0x37: {  	s0 =	sshll.u32 s2, $0xD;
	[sflag:s12] =	ssyncset.done $0x0;
	v28 =	vor.u32 $0x400, v28;
	v44 =	vadd.s32 v60, v10;
	v6 =	vadd.s32 v40, v25  }
0x38: {  	s16 =	sadd.s32 s0, s7;
	[sflag:s12] =	ssyncadd.s32 $0xFFFFC000;
	v25 =	vshll.u32 v41, $0x3;
	v20 =	vor.u32 v20, v28;
	v30 =	vor.u32 v17, v28  }
0x39: {  	[tilespmem:s13], [sflag:$0x2] =	stream.linear.gather [hbm4b:s16+s1], $0x4000, $0x38;
	v18 =	vor.u32 v18, v28;
	v50 =	vor.u32 v29, v28;
	v28 =	vand.u32 $0x7FFFFC00, v7;
	[tilespmem:$0x18200] =	vst v63  }
0x3a: {  	s21 =	sand.u32 $0x7, s4;
	v20 =	vor.u32 s15, v20;
	v16 =	vld.idx.msk [tilespmem:v16+s3+$0x0], $0xffff;
	v14 =	vor.u32 s15, v30;
	v30 =	vshll.u32 v46, $0x3  }
0x3b: {  	s16 =	sshll.u32 s21, $0x7;
	v17 =	vand.u32 $0x7FFFFC00, v25;
	v25 =	vadd.s32 v54, v10;
	v46 =	vand.u32 $0x7FFFFC00, v30;
	v30 =	vld.idx.msk [tilespmem:v24+s3+$0x0], $0xffff  }
0x3c: {  	v29 =	vadd.s32 v55, v10;
	v54 =	vadd.s32 s16, v5;
	v17 =	vadd.s32 s10, v17;
	v24 =	vld.idx.msk [tilespmem:v26+s3+$0x0], $0xffff  }
0x3d: {  	v39 =	vadd.s32 s16, v6;
	v26 =	vld.idx.msk [tilespmem:v36+s3+$0x0], $0xffff;
	v11 =	vadd.s32 v41, v17;
	v17 =	vadd.s32 s10, v28  }
0x3e: {  	v55 =	vand.u32 $0x7F, v47;
	v37 =	vor.u32 v2, v17;
	v17 =	vor.u32 s10, v19;
	v40 =	vld.idx.msk [tilespmem:v44+s3+$0x0], $0xffff  }
0x3f: {  	v47 =	vshll.u32 v47, $0x3;
	v28 =	vadd.s32 v56, v10;
	v19 =	vor.u32 s15, v17;
	v17 =	vld.idx.msk [tilespmem:v20+s3+$0x0], $0xffff  }
0x40: {  	v47 =	vand.u32 $0x7FFFFC00, v47;
	v5 =	vand.u32 $0x7F, v21;
	v20 =	vor.u32 s10, v23;
	v23 =	vld.idx.msk [tilespmem:v25+s3+$0x0], $0xffff  }
0x41: {  	v2 =	vor.u32 s15, v18;
	v6 =	vadd.s32 s16, v11;
	v25 =	vand.u32 $0x7FFFFC00, v9;
	v59 =	vld.idx.msk [tilespmem:v54+s3+$0x0], $0xffff  }
0x42: {  	v9 =	vshll.u32 v21, $0x3;
	v21 =	vld.idx.msk [tilespmem:v39+s3+$0x0], $0xffff;
	v12 =	vor.u32 s15, v20;
	v20 =	vand.u32 $0x7FFFFC00, v8  }
0x43: {  	v35 =	vadd.s32 s16, v35;
	v47 =	vadd.s32 s10, v47;
	v42 =	vadd.s32 s10, v20;
	v20 =	vld.idx.msk [tilespmem:v29+s3+$0x0], $0xffff  }
0x44: {  	v47 =	vor.u32 v55, v47;
	v37 =	vor.u32 s16, v37;
	v29 =	vadd.s32 s10, v25;
	v25 =	vld.idx.msk [tilespmem:v28+s3+$0x0], $0xffff  }
0x45: {  	v8 =	vand.u32 $0x7F, v34;
	v34 =	vshll.u32 v34, $0x3;
	v10 =	vand.u32 $0x7FFFFC00, v9;
	v28 =	vld.idx.msk [tilespmem:v22+s3+$0x0], $0xffff  }
0x46: {  	v34 =	vand.u32 $0x7FFFFC00, v34;
	v39 =	vadd.s32 s10, v10;
	v38 =	vor.u32 v3, v42;
	v56 =	vld.idx.msk [tilespmem:v2+s3+$0x0], $0xffff  }
0x47: {  	v51 =	vor.u32 v27, v29;
	v29 =	vshll.u32 v45, $0x3;
	v3 =	vor.u32 s15, v50;
	v43 =	vld.idx.msk [tilespmem:v6+s3+$0x0], $0xffff  }
0x48: {  	v39 =	vor.u32 v5, v39;
	v34 =	vadd.s32 s10, v34;
	v27 =	vld.idx.msk [tilespmem:v19+s3+$0x0], $0xffff;
	v19 =	vor.u32 s15, v32  }
0x49: {  	v22 =	vand.u32 $0x7FFFFC00, v29;
	v32 =	vld.idx.msk [tilespmem:v14+s3+$0x0], $0xffff;
	v38 =	vor.u32 s16, v38;
	v11 =	vor.u32 s16, v51  }
0x4a: {  	v34 =	vor.u32 v8, v34;
	v14 =	vand.u32 $0x7F, v33;
	v45 =	vld.idx.msk [tilespmem:v37+s3+$0x0], $0xffff;
	v33 =	vshll.u32 v33, $0x3  }
0x4b: {  	v55 =	vor.u32 s16, v39;
	v22 =	vadd.s32 s10, v22;
	v34 =	vor.u32 s16, v34;
	v29 =	vld.idx.msk [tilespmem:v12+s3+$0x0], $0xffff  }
0x4c: {  	v33 =	vand.u32 $0x7FFFFC00, v33;
	v42 =	vor.u32 v13, v22;
	v22 =	vadd.s32 s10, v46;
	v50 =	vld.idx.msk [tilespmem:v3+s3+$0x0], $0xffff  }
0x4d: {  	v12 =	vand.u32 $0x7F, v31;
	v31 =	vshll.u32 v31, $0x3;
	v0 =	vor.u32 v52, v22;
	v22 =	vld.idx.msk [tilespmem:v19+s3+$0x0], $0xffff  }
0x4e: {  	v33 =	vadd.s32 s10, v33;
	v42 =	vor.u32 s16, v42;
	v52 =	vor.u32 s16, v47;
	v44 =	vld.idx.msk [tilespmem:v38+s3+$0x0], $0xffff  }
0x4f: {  	v31 =	vand.u32 $0x7FFFFC00, v31;
	v33 =	vor.u32 v14, v33;
	v19 =	vshll.u32 v48, $0x3;
	v41 =	vld.idx.msk [tilespmem:v11+s3+$0x0], $0xffff  }
0x50: {  	v13 =	vor.u32 s16, v0;
	v31 =	vadd.s32 s10, v31;
	v19 =	vand.u32 $0x7FFFFC00, v19;
	v34 =	vld.idx.msk [tilespmem:v34+s3+$0x0], $0xffff  }
0x51: {  	v46 =	vor.u32 s16, v33;
	v31 =	vor.u32 v12, v31;
	v4 =	vadd.s32 s10, v19;
	v19 =	vld.idx.msk [tilespmem:v35+s3+$0x0], $0xffff  }
0x52: {  	v31 =	vor.u32 s16, v31;
	v35 =	vld.idx.msk [tilespmem:v55+s3+$0x0], $0xffff;
	v7 =	vor.u32 v1, v4  }
0x53: {  	v57 =	vadd.s32 s4, v53;
	v39 =	vld.idx.msk [tilespmem:v42+s3+$0x0], $0xffff;
	v54 =	vor.u32 s16, v7  }
0x54: {  	v58 =	vshll.u32 v57, $0x3;
	v37 =	vld.idx.msk [tilespmem:v52+s3+$0x0], $0xffff  }
0x55: {  	v33 =	vand.u32 $0x7FFFFC00, v58;
	v38 =	vld.idx.msk [tilespmem:v13+s3+$0x0], $0xffff  }
0x56: {  	v33 =	vadd.s32 s10, v33;
	v42 =	vand.u32 $0x7F, v57;
	v58 =	vld.idx.msk [tilespmem:v46+s3+$0x0], $0xffff  }
0x57: {  	v42 =	vor.u32 v42, v33;
	v33 =	vld.idx.msk [tilespmem:v31+s3+$0x0], $0xffff  }
0x58: {  	s15 =	simm.s32 $0x2;
	s10 =	simm.s32 $0x0;
	v42 =	vor.u32 s16, v42;
	v36 =	vld.idx.msk [tilespmem:v54+s3+$0x0], $0xffff  }
.LBB2_3:
0x59: {  	_ =	sdelay $0x3  }
0x5a: {  	v49 =	vld.idx.msk [tilespmem:v42+s3+$0x0], $0xffff;
	[tilespmem:s1+$0x8030] =	vst v25  }
0x5b: {  	[tilespmem:s1+$0x8040] =	vst v27  }
0x5c: {  	[tilespmem:s1+$0x8050] =	vst v28  }
0x5d: {  	[tilespmem:s1+$0x8060] =	vst v29  }
0x5e: {  	[tilespmem:s1+$0x8070] =	vst v30  }
0x5f: {  	[tilespmem:s1+$0x8080] =	vst v32  }
0x60: {  	v0 =	vld [tilespmem:$0x1FF20];
	[tilespmem:s1+$0x80A0] =	vst v17  }
0x61: {  	v2 =	vld [tilespmem:$0x1FF10];
	[tilespmem:s1+$0x80C0] =	vst v16  }
0x62: {  	v18 =	vld [tilespmem:$0x1FFB0];
	[tilespmem:s1+$0x80D0] =	vst v22  }
0x63: {  	v3 =	vlaneseq.u32;
	[tilespmem:s1+$0x80E0] =	vst v24  }
0x64: {  	v46 =	vmov s15;
	v9 =	vlaneseq.u32;
	s17 =	sadd.s32 $0x1, s15;
	v31 =	vld [tilespmem:$0x1FFD0];
	[tilespmem:s1+$0x80F0] =	vst v26;
	v47 =	vadd.s32 s15, v3  }
0x65: {  	v30 =	vadd.s32 s17, v9;
	v32 =	vadd.s32 s17, v60;
	[tilespmem:s1+$0x8000] =	vst v23;
	v23 =	vadd.s32 s15, v62  }
0x66: {  	v3 =	vld [tilespmem:$0x1FF80];
	v1 =	vmovc v61;
	[tilespmem:s1+$0x8010] =	vst v40;
	v54 =	vadd.s32 s15, v63;
	v40 =	vand.u32 $0x7F, v47;
	v48 =	vadd.s32 s15, v0  }
0x67: {  	[tilespmem:s1+$0x8020] =	vst v20;
	v52 =	vadd.s32 s15, v1;
	v53 =	vadd.s32 s15, v2;
	v57 =	vadd.s32 s15, v18  }
0x68: {  	v6 =	vmovc v62;
	[tilespmem:s1+$0x8090] =	vst v56;
	v29 =	vand.u32 $0x7F, v23;
	v23 =	vshll.u32 v23, $0x3;
	v25 =	vand.u32 $0x7F, v54  }
0x69: {  	s19 =	ssub.s32 s1, s10;
	v9 =	vld [tilespmem:$0x1FFE0];
	v7 =	vmovc v63;
	[tilespmem:s1+$0x80B0] =	vst v50;
	v11 =	vshll.u32 v54, $0x3;
	v60 =	vadd.s32 s17, v31;
	v17 =	vadd.s32 s17, v6  }
0x6a: {  	v6 =	vadd.s32 s17, v1;
	v16 =	vadd.s32 s17, v2;
	v7 =	vadd.s32 s17, v7;
	[tilespmem:s19+$0x8120] =	vst v21  }
0x6b: {  	v21 =	vshll.u32 v30, $0x3;
	[tilespmem:s19+$0x8160] =	vst v41;
	v41 =	vshll.u32 v32, $0x3;
	v51 =	vadd.s32 s15, v3  }
0x6c: {  	v61 =	vld [tilespmem:$0x1FF70];
	v0 =	vand.u32 $0x7F, v48;
	v28 =	vand.u32 $0x7F, v57;
	v15 =	vand.u32 $0x7F, v53  }
0x6d: {  	v63 =	vld [tilespmem:$0x1FF90];
	[tilespmem:s19+$0x8100] =	vst v59;
	v8 =	vshll.u32 v52, $0x3;
	v10 =	vshll.u32 v53, $0x3;
	v4 =	vshll.u32 v57, $0x3  }
0x6e: {  	v62 =	vld [tilespmem:$0x1FFA0];
	[tilespmem:s19+$0x8140] =	vst v45;
	v50 =	vadd.s32 s17, v9;
	v11 =	vand.u32 $0x400, v11;
	v59 =	vshll.u32 v60, $0x3  }
0x6f: {  	v56 =	vld [tilespmem:$0x1FFF0];
	[tilespmem:s19+$0x8180] =	vst v38;
	v38 =	vshll.u32 v16, $0x3;
	v41 =	vand.u32 $0x7FFFFC00, v41;
	v51 =	vand.u32 $0x7F, v51  }
0x70: {  	s16 =	sshll.u32 s4, $0x9;
	[tilespmem:s19+$0x8150] =	vst v44;
	v8 =	vand.u32 $0x400, v8;
	v10 =	vand.u32 $0x400, v10;
	v4 =	vand.u32 $0xC00, v4  }
0x71: {  	s16 =	sand.u32 $0xFFFFF800, s16;
	[tilespmem:s19+$0x81B0] =	vst v35;
	v44 =	vshll.u32 v50, $0x3;
	v35 =	vor.u32 v11, v25;
	v45 =	vand.u32 $0x7FFFFC00, v59  }
0x72: {  	v59 =	vadd.s32 s16, v41;
	v10 =	vor.u32 v10, v15;
	v4 =	vadd.s32 s16, v4  }
0x73: {  	[tilespmem:s19+$0x8130] =	vst v43;
	v43 =	vand.u32 $0x7FFFFC00, v44;
	v44 =	vand.u32 $0x7FFFFC00, v38;
	v14 =	vadd.s32 s15, v61  }
0x74: {  	v20 =	vadd.s32 s15, v63;
	v55 =	vadd.s32 s15, v62;
	v1 =	vadd.s32 s17, v56  }
0x75: {  	v22 =	vadd.s32 s17, v61;
	v61 =	vadd.s32 s17, v3;
	v24 =	vadd.s32 s17, v63  }
0x76: {  	v62 =	vadd.s32 s17, v62;
	v63 =	vadd.s32 s17, v18;
	v3 =	vadd.s32 s16, v46  }
0x77: {  	v46 =	vand.u32 $0x7F, v6;
	v56 =	vand.u32 $0x7F, v16;
	v18 =	vmov s16  }
0x78: {  	v48 =	vld [tilespmem:$0x1FFC0];
	v6 =	vshll.u32 v6, $0x3;
	v16 =	vlaneseq.u32;
	v10 =	vor.u32 s16, v10  }
0x79: {  	v57 =	vld [tilespmem:$0x1FF20];
	v4 =	vor.u32 v28, v4;
	v12 =	vand.u32 $0x7F, v14;
	v13 =	vand.u32 $0x7F, v20  }
0x7a: {  	v27 =	vand.u32 $0x7F, v55;
	v14 =	vand.u32 $0x7F, v52;
	v20 =	vshll.u32 v20, $0x3  }
0x7b: {  	s18 =	sand.u32 $0x6, s15;
	[tilespmem:$0x1FEE0] =	vst v0;
	v0 =	vshll.u32 v55, $0x3;
	v55 =	vand.u32 $0x7F, v7;
	v54 =	vand.u32 $0x7F, v1  }
0x7c: {  	s18 =	sshll.u32 s18, $0x7;
	[tilespmem:s19+$0x8170] =	vst v39;
	v52 =	vand.u32 $0x7F, v22;
	v39 =	vor.u32 $0x400, v18;
	v18 =	vshll.u32 v17, $0x3  }
0x7d: {  	[tilespmem:s19+$0x81F0] =	vst v49;
	v3 =	vadd.s32 s18, v3;
	v10 =	vor.u32 s18, v10;
	v4 =	vor.u32 s18, v4  }
0x7e: {  	[tilespmem:s19+$0x8110] =	vst v19;
	v41 =	vshll.u32 v63, $0x3;
	v47 =	vadd.s32 s15, v48;
	v2 =	vadd.s32 s17, v57  }
0x7f: {  	[tilespmem:s19+$0x8190] =	vst v37;
	v57 =	vand.u32 $0x7F, v17;
	v26 =	vadd.s32 s17, v48;
	v48 =	vand.u32 $0x7F, v62  }
0x80: {  	[tilespmem:s19+$0x81C0] =	vst v34;
	v20 =	vand.u32 $0xC00, v20;
	v12 =	vor.u32 v12, v39;
	v34 =	vadd.s32 v9, v3  }
0x81: {  	[tilespmem:s19+$0x81A0] =	vst v36;
	v37 =	vor.u32 v40, v39;
	v40 =	vand.u32 $0x7FFFFC00, v21;
	v42 =	vand.u32 $0x7F, v47  }
0x82: {  	[tilespmem:s19+$0x81D0] =	vst v33;
	v5 =	vshll.u32 v47, $0x3;
	v47 =	vand.u32 $0x7F, v63;
	v19 =	vand.u32 $0x7F, v26  }
0x83: {  	[tilespmem:s19+$0x81E0] =	vst v58;
	v17 =	vadd.s32 s16, v20;
	v12 =	vor.u32 s18, v12;
	v20 =	vadd.s32 v16, v3;
	v63 =	vld [tilespmem:$0x1FF60]  }
0x84: {  	v58 =	vadd.s32 s16, v40;
	v40 =	vshll.u32 v62, $0x3;
	v62 =	vld [tilespmem:$0x1FF40];
	[tilespmem:$0x1FF00] =	vst v19;
	v19 =	vand.u32 $0x400, v23  }
0x85: {  	v8 =	vor.u32 v8, v14;
	v14 =	vadd.s32 s16, v45;
	v16 =	vor.u32 v19, v29;
	v29 =	vld.idx.msk [tilespmem:v10+s3+$0x0], $0xffff  }
0x86: {  	[tilespmem:$0x1FEF0] =	vst v51;
	v51 =	vand.u32 $0x7F, v61;
	v8 =	vor.u32 s16, v8;
	v10 =	vadd.s32 v60, v14;
	v60 =	vld [tilespmem:$0x1FF30]  }
0x87: {  	v49 =	vand.u32 $0x7F, v24;
	v9 =	vor.u32 s16, v35;
	v8 =	vor.u32 s18, v8;
	v25 =	vld.idx.msk [tilespmem:v34+s3+$0x0], $0xffff  }
0x88: {  	v0 =	vand.u32 $0xC00, v0;
	v9 =	vor.u32 s18, v9;
	v13 =	vor.u32 v13, v17;
	v17 =	vld.idx.msk [tilespmem:v12+s3+$0x0], $0xffff  }
0x89: {  	v7 =	vshll.u32 v7, $0x3;
	v0 =	vadd.s32 s16, v0;
	v13 =	vor.u32 s18, v13;
	v23 =	vld.idx.msk [tilespmem:v20+s3+$0x0], $0xffff  }
0x8a: {  	v34 =	vshll.u32 v22, $0x3;
	v12 =	vor.u32 s18, v37;
	v37 =	vshll.u32 v24, $0x3;
	v24 =	vld.idx.msk [tilespmem:v4+s3+$0x0], $0xffff  }
0x8b: {  	v0 =	vor.u32 v27, v0;
	v19 =	vadd.s32 v31, v3;
	v45 =	vand.u32 $0x7FFFFC00, v34;
	v34 =	vld [tilespmem:$0x1FEE0]  }
0x8c: {  	v5 =	vand.u32 $0xC00, v5;
	v0 =	vor.u32 s18, v0;
	v15 =	vor.u32 s16, v16;
	v28 =	vld.idx.msk [tilespmem:v8+s3+$0x0], $0xffff  }
0x8d: {  	v5 =	vadd.s32 s16, v5;
	v36 =	vor.u32 s18, v15;
	v8 =	vadd.s32 v30, v58;
	v30 =	vld.idx.msk [tilespmem:v9+s3+$0x0], $0xffff  }
0x8e: {  	v1 =	vshll.u32 v1, $0x3;
	v6 =	vand.u32 $0x7FFFFC00, v6;
	s17 =	sand.u32 $0x7, s17;
	v5 =	vor.u32 v42, v5;
	v58 =	vld [tilespmem:$0x1FF00]  }
0x8f: {  	v7 =	vand.u32 $0x7FFFFC00, v7;
	v6 =	vadd.s32 s16, v6;
	s17 =	sshll.u32 s17, $0x7;
	v5 =	vor.u32 s18, v5;
	v16 =	vld.idx.msk [tilespmem:v13+s3+$0x0], $0xffff  }
0x90: {  	v53 =	vand.u32 $0x7F, v2;
	v2 =	vshll.u32 v2, $0x3;
	v35 =	vadd.s32 s17, v10;
	v20 =	vld.idx.msk [tilespmem:v19+s3+$0x0], $0xffff  }
0x91: {  	v1 =	vand.u32 $0x7FFFFC00, v1;
	v6 =	vor.u32 v46, v6;
	v2 =	vand.u32 $0x7FFFFC00, v2;
	v22 =	vld.idx.msk [tilespmem:v0+s3+$0x0], $0xffff  }
0x92: {  	v7 =	vadd.s32 s16, v7;
	v1 =	vadd.s32 s16, v1;
	v2 =	vadd.s32 s16, v2;
	v27 =	vld.idx.msk [tilespmem:v36+s3+$0x0], $0xffff  }
0x93: {  	v42 =	vshll.u32 v26, $0x3;
	v8 =	vadd.s32 s17, v8;
	v36 =	vshll.u32 v61, $0x3;
	v61 =	vld [tilespmem:$0x1FF50]  }
0x94: {  	v2 =	vor.u32 v53, v2;
	v0 =	vand.u32 $0x7FFFFC00, v37;
	v37 =	vor.u32 s17, v6;
	v26 =	vld.idx.msk [tilespmem:v5+s3+$0x0], $0xffff  }
0x95: {  	v15 =	vand.u32 $0x7FFFFC00, v18;
	v2 =	vor.u32 s17, v2;
	v13 =	vadd.s32 v32, v59;
	v21 =	vld.idx.msk [tilespmem:v35+s3+$0x0], $0xffff  }
0x96: {  	v1 =	vor.u32 v54, v1;
	v15 =	vadd.s32 s16, v15;
	v9 =	vadd.s32 s17, v13;
	v32 =	vld.idx.msk [tilespmem:v12+s3+$0x0], $0xffff  }
0x97: {  	v15 =	vor.u32 v57, v15;
	v3 =	vadd.s32 v60, v3;
	v10 =	vand.u32 $0x7FFFFC00, v36;
	v36 =	vld [tilespmem:$0x1FEF0]  }
0x98: {  	v1 =	vor.u32 s17, v1;
	v15 =	vor.u32 s17, v15;
	v0 =	vadd.s32 s16, v0;
	v59 =	vld.idx.msk [tilespmem:v8+s3+$0x0], $0xffff  }
0x99: {  	v5 =	vadd.s32 s16, v43;
	v0 =	vor.u32 v49, v0;
	v8 =	vadd.s32 s16, v44;
	v44 =	vld.idx.msk [tilespmem:v37+s3+$0x0], $0xffff  }
0x9a: {  	v7 =	vor.u32 v55, v7;
	v5 =	vadd.s32 v50, v5;
	v0 =	vor.u32 s17, v0;
	v37 =	vld.idx.msk [tilespmem:v2+s3+$0x0], $0xffff  }
0x9b: {  	v4 =	vand.u32 $0x7FFFFC00, v40;
	v12 =	vor.u32 v34, v39;
	v5 =	vadd.s32 s17, v5;
	v19 =	vld.idx.msk [tilespmem:v9+s3+$0x0], $0xffff  }
0x9c: {  	v4 =	vadd.s32 s16, v4;
	v12 =	vor.u32 s18, v12;
	v40 =	vld.idx.msk [tilespmem:v3+s3+$0x0], $0xffff;
	v38 =	vor.u32 v56, v8  }
0x9d: {  	v7 =	vor.u32 s17, v7;
	v4 =	vor.u32 v48, v4;
	v6 =	vor.u32 s17, v38;
	v38 =	vld.idx.msk [tilespmem:v1+s3+$0x0], $0xffff  }
0x9e: {  	v53 =	vor.u32 s17, v4;
	v14 =	vor.u32 v36, v39;
	v39 =	vadd.s32 s16, v45;
	v45 =	vld.idx.msk [tilespmem:v15+s3+$0x0], $0xffff  }
0x9f: {  	v33 =	vand.u32 $0x7FFFFC00, v41;
	v34 =	vld.idx.msk [tilespmem:v0+s3+$0x0], $0xffff  }
0xa0: {  	v41 =	vadd.s32 s16, v10;
	v14 =	vor.u32 s18, v14;
	v43 =	vld.idx.msk [tilespmem:v5+s3+$0x0], $0xffff;
	v5 =	vor.u32 v52, v39  }
0xa1: {  	v51 =	vor.u32 v51, v41;
	v56 =	vld.idx.msk [tilespmem:v12+s3+$0x0], $0xffff;
	v52 =	vadd.s32 s16, v33;
	v46 =	vor.u32 s17, v5  }
0xa2: {  	v39 =	vld.idx.msk [tilespmem:v7+s3+$0x0], $0xffff;
	v5 =	vor.u32 s17, v51;
	v54 =	vor.u32 v47, v52  }
0xa3: {  	p1 =	sne.s32 s4, $0x1F;
	v33 =	vld.idx.msk [tilespmem:v53+s3+$0x0], $0xffff;
	v57 =	vor.u32 s17, v54  }
.Ltmp0:
0xa4: {  	v41 =	vld.idx.msk [tilespmem:v6+s3+$0x0], $0xffff;
	(pc) =	sbr.rel @p1 .LBB2_3-.Ltmp0, $4  }
0xa5: {  	v35 =	vand.u32 $0x7FFFFC00, v42;
	v50 =	vld.idx.msk [tilespmem:v14+s3+$0x0], $0xffff  }
0xa6: {  	v55 =	vadd.s32 s16, v35;
	v36 =	vld.idx.msk [tilespmem:v46+s3+$0x0], $0xffff  }
0xa7: {  	s4 =	sadd.s32 $0x1, s4;
	s1 =	ssub.s32 s19, s10;
	v4 =	vor.u32 v58, v55;
	v35 =	vld.idx.msk [tilespmem:v5+s3+$0x0], $0xffff  }
0xa8: {  	s10 =	smov.u32 s15;
	s1 =	sadd.s32 $0x1FF, s1;
	s15 =	sadd.s32 $0x2, s15;
	v42 =	vor.u32 s17, v4;
	v58 =	vld.idx.msk [tilespmem:v57+s3+$0x0], $0xffff  }
0xa9: {  	_ =	sdelay $0x3  }
0xaa: {  	v0 =	vld.idx.msk [tilespmem:v42+s3+$0x0], $0xffff;
	[tilespmem:s1+$0x8000] =	vst v23  }
0xab: {  	[tilespmem:s1+$0x8010] =	vst v40  }
0xac: {  	[tilespmem:s1+$0x8020] =	vst v20  }
0xad: {  	[tilespmem:s1+$0x8030] =	vst v25  }
0xae: {  	[tilespmem:s1+$0x8040] =	vst v27  }
0xaf: {  	[tilespmem:s1+$0x8050] =	vst v28  }
0xb0: {  	[tilespmem:s1+$0x8060] =	vst v29  }
0xb1: {  	[tilespmem:s1+$0x8070] =	vst v30  }
0xb2: {  	[tilespmem:s1+$0x8080] =	vst v32  }
0xb3: {  	[tilespmem:s1+$0x8090] =	vst v56  }
0xb4: {  	[tilespmem:s1+$0x80A0] =	vst v17  }
0xb5: {  	[tilespmem:s1+$0x80C0] =	vst v16  }
0xb6: {  	[tilespmem:s1+$0x80D0] =	vst v22;
	s4 =	simm.s32 $0x40;
	v9 =	vlaneseq.u32  }
0xb7: {  	[tilespmem:s1+$0x80E0] =	vst v24;
	v55 =	vld [tilespmem:$0x1FFD0];
	v16 =	vadd.s32 s4, v9;
	v17 =	vadd.s32 s4, v60  }
0xb8: {  	[tilespmem:s1+$0x80F0] =	vst v26;
	v56 =	vld [tilespmem:$0x1FFE0];
	s16 =	simm.s32 $0x41;
	v2 =	vadd.s32 s4, v62;
	v3 =	vadd.s32 s4, v61;
	v4 =	vadd.s32 s4, v63  }
0xb9: {  	s15 =	ssub.s32 s1, s10;
	v15 =	vld [tilespmem:$0x1FF10];
	[tilespmem:s1+$0x80B0] =	vst v50;
	v9 =	vadd.s32 s16, v9;
	v10 =	vadd.s32 s16, v60;
	v20 =	vadd.s32 s16, v62  }
0xba: {  	v57 =	vld [tilespmem:$0x1FFF0];
	v25 =	vadd.s32 s16, v63;
	[tilespmem:s15+$0x8120] =	vst v21;
	v21 =	vadd.s32 s16, v61;
	v24 =	vand.u32 $0x7F, v16  }
0xbb: {  	v12 =	vld [tilespmem:$0x1FF20];
	[tilespmem:s15+$0x8100] =	vst v59;
	v23 =	vand.u32 $0x7F, v17;
	v14 =	vand.u32 $0x7F, v2;
	v59 =	vand.u32 $0x7F, v4  }
0xbc: {  	v42 =	vld [tilespmem:$0x1FF70];
	v47 =	vand.u32 $0x7F, v9;
	v48 =	vand.u32 $0x7F, v10;
	v2 =	vshll.u32 v2, $0x3  }
0xbd: {  	v13 =	vld [tilespmem:$0x1FF80];
	[tilespmem:s15+$0x8110] =	vst v19;
	v4 =	vshll.u32 v4, $0x3;
	v9 =	vshll.u32 v9, $0x3;
	v10 =	vshll.u32 v10, $0x3  }
0xbe: {  	[tilespmem:s15+$0x8130] =	vst v43;
	v51 =	vand.u32 $0x7F, v20;
	v32 =	vand.u32 $0x7F, v25;
	v31 =	vshll.u32 v16, $0x3  }
0xbf: {  	[tilespmem:s15+$0x8140] =	vst v45;
	v2 =	vand.u32 $0x7FFFFC00, v2;
	v4 =	vand.u32 $0x7FFFFC00, v4;
	v9 =	vand.u32 $0x7FFFFC00, v9  }
0xc0: {  	[tilespmem:s15+$0x8150] =	vst v44;
	v10 =	vand.u32 $0x7FFFFC00, v10;
	v52 =	vadd.s32 s4, v55;
	v1 =	vadd.s32 s4, v56  }
0xc1: {  	[tilespmem:s15+$0x8160] =	vst v41;
	v18 =	vadd.s32 s4, v15;
	v5 =	vadd.s32 s4, v57;
	v6 =	vadd.s32 s4, v12  }
0xc2: {  	[tilespmem:s15+$0x8170] =	vst v39;
	v7 =	vadd.s32 s4, v42;
	v8 =	vadd.s32 s4, v13;
	v11 =	vadd.s32 s16, v55  }
0xc3: {  	[tilespmem:s15+$0x8180] =	vst v38;
	v19 =	vadd.s32 s16, v56;
	v22 =	vadd.s32 s16, v15;
	v27 =	vadd.s32 s16, v57  }
0xc4: {  	[tilespmem:s15+$0x8190] =	vst v37;
	v28 =	vadd.s32 s16, v12;
	v29 =	vadd.s32 s16, v42;
	v30 =	vadd.s32 s16, v13  }
0xc5: {  	[tilespmem:s15+$0x81A0] =	vst v36;
	v15 =	vand.u32 $0x7F, v3;
	v3 =	vshll.u32 v3, $0x3;
	v53 =	vand.u32 $0x7F, v52  }
0xc6: {  	[tilespmem:s15+$0x81C0] =	vst v34;
	v54 =	vand.u32 $0x7F, v1;
	v26 =	vand.u32 $0x7F, v18;
	v43 =	vand.u32 $0x7F, v5  }
0xc7: {  	[tilespmem:s15+$0x81D0] =	vst v33;
	v44 =	vand.u32 $0x7F, v6;
	v45 =	vand.u32 $0x7F, v7;
	v46 =	vand.u32 $0x7F, v8  }
0xc8: {  	[tilespmem:s15+$0x81F0] =	vst v0;
	v49 =	vand.u32 $0x7F, v11;
	v0 =	vshll.u32 v52, $0x3;
	v1 =	vshll.u32 v1, $0x3  }
0xc9: {  	s18 =	simm.s32 $0x0;
	[tilespmem:s15+$0x81B0] =	vst v35;
	v5 =	vshll.u32 v5, $0x3;
	v6 =	vshll.u32 v6, $0x3;
	v7 =	vshll.u32 v7, $0x3  }
0xca: {  	[tilespmem:s15+$0x81E0] =	vst v58;
	s4 =	sand.u32 $0xFFFFF800, s18;
	v8 =	vshll.u32 v8, $0x3;
	v11 =	vshll.u32 v11, $0x3;
	v3 =	vand.u32 $0x7FFFFC00, v3  }
0xcb: {  	_ =	swait.ge [sflag:s14], $0x4000;
	v2 =	vadd.s32 s4, v2;
	v4 =	vadd.s32 s4, v4;
	v9 =	vadd.s32 s4, v9  }
0xcc: {  	s17 =	simm.s32 $0x400;
	v10 =	vadd.s32 s4, v10;
	v50 =	vand.u32 $0x7F, v19;
	v52 =	vand.u32 $0x7F, v21;
	[sflag:s14] =	ssyncset.done $0x0  }
0xcd: {  	s1 =	simm.s32 $0x0;
	s16 =	sadd.s32 s0, s8;
	v34 =	vand.u32 $0x7F, v27;
	v35 =	vand.u32 $0x7F, v28;
	v36 =	vand.u32 $0x7F, v29;
	[sflag:s14] =	ssyncadd.s32 $0xFFFFC000  }
0xce: {  	v37 =	vand.u32 $0x7F, v30;
	v58 =	vshll.u32 v19, $0x3;
	v21 =	vshll.u32 v21, $0x3;
	[tilespmem:s17], [sflag:$0x1] =	stream.linear.gather [hbm4b:s16+s1], $0x400, $0x38;
	[tilespmem:$0x18200] =	vst v63  }
0xcf: {  	s21 =	sadd.s32 $0x100, s16;
	v40 =	vshll.u32 v22, $0x3;
	v41 =	vshll.u32 v28, $0x3;
	v28 =	vshll.u32 v29, $0x3;
	s17 =	simm.s32 $0xC00  }
0xd0: {  	v29 =	vshll.u32 v30, $0x3;
	v0 =	vand.u32 $0x7FFFFC00, v0;
	v1 =	vand.u32 $0x7FFFFC00, v1;
	[tilespmem:s17], [sflag:$0x1] =	stream.linear.gather [hbm4b:s21+s1], $0x400, $0x38;
	[tilespmem:$0x18200] =	vst v63  }
0xd1: {  	s19 =	simm.s32 $0x0;
	s18 =	simm.s32 $0x1400;
	v5 =	vand.u32 $0x7FFFFC00, v5;
	v6 =	vand.u32 $0x7FFFFC00, v6;
	v7 =	vand.u32 $0x7FFFFC00, v7;
	s17 =	sadd.s32 $0x200, s16  }
0xd2: {  	v8 =	vand.u32 $0x7FFFFC00, v8;
	v11 =	vand.u32 $0x7FFFFC00, v11;
	v2 =	vor.u32 v14, v2;
	[tilespmem:s18], [sflag:$0x1] =	stream.linear.gather [hbm4b:s17+s1], $0x400, $0x38;
	[tilespmem:$0x18200] =	vst v63  }
0xd3: {  	s15 =	sand.u32 $0x300, s19;
	s19 =	sadd.s32 $0x300, s16;
	v3 =	vadd.s32 s4, v3;
	v4 =	vor.u32 v59, v4;
	v9 =	vor.u32 v47, v9;
	s21 =	simm.s32 $0x1C00  }
0xd4: {  	v10 =	vor.u32 v48, v10;
	v59 =	vshll.u32 v20, $0x3;
	v0 =	vadd.s32 s4, v0;
	[tilespmem:s21], [sflag:$0x1] =	stream.linear.gather [hbm4b:s19+s1], $0x400, $0x38;
	[tilespmem:$0x18200] =	vst v63  }
0xd5: {  	v1 =	vadd.s32 s4, v1;
	v2 =	vor.u32 s15, v2;
	v3 =	vor.u32 v15, v3;
	s18 =	sadd.s32 $0x400, s16;
	s19 =	simm.s32 $0x2400  }
0xd6: {  	v5 =	vadd.s32 s4, v5;
	v4 =	vor.u32 s15, v4;
	v6 =	vadd.s32 s4, v6;
	[tilespmem:s19], [sflag:$0x1] =	stream.linear.gather [hbm4b:s18+s1], $0x400, $0x38;
	[tilespmem:$0x18200] =	vst v63  }
0xd7: {  	s10 =	sor.u32 $0x80, s15;
	v7 =	vadd.s32 s4, v7;
	v8 =	vadd.s32 s4, v8;
	v0 =	vor.u32 v53, v0;
	s21 =	sadd.s32 $0x500, s16;
	s18 =	simm.s32 $0x2C00  }
0xd8: {  	v9 =	vor.u32 s10, v9;
	v1 =	vor.u32 v54, v1;
	v0 =	vor.u32 s15, v0;
	[tilespmem:s18], [sflag:$0x1] =	stream.linear.gather [hbm4b:s21+s1], $0x400, $0x38;
	[tilespmem:$0x18200] =	vst v63  }
0xd9: {  	v11 =	vadd.s32 s4, v11;
	v10 =	vor.u32 s10, v10;
	v1 =	vor.u32 s15, v1;
	s19 =	simm.s32 $0x3400;
	s18 =	sadd.s32 $0x600, s16  }
0xda: {  	v15 =	vand.u32 $0x7F, v22;
	v22 =	vshll.u32 v25, $0x3;
	v25 =	vshll.u32 v27, $0x3;
	[tilespmem:s19], [sflag:$0x1] =	stream.linear.gather [hbm4b:s18+s1], $0x400, $0x38;
	[tilespmem:$0x18200] =	vst v63  }
0xdb: {  	v3 =	vor.u32 s15, v3;
	v5 =	vor.u32 v43, v5;
	v6 =	vor.u32 v44, v6;
	s16 =	sadd.s32 $0x700, s16;
	s21 =	simm.s32 $0x3C00  }
0xdc: {  	v7 =	vor.u32 v45, v7;
	v8 =	vor.u32 v46, v8;
	v11 =	vor.u32 v49, v11;
	[tilespmem:s21], [sflag:$0x1] =	stream.linear.gather [hbm4b:s16+s1], $0x400, $0x38;
	[tilespmem:$0x18200] =	vst v63  }
0xdd: {  	v53 =	vshll.u32 v17, $0x3;
	v54 =	vshll.u32 v18, $0x3;
	v5 =	vor.u32 s15, v5;
	v16 =	vld.idx.msk [tilespmem:v0+s13+$0x0], $0xffff  }
0xde: {  	v43 =	vand.u32 $0x7FFFFC00, v31;
	v44 =	vand.u32 $0x7FFFFC00, v59;
	v6 =	vor.u32 s15, v6;
	v17 =	vld.idx.msk [tilespmem:v1+s13+$0x0], $0xffff  }
0xdf: {  	v31 =	vand.u32 $0x7FFFFC00, v21;
	v45 =	vand.u32 $0x7FFFFC00, v22;
	v7 =	vor.u32 s15, v7;
	v18 =	vld.idx.msk [tilespmem:v2+s13+$0x0], $0xffff  }
0xe0: {  	v46 =	vand.u32 $0x7FFFFC00, v25;
	v8 =	vor.u32 s15, v8;
	v11 =	vor.u32 s10, v11;
	v20 =	vld.idx.msk [tilespmem:v3+s13+$0x0], $0xffff  }
0xe1: {  	v27 =	vand.u32 $0x7FFFFC00, v53;
	v30 =	vand.u32 $0x7FFFFC00, v54;
	v49 =	vadd.s32 s4, v31;
	v19 =	vld.idx.msk [tilespmem:v4+s13+$0x0], $0xffff  }
0xe2: {  	v0 =	vand.u32 $0x7FFFFC00, v58;
	v21 =	vld.idx.msk [tilespmem:v5+s13+$0x0], $0xffff;
	v1 =	vand.u32 $0x7FFFFC00, v40;
	v3 =	vadd.s32 s4, v43  }
0xe3: {  	v22 =	vld.idx.msk [tilespmem:v6+s13+$0x0], $0xffff;
	v4 =	vadd.s32 s4, v44;
	v3 =	vor.u32 v24, v3;
	v24 =	vadd.s32 s4, v27  }
0xe4: {  	v25 =	vld.idx.msk [tilespmem:v7+s13+$0x0], $0xffff;
	v0 =	vadd.s32 s4, v0;
	v4 =	vor.u32 v51, v4;
	v3 =	vor.u32 s15, v3  }
0xe5: {  	v27 =	vld.idx.msk [tilespmem:v8+s13+$0x0], $0xffff;
	v1 =	vadd.s32 s4, v1;
	v47 =	vor.u32 v23, v24;
	v4 =	vor.u32 s10, v4  }
0xe6: {  	v23 =	vadd.s32 s4, v30;
	v24 =	vld.idx.msk [tilespmem:v9+s13+$0x0], $0xffff;
	v0 =	vor.u32 v50, v0;
	v7 =	vor.u32 s15, v47  }
0xe7: {  	v9 =	vor.u32 v52, v49;
	v48 =	vor.u32 v26, v23;
	v23 =	vld.idx.msk [tilespmem:v10+s13+$0x0], $0xffff;
	v0 =	vor.u32 s10, v0  }
0xe8: {  	v1 =	vor.u32 v15, v1;
	v26 =	vld.idx.msk [tilespmem:v11+s13+$0x0], $0xffff;
	v50 =	vor.u32 s10, v9  }
0xe9: {  	v2 =	vand.u32 $0x7FFFFC00, v41;
	v5 =	vadd.s32 s4, v45;
	v1 =	vor.u32 s10, v1;
	v30 =	vld.idx.msk [tilespmem:v3+s13+$0x0], $0xffff  }
0xea: {  	v6 =	vadd.s32 s4, v46;
	v51 =	vand.u32 $0x7FFFFC00, v28;
	v8 =	vor.u32 s15, v48;
	v41 =	vld.idx.msk [tilespmem:v4+s13+$0x0], $0xffff  }
0xeb: {  	v5 =	vor.u32 v32, v5;
	v53 =	vor.u32 v34, v6;
	v52 =	vand.u32 $0x7FFFFC00, v29;
	v31 =	vld.idx.msk [tilespmem:v7+s13+$0x0], $0xffff  }
0xec: {  	v2 =	vadd.s32 s4, v2;
	v28 =	vor.u32 s10, v5;
	v58 =	vadd.s32 s4, v52;
	v34 =	vld.idx.msk [tilespmem:v0+s13+$0x0], $0xffff  }
0xed: {  	v32 =	vor.u32 s10, v53;
	v54 =	vadd.s32 s4, v51;
	v59 =	vor.u32 v37, v58;
	v45 =	vld.idx.msk [tilespmem:v50+s13+$0x0], $0xffff  }
0xee: {  	v2 =	vor.u32 v35, v2;
	v35 =	vor.u32 s10, v59;
	v0 =	vor.u32 v36, v54;
	v46 =	vld.idx.msk [tilespmem:v1+s13+$0x0], $0xffff  }
0xef: {  	s4 =	simm.s32 $0x3820;
	s15 =	simm.s32 $0x1;
	v36 =	vor.u32 s10, v2;
	v54 =	vlaneseq.u32;
	v33 =	vld.idx.msk [tilespmem:v8+s13+$0x0], $0xffff;
	v37 =	vor.u32 s10, v0;
	s10 =	simm.s32 $0x2  }
.LBB2_5:
0xf0: {  	_ =	sdelay $0x2  }
0xf1: {  	s16 =	sadd.s32 $0x40, s10;
	v47 =	vld.idx.msk [tilespmem:v28+s13+$0x0], $0xffff  }
0xf2: {  	v48 =	vld.idx.msk [tilespmem:v32+s13+$0x0], $0xffff;
	v28 =	vadd.s32 s16, v54;
	v29 =	vadd.s32 s16, v60;
	v0 =	vadd.s32 s16, v55  }
0xf3: {  	v49 =	vld.idx.msk [tilespmem:v36+s13+$0x0], $0xffff;
	s18 =	sadd.s32 $0x41, s10;
	v1 =	vadd.s32 s16, v56;
	v2 =	vadd.s32 s16, v62;
	v3 =	vadd.s32 s16, v61  }
0xf4: {  	v50 =	vld.idx.msk [tilespmem:v37+s13+$0x0], $0xffff;
	v4 =	vadd.s32 s16, v63;
	v5 =	vadd.s32 s16, v57;
	v10 =	vadd.s32 s18, v54  }
0xf5: {  	v9 =	vld.idx.msk [tilespmem:v35+s13+$0x0], $0xffff;
	[tilespmem:s4+$0x8020] =	vst v16;
	v11 =	vadd.s32 s18, v60;
	v12 =	vadd.s32 s18, v55;
	v35 =	vadd.s32 s18, v56  }
0xf6: {  	[tilespmem:s4+$0x8030] =	vst v17;
	v36 =	vadd.s32 s18, v62;
	v37 =	vadd.s32 s18, v61;
	v39 =	vadd.s32 s18, v63  }
0xf7: {  	v38 =	vld [tilespmem:$0x1FF10];
	[tilespmem:s4+$0x8080] =	vst v21;
	v40 =	vadd.s32 s18, v57;
	v15 =	vand.u32 $0x7F, v2;
	v16 =	vand.u32 $0x7F, v3  }
0xf8: {  	v13 =	vld [tilespmem:$0x1FF20];
	[tilespmem:s4+$0x8040] =	vst v18;
	v17 =	vand.u32 $0x7F, v4;
	v18 =	vand.u32 $0x7F, v5;
	v21 =	vand.u32 $0x7F, v10  }
0xf9: {  	v14 =	vld [tilespmem:$0x1FF80];
	v52 =	vand.u32 $0x7F, v11;
	v2 =	vshll.u32 v2, $0x3;
	v3 =	vshll.u32 v3, $0x3  }
0xfa: {  	v53 =	vld [tilespmem:$0x1FF70];
	v4 =	vshll.u32 v4, $0x3;
	v5 =	vshll.u32 v5, $0x3;
	v58 =	vshll.u32 v10, $0x3  }
0xfb: {  	v59 =	vshll.u32 v11, $0x3;
	v2 =	vand.u32 $0x7FFFFC00, v2;
	v3 =	vand.u32 $0x7FFFFC00, v3  }
0xfc: {  	v4 =	vand.u32 $0x7FFFFC00, v4;
	v5 =	vand.u32 $0x7FFFFC00, v5;
	v10 =	vand.u32 $0x7FFFFC00, v59;
	[tilespmem:s4+$0x8000] =	vst v30  }
0xfd: {  	v7 =	vadd.s32 s16, v42;
	[tilespmem:s4+$0x8010] =	vst v31;
	v31 =	vand.u32 $0x7F, v28;
	v30 =	vand.u32 $0x7F, v29  }
0xfe: {  	v32 =	vadd.s32 s16, v38;
	v6 =	vadd.s32 s16, v13;
	v8 =	vadd.s32 s16, v14  }
0xff: {  	[tilespmem:s4+$0x8070] =	vst v19;
	v38 =	vadd.s32 s18, v38;
	v42 =	vadd.s32 s18, v13;
	v43 =	vadd.s32 s18, v53  }
0x100: {  	[tilespmem:s4+$0x8090] =	vst v22;
	v44 =	vadd.s32 s18, v14;
	v13 =	vand.u32 $0x7F, v0;
	v14 =	vand.u32 $0x7F, v1  }
0x101: {  	[tilespmem:s4+$0x8050] =	vst v20;
	v20 =	vand.u32 $0x7F, v7;
	v53 =	vand.u32 $0x7F, v12;
	v0 =	vshll.u32 v0, $0x3  }
0x102: {  	[tilespmem:s4+$0x80B0] =	vst v27;
	v1 =	vshll.u32 v1, $0x3;
	v7 =	vshll.u32 v7, $0x3;
	v12 =	vshll.u32 v12, $0x3  }
0x103: {  	[tilespmem:s4+$0x8060] =	vst v33;
	v33 =	vand.u32 $0x7F, v32;
	v19 =	vand.u32 $0x7F, v6;
	v51 =	vand.u32 $0x7F, v8  }
0x104: {  	s19 =	sshll.u32 s15, $0x9;
	[tilespmem:s4+$0x80A0] =	vst v25;
	s18 =	ssub.s32 s4, s1;
	v6 =	vshll.u32 v6, $0x3;
	v8 =	vshll.u32 v8, $0x3;
	v0 =	vand.u32 $0x7FFFFC00, v0  }
0x105: {  	s16 =	sand.u32 $0xFFFFF800, s19;
	[tilespmem:s18+$0x8170] =	vst v9;
	v1 =	vand.u32 $0x7FFFFC00, v1;
	v7 =	vand.u32 $0x7FFFFC00, v7;
	v9 =	vand.u32 $0x7FFFFC00, v58  }
0x106: {  	v11 =	vand.u32 $0x7FFFFC00, v12;
	v2 =	vadd.s32 s16, v2;
	v3 =	vadd.s32 s16, v3  }
0x107: {  	v4 =	vadd.s32 s16, v4;
	v5 =	vadd.s32 s16, v5;
	v58 =	vadd.s32 s16, v10  }
0x108: {  	v10 =	vand.u32 $0x7F, v43;
	v6 =	vand.u32 $0x7FFFFC00, v6;
	v8 =	vand.u32 $0x7FFFFC00, v8  }
0x109: {  	v0 =	vadd.s32 s16, v0;
	v1 =	vadd.s32 s16, v1;
	v2 =	vor.u32 v15, v2  }
0x10a: {  	s17 =	sshll.u32 s10, $0x7;
	v3 =	vor.u32 v16, v3;
	v4 =	vor.u32 v17, v4;
	v5 =	vor.u32 v18, v5  }
0x10b: {  	s17 =	sand.u32 $0x300, s17;
	[tilespmem:s18+$0x8120] =	vst v46;
	v46 =	vadd.s32 s16, v7;
	v9 =	vadd.s32 s16, v9;
	v15 =	vshll.u32 v37, $0x3  }
0x10c: {  	[tilespmem:s18+$0x8100] =	vst v41;
	v0 =	vor.u32 v13, v0;
	v1 =	vor.u32 v14, v1;
	v2 =	vor.u32 s17, v2  }
0x10d: {  	[tilespmem:s18+$0x8140] =	vst v48;
	v3 =	vor.u32 s17, v3;
	v4 =	vor.u32 s17, v4;
	v6 =	vadd.s32 s16, v6  }
0x10e: {  	[tilespmem:s18+$0x8150] =	vst v49;
	v41 =	vor.u32 s17, v5;
	v48 =	vor.u32 v20, v46;
	v49 =	vadd.s32 s16, v8  }
0x10f: {  	[tilespmem:s18+$0x80C0] =	vst v24;
	v13 =	vor.u32 v52, v58;
	v14 =	vadd.s32 s16, v11;
	v46 =	vand.u32 $0x7F, v36  }
0x110: {  	[tilespmem:s18+$0x80D0] =	vst v23;
	v11 =	vand.u32 $0x7F, v44;
	v52 =	vshll.u32 v28, $0x3;
	v58 =	vshll.u32 v32, $0x3  }
0x111: {  	[tilespmem:s18+$0x80E0] =	vst v26;
	v36 =	vshll.u32 v36, $0x3;
	v28 =	vshll.u32 v39, $0x3;
	v44 =	vshll.u32 v44, $0x3  }
0x112: {  	[tilespmem:s18+$0x8110] =	vst v45;
	v15 =	vand.u32 $0x7FFFFC00, v15;
	v0 =	vor.u32 s17, v0;
	v1 =	vor.u32 s17, v1  }
0x113: {  	s21 =	sor.u32 $0x80, s17;
	[tilespmem:s18+$0x8160] =	vst v50;
	v45 =	vor.u32 v19, v6;
	v50 =	vor.u32 s17, v48;
	v59 =	vor.u32 v51, v49  }
0x114: {  	[tilespmem:s18+$0x80F0] =	vst v34;
	v51 =	vor.u32 v21, v9;
	v34 =	vor.u32 s21, v13;
	v6 =	vand.u32 $0x7F, v35  }
0x115: {  	[tilespmem:s18+$0x8130] =	vst v47;
	v48 =	vand.u32 $0x7F, v38;
	v49 =	vand.u32 $0x7F, v39;
	v47 =	vor.u32 s17, v45  }
0x116: {  	v39 =	vshll.u32 v43, $0x3;
	v12 =	vor.u32 s17, v59;
	v59 =	vor.u32 s21, v51;
	v18 =	vld.idx.msk [tilespmem:v2+s13+$0x0], $0xffff  }
0x117: {  	v28 =	vand.u32 $0x7FFFFC00, v28;
	v51 =	vand.u32 $0x7F, v42;
	v21 =	vld.idx.msk [tilespmem:v41+s13+$0x0], $0xffff;
	v41 =	vor.u32 v53, v14  }
0x118: {  	v19 =	vld.idx.msk [tilespmem:v4+s13+$0x0], $0xffff;
	v53 =	vshll.u32 v29, $0x3;
	v29 =	vshll.u32 v40, $0x3;
	v14 =	vand.u32 $0x7FFFFC00, v58  }
0x119: {  	v4 =	vand.u32 $0x7FFFFC00, v36;
	v45 =	vor.u32 s21, v41;
	v25 =	vld.idx.msk [tilespmem:v50+s13+$0x0], $0xffff;
	v50 =	vand.u32 $0x7F, v40  }
0x11a: {  	v13 =	vand.u32 $0x7FFFFC00, v53;
	v29 =	vand.u32 $0x7FFFFC00, v29;
	v14 =	vadd.s32 s16, v14;
	v22 =	vld.idx.msk [tilespmem:v47+s13+$0x0], $0xffff  }
0x11b: {  	v4 =	vadd.s32 s16, v4;
	v47 =	vand.u32 $0x7F, v37;
	v24 =	vld.idx.msk [tilespmem:v59+s13+$0x0], $0xffff;
	v59 =	vshll.u32 v35, $0x3  }
0x11c: {  	v27 =	vld.idx.msk [tilespmem:v12+s13+$0x0], $0xffff;
	v37 =	vshll.u32 v38, $0x3;
	v38 =	vshll.u32 v42, $0x3;
	v12 =	vand.u32 $0x7FFFFC00, v52  }
0x11d: {  	v20 =	vld.idx.msk [tilespmem:v3+s13+$0x0], $0xffff;
	v13 =	vadd.s32 s16, v13;
	v14 =	vor.u32 v33, v14;
	v4 =	vor.u32 v46, v4  }
0x11e: {  	v16 =	vld.idx.msk [tilespmem:v0+s13+$0x0], $0xffff;
	v46 =	vadd.s32 s16, v15;
	v0 =	vand.u32 $0x7FFFFC00, v59;
	v14 =	vor.u32 s17, v14  }
0x11f: {  	v17 =	vld.idx.msk [tilespmem:v1+s13+$0x0], $0xffff;
	v1 =	vand.u32 $0x7FFFFC00, v37;
	v13 =	vor.u32 v30, v13;
	v4 =	vor.u32 s21, v4  }
0x120: {  	v23 =	vld.idx.msk [tilespmem:v34+s13+$0x0], $0xffff;
	v12 =	vadd.s32 s16, v12;
	v5 =	vor.u32 v47, v46;
	v13 =	vor.u32 s17, v13  }
0x121: {  	v42 =	vld [tilespmem:$0x1FF70];
	v12 =	vor.u32 v31, v12;
	v0 =	vadd.s32 s16, v0;
	v5 =	vor.u32 s21, v5  }
0x122: {  	v1 =	vadd.s32 s16, v1;
	v12 =	vor.u32 s17, v12;
	v0 =	vor.u32 v6, v0;
	v26 =	vld.idx.msk [tilespmem:v45+s13+$0x0], $0xffff  }
0x123: {  	v35 =	vand.u32 $0x7FFFFC00, v44;
	v1 =	vor.u32 v48, v1;
	v0 =	vor.u32 s21, v0;
	v33 =	vld.idx.msk [tilespmem:v14+s13+$0x0], $0xffff  }
0x124: {  	p1 =	sne.s32 s15, $0x1F;
	v32 =	vand.u32 $0x7FFFFC00, v38;
	v47 =	vadd.s32 s16, v28;
	v1 =	vor.u32 s21, v1;
	v41 =	vld.idx.msk [tilespmem:v4+s13+$0x0], $0xffff  }
.Ltmp1:
0x125: {  	v58 =	vadd.s32 s16, v35;
	v2 =	vor.u32 v49, v47;
	v45 =	vand.u32 $0x7FFFFC00, v39;
	v31 =	vld.idx.msk [tilespmem:v13+s13+$0x0], $0xffff;
	(pc) =	sbr.rel @p1 .LBB2_5-.Ltmp1, $4  }
0x126: {  	v59 =	vor.u32 v11, v58;
	v48 =	vadd.s32 s16, v29;
	v52 =	vadd.s32 s16, v45;
	v45 =	vld.idx.msk [tilespmem:v5+s13+$0x0], $0xffff  }
0x127: {  	v28 =	vor.u32 s21, v2;
	v49 =	vor.u32 v50, v48;
	v50 =	vadd.s32 s16, v32;
	v30 =	vld.idx.msk [tilespmem:v12+s13+$0x0], $0xffff  }
0x128: {  	s15 =	sadd.s32 $0x1, s15;
	s4 =	ssub.s32 s18, s1;
	v35 =	vor.u32 s21, v59;
	v51 =	vor.u32 v51, v50;
	v53 =	vor.u32 v10, v52;
	v34 =	vld.idx.msk [tilespmem:v0+s13+$0x0], $0xffff  }
0x129: {  	s1 =	smov.u32 s10;
	s10 =	sadd.s32 $0x2, s10;
	s4 =	sadd.s32 $0x17F, s4;
	v32 =	vor.u32 s21, v49;
	v36 =	vor.u32 s21, v51;
	v37 =	vor.u32 s21, v53;
	v46 =	vld.idx.msk [tilespmem:v1+s13+$0x0], $0xffff  }
0x12a: {  	_ =	sdelay $0x3  }
0x12b: {  	v0 =	vld.idx.msk [tilespmem:v28+s13+$0x0], $0xffff  }
0x12c: {  	v1 =	vld.idx.msk [tilespmem:v32+s13+$0x0], $0xffff  }
0x12d: {  	v2 =	vld.idx.msk [tilespmem:v36+s13+$0x0], $0xffff  }
0x12e: {  	v3 =	vld.idx.msk [tilespmem:v37+s13+$0x0], $0xffff  }
0x12f: {  	v4 =	vld.idx.msk [tilespmem:v35+s13+$0x0], $0xffff;
	[tilespmem:s4+$0x8010] =	vst v31  }
0x130: {  	[tilespmem:s4+$0x8020] =	vst v16  }
0x131: {  	[tilespmem:s4+$0x8030] =	vst v17  }
0x132: {  	[tilespmem:s4+$0x8040] =	vst v18  }
0x133: {  	[tilespmem:s4+$0x8050] =	vst v20  }
0x134: {  	[tilespmem:s4+$0x8060] =	vst v33  }
0x135: {  	[tilespmem:s4+$0x8070] =	vst v19  }
0x136: {  	[tilespmem:s4+$0x8080] =	vst v21  }
0x137: {  	[tilespmem:s4+$0x8090] =	vst v22  }
0x138: {  	[tilespmem:s4+$0x80A0] =	vst v25  }
0x139: {  	[tilespmem:s4+$0x80B0] =	vst v27  }
0x13a: {  	s1 =	ssub.s32 s4, s1;
	[tilespmem:s4+$0x8000] =	vst v30  }
0x13b: {  	[tilespmem:s1+$0x80C0] =	vst v24  }
0x13c: {  	[tilespmem:s1+$0x80D0] =	vst v23  }
0x13d: {  	s21 =	simm.s32 $0x80;
	[tilespmem:s1+$0x80E0] =	vst v26  }
0x13e: {  	v38 =	vadd.s32 s21, v54;
	[tilespmem:s1+$0x80F0] =	vst v34  }
0x13f: {  	s10 =	simm.s32 $0x81;
	v39 =	vadd.s32 s21, v60;
	v40 =	vadd.s32 s21, v55;
	v5 =	vadd.s32 s21, v56;
	[tilespmem:s1+$0x8100] =	vst v41  }
0x140: {  	v6 =	vadd.s32 s21, v61;
	v43 =	vadd.s32 s21, v63;
	v8 =	vadd.s32 s10, v54;
	[tilespmem:s1+$0x8110] =	vst v45  }
0x141: {  	v9 =	vadd.s32 s10, v60;
	v10 =	vadd.s32 s10, v55;
	v11 =	vadd.s32 s10, v56;
	[tilespmem:s1+$0x8120] =	vst v46  }
0x142: {  	v12 =	vadd.s32 s10, v62;
	v13 =	vadd.s32 s10, v61;
	v15 =	vadd.s32 s10, v63;
	[tilespmem:s1+$0x8170] =	vst v4  }
0x143: {  	v16 =	vand.u32 $0x7F, v38;
	v17 =	vand.u32 $0x7F, v39;
	v18 =	vand.u32 $0x7F, v5;
	[tilespmem:s1+$0x8130] =	vst v0  }
0x144: {  	v20 =	vand.u32 $0x7F, v6;
	v22 =	vand.u32 $0x7F, v43;
	v5 =	vshll.u32 v5, $0x3;
	[tilespmem:s1+$0x8140] =	vst v1  }
0x145: {  	v25 =	vand.u32 $0x7F, v9;
	v6 =	vshll.u32 v6, $0x3;
	v9 =	vshll.u32 v9, $0x3;
	[tilespmem:s1+$0x8150] =	vst v2  }
0x146: {  	v14 =	vld [tilespmem:$0x1FF10];
	v31 =	vand.u32 $0x7F, v11;
	v44 =	vand.u32 $0x7F, v12;
	v30 =	vand.u32 $0x7F, v13;
	[tilespmem:s1+$0x8160] =	vst v3  }
0x147: {  	v28 =	vand.u32 $0x7F, v15;
	v11 =	vshll.u32 v11, $0x3;
	v12 =	vshll.u32 v12, $0x3;
	_ =	swait.ge [sflag:s12], $0x2000  }
0x148: {  	v13 =	vshll.u32 v13, $0x3;
	v41 =	vadd.s32 s21, v62;
	v24 =	vand.u32 $0x7F, v40;
	[sflag:s12] =	ssyncset.done $0x0  }
0x149: {  	v23 =	vand.u32 $0x7F, v8;
	v26 =	vand.u32 $0x7F, v10;
	v8 =	vshll.u32 v8, $0x3;
	s1 =	sadd.s32 s0, s9;
	s0 =	simm.s32 $0x0;
	[sflag:s12] =	ssyncadd.s32 $0xFFFFE000  }
0x14a: {  	v5 =	vand.u32 $0x7FFFFC00, v5;
	v10 =	vshll.u32 v10, $0x3;
	v6 =	vand.u32 $0x7FFFFC00, v6;
	[tilespmem:s23], [sflag:$0x2] =	stream.linear.gather [hbm4b:s1+s0], $0x400, $0x38;
	[tilespmem:$0x18200] =	vst v63  }
0x14b: {  	v9 =	vand.u32 $0x7FFFFC00, v9;
	v7 =	vadd.s32 s21, v14;
	v14 =	vadd.s32 s10, v14;
	s10 =	sadd.s32 $0x100, s1  }
0x14c: {  	v45 =	vshll.u32 v15, $0x3;
	v47 =	vand.u32 $0x7FFFFC00, v11;
	v48 =	vand.u32 $0x7FFFFC00, v12;
	[tilespmem:s24], [sflag:$0x2] =	stream.linear.gather [hbm4b:s10+s0], $0x400, $0x38;
	[tilespmem:$0x18200] =	vst v63  }
0x14d: {  	v49 =	vand.u32 $0x7FFFFC00, v13;
	v19 =	vand.u32 $0x7F, v41;
	v8 =	vand.u32 $0x7FFFFC00, v8;
	s15 =	sadd.s32 $0x200, s1  }
0x14e: {  	v10 =	vand.u32 $0x7FFFFC00, v10;
	v2 =	vshll.u32 v41, $0x3;
	v3 =	vshll.u32 v43, $0x3;
	[tilespmem:s25], [sflag:$0x2] =	stream.linear.gather [hbm4b:s15+s0], $0x400, $0x38;
	[tilespmem:$0x18200] =	vst v63  }
0x14f: {  	s16 =	simm.s32 $0x0;
	v0 =	vshll.u32 v38, $0x3;
	v1 =	vshll.u32 v39, $0x3;
	v4 =	vshll.u32 v40, $0x3;
	s15 =	sadd.s32 $0x300, s1  }
0x150: {  	v21 =	vand.u32 $0x7F, v7;
	v7 =	vshll.u32 v7, $0x3;
	v2 =	vand.u32 $0x7FFFFC00, v2;
	[tilespmem:s26], [sflag:$0x2] =	stream.linear.gather [hbm4b:s15+s0], $0x400, $0x38;
	[tilespmem:$0x18200] =	vst v63  }
0x151: {  	s17 =	simm.s32 $0x0;
	v3 =	vand.u32 $0x7FFFFC00, v3;
	s18 =	sadd.s32 $0x400, s1;
	v29 =	vand.u32 $0x7F, v14;
	v14 =	vshll.u32 v14, $0x3;
	s10 =	sand.u32 $0xFFFFF800, s16  }
0x152: {  	v0 =	vand.u32 $0x7FFFFC00, v0;
	v1 =	vand.u32 $0x7FFFFC00, v1;
	v5 =	vadd.s32 s10, v5;
	[tilespmem:s28], [sflag:$0x2] =	stream.linear.gather [hbm4b:s18+s0], $0x400, $0x38;
	[tilespmem:$0x18200] =	vst v63  }
0x153: {  	s4 =	sand.u32 $0x300, s17;
	s19 =	sadd.s32 $0x500, s1;
	v7 =	vand.u32 $0x7FFFFC00, v7;
	v2 =	vadd.s32 s10, v2;
	v5 =	vor.u32 v18, v5  }
0x154: {  	v6 =	vadd.s32 s10, v6;
	v2 =	vor.u32 v19, v2;
	v5 =	vor.u32 s4, v5;
	[tilespmem:s29], [sflag:$0x2] =	stream.linear.gather [hbm4b:s19+s0], $0x400, $0x38;
	[tilespmem:$0x18200] =	vst v63  }
0x155: {  	s21 =	sadd.s32 $0x600, s1;
	v7 =	vadd.s32 s10, v7;
	v6 =	vor.u32 v20, v6;
	v2 =	vor.u32 s4, v2  }
0x156: {  	v3 =	vadd.s32 s10, v3;
	v7 =	vor.u32 v21, v7;
	v6 =	vor.u32 s4, v6;
	[tilespmem:s30], [sflag:$0x2] =	stream.linear.gather [hbm4b:s21+s0], $0x400, $0x38;
	[tilespmem:$0x18200] =	vst v63  }
0x157: {  	s16 =	sor.u32 $0x80, s4;
	v8 =	vadd.s32 s10, v8;
	v3 =	vor.u32 v22, v3;
	s1 =	sadd.s32 $0x700, s1;
	v7 =	vor.u32 s4, v7  }
0x158: {  	v9 =	vadd.s32 s10, v9;
	v8 =	vor.u32 v23, v8;
	v3 =	vor.u32 s4, v3;
	[tilespmem:s31], [sflag:$0x2] =	stream.linear.gather [hbm4b:s1+s0], $0x400, $0x38;
	[tilespmem:$0x18200] =	vst v63  }
0x159: {  	v10 =	vadd.s32 s10, v10;
	v9 =	vor.u32 v25, v9;
	v8 =	vor.u32 s16, v8;
	v19 =	vld.idx.msk [tilespmem:v5+s3+$0x0], $0xffff  }
0x15a: {  	v46 =	vand.u32 $0x7FFFFC00, v4;
	v10 =	vor.u32 v26, v10;
	v9 =	vor.u32 s16, v9;
	v20 =	vld.idx.msk [tilespmem:v2+s3+$0x0], $0xffff  }
0x15b: {  	v27 =	vand.u32 $0x7FFFFC00, v14;
	v0 =	vadd.s32 s10, v0;
	v10 =	vor.u32 s16, v10;
	v21 =	vld.idx.msk [tilespmem:v6+s3+$0x0], $0xffff  }
0x15c: {  	v1 =	vadd.s32 s10, v1;
	v51 =	vadd.s32 s10, v46;
	v53 =	vadd.s32 s10, v47;
	v22 =	vld.idx.msk [tilespmem:v7+s3+$0x0], $0xffff  }
0x15d: {  	v59 =	vadd.s32 s10, v48;
	v34 =	vadd.s32 s10, v49;
	v0 =	vor.u32 v16, v0;
	v23 =	vld.idx.msk [tilespmem:v3+s3+$0x0], $0xffff  }
0x15e: {  	v26 =	vand.u32 $0x7FFFFC00, v45;
	v50 =	vor.u32 v17, v1;
	v52 =	vor.u32 v24, v51;
	v18 =	vld.idx.msk [tilespmem:v8+s3+$0x0], $0xffff  }
0x15f: {  	v58 =	vor.u32 v31, v53;
	v33 =	vor.u32 v44, v59;
	v32 =	vor.u32 s4, v0;
	v17 =	vld.idx.msk [tilespmem:v9+s3+$0x0], $0xffff  }
0x160: {  	v25 =	vor.u32 s4, v50;
	v24 =	vor.u32 s4, v52;
	s4 =	simm.s32 $0x6040;
	v31 =	vor.u32 s16, v58;
	s15 =	simm.s32 $0x1;
	s1 =	simm.s32 $0x0;
	v16 =	vld.idx.msk [tilespmem:v10+s3+$0x0], $0xffff  }
.LBB2_7:
0x161: {  	v0 =	vor.u32 s16, v33  }
0x162: {  	v1 =	vor.u32 v30, v34;
	v2 =	vadd.s32 s10, v27;
	v4 =	vadd.s32 s10, v26;
	s0 =	sadd.s32 $0x2, s0  }
0x163: {  	v1 =	vor.u32 s16, v1;
	v2 =	vor.u32 v29, v2;
	s17 =	sadd.s32 $0x80, s0;
	v4 =	vor.u32 v28, v4  }
0x164: {  	v2 =	vor.u32 s16, v2;
	v28 =	vadd.s32 s17, v54;
	v4 =	vor.u32 s16, v4  }
0x165: {  	v26 =	vadd.s32 s17, v60;
	v27 =	vadd.s32 s17, v55;
	v7 =	vadd.s32 s17, v56  }
0x166: {  	s18 =	sadd.s32 $0x81, s0;
	v9 =	vadd.s32 s17, v62;
	v10 =	vadd.s32 s17, v61;
	v12 =	vadd.s32 s17, v63  }
0x167: {  	v3 =	vld.idx.msk [tilespmem:v32+s3+$0x0], $0xffff;
	v13 =	vadd.s32 s18, v54;
	v14 =	vadd.s32 s18, v60;
	v15 =	vadd.s32 s18, v55  }
0x168: {  	v8 =	vld.idx.msk [tilespmem:v31+s3+$0x0], $0xffff;
	v31 =	vadd.s32 s18, v56;
	v32 =	vadd.s32 s18, v62;
	v33 =	vadd.s32 s18, v61  }
0x169: {  	v6 =	vld.idx.msk [tilespmem:v24+s3+$0x0], $0xffff;
	v35 =	vadd.s32 s18, v63;
	v24 =	vand.u32 $0x7F, v27;
	v44 =	vand.u32 $0x7F, v7  }
0x16a: {  	v5 =	vld.idx.msk [tilespmem:v25+s3+$0x0], $0xffff;
	v29 =	vand.u32 $0x7F, v9;
	v30 =	vand.u32 $0x7F, v10;
	v36 =	vand.u32 $0x7F, v12  }
0x16b: {  	v25 =	vld [tilespmem:$0x1FF10];
	v37 =	vand.u32 $0x7F, v13;
	v7 =	vshll.u32 v7, $0x3;
	v38 =	vand.u32 $0x7F, v14  }
0x16c: {  	v39 =	vand.u32 $0x7F, v15;
	v9 =	vshll.u32 v9, $0x3;
	v10 =	vshll.u32 v10, $0x3;
	v0 =	vld.idx.msk [tilespmem:v0+s3+$0x0], $0xffff  }
0x16d: {  	v12 =	vshll.u32 v12, $0x3;
	v13 =	vshll.u32 v13, $0x3;
	v14 =	vshll.u32 v14, $0x3;
	v1 =	vld.idx.msk [tilespmem:v1+s3+$0x0], $0xffff  }
0x16e: {  	v15 =	vshll.u32 v15, $0x3;
	v40 =	vand.u32 $0x7F, v32;
	v41 =	vshll.u32 v28, $0x3;
	v2 =	vld.idx.msk [tilespmem:v2+s3+$0x0], $0xffff  }
0x16f: {  	v43 =	vshll.u32 v26, $0x3;
	v7 =	vand.u32 $0x7FFFFC00, v7;
	v9 =	vand.u32 $0x7FFFFC00, v9;
	v4 =	vld.idx.msk [tilespmem:v4+s3+$0x0], $0xffff;
	[tilespmem:s4+$0x8000] =	vst v3  }
0x170: {  	s19 =	sshll.u32 s15, $0x9;
	v10 =	vand.u32 $0x7FFFFC00, v10;
	v12 =	vand.u32 $0x7FFFFC00, v12;
	v47 =	vand.u32 $0x7FFFFC00, v13;
	[tilespmem:s4+$0x8010] =	vst v5  }
0x171: {  	s10 =	sand.u32 $0xFFFFF800, s19;
	v48 =	vand.u32 $0x7FFFFC00, v14;
	v50 =	vand.u32 $0x7FFFFC00, v15;
	v11 =	vadd.s32 s17, v25;
	[tilespmem:s4+$0x8020] =	vst v6  }
0x172: {  	v34 =	vadd.s32 s18, v25;
	v25 =	vand.u32 $0x7F, v26;
	v46 =	vadd.s32 s10, v7;
	[tilespmem:s4+$0x8030] =	vst v19  }
0x173: {  	v49 =	vadd.s32 s10, v9;
	v10 =	vadd.s32 s10, v10;
	v52 =	vadd.s32 s10, v12;
	[tilespmem:s4+$0x8040] =	vst v20  }
0x174: {  	v7 =	vadd.s32 s10, v47;
	v13 =	vadd.s32 s10, v48;
	v47 =	vshll.u32 v33, $0x3;
	[tilespmem:s4+$0x8050] =	vst v21  }
0x175: {  	v45 =	vand.u32 $0x7F, v11;
	v11 =	vshll.u32 v11, $0x3;
	v10 =	vor.u32 v30, v10;
	[tilespmem:s4+$0x8060] =	vst v22  }
0x176: {  	s21 =	sshll.u32 s0, $0x7;
	s18 =	ssub.s32 s4, s1;
	v58 =	vor.u32 v36, v52;
	v12 =	vor.u32 v37, v7;
	v36 =	vor.u32 v38, v13;
	[tilespmem:s4+$0x8070] =	vst v23  }
0x177: {  	s17 =	sand.u32 $0x300, s21;
	v37 =	vadd.s32 s10, v50;
	v30 =	vand.u32 $0x7F, v33;
	v48 =	vshll.u32 v34, $0x3;
	[tilespmem:s18+$0x8080] =	vst v18  }
0x178: {  	s16 =	sor.u32 $0x80, s17;
	v3 =	vand.u32 $0x7F, v28;
	v11 =	vand.u32 $0x7FFFFC00, v11;
	v5 =	vor.u32 v29, v49;
	[tilespmem:s18+$0x8090] =	vst v17  }
0x179: {  	v51 =	vor.u32 s17, v10;
	v59 =	vor.u32 s17, v58;
	v14 =	vor.u32 s16, v12;
	[tilespmem:s18+$0x80A0] =	vst v16  }
0x17a: {  	v38 =	vor.u32 v39, v37;
	v39 =	vand.u32 $0x7F, v31;
	v5 =	vor.u32 s17, v5;
	[tilespmem:s18+$0x80B0] =	vst v8  }
0x17b: {  	v29 =	vand.u32 $0x7F, v34;
	v28 =	vand.u32 $0x7F, v35;
	[tilespmem:s18+$0x80F0] =	vst v4;
	v4 =	vor.u32 v44, v46  }
0x17c: {  	v49 =	vshll.u32 v35, $0x3;
	v11 =	vadd.s32 s10, v11;
	[tilespmem:s18+$0x80C0] =	vst v0;
	v4 =	vor.u32 s17, v4  }
0x17d: {  	v8 =	vand.u32 $0x7FFFFC00, v41;
	v26 =	vand.u32 $0x7FFFFC00, v49;
	v6 =	vor.u32 v45, v11;
	[tilespmem:s18+$0x80D0] =	vst v1  }
0x17e: {  	v45 =	vshll.u32 v31, $0x3;
	v50 =	vadd.s32 s10, v8;
	v53 =	vor.u32 s17, v6;
	[tilespmem:s18+$0x80E0] =	vst v2  }
0x17f: {  	v0 =	vand.u32 $0x7FFFFC00, v43;
	v3 =	vor.u32 v3, v50;
	v1 =	vand.u32 $0x7FFFFC00, v45;
	v20 =	vld.idx.msk [tilespmem:v5+s3+$0x0], $0xffff  }
0x180: {  	v0 =	vadd.s32 s10, v0;
	v44 =	vshll.u32 v27, $0x3;
	v21 =	vld.idx.msk [tilespmem:v51+s3+$0x0], $0xffff;
	v5 =	vor.u32 s16, v38  }
0x181: {  	p1 =	sne.s32 s15, $0x1F;
	v46 =	vshll.u32 v32, $0x3;
	v27 =	vand.u32 $0x7FFFFC00, v48;
	v19 =	vld.idx.msk [tilespmem:v4+s3+$0x0], $0xffff;
	v4 =	vor.u32 s16, v36  }
.Ltmp2:
0x182: {  	v32 =	vor.u32 s17, v3;
	v0 =	vor.u32 v25, v0;
	v1 =	vadd.s32 s10, v1;
	v23 =	vld.idx.msk [tilespmem:v59+s3+$0x0], $0xffff;
	(pc) =	sbr.rel @p1 .LBB2_7-.Ltmp2, $4  }
0x183: {  	v18 =	vld.idx.msk [tilespmem:v14+s3+$0x0], $0xffff;
	v9 =	vand.u32 $0x7FFFFC00, v44;
	v2 =	vand.u32 $0x7FFFFC00, v46;
	v51 =	vand.u32 $0x7FFFFC00, v47  }
0x184: {  	v25 =	vor.u32 s17, v0;
	v58 =	vor.u32 v39, v1;
	v52 =	vadd.s32 s10, v9;
	v22 =	vld.idx.msk [tilespmem:v53+s3+$0x0], $0xffff  }
0x185: {  	s4 =	ssub.s32 s18, s1;
	v59 =	vadd.s32 s10, v2;
	v31 =	vor.u32 s16, v58;
	v53 =	vor.u32 v24, v52;
	v16 =	vld.idx.msk [tilespmem:v5+s3+$0x0], $0xffff  }
0x186: {  	s15 =	sadd.s32 $0x1, s15;
	s1 =	smov.u32 s0;
	s4 =	sadd.s32 $0xFF, s4;
	v34 =	vadd.s32 s10, v51;
	v33 =	vor.u32 v40, v59;
	v24 =	vor.u32 s17, v53;
	v17 =	vld.idx.msk [tilespmem:v4+s3+$0x0], $0xffff  }
0x187: {  	_ =	sdelay $0x2  }
0x188: {  	v0 =	vor.u32 s16, v33;
	v1 =	vor.u32 v30, v34;
	v2 =	vadd.s32 s10, v27  }
0x189: {  	v3 =	vld.idx.msk [tilespmem:v32+s3+$0x0], $0xffff;
	v4 =	vadd.s32 s10, v26;
	v1 =	vor.u32 s16, v1;
	v2 =	vor.u32 v29, v2  }
0x18a: {  	v5 =	vld.idx.msk [tilespmem:v25+s3+$0x0], $0xffff;
	v4 =	vor.u32 v28, v4;
	v2 =	vor.u32 s16, v2  }
0x18b: {  	v6 =	vld.idx.msk [tilespmem:v24+s3+$0x0], $0xffff;
	v4 =	vor.u32 s16, v4  }
0x18c: {  	v7 =	vld.idx.msk [tilespmem:v31+s3+$0x0], $0xffff  }
0x18d: {  	v0 =	vld.idx.msk [tilespmem:v0+s3+$0x0], $0xffff  }
0x18e: {  	v1 =	vld.idx.msk [tilespmem:v1+s3+$0x0], $0xffff  }
0x18f: {  	v2 =	vld.idx.msk [tilespmem:v2+s3+$0x0], $0xffff  }
0x190: {  	s0 =	simm.s32 $0xC0;
	v4 =	vld.idx.msk [tilespmem:v4+s3+$0x0], $0xffff;
	[tilespmem:s4+$0x8000] =	vst v3  }
0x191: {  	s19 =	simm.s32 $0xC1;
	v46 =	vadd.s32 s0, v54;
	v47 =	vadd.s32 s0, v60;
	[tilespmem:s4+$0x8010] =	vst v5  }
0x192: {  	v48 =	vadd.s32 s0, v55;
	v8 =	vadd.s32 s0, v56;
	v9 =	vadd.s32 s19, v54;
	[tilespmem:s4+$0x8020] =	vst v6  }
0x193: {  	v10 =	vadd.s32 s19, v60;
	v12 =	vadd.s32 s19, v55;
	v13 =	vadd.s32 s19, v56;
	[tilespmem:s4+$0x8030] =	vst v19  }
0x194: {  	v11 =	vand.u32 $0x7F, v46;
	v49 =	vand.u32 $0x7F, v12;
	v12 =	vshll.u32 v12, $0x3;
	[tilespmem:s4+$0x8040] =	vst v20  }
0x195: {  	v14 =	vand.u32 $0x7F, v47;
	v15 =	vand.u32 $0x7F, v48;
	v51 =	vand.u32 $0x7FFFFC00, v12;
	[tilespmem:s4+$0x8050] =	vst v21  }
0x196: {  	[tilespmem:s4+$0x8060] =	vst v22;
	v19 =	vand.u32 $0x7F, v8;
	v20 =	vand.u32 $0x7F, v9;
	v21 =	vand.u32 $0x7F, v10  }
0x197: {  	s21 =	ssub.s32 s4, s1;
	[tilespmem:s4+$0x8070] =	vst v23;
	v3 =	vshll.u32 v46, $0x3;
	v5 =	vshll.u32 v47, $0x3;
	v6 =	vshll.u32 v48, $0x3  }
0x198: {  	v8 =	vshll.u32 v8, $0x3;
	v9 =	vshll.u32 v9, $0x3;
	v10 =	vshll.u32 v10, $0x3;
	[tilespmem:s21+$0x8080] =	vst v18  }
0x199: {  	s4 =	simm.s32 $0x0;
	v8 =	vand.u32 $0x7FFFFC00, v8;
	[tilespmem:s21+$0x80A0] =	vst v16;
	v16 =	vshll.u32 v13, $0x3;
	v9 =	vand.u32 $0x7FFFFC00, v9  }
0x19a: {  	[tilespmem:s21+$0x8090] =	vst v17;
	s10 =	sand.u32 $0xFFFFF800, s4;
	v50 =	vand.u32 $0x7FFFFC00, v10;
	v58 =	vand.u32 $0x7FFFFC00, v3;
	v10 =	vand.u32 $0x7FFFFC00, v5  }
0x19b: {  	s17 =	simm.s32 $0x0;
	[tilespmem:s21+$0x80B0] =	vst v7;
	v8 =	vadd.s32 s10, v8;
	v9 =	vadd.s32 s10, v9;
	v7 =	vadd.s32 s10, v50  }
0x19c: {  	s18 =	sand.u32 $0x300, s17;
	v12 =	vand.u32 $0x7FFFFC00, v16;
	v8 =	vor.u32 v19, v8;
	[tilespmem:s21+$0x80C0] =	vst v0;
	v9 =	vor.u32 v20, v9  }
0x19d: {  	s0 =	sor.u32 $0x1, s2;
	s15 =	sor.u32 $0x80, s18;
	v7 =	vor.u32 v21, v7;
	v0 =	vadd.s32 s10, v51;
	[tilespmem:s21+$0x80D0] =	vst v1;
	v52 =	vor.u32 s18, v8  }
0x19e: {  	s1 =	sshll.u32 s0, $0xD;
	v53 =	vor.u32 s15, v9;
	v59 =	vor.u32 s15, v7;
	v0 =	vor.u32 v49, v0;
	[tilespmem:s21+$0x80F0] =	vst v4  }
0x19f: {  	s19 =	sadd.s32 s20, s1;
	[tilespmem:s21+$0x80E0] =	vst v2;
	v2 =	vadd.s32 s10, v58;
	v0 =	vor.u32 s15, v0;
	v4 =	vadd.s32 s10, v10  }
0x1a0: {  	s21 =	smov.u32 s20;
	s20 =	simm.s32 $0xC2;
	_ =	swait.ge [sflag:s14], $0x2000;
	v2 =	vor.u32 v11, v2;
	v11 =	vand.u32 $0x7FFFFC00, v6;
	v4 =	vor.u32 v14, v4  }
0x1a1: {  	v14 =	vand.u32 $0x7F, v13;
	v6 =	vadd.s32 s10, v12;
	v32 =	vadd.s32 s20, v54;
	[sflag:s14] =	ssyncset.done $0x0  }
0x1a2: {  	s17 =	simm.s32 $0x0;
	v34 =	vadd.s32 s20, v60;
	v2 =	vor.u32 s18, v2;
	v5 =	vadd.s32 s10, v11;
	[sflag:s14] =	ssyncadd.s32 $0xFFFFE000  }
0x1a3: {  	v35 =	vadd.s32 s20, v55;
	v4 =	vor.u32 s18, v4;
	v5 =	vor.u32 v15, v5;
	[tilespmem:s17], [sflag:$0x1] =	stream.linear.gather [hbm4b:s19+s17], $0x4000, $0x38;
	[tilespmem:$0x18200] =	vst v63  }
0x1a4: {  	v36 =	vadd.s32 s20, v56;
	v6 =	vor.u32 v14, v6;
	v5 =	vor.u32 s18, v5;
	v1 =	vld.idx.msk [tilespmem:v52+s13+$0x0], $0xffff  }
0x1a5: {  	v20 =	vand.u32 $0x7F, v32;
	v19 =	vand.u32 $0x7F, v34;
	v6 =	vor.u32 s15, v6;
	v33 =	vld.idx.msk [tilespmem:v53+s13+$0x0], $0xffff  }
0x1a6: {  	s10 =	simm.s32 $0xC3;
	v18 =	vand.u32 $0x7F, v35;
	v40 =	vshll.u32 v32, $0x3;
	v8 =	vshll.u32 v34, $0x3;
	v3 =	vld.idx.msk [tilespmem:v59+s13+$0x0], $0xffff  }
0x1a7: {  	v23 =	vshll.u32 v35, $0x3;
	v41 =	vshll.u32 v36, $0x3;
	v37 =	vadd.s32 s10, v54;
	v2 =	vld.idx.msk [tilespmem:v2+s13+$0x0], $0xffff  }
0x1a8: {  	v38 =	vadd.s32 s10, v60;
	v39 =	vadd.s32 s10, v55;
	v17 =	vadd.s32 s10, v56;
	v4 =	vld.idx.msk [tilespmem:v4+s13+$0x0], $0xffff  }
0x1a9: {  	v15 =	vand.u32 $0x7F, v36;
	v9 =	vand.u32 $0x7FFFFC00, v41;
	v28 =	vand.u32 $0x7FFFFC00, v8;
	v5 =	vld.idx.msk [tilespmem:v5+s13+$0x0], $0xffff  }
0x1aa: {  	v21 =	vand.u32 $0x7F, v37;
	v25 =	vand.u32 $0x7F, v38;
	v27 =	vand.u32 $0x7F, v39;
	s17 =	simm.s32 $0x7860;
	s19 =	simm.s32 $0x200;
	v6 =	vld.idx.msk [tilespmem:v6+s13+$0x0], $0xffff  }
0x1ab: {  	v43 =	vshll.u32 v37, $0x3;
	v44 =	vshll.u32 v38, $0x3;
	v45 =	vshll.u32 v39, $0x3;
	v16 =	vld.idx.msk [tilespmem:v0+s13+$0x0], $0xffff;
	s10 =	sand.u32 $0xFFFFF800, s19;
	[tilespmem:s17+$0x8030] =	vst v1  }
0x1ac: {  	s20 =	simm.s32 $0x100;
	v47 =	vand.u32 $0x7FFFFC00, v43;
	v48 =	vand.u32 $0x7FFFFC00, v44;
	v46 =	vadd.s32 s10, v9;
	[tilespmem:s17+$0x8000] =	vst v2  }
0x1ad: {  	s19 =	sand.u32 $0x300, s20;
	v50 =	vand.u32 $0x7FFFFC00, v45;
	v49 =	vadd.s32 s10, v47;
	[tilespmem:s17+$0x8010] =	vst v4;
	v2 =	vor.u32 v15, v46  }
0x1ae: {  	s20 =	simm.s32 $0x7860;
	s18 =	sor.u32 $0x80, s19;
	v52 =	vadd.s32 s10, v48;
	v51 =	vor.u32 v21, v49;
	v22 =	vor.u32 s19, v2;
	[tilespmem:s17+$0x8020] =	vst v5  }
0x1af: {  	v58 =	vadd.s32 s10, v50;
	v53 =	vor.u32 v25, v52;
	v24 =	vor.u32 s18, v51;
	[tilespmem:s20+$0x8070] =	vst v6  }
0x1b0: {  	s16 =	simm.s32 $0x2;
	v0 =	vand.u32 $0x7FFFFC00, v40;
	v59 =	vor.u32 v27, v58;
	v25 =	vor.u32 s18, v53;
	v53 =	vld [tilespmem:$0x1FF80];
	[tilespmem:s20+$0x8040] =	vst v33  }
0x1b1: {  	s4 =	simm.s32 $0x2;
	s15 =	simm.s32 $0x2;
	v26 =	vshll.u32 v17, $0x3;
	v27 =	vadd.s32 s10, v0;
	v21 =	vor.u32 s18, v59;
	v46 =	vld [tilespmem:$0x1FFC0];
	s17 =	simm.s32 $0x78DF;
	[tilespmem:s20+$0x8050] =	vst v3  }
.LBB2_9:
0x1b2: {  	p1 =	sne.s32 s16, $0x1F;
	v0 =	vor.u32 v20, v27;
	v1 =	vadd.s32 s10, v28;
	v2 =	vand.u32 $0x7FFFFC00, v23;
	[tilespmem:s20+$0x8060] =	vst v16  }
0x1b3: {  	v0 =	vor.u32 s19, v0;
	v1 =	vor.u32 v19, v1;
	v2 =	vadd.s32 s10, v2;
	v3 =	vld.idx.msk [tilespmem:v22+s13+$0x0], $0xffff  }
0x1b4: {  	v5 =	vand.u32 $0x7FFFFC00, v26;
	s4 =	sadd.s32 $0x2, s4;
	v1 =	vor.u32 s19, v1;
	v2 =	vor.u32 v18, v2;
	v4 =	vld.idx.msk [tilespmem:v24+s13+$0x0], $0xffff  }
0x1b5: {  	v7 =	vand.u32 $0x7F, v17;
	s20 =	sadd.s32 $0xC0, s4;
	v5 =	vadd.s32 s10, v5;
	v2 =	vor.u32 s19, v2;
	v6 =	vld.idx.msk [tilespmem:v25+s13+$0x0], $0xffff  }
0x1b6: {  	v8 =	vadd.s32 s20, v54;
	v5 =	vor.u32 v7, v5;
	v16 =	vld.idx.msk [tilespmem:v21+s13+$0x0], $0xffff  }
0x1b7: {  	s10 =	sadd.s32 $0xC1, s4;
	v7 =	vadd.s32 s20, v60;
	v9 =	vadd.s32 s20, v55;
	v5 =	vor.u32 s18, v5  }
0x1b8: {  	v10 =	vadd.s32 s20, v56;
	v11 =	vadd.s32 s10, v54;
	v12 =	vadd.s32 s10, v60;
	v0 =	vld.idx.msk [tilespmem:v0+s13+$0x0], $0xffff  }
0x1b9: {  	v13 =	vadd.s32 s10, v55;
	v17 =	vadd.s32 s10, v56;
	v20 =	vand.u32 $0x7F, v8;
	v1 =	vld.idx.msk [tilespmem:v1+s13+$0x0], $0xffff  }
0x1ba: {  	v19 =	vand.u32 $0x7F, v7;
	v18 =	vand.u32 $0x7F, v9;
	v14 =	vand.u32 $0x7F, v10;
	v2 =	vld.idx.msk [tilespmem:v2+s13+$0x0], $0xffff  }
0x1bb: {  	v15 =	vand.u32 $0x7F, v11;
	v27 =	vand.u32 $0x7F, v13;
	v21 =	vand.u32 $0x7F, v12  }
0x1bc: {  	v8 =	vshll.u32 v8, $0x3;
	v7 =	vshll.u32 v7, $0x3;
	v23 =	vshll.u32 v9, $0x3;
	v5 =	vld.idx.msk [tilespmem:v5+s13+$0x0], $0xffff  }
0x1bd: {  	s10 =	sshll.u32 s16, $0x9;
	v9 =	vshll.u32 v10, $0x3;
	v10 =	vshll.u32 v11, $0x3;
	v11 =	vshll.u32 v12, $0x3  }
0x1be: {  	s10 =	sand.u32 $0xFFFFF800, s10;
	v26 =	vshll.u32 v17, $0x3;
	v9 =	vand.u32 $0x7FFFFC00, v9;
	v12 =	vshll.u32 v13, $0x3;
	[tilespmem:s17+$0x8000] =	vst v0  }
0x1bf: {  	s18 =	sshll.u32 s4, $0x7;
	v0 =	vadd.s32 s10, v9;
	v9 =	vand.u32 $0x7FFFFC00, v10;
	v10 =	vand.u32 $0x7FFFFC00, v11;
	[tilespmem:s17+$0x8010] =	vst v1  }
.Ltmp3:
0x1c0: {  	s19 =	sand.u32 $0x300, s18;
	v0 =	vor.u32 v14, v0;
	v1 =	vadd.s32 s10, v9;
	v9 =	vand.u32 $0x7FFFFC00, v12;
	[tilespmem:s17+$0x8020] =	vst v2;
	(pc) =	sbr.rel @p1 .LBB2_9-.Ltmp3, $4  }
0x1c1: {  	s20 =	ssub.s32 s17, s15;
	s18 =	sor.u32 $0x80, s19;
	v22 =	vor.u32 s19, v0;
	v0 =	vor.u32 v15, v1;
	v1 =	vadd.s32 s10, v10;
	[tilespmem:s17+$0x8030] =	vst v3  }
0x1c2: {  	v24 =	vor.u32 s18, v0;
	v0 =	vor.u32 v21, v1;
	v1 =	vadd.s32 s10, v9;
	s17 =	ssub.s32 s20, s15;
	s15 =	smov.u32 s4;
	[tilespmem:s20+$0x8070] =	vst v5  }
0x1c3: {  	v2 =	vand.u32 $0x7FFFFC00, v8;
	v25 =	vor.u32 s18, v0;
	v0 =	vor.u32 v27, v1;
	s17 =	sadd.s32 $0x7F, s17;
	[tilespmem:s20+$0x8040] =	vst v4  }
0x1c4: {  	s16 =	sadd.s32 $0x1, s16;
	v28 =	vand.u32 $0x7FFFFC00, v7;
	v27 =	vadd.s32 s10, v2;
	v21 =	vor.u32 s18, v0;
	[tilespmem:s20+$0x8050] =	vst v6  }
0x1c5: {  	v0 =	vor.u32 v20, v27  }
0x1c6: {  	v1 =	vadd.s32 s10, v28;
	v2 =	vand.u32 $0x7FFFFC00, v23;
	v3 =	vand.u32 $0x7FFFFC00, v26  }
0x1c7: {  	v4 =	vand.u32 $0x7F, v17;
	s4 =	simm.s32 $0x0;
	v0 =	vor.u32 s19, v0;
	v1 =	vor.u32 v19, v1  }
0x1c8: {  	v2 =	vadd.s32 s10, v2;
	v3 =	vadd.s32 s10, v3;
	v59 =	vmov s4  }
0x1c9: {  	v5 =	vadd.s32 s4, v54;
	v7 =	vadd.s32 s4, v62;
	v8 =	vadd.s32 s4, v42  }
0x1ca: {  	v9 =	vadd.s32 s4, v53;
	v10 =	vadd.s32 s4, v61;
	v12 =	vadd.s32 s4, v63  }
0x1cb: {  	v17 =	vadd.s32 s4, v46;
	v2 =	vor.u32 v18, v2;
	v1 =	vor.u32 s19, v1  }
0x1cc: {  	v3 =	vor.u32 v4, v3;
	v5 =	vand.u32 $0x7F, v5;
	v8 =	vand.u32 $0x7F, v8  }
0x1cd: {  	v9 =	vand.u32 $0x7F, v9;
	v26 =	vand.u32 $0x7F, v17;
	v19 =	vand.u32 $0x7F, v7  }
0x1ce: {  	v31 =	vld [tilespmem:$0x1FF20];
	v27 =	vand.u32 $0x7F, v10;
	v7 =	vshll.u32 v7, $0x3;
	v10 =	vshll.u32 v10, $0x3  }
0x1cf: {  	v34 =	vld [tilespmem:$0x1FF10];
	[tilespmem:s20+$0x8060] =	vst v16;
	s10 =	simm.s32 $0x1;
	v29 =	vand.u32 $0x7F, v12;
	v12 =	vshll.u32 v12, $0x3;
	v17 =	vshll.u32 v17, $0x3  }
0x1d0: {  	v16 =	vld.idx.msk [tilespmem:v22+s13+$0x0], $0xffff;
	v22 =	vadd.s32 s10, v54;
	v30 =	vadd.s32 s10, v60;
	v32 =	vadd.s32 s10, v55  }
0x1d1: {  	v43 =	vld [tilespmem:$0x1FF90];
	v35 =	vadd.s32 s10, v56;
	v36 =	vadd.s32 s10, v62;
	v37 =	vadd.s32 s10, v61  }
0x1d2: {  	v41 =	vld.idx.msk [tilespmem:v21+s13+$0x0], $0xffff;
	v39 =	vadd.s32 s10, v63;
	v40 =	vadd.s32 s10, v57;
	v21 =	vadd.s32 s10, v53  }
0x1d3: {  	v44 =	vld [tilespmem:$0x1FFA0];
	v2 =	vor.u32 s19, v2;
	v3 =	vor.u32 s18, v3;
	v7 =	vand.u32 $0x400, v7  }
0x1d4: {  	v45 =	vld [tilespmem:$0x1FFB0];
	v10 =	vand.u32 $0x400, v10;
	v12 =	vand.u32 $0x400, v12;
	v48 =	vand.u32 $0x7F, v36  }
0x1d5: {  	v50 =	vand.u32 $0x7F, v37;
	v52 =	vshll.u32 v22, $0x3;
	v58 =	vand.u32 $0x7F, v39  }
0x1d6: {  	v7 =	vor.u32 v7, v19;
	v19 =	vadd.s32 s10, v42;
	v10 =	vor.u32 v10, v27  }
0x1d7: {  	v42 =	vor.u32 v12, v29;
	v29 =	vshll.u32 v39, $0x3;
	v6 =	vadd.s32 s4, v31  }
0x1d8: {  	s16 =	simm.s32 $0x0;
	v11 =	vadd.s32 s4, v34;
	v13 =	vadd.s32 s4, v43;
	v14 =	vadd.s32 s4, v44  }
0x1d9: {  	v24 =	vld.idx.msk [tilespmem:v24+s13+$0x0], $0xffff;
	s16 =	sand.u32 $0xFFFFF800, s16;
	v15 =	vadd.s32 s4, v45;
	v38 =	vadd.s32 s10, v34;
	v34 =	vadd.s32 s10, v43  }
0x1da: {  	v33 =	vadd.s32 s10, v45;
	v7 =	vor.u32 s16, v7;
	v10 =	vor.u32 s16, v10;
	v0 =	vld.idx.msk [tilespmem:v0+s13+$0x0], $0xffff  }
0x1db: {  	v6 =	vand.u32 $0x7F, v6;
	v18 =	vand.u32 $0x7F, v13;
	v20 =	vand.u32 $0x7F, v14;
	v1 =	vld.idx.msk [tilespmem:v1+s13+$0x0], $0xffff  }
0x1dc: {  	v23 =	vand.u32 $0x7F, v15;
	v28 =	vand.u32 $0x7F, v11;
	v11 =	vshll.u32 v11, $0x3;
	v2 =	vld.idx.msk [tilespmem:v2+s13+$0x0], $0xffff  }
0x1dd: {  	v13 =	vshll.u32 v13, $0x3;
	v14 =	vshll.u32 v14, $0x3;
	v15 =	vshll.u32 v15, $0x3;
	v3 =	vld.idx.msk [tilespmem:v3+s13+$0x0], $0xffff  }
0x1de: {  	v25 =	vld.idx.msk [tilespmem:v25+s13+$0x0], $0xffff;
	v13 =	vand.u32 $0xC00, v13;
	v11 =	vand.u32 $0x400, v11;
	v43 =	vand.u32 $0xC00, v14;
	[tilespmem:s17+$0x8030] =	vst v16  }
0x1df: {  	v49 =	vand.u32 $0xC00, v15;
	v15 =	vand.u32 $0xC00, v17;
	v17 =	vshll.u32 v32, $0x3;
	[tilespmem:s17+$0x8000] =	vst v0  }
0x1e0: {  	v13 =	vadd.s32 s16, v13;
	v11 =	vor.u32 v11, v28;
	v45 =	vadd.s32 s16, v43;
	[tilespmem:s17+$0x8010] =	vst v1  }
0x1e1: {  	s15 =	ssub.s32 s17, s15;
	v12 =	vadd.s32 s16, v49;
	v15 =	vadd.s32 s16, v15;
	v16 =	vshll.u32 v30, $0x3;
	[tilespmem:s17+$0x8020] =	vst v2  }
0x1e2: {  	v17 =	vand.u32 $0x7FFFFC00, v17;
	v13 =	vor.u32 v18, v13;
	v18 =	vadd.s32 s10, v31;
	[tilespmem:s15+$0x8070] =	vst v3  }
0x1e3: {  	s2 =	smul.u32 $0x1010, s2;
	v31 =	vadd.s32 s10, v44;
	v44 =	vadd.s32 s16, v59;
	v47 =	vor.u32 v20, v45;
	[tilespmem:s15+$0x8040] =	vst v24  }
0x1e4: {  	v51 =	vor.u32 v23, v12;
	v15 =	vor.u32 v26, v15;
	v12 =	vand.u32 $0x7FFFFC00, v52;
	[tilespmem:s15+$0x8050] =	vst v25  }
0x1e5: {  	s2 =	sadd.s32 s5, s2;
	v16 =	vand.u32 $0x7FFFFC00, v16;
	v20 =	vmov s16;
	v12 =	vadd.s32 s16, v12;
	s17 =	simm.s32 $0x8000;
	[tilespmem:s15+$0x8060] =	vst v41;
	s15 =	simm.s32 @!p0 $0x4  }
0x1e6: {  	v23 =	vshll.u32 v37, $0x3;
	v16 =	vadd.s32 s16, v16;
	v12 =	vadd.s32 v22, v12;
	[hbm4b:s2+s3] =	stream.linear.scatter [tilespmem:s17], [sflag:$0x3], $0x8080, $0x38;
	[tilespmem:$0x18200] =	vst v63  }
0x1e7: {  	s18 =	sand.u32 $0x6, s4;
	v22 =	vadd.s32 v30, v16;
	v16 =	vadd.s32 s16, v17;
	v17 =	vor.u32 $0x400, v20;
	_ =	swait.ge @!p0 [sflag:s15], $0x8080  }
0x1e8: {  	v59 =	vshll.u32 v40, $0x3;
	v20 =	vshll.u32 v36, $0x3;
	v8 =	vor.u32 v8, v17;
	s2 =	sshll.u32 s18, $0x7;
	[sflag:s15] =	ssyncset.done @!p0 $0x0  }
0x1e9: {  	v26 =	vadd.s32 v32, v16;
	v16 =	vshll.u32 v35, $0x3;
	v8 =	vor.u32 s2, v8;
	[sflag:s15] =	ssyncadd.s32 @!p0 $0xFFFF7F80  }
0x1ea: {  	v5 =	vor.u32 v5, v17;
	v1 =	vadd.s32 s2, v44;
	v13 =	vor.u32 s2, v13;
	_ =	swait.ge [sflag:s12], $0x4000  }
0x1eb: {  	v6 =	vor.u32 v6, v17;
	v9 =	vor.u32 v9, v17;
	v27 =	vadd.s32 v54, v1;
	[sflag:s12] =	ssyncset.done $0x0  }
0x1ec: {  	s19 =	sadd.s32 s1, s7;
	v17 =	vand.u32 $0x7FFFFC00, v20;
	v16 =	vand.u32 $0x7FFFFC00, v16;
	v20 =	vadd.s32 v55, v1;
	[sflag:s12] =	ssyncadd.s32 $0xFFFFC000  }
0x1ed: {  	v45 =	vand.u32 $0x7F, v21;
	v16 =	vadd.s32 s16, v16;
	v28 =	vadd.s32 v56, v1;
	[tilespmem:s13], [sflag:$0x2] =	stream.linear.gather [hbm4b:s19+s4], $0x4000, $0x38;
	[tilespmem:$0x18200] =	vst v63  }
0x1ee: {  	v35 =	vadd.s32 v35, v16;
	v16 =	vadd.s32 s16, v17;
	v7 =	vor.u32 s2, v7;
	v17 =	vld.idx.msk [tilespmem:v8+s3+$0x0], $0xffff  }
0x1ef: {  	v0 =	vor.u32 s16, v42;
	v4 =	vor.u32 v48, v16;
	v10 =	vor.u32 s2, v10;
	v16 =	vld.idx.msk [tilespmem:v13+s3+$0x0], $0xffff  }
0x1f0: {  	v32 =	vand.u32 $0x7FFFFC00, v29;
	v0 =	vor.u32 s2, v0;
	v55 =	vand.u32 $0x7FFFFC00, v23;
	v23 =	vld.idx.msk [tilespmem:v27+s3+$0x0], $0xffff  }
0x1f1: {  	v24 =	vand.u32 $0x7F, v38;
	v25 =	vshll.u32 v38, $0x3;
	v5 =	vor.u32 s2, v5;
	v20 =	vld.idx.msk [tilespmem:v20+s3+$0x0], $0xffff  }
0x1f2: {  	v38 =	vand.u32 $0x7F, v18;
	v2 =	vor.u32 s2, v47;
	v56 =	vand.u32 $0x7FFFFC00, v25;
	v25 =	vld.idx.msk [tilespmem:v28+s3+$0x0], $0xffff  }
0x1f3: {  	v3 =	vor.u32 s2, v51;
	v36 =	vor.u32 s2, v15;
	v15 =	vshll.u32 v18, $0x3;
	v27 =	vld.idx.msk [tilespmem:v7+s3+$0x0], $0xffff  }
0x1f4: {  	s20 =	sand.u32 $0x7, s10;
	v18 =	vshll.u32 v19, $0x3;
	v6 =	vor.u32 s2, v6;
	v44 =	vor.u32 s2, v9;
	v28 =	vld.idx.msk [tilespmem:v10+s3+$0x0], $0xffff  }
0x1f5: {  	v54 =	vor.u32 s16, v11;
	v42 =	vand.u32 $0x7FFFFC00, v15;
	v1 =	vadd.s32 v60, v1;
	s15 =	sshll.u32 s20, $0x7;
	v30 =	vld.idx.msk [tilespmem:v0+s3+$0x0], $0xffff  }
0x1f6: {  	v11 =	vadd.s32 s16, v55;
	v37 =	vadd.s32 s15, v12;
	v10 =	vadd.s32 s16, v32;
	v32 =	vld.idx.msk [tilespmem:v5+s3+$0x0], $0xffff  }
0x1f7: {  	v43 =	vand.u32 $0x7FFFFC00, v18;
	v11 =	vor.u32 v50, v11;
	v39 =	vadd.s32 s15, v22;
	v22 =	vld.idx.msk [tilespmem:v2+s3+$0x0], $0xffff  }
0x1f8: {  	v41 =	vadd.s32 s15, v26;
	v47 =	vadd.s32 s15, v35;
	v35 =	vand.u32 $0x7F, v34;
	v26 =	vld.idx.msk [tilespmem:v36+s3+$0x0], $0xffff  }
0x1f9: {  	v12 =	vand.u32 $0x7F, v33;
	v8 =	vor.u32 s2, v54;
	v13 =	vadd.s32 s16, v56;
	v56 =	vld.idx.msk [tilespmem:v6+s3+$0x0], $0xffff  }
0x1fa: {  	v7 =	vand.u32 $0x7FFFFC00, v59;
	v36 =	vshll.u32 v21, $0x3;
	v50 =	vld.idx.msk [tilespmem:v44+s3+$0x0], $0xffff;
	v13 =	vor.u32 v24, v13  }
0x1fb: {  	v24 =	vand.u32 $0x7F, v40;
	v10 =	vor.u32 v58, v10;
	v7 =	vadd.s32 s16, v7;
	v18 =	vld.idx.msk [tilespmem:v37+s3+$0x0], $0xffff  }
0x1fc: {  	v40 =	vand.u32 $0x7F, v19;
	v19 =	vld.idx.msk [tilespmem:v39+s3+$0x0], $0xffff;
	v37 =	vor.u32 s15, v4;
	v14 =	vand.u32 $0x7FFFFC00, v36  }
0x1fd: {  	v21 =	vld.idx.msk [tilespmem:v41+s3+$0x0], $0xffff;
	v39 =	vor.u32 s15, v11;
	v58 =	vand.u32 $0x7F, v31;
	v7 =	vor.u32 v24, v7  }
0x1fe: {  	v24 =	vld.idx.msk [tilespmem:v3+s3+$0x0], $0xffff;
	v3 =	vadd.s32 s16, v42;
	v52 =	vor.u32 s15, v13;
	v54 =	vadd.s32 s16, v14  }
0x1ff: {  	v55 =	vor.u32 s15, v10;
	v13 =	vshll.u32 v31, $0x3;
	v3 =	vor.u32 v38, v3;
	v29 =	vld.idx.msk [tilespmem:v8+s3+$0x0], $0xffff  }
0x200: {  	v38 =	vshll.u32 v34, $0x3;
	v9 =	vor.u32 v45, v54;
	v8 =	vadd.s32 s16, v43;
	v43 =	vld.idx.msk [tilespmem:v47+s3+$0x0], $0xffff  }
0x201: {  	v59 =	vor.u32 s15, v7;
	v4 =	vand.u32 $0x7FFFFC00, v38;
	v8 =	vor.u32 v40, v8;
	v40 =	vld.idx.msk [tilespmem:v1+s3+$0x0], $0xffff  }
0x202: {  	v34 =	vshll.u32 v33, $0x3;
	v14 =	vor.u32 s15, v3;
	v4 =	vadd.s32 s16, v4;
	v45 =	vld.idx.msk [tilespmem:v37+s3+$0x0], $0xffff  }
0x203: {  	v11 =	vand.u32 $0x7FFFFC00, v13;
	v4 =	vor.u32 v35, v4;
	v44 =	vld.idx.msk [tilespmem:v39+s3+$0x0], $0xffff;
	v35 =	vor.u32 s15, v8  }
0x204: {  	v3 =	vand.u32 $0x7FFFFC00, v34;
	v42 =	vor.u32 s15, v9;
	v47 =	vadd.s32 s16, v11;
	v41 =	vld.idx.msk [tilespmem:v52+s3+$0x0], $0xffff  }
0x205: {  	v3 =	vadd.s32 s16, v3;
	v49 =	vor.u32 v58, v47;
	v39 =	vld.idx.msk [tilespmem:v55+s3+$0x0], $0xffff;
	v48 =	vor.u32 s15, v4  }
0x206: {  	v3 =	vor.u32 v12, v3;
	v4 =	vor.u32 s15, v49;
	v38 =	vld.idx.msk [tilespmem:v59+s3+$0x0], $0xffff  }
0x207: {  	v51 =	vadd.s32 s10, v46;
	v52 =	vor.u32 s15, v3;
	v37 =	vld.idx.msk [tilespmem:v14+s3+$0x0], $0xffff  }
0x208: {  	v54 =	vshll.u32 v51, $0x3;
	v36 =	vld.idx.msk [tilespmem:v35+s3+$0x0], $0xffff  }
0x209: {  	v55 =	vand.u32 $0x7FFFFC00, v54;
	v35 =	vld.idx.msk [tilespmem:v42+s3+$0x0], $0xffff  }
0x20a: {  	v58 =	vand.u32 $0x7F, v51;
	v1 =	vadd.s32 s16, v55;
	v34 =	vld.idx.msk [tilespmem:v48+s3+$0x0], $0xffff  }
0x20b: {  	v59 =	vor.u32 v58, v1;
	v33 =	vld.idx.msk [tilespmem:v4+s3+$0x0], $0xffff  }
0x20c: {  	s2 =	simm.s32 $0x0;
	v42 =	vor.u32 s15, v59;
	v48 =	vld.idx.msk [tilespmem:v52+s3+$0x0], $0xffff;
	s15 =	simm.s32 $0x2  }
.LBB2_11:
0x20d: {  	_ =	sdelay $0x3  }
0x20e: {  	v3 =	vld.idx.msk [tilespmem:v42+s3+$0x0], $0xffff;
	[tilespmem:s4+$0x10100] =	vst v23  }
0x20f: {  	[tilespmem:s4+$0x10120] =	vst v20  }
0x210: {  	[tilespmem:s4+$0x10130] =	vst v25  }
0x211: {  	v2 =	vld [tilespmem:$0x1FF20];
	[tilespmem:s4+$0x10140] =	vst v27  }
0x212: {  	v42 =	vld [tilespmem:$0x1FF70];
	[tilespmem:s4+$0x10150] =	vst v28  }
0x213: {  	v49 =	vlaneseq.u32;
	v23 =	vld [tilespmem:$0x1FF10];
	[tilespmem:s4+$0x10160] =	vst v29;
	s16 =	sshll.u32 s10, $0x9  }
0x214: {  	v0 =	vmov s15;
	v51 =	vld [tilespmem:$0x1FFA0];
	[tilespmem:s4+$0x10180] =	vst v32;
	s17 =	sadd.s32 $0x1, s15;
	s18 =	sand.u32 $0x6, s15;
	v1 =	vadd.s32 s15, v49;
	s16 =	sand.u32 $0xFFFFF800, s16  }
0x215: {  	v52 =	vld [tilespmem:$0x1FFB0];
	[tilespmem:s4+$0x10190] =	vst v56;
	v32 =	vadd.s32 s17, v60;
	v29 =	vadd.s32 s17, v57;
	s18 =	sshll.u32 s18, $0x7;
	v0 =	vadd.s32 s16, v0  }
0x216: {  	[tilespmem:s4+$0x101A0] =	vst v17;
	v25 =	vand.u32 $0x7F, v1;
	v0 =	vadd.s32 s18, v0;
	v4 =	vadd.s32 s15, v62  }
0x217: {  	v31 =	vld [tilespmem:$0x1FFD0];
	[tilespmem:s4+$0x101C0] =	vst v16;
	v6 =	vadd.s32 s15, v53;
	v7 =	vadd.s32 s15, v61;
	v9 =	vadd.s32 s15, v63  }
0x218: {  	v47 =	vld [tilespmem:$0x1FFE0];
	[tilespmem:s4+$0x10170] =	vst v30;
	v30 =	vadd.s32 s17, v49;
	v17 =	vadd.s32 s17, v62;
	v20 =	vadd.s32 s17, v61  }
0x219: {  	[tilespmem:s4+$0x101D0] =	vst v22;
	v22 =	vld [tilespmem:$0x1FF20];
	v61 =	vadd.s32 s17, v53;
	v2 =	vadd.s32 s15, v2;
	v5 =	vadd.s32 s15, v42  }
0x21a: {  	[tilespmem:s4+$0x101E0] =	vst v24;
	v8 =	vadd.s32 s15, v23;
	v11 =	vadd.s32 s15, v51;
	v12 =	vadd.s32 s15, v52  }
0x21b: {  	[tilespmem:s4+$0x101F0] =	vst v26;
	v14 =	vand.u32 $0x7F, v6;
	v6 =	vand.u32 $0x7F, v4;
	v13 =	vand.u32 $0x7F, v7  }
0x21c: {  	[tilespmem:s4+$0x10110] =	vst v40;
	v4 =	vshll.u32 v4, $0x3;
	v7 =	vshll.u32 v7, $0x3;
	v15 =	vand.u32 $0x7F, v9  }
0x21d: {  	s19 =	ssub.s32 s4, s2;
	[tilespmem:s4+$0x101B0] =	vst v50;
	v9 =	vshll.u32 v9, $0x3;
	v60 =	vadd.s32 s17, v31;
	v50 =	vadd.s32 s17, v47  }
0x21e: {  	v16 =	vadd.s32 s17, v23;
	v23 =	vadd.s32 s17, v63;
	v46 =	vadd.s32 s17, v22;
	[tilespmem:s19+$0x10200] =	vst v18  }
0x21f: {  	v22 =	vadd.s32 s17, v42;
	v62 =	vadd.s32 s17, v51;
	v63 =	vadd.s32 s17, v52;
	[tilespmem:s19+$0x10220] =	vst v21  }
0x220: {  	v58 =	vand.u32 $0x7F, v20;
	v51 =	vand.u32 $0x7F, v61;
	v18 =	vmov s16;
	[tilespmem:s19+$0x10250] =	vst v44  }
0x221: {  	v21 =	vshll.u32 v32, $0x3;
	v44 =	vshll.u32 v20, $0x3;
	[tilespmem:s19+$0x102A0] =	vst v36;
	v36 =	vshll.u32 v29, $0x3  }
0x222: {  	v20 =	vadd.s32 v49, v0;
	[tilespmem:s19+$0x102C0] =	vst v34;
	v34 =	vadd.s32 v47, v0;
	v54 =	vand.u32 $0x7F, v2  }
0x223: {  	v2 =	vand.u32 $0x7F, v5;
	v27 =	vand.u32 $0x7F, v11;
	v28 =	vand.u32 $0x7F, v12  }
0x224: {  	[tilespmem:$0x1FEB0] =	vst v14;
	v14 =	vand.u32 $0x7F, v8;
	v8 =	vshll.u32 v8, $0x3;
	v11 =	vshll.u32 v11, $0x3  }
0x225: {  	[tilespmem:s19+$0x10210] =	vst v19;
	v12 =	vshll.u32 v12, $0x3;
	v56 =	vand.u32 $0x7F, v16;
	v53 =	vand.u32 $0x7F, v46  }
0x226: {  	[tilespmem:s19+$0x10230] =	vst v43;
	v52 =	vand.u32 $0x7F, v22;
	v42 =	vand.u32 $0x7F, v62;
	v19 =	vand.u32 $0x7F, v63  }
0x227: {  	[tilespmem:s19+$0x10260] =	vst v41;
	v4 =	vand.u32 $0x400, v4;
	v7 =	vand.u32 $0x400, v7;
	v9 =	vand.u32 $0x400, v9  }
0x228: {  	[tilespmem:s19+$0x10270] =	vst v39;
	v41 =	vshll.u32 v60, $0x3;
	v43 =	vshll.u32 v50, $0x3;
	v39 =	vor.u32 $0x400, v18  }
0x229: {  	[tilespmem:s19+$0x10280] =	vst v38;
	v18 =	vshll.u32 v17, $0x3;
	v38 =	vshll.u32 v16, $0x3;
	v8 =	vand.u32 $0x400, v8  }
0x22a: {  	v11 =	vand.u32 $0xC00, v11;
	v12 =	vand.u32 $0xC00, v12;
	v2 =	vor.u32 v2, v39  }
0x22b: {  	v40 =	vld [tilespmem:$0x1FF90];
	v4 =	vor.u32 v4, v6;
	v6 =	vshll.u32 v46, $0x3;
	v7 =	vor.u32 v7, v13  }
0x22c: {  	[tilespmem:s19+$0x10240] =	vst v45;
	v9 =	vor.u32 v9, v15;
	v45 =	vor.u32 v25, v39;
	v2 =	vor.u32 s18, v2  }
0x22d: {  	[tilespmem:s19+$0x10290] =	vst v37;
	v8 =	vor.u32 v8, v14;
	v4 =	vor.u32 s16, v4;
	v7 =	vor.u32 s16, v7  }
0x22e: {  	[tilespmem:s19+$0x102B0] =	vst v35;
	v35 =	vadd.s32 s16, v11;
	v37 =	vadd.s32 s16, v12;
	v9 =	vor.u32 s16, v9  }
0x22f: {  	[tilespmem:$0x1FEA0] =	vst v54;
	v54 =	vld [tilespmem:$0x1FFC0];
	v11 =	vor.u32 s18, v45;
	v45 =	vshll.u32 v62, $0x3;
	v6 =	vand.u32 $0x7FFFFC00, v6  }
0x230: {  	[tilespmem:s19+$0x102F0] =	vst v3;
	v10 =	vadd.s32 s15, v40;
	v24 =	vadd.s32 s17, v40;
	v40 =	vand.u32 $0x7F, v17  }
0x231: {  	[tilespmem:s19+$0x102D0] =	vst v33;
	v4 =	vor.u32 s18, v4;
	v7 =	vor.u32 s18, v7;
	v8 =	vor.u32 s16, v8  }
0x232: {  	[tilespmem:s19+$0x102E0] =	vst v48;
	v62 =	vld [tilespmem:$0x1FF40];
	v48 =	vor.u32 v28, v37;
	v37 =	vshll.u32 v61, $0x3;
	v6 =	vadd.s32 s16, v6  }
0x233: {  	v5 =	vand.u32 $0x7F, v10;
	v10 =	vshll.u32 v10, $0x3;
	v25 =	vld.idx.msk [tilespmem:v34+s3+$0x0], $0xffff;
	v34 =	vshll.u32 v22, $0x3  }
0x234: {  	v61 =	vld [tilespmem:$0x1FF50];
	v6 =	vor.u32 v53, v6;
	v10 =	vand.u32 $0xC00, v10;
	v55 =	vadd.s32 s15, v54  }
0x235: {  	v53 =	vld [tilespmem:$0x1FF80];
	v26 =	vadd.s32 s17, v54;
	v54 =	vand.u32 $0x7F, v29;
	v10 =	vadd.s32 s16, v10  }
0x236: {  	v29 =	vadd.s32 v31, v0;
	v31 =	vand.u32 $0x7FFFFC00, v36;
	v36 =	vand.u32 $0x7FFFFC00, v34;
	v34 =	vld [tilespmem:$0x1FEA0]  }
0x237: {  	v59 =	vand.u32 $0x7F, v55;
	v1 =	vshll.u32 v55, $0x3;
	v55 =	vand.u32 $0x7F, v23;
	v17 =	vld.idx.msk [tilespmem:v2+s3+$0x0], $0xffff  }
0x238: {  	[tilespmem:$0x1FEC0] =	vst v19;
	v19 =	vand.u32 $0x7F, v26;
	v5 =	vor.u32 v5, v10;
	v10 =	vshll.u32 v23, $0x3;
	v23 =	vld.idx.msk [tilespmem:v20+s3+$0x0], $0xffff  }
0x239: {  	v8 =	vor.u32 s18, v8;
	v2 =	vor.u32 v27, v35;
	[tilespmem:$0x1FED0] =	vst v19;
	v19 =	vshll.u32 v30, $0x3;
	v27 =	vld.idx.msk [tilespmem:v4+s3+$0x0], $0xffff  }
0x23a: {  	v9 =	vor.u32 s18, v9;
	v1 =	vand.u32 $0xC00, v1;
	v28 =	vld.idx.msk [tilespmem:v7+s3+$0x0], $0xffff;
	v46 =	vand.u32 $0x7FFFFC00, v19  }
0x23b: {  	v1 =	vadd.s32 s16, v1;
	v14 =	vadd.s32 s16, v46;
	v46 =	vshll.u32 v63, $0x3;
	v63 =	vld [tilespmem:$0x1FF60]  }
0x23c: {  	v5 =	vor.u32 s18, v5;
	v1 =	vor.u32 v59, v1;
	v59 =	vand.u32 $0x7FFFFC00, v38;
	v38 =	vld [tilespmem:$0x1FEB0]  }
0x23d: {  	v47 =	vand.u32 $0x7FFFFC00, v21;
	v15 =	vand.u32 $0x7FFFFC00, v44;
	v2 =	vor.u32 s18, v2;
	v20 =	vld.idx.msk [tilespmem:v29+s3+$0x0], $0xffff  }
0x23e: {  	v49 =	vand.u32 $0x7FFFFC00, v41;
	v15 =	vadd.s32 s16, v15;
	v4 =	vor.u32 s18, v48;
	v29 =	vld.idx.msk [tilespmem:v8+s3+$0x0], $0xffff  }
0x23f: {  	v33 =	vadd.s32 s16, v47;
	v15 =	vor.u32 v58, v15;
	s17 =	sand.u32 $0x7, s17;
	v7 =	vadd.s32 v30, v14;
	v30 =	vld.idx.msk [tilespmem:v9+s3+$0x0], $0xffff  }
0x240: {  	v3 =	vand.u32 $0x7F, v24;
	s17 =	sshll.u32 s17, $0x7;
	v1 =	vor.u32 s18, v1;
	v8 =	vadd.s32 v32, v33;
	v32 =	vld.idx.msk [tilespmem:v11+s3+$0x0], $0xffff  }
0x241: {  	v41 =	vshll.u32 v24, $0x3;
	v47 =	vshll.u32 v26, $0x3;
	v6 =	vor.u32 s17, v6;
	v16 =	vld.idx.msk [tilespmem:v5+s3+$0x0], $0xffff  }
0x242: {  	v48 =	vand.u32 $0x7FFFFC00, v43;
	v10 =	vand.u32 $0x7FFFFC00, v10;
	v7 =	vadd.s32 s17, v7;
	v22 =	vld.idx.msk [tilespmem:v2+s3+$0x0], $0xffff  }
0x243: {  	v11 =	vor.u32 v34, v39;
	v8 =	vadd.s32 s17, v8;
	v5 =	vadd.s32 s16, v49;
	v24 =	vld.idx.msk [tilespmem:v4+s3+$0x0], $0xffff  }
0x244: {  	v10 =	vadd.s32 s16, v10;
	v11 =	vor.u32 s18, v11;
	v5 =	vadd.s32 v60, v5;
	v60 =	vld [tilespmem:$0x1FF30]  }
0x245: {  	v35 =	vadd.s32 s17, v5;
	v5 =	vand.u32 $0x7FFFFC00, v37;
	v37 =	vand.u32 $0x7FFFFC00, v41;
	v26 =	vld.idx.msk [tilespmem:v1+s3+$0x0], $0xffff  }
0x246: {  	v10 =	vor.u32 v55, v10;
	v49 =	vand.u32 $0x7FFFFC00, v18;
	v2 =	vadd.s32 s16, v37;
	v37 =	vld.idx.msk [tilespmem:v6+s3+$0x0], $0xffff  }
0x247: {  	v4 =	vand.u32 $0x7FFFFC00, v45;
	v13 =	vor.u32 v38, v39;
	v39 =	vor.u32 s17, v15;
	v18 =	vld.idx.msk [tilespmem:v7+s3+$0x0], $0xffff  }
0x248: {  	v10 =	vor.u32 s17, v10;
	v14 =	vadd.s32 s16, v49;
	v4 =	vadd.s32 s16, v4;
	v19 =	vld.idx.msk [tilespmem:v8+s3+$0x0], $0xffff  }
0x249: {  	v14 =	vor.u32 v40, v14;
	v4 =	vor.u32 v42, v4;
	v7 =	vadd.s32 s16, v59;
	v59 =	vld [tilespmem:$0x1FED0]  }
0x24a: {  	v1 =	vadd.s32 s16, v48;
	v13 =	vor.u32 s18, v13;
	v7 =	vor.u32 v56, v7;
	v56 =	vld.idx.msk [tilespmem:v11+s3+$0x0], $0xffff  }
0x24b: {  	v14 =	vor.u32 s17, v14;
	v5 =	vadd.s32 s16, v5;
	v1 =	vadd.s32 v50, v1;
	v21 =	vld.idx.msk [tilespmem:v35+s3+$0x0], $0xffff  }
0x24c: {  	v5 =	vor.u32 v51, v5;
	v2 =	vor.u32 v3, v2;
	v1 =	vadd.s32 s17, v1;
	v44 =	vld.idx.msk [tilespmem:v39+s3+$0x0], $0xffff  }
0x24d: {  	v5 =	vor.u32 s17, v5;
	v35 =	vand.u32 $0x7FFFFC00, v47;
	v47 =	vadd.s32 s16, v31;
	v39 =	vld.idx.msk [tilespmem:v10+s3+$0x0], $0xffff  }
0x24e: {  	v8 =	vadd.s32 s16, v36;
	v2 =	vor.u32 s17, v2;
	v11 =	vor.u32 v54, v47;
	v54 =	vld [tilespmem:$0x1FEC0]  }
0x24f: {  	v8 =	vor.u32 v52, v8;
	v52 =	vor.u32 s17, v4;
	v50 =	vld.idx.msk [tilespmem:v13+s3+$0x0], $0xffff  }
0x250: {  	v0 =	vadd.s32 v60, v0;
	v45 =	vld.idx.msk [tilespmem:v14+s3+$0x0], $0xffff  }
0x251: {  	v33 =	vand.u32 $0x7FFFFC00, v46;
	v7 =	vor.u32 s17, v7;
	v43 =	vld.idx.msk [tilespmem:v1+s3+$0x0], $0xffff  }
0x252: {  	v51 =	vadd.s32 s16, v33;
	v49 =	vor.u32 s17, v8;
	v58 =	vadd.s32 s16, v35;
	v35 =	vld.idx.msk [tilespmem:v5+s3+$0x0], $0xffff  }
0x253: {  	v48 =	vor.u32 s17, v11;
	v34 =	vld.idx.msk [tilespmem:v2+s3+$0x0], $0xffff;
	v55 =	vor.u32 v54, v51  }
0x254: {  	p0 =	sne.s32 s10, $0x1F;
	v33 =	vld.idx.msk [tilespmem:v52+s3+$0x0], $0xffff;
	v4 =	vor.u32 s17, v55  }
.Ltmp4:
0x255: {  	v40 =	vld.idx.msk [tilespmem:v0+s3+$0x0], $0xffff;
	(pc) =	sbr.rel @p0 .LBB2_11-.Ltmp4, $4  }
0x256: {  	v41 =	vld.idx.msk [tilespmem:v7+s3+$0x0], $0xffff  }
0x257: {  	v36 =	vld.idx.msk [tilespmem:v49+s3+$0x0], $0xffff  }
0x258: {  	s10 =	sadd.s32 $0x1, s10;
	s4 =	ssub.s32 s19, s2;
	v3 =	vor.u32 v59, v58;
	v38 =	vld.idx.msk [tilespmem:v48+s3+$0x0], $0xffff  }
0x259: {  	s2 =	smov.u32 s15;
	s4 =	sadd.s32 $0x1FF, s4;
	s15 =	sadd.s32 $0x2, s15;
	v42 =	vor.u32 s17, v3;
	v48 =	vld.idx.msk [tilespmem:v4+s3+$0x0], $0xffff  }
0x25a: {  	_ =	sdelay $0x3  }
0x25b: {  	v0 =	vld.idx.msk [tilespmem:v42+s3+$0x0], $0xffff;
	[tilespmem:s4+$0x10100] =	vst v23  }
0x25c: {  	[tilespmem:s4+$0x10110] =	vst v40  }
0x25d: {  	[tilespmem:s4+$0x10120] =	vst v20  }
0x25e: {  	[tilespmem:s4+$0x10130] =	vst v25  }
0x25f: {  	[tilespmem:s4+$0x10140] =	vst v27  }
0x260: {  	[tilespmem:s4+$0x10150] =	vst v28  }
0x261: {  	[tilespmem:s4+$0x10160] =	vst v29  }
0x262: {  	[tilespmem:s4+$0x10170] =	vst v30  }
0x263: {  	[tilespmem:s4+$0x10180] =	vst v32  }
0x264: {  	[tilespmem:s4+$0x10190] =	vst v56  }
0x265: {  	[tilespmem:s4+$0x101A0] =	vst v17  }
0x266: {  	[tilespmem:s4+$0x101B0] =	vst v50;
	s16 =	simm.s32 $0x40;
	v9 =	vlaneseq.u32  }
0x267: {  	[tilespmem:s4+$0x101C0] =	vst v16;
	v16 =	vadd.s32 s16, v9  }
0x268: {  	[tilespmem:s4+$0x101D0] =	vst v22;
	v17 =	vadd.s32 s16, v60;
	v2 =	vadd.s32 s16, v62;
	v3 =	vadd.s32 s16, v61  }
0x269: {  	[tilespmem:s4+$0x101E0] =	vst v24;
	s17 =	simm.s32 $0x41;
	v4 =	vadd.s32 s16, v63;
	v5 =	vadd.s32 s16, v57;
	v8 =	vadd.s32 s16, v53  }
0x26a: {  	[tilespmem:s4+$0x101F0] =	vst v26;
	s2 =	ssub.s32 s4, s2;
	v9 =	vadd.s32 s17, v9;
	v10 =	vadd.s32 s17, v60;
	v20 =	vadd.s32 s17, v62  }
0x26b: {  	[tilespmem:s2+$0x10220] =	vst v21;
	v21 =	vadd.s32 s17, v61;
	v25 =	vadd.s32 s17, v63;
	v27 =	vadd.s32 s17, v57  }
0x26c: {  	[tilespmem:s2+$0x10200] =	vst v18;
	v30 =	vadd.s32 s17, v53;
	v24 =	vand.u32 $0x7F, v16;
	v23 =	vand.u32 $0x7F, v17  }
0x26d: {  	[tilespmem:s2+$0x10240] =	vst v45;
	v52 =	vand.u32 $0x7F, v2;
	v15 =	vand.u32 $0x7F, v3;
	v54 =	vand.u32 $0x7F, v4  }
0x26e: {  	[tilespmem:s2+$0x10250] =	vst v44;
	v58 =	vand.u32 $0x7F, v5;
	v44 =	vand.u32 $0x7F, v8;
	v45 =	vand.u32 $0x7F, v9  }
0x26f: {  	[tilespmem:s2+$0x10210] =	vst v19;
	v46 =	vand.u32 $0x7F, v10;
	v2 =	vshll.u32 v2, $0x3;
	v3 =	vshll.u32 v3, $0x3  }
0x270: {  	[tilespmem:s2+$0x10230] =	vst v43;
	v4 =	vshll.u32 v4, $0x3;
	v5 =	vshll.u32 v5, $0x3;
	v8 =	vshll.u32 v8, $0x3  }
0x271: {  	v55 =	vld [tilespmem:$0x1FFD0];
	[tilespmem:s2+$0x10290] =	vst v37;
	v9 =	vshll.u32 v9, $0x3;
	v10 =	vshll.u32 v10, $0x3;
	v49 =	vand.u32 $0x7F, v20  }
0x272: {  	v56 =	vld [tilespmem:$0x1FFE0];
	[tilespmem:s2+$0x102C0] =	vst v34;
	v32 =	vand.u32 $0x7F, v25;
	v34 =	vand.u32 $0x7F, v27;
	v37 =	vand.u32 $0x7F, v30  }
0x273: {  	v14 =	vld [tilespmem:$0x1FF10];
	[tilespmem:s2+$0x10260] =	vst v41;
	v31 =	vshll.u32 v16, $0x3;
	v2 =	vand.u32 $0x7FFFFC00, v2;
	v3 =	vand.u32 $0x7FFFFC00, v3  }
0x274: {  	v12 =	vld [tilespmem:$0x1FF20];
	s19 =	simm.s32 $0x0;
	[tilespmem:s2+$0x10270] =	vst v39;
	v4 =	vand.u32 $0x7FFFFC00, v4;
	v5 =	vand.u32 $0x7FFFFC00, v5;
	v8 =	vand.u32 $0x7FFFFC00, v8  }
0x275: {  	[tilespmem:s2+$0x102B0] =	vst v35;
	s4 =	sand.u32 $0xFFFFF800, s19;
	v9 =	vand.u32 $0x7FFFFC00, v9;
	v10 =	vand.u32 $0x7FFFFC00, v10;
	v41 =	vand.u32 $0x7FFFFC00, v31  }
0x276: {  	[tilespmem:s2+$0x102D0] =	vst v33;
	v2 =	vadd.s32 s4, v2;
	v3 =	vadd.s32 s4, v3;
	v4 =	vadd.s32 s4, v4  }
0x277: {  	[tilespmem:s2+$0x102A0] =	vst v36;
	v5 =	vadd.s32 s4, v5;
	v8 =	vadd.s32 s4, v8;
	v9 =	vadd.s32 s4, v9  }
0x278: {  	v43 =	vld [tilespmem:$0x1FF70];
	[tilespmem:s2+$0x10280] =	vst v38;
	v10 =	vadd.s32 s4, v10;
	v50 =	vadd.s32 s16, v55;
	v1 =	vadd.s32 s16, v56  }
0x279: {  	[tilespmem:s2+$0x102E0] =	vst v48;
	v18 =	vadd.s32 s16, v14;
	v6 =	vadd.s32 s16, v12;
	v11 =	vadd.s32 s17, v55  }
0x27a: {  	[tilespmem:s2+$0x102F0] =	vst v0;
	v19 =	vadd.s32 s17, v56;
	v22 =	vadd.s32 s17, v14;
	v28 =	vadd.s32 s17, v12  }
0x27b: {  	v2 =	vor.u32 v52, v2;
	v3 =	vor.u32 v15, v3;
	v4 =	vor.u32 v54, v4;
	_ =	swait.ge [sflag:s14], $0x4000  }
0x27c: {  	s18 =	simm.s32 $0x400;
	s10 =	simm.s32 $0x0;
	v5 =	vor.u32 v58, v5;
	v8 =	vor.u32 v44, v8;
	v9 =	vor.u32 v45, v9;
	[sflag:s14] =	ssyncset.done $0x0  }
0x27d: {  	s2 =	simm.s32 $0x0;
	v10 =	vor.u32 v46, v10;
	v58 =	vshll.u32 v20, $0x3;
	v7 =	vadd.s32 s16, v43;
	s16 =	sadd.s32 s1, s8;
	[sflag:s14] =	ssyncadd.s32 $0xFFFFC000  }
0x27e: {  	v29 =	vadd.s32 s17, v43;
	v51 =	vand.u32 $0x7F, v50;
	v13 =	vand.u32 $0x7F, v1;
	[tilespmem:s18], [sflag:$0x1] =	stream.linear.gather [hbm4b:s16+s2], $0x400, $0x38;
	[tilespmem:$0x18200] =	vst v63  }
0x27f: {  	s15 =	sand.u32 $0x300, s10;
	v26 =	vand.u32 $0x7F, v18;
	v59 =	vand.u32 $0x7F, v6;
	v47 =	vand.u32 $0x7F, v11;
	s17 =	simm.s32 $0xC00;
	s20 =	sadd.s32 $0x100, s16  }
0x280: {  	v0 =	vshll.u32 v50, $0x3;
	v1 =	vshll.u32 v1, $0x3;
	v6 =	vshll.u32 v6, $0x3;
	[tilespmem:s17], [sflag:$0x1] =	stream.linear.gather [hbm4b:s20+s2], $0x400, $0x38;
	[tilespmem:$0x18200] =	vst v63  }
0x281: {  	s10 =	sor.u32 $0x80, s15;
	v11 =	vshll.u32 v11, $0x3;
	v2 =	vor.u32 s15, v2;
	v3 =	vor.u32 s15, v3;
	s18 =	simm.s32 $0x1400;
	s17 =	sadd.s32 $0x200, s16  }
0x282: {  	v4 =	vor.u32 s15, v4;
	v5 =	vor.u32 s15, v5;
	v8 =	vor.u32 s15, v8;
	[tilespmem:s18], [sflag:$0x1] =	stream.linear.gather [hbm4b:s17+s2], $0x400, $0x38;
	[tilespmem:$0x18200] =	vst v63  }
0x283: {  	v9 =	vor.u32 s10, v9;
	v10 =	vor.u32 s10, v10;
	v48 =	vand.u32 $0x7F, v19;
	s19 =	sadd.s32 $0x300, s16;
	s20 =	simm.s32 $0x1C00  }
0x284: {  	v50 =	vand.u32 $0x7F, v21;
	v15 =	vand.u32 $0x7F, v22;
	v35 =	vand.u32 $0x7F, v28;
	[tilespmem:s20], [sflag:$0x1] =	stream.linear.gather [hbm4b:s19+s2], $0x400, $0x38;
	[tilespmem:$0x18200] =	vst v63  }
0x285: {  	v52 =	vshll.u32 v18, $0x3;
	v54 =	vshll.u32 v19, $0x3;
	v0 =	vand.u32 $0x7FFFFC00, v0;
	s18 =	sadd.s32 $0x400, s16;
	s19 =	simm.s32 $0x2400  }
0x286: {  	v21 =	vshll.u32 v21, $0x3;
	v1 =	vand.u32 $0x7FFFFC00, v1;
	v0 =	vadd.s32 s4, v0;
	[tilespmem:s19], [sflag:$0x1] =	stream.linear.gather [hbm4b:s18+s2], $0x400, $0x38;
	[tilespmem:$0x18200] =	vst v63  }
0x287: {  	v40 =	vshll.u32 v28, $0x3;
	v1 =	vadd.s32 s4, v1;
	v0 =	vor.u32 v51, v0;
	s20 =	sadd.s32 $0x500, s16;
	s18 =	simm.s32 $0x2C00  }
0x288: {  	v42 =	vand.u32 $0x7F, v7;
	v1 =	vor.u32 v13, v1;
	v0 =	vor.u32 s15, v0;
	[tilespmem:s18], [sflag:$0x1] =	stream.linear.gather [hbm4b:s20+s2], $0x400, $0x38;
	[tilespmem:$0x18200] =	vst v63  }
0x289: {  	v7 =	vshll.u32 v7, $0x3;
	v6 =	vand.u32 $0x7FFFFC00, v6;
	v1 =	vor.u32 s15, v1;
	s19 =	simm.s32 $0x3400;
	s18 =	sadd.s32 $0x600, s16  }
0x28a: {  	v11 =	vand.u32 $0x7FFFFC00, v11;
	v36 =	vand.u32 $0x7F, v29;
	v28 =	vshll.u32 v29, $0x3;
	[tilespmem:s19], [sflag:$0x1] =	stream.linear.gather [hbm4b:s18+s2], $0x400, $0x38;
	[tilespmem:$0x18200] =	vst v63  }
0x28b: {  	v29 =	vshll.u32 v30, $0x3;
	v30 =	vand.u32 $0x7FFFFC00, v52;
	v31 =	vand.u32 $0x7FFFFC00, v21;
	s16 =	sadd.s32 $0x700, s16;
	s20 =	simm.s32 $0x3C00  }
0x28c: {  	v7 =	vand.u32 $0x7FFFFC00, v7;
	v6 =	vadd.s32 s4, v6;
	v11 =	vadd.s32 s4, v11;
	[tilespmem:s20], [sflag:$0x1] =	stream.linear.gather [hbm4b:s16+s2], $0x400, $0x38;
	[tilespmem:$0x18200] =	vst v63  }
0x28d: {  	v6 =	vor.u32 v59, v6;
	v7 =	vadd.s32 s4, v7;
	v11 =	vor.u32 v47, v11;
	v16 =	vld.idx.msk [tilespmem:v0+s13+$0x0], $0xffff  }
0x28e: {  	v51 =	vshll.u32 v17, $0x3;
	v6 =	vor.u32 s15, v6;
	v7 =	vor.u32 v42, v7;
	v17 =	vld.idx.msk [tilespmem:v1+s13+$0x0], $0xffff  }
0x28f: {  	v59 =	vshll.u32 v22, $0x3;
	v22 =	vshll.u32 v25, $0x3;
	v7 =	vor.u32 s15, v7;
	v18 =	vld.idx.msk [tilespmem:v2+s13+$0x0], $0xffff  }
0x290: {  	v25 =	vshll.u32 v27, $0x3;
	v11 =	vor.u32 s10, v11;
	v27 =	vand.u32 $0x7FFFFC00, v51;
	v20 =	vld.idx.msk [tilespmem:v3+s13+$0x0], $0xffff  }
0x291: {  	v42 =	vand.u32 $0x7FFFFC00, v58;
	v44 =	vand.u32 $0x7FFFFC00, v22;
	v45 =	vand.u32 $0x7FFFFC00, v25;
	v19 =	vld.idx.msk [tilespmem:v4+s13+$0x0], $0xffff  }
0x292: {  	v0 =	vand.u32 $0x7FFFFC00, v54;
	v21 =	vld.idx.msk [tilespmem:v5+s13+$0x0], $0xffff;
	v1 =	vand.u32 $0x7FFFFC00, v59;
	v3 =	vadd.s32 s4, v41  }
0x293: {  	v22 =	vld.idx.msk [tilespmem:v6+s13+$0x0], $0xffff;
	v4 =	vadd.s32 s4, v42;
	v3 =	vor.u32 v24, v3;
	v24 =	vadd.s32 s4, v27  }
0x294: {  	v25 =	vld.idx.msk [tilespmem:v7+s13+$0x0], $0xffff;
	v0 =	vadd.s32 s4, v0;
	v4 =	vor.u32 v49, v4;
	v3 =	vor.u32 s15, v3  }
0x295: {  	v27 =	vld.idx.msk [tilespmem:v8+s13+$0x0], $0xffff;
	v1 =	vadd.s32 s4, v1;
	v46 =	vor.u32 v23, v24;
	v4 =	vor.u32 s10, v4  }
0x296: {  	v23 =	vadd.s32 s4, v30;
	v24 =	vld.idx.msk [tilespmem:v9+s13+$0x0], $0xffff;
	v0 =	vor.u32 v48, v0;
	v7 =	vor.u32 s15, v46  }
0x297: {  	v1 =	vor.u32 v15, v1;
	v47 =	vor.u32 v26, v23;
	v23 =	vld.idx.msk [tilespmem:v10+s13+$0x0], $0xffff;
	v0 =	vor.u32 s10, v0  }
0x298: {  	v51 =	vand.u32 $0x7FFFFC00, v29;
	v48 =	vadd.s32 s4, v31;
	v26 =	vld.idx.msk [tilespmem:v11+s13+$0x0], $0xffff;
	v1 =	vor.u32 s10, v1  }
0x299: {  	v58 =	vadd.s32 s4, v51;
	v9 =	vor.u32 v50, v48;
	v8 =	vor.u32 s15, v47;
	v30 =	vld.idx.msk [tilespmem:v3+s13+$0x0], $0xffff  }
0x29a: {  	v2 =	vand.u32 $0x7FFFFC00, v40;
	v5 =	vadd.s32 s4, v44;
	v49 =	vor.u32 s10, v9;
	v41 =	vld.idx.msk [tilespmem:v4+s13+$0x0], $0xffff  }
0x29b: {  	v6 =	vadd.s32 s4, v45;
	v59 =	vor.u32 v37, v58;
	v5 =	vor.u32 v32, v5;
	v31 =	vld.idx.msk [tilespmem:v7+s13+$0x0], $0xffff  }
0x29c: {  	v52 =	vor.u32 v34, v6;
	v2 =	vadd.s32 s4, v2;
	v50 =	vand.u32 $0x7FFFFC00, v28;
	v34 =	vld.idx.msk [tilespmem:v0+s13+$0x0], $0xffff  }
0x29d: {  	v32 =	vor.u32 s10, v52;
	v2 =	vor.u32 v35, v2;
	v54 =	vadd.s32 s4, v50;
	v46 =	vld.idx.msk [tilespmem:v1+s13+$0x0], $0xffff  }
0x29e: {  	s20 =	smov.u32 s21;
	v35 =	vor.u32 s10, v59;
	v28 =	vor.u32 s10, v5;
	v0 =	vor.u32 v36, v54;
	v33 =	vld.idx.msk [tilespmem:v8+s13+$0x0], $0xffff  }
0x29f: {  	v59 =	vmovc v53;
	s4 =	simm.s32 $0x3820;
	s15 =	simm.s32 $0x1;
	v36 =	vor.u32 s10, v2;
	v54 =	vlaneseq.u32;
	v45 =	vld.idx.msk [tilespmem:v49+s13+$0x0], $0xffff;
	v37 =	vor.u32 s10, v0;
	s10 =	simm.s32 $0x2  }
.LBB2_13:
0x2a0: {  	_ =	sdelay $0x2  }
0x2a1: {  	s16 =	sadd.s32 $0x40, s10  }
0x2a2: {  	v47 =	vld.idx.msk [tilespmem:v28+s13+$0x0], $0xffff;
	v28 =	vadd.s32 s16, v54;
	v29 =	vadd.s32 s16, v60;
	v0 =	vadd.s32 s16, v55  }
0x2a3: {  	v48 =	vld.idx.msk [tilespmem:v32+s13+$0x0], $0xffff;
	v1 =	vadd.s32 s16, v56;
	v2 =	vadd.s32 s16, v62;
	v3 =	vadd.s32 s16, v61  }
0x2a4: {  	v49 =	vld.idx.msk [tilespmem:v36+s13+$0x0], $0xffff;
	s18 =	sadd.s32 $0x41, s10;
	v4 =	vadd.s32 s16, v63;
	v5 =	vadd.s32 s16, v57;
	v8 =	vadd.s32 s16, v59  }
0x2a5: {  	v50 =	vld.idx.msk [tilespmem:v37+s13+$0x0], $0xffff;
	v10 =	vadd.s32 s18, v54;
	v11 =	vadd.s32 s18, v60;
	v12 =	vadd.s32 s18, v55  }
0x2a6: {  	v9 =	vld.idx.msk [tilespmem:v35+s13+$0x0], $0xffff;
	[tilespmem:s4+$0x10120] =	vst v16;
	v35 =	vadd.s32 s18, v56;
	v36 =	vadd.s32 s18, v62;
	v37 =	vadd.s32 s18, v61  }
0x2a7: {  	[tilespmem:s4+$0x10130] =	vst v17;
	v39 =	vadd.s32 s18, v63;
	v40 =	vadd.s32 s18, v57;
	v44 =	vadd.s32 s18, v59  }
0x2a8: {  	[tilespmem:s4+$0x10180] =	vst v21;
	v14 =	vand.u32 $0x7F, v1;
	v16 =	vand.u32 $0x7F, v3;
	v17 =	vand.u32 $0x7F, v4  }
0x2a9: {  	v15 =	vld [tilespmem:$0x1FF10];
	[tilespmem:s4+$0x10140] =	vst v18;
	v18 =	vand.u32 $0x7F, v5;
	v51 =	vand.u32 $0x7F, v8;
	v21 =	vand.u32 $0x7F, v10  }
0x2aa: {  	v13 =	vld [tilespmem:$0x1FF20];
	v52 =	vand.u32 $0x7F, v11;
	v1 =	vshll.u32 v1, $0x3;
	v3 =	vshll.u32 v3, $0x3  }
0x2ab: {  	v53 =	vld [tilespmem:$0x1FF70];
	v4 =	vshll.u32 v4, $0x3;
	v5 =	vshll.u32 v5, $0x3;
	v8 =	vshll.u32 v8, $0x3  }
0x2ac: {  	[tilespmem:s4+$0x10170] =	vst v19;
	v58 =	vshll.u32 v11, $0x3;
	v1 =	vand.u32 $0x7FFFFC00, v1;
	v3 =	vand.u32 $0x7FFFFC00, v3  }
0x2ad: {  	v4 =	vand.u32 $0x7FFFFC00, v4;
	v5 =	vand.u32 $0x7FFFFC00, v5;
	v8 =	vand.u32 $0x7FFFFC00, v8;
	[tilespmem:s4+$0x10100] =	vst v30  }
0x2ae: {  	v7 =	vadd.s32 s16, v43;
	[tilespmem:s4+$0x10110] =	vst v31;
	v31 =	vand.u32 $0x7F, v28;
	v30 =	vand.u32 $0x7F, v29  }
0x2af: {  	[tilespmem:s4+$0x10190] =	vst v22;
	v32 =	vadd.s32 s16, v15;
	v6 =	vadd.s32 s16, v13;
	v38 =	vadd.s32 s18, v15  }
0x2b0: {  	[tilespmem:s4+$0x101A0] =	vst v25;
	v42 =	vadd.s32 s18, v13;
	v43 =	vadd.s32 s18, v53;
	v13 =	vand.u32 $0x7F, v0  }
0x2b1: {  	[tilespmem:s4+$0x10150] =	vst v20;
	v15 =	vand.u32 $0x7F, v2;
	v20 =	vand.u32 $0x7F, v7;
	v53 =	vand.u32 $0x7F, v12  }
0x2b2: {  	[tilespmem:s4+$0x101B0] =	vst v27;
	v0 =	vshll.u32 v0, $0x3;
	v2 =	vshll.u32 v2, $0x3;
	v7 =	vshll.u32 v7, $0x3  }
0x2b3: {  	[tilespmem:s4+$0x10160] =	vst v33;
	s18 =	ssub.s32 s4, s2;
	v12 =	vshll.u32 v12, $0x3;
	v33 =	vand.u32 $0x7F, v32;
	v19 =	vand.u32 $0x7F, v6  }
0x2b4: {  	s19 =	sshll.u32 s15, $0x9;
	v6 =	vshll.u32 v6, $0x3;
	[tilespmem:s18+$0x10270] =	vst v9;
	v9 =	vshll.u32 v10, $0x3;
	v0 =	vand.u32 $0x7FFFFC00, v0  }
0x2b5: {  	s16 =	sand.u32 $0xFFFFF800, s19;
	v2 =	vand.u32 $0x7FFFFC00, v2;
	v7 =	vand.u32 $0x7FFFFC00, v7;
	v10 =	vand.u32 $0x7FFFFC00, v58  }
0x2b6: {  	v1 =	vadd.s32 s16, v1;
	v11 =	vand.u32 $0x7FFFFC00, v12;
	v3 =	vadd.s32 s16, v3  }
0x2b7: {  	[tilespmem:s18+$0x10230] =	vst v47;
	v4 =	vadd.s32 s16, v4;
	v5 =	vadd.s32 s16, v5;
	v47 =	vadd.s32 s16, v8  }
0x2b8: {  	v6 =	vand.u32 $0x7FFFFC00, v6;
	v0 =	vadd.s32 s16, v0;
	v9 =	vand.u32 $0x7FFFFC00, v9  }
0x2b9: {  	v1 =	vor.u32 v14, v1;
	v2 =	vadd.s32 s16, v2;
	v3 =	vor.u32 v16, v3  }
0x2ba: {  	s17 =	sshll.u32 s10, $0x7;
	[tilespmem:s18+$0x10200] =	vst v41;
	v4 =	vor.u32 v17, v4;
	v5 =	vor.u32 v18, v5;
	v41 =	vadd.s32 s16, v7  }
0x2bb: {  	s17 =	sand.u32 $0x300, s17;
	[tilespmem:s18+$0x10260] =	vst v50;
	v12 =	vor.u32 v51, v47;
	v50 =	vadd.s32 s16, v10;
	v47 =	vand.u32 $0x7F, v38  }
0x2bc: {  	v10 =	vand.u32 $0x7F, v43;
	v0 =	vor.u32 v13, v0;
	v1 =	vor.u32 s17, v1  }
0x2bd: {  	v2 =	vor.u32 v15, v2;
	v3 =	vor.u32 s17, v3;
	v4 =	vor.u32 s17, v4  }
0x2be: {  	[tilespmem:s18+$0x10220] =	vst v46;
	v6 =	vadd.s32 s16, v6;
	v58 =	vor.u32 s17, v5;
	v46 =	vor.u32 v20, v41  }
0x2bf: {  	[tilespmem:s18+$0x101C0] =	vst v24;
	v13 =	vadd.s32 s16, v9;
	v14 =	vor.u32 s17, v12;
	v51 =	vor.u32 v52, v50  }
0x2c0: {  	[tilespmem:s18+$0x101F0] =	vst v34;
	v52 =	vadd.s32 s16, v11;
	v50 =	vand.u32 $0x7F, v42;
	v11 =	vand.u32 $0x7F, v44  }
0x2c1: {  	[tilespmem:s18+$0x10240] =	vst v48;
	v15 =	vshll.u32 v37, $0x3;
	v0 =	vor.u32 s17, v0;
	v2 =	vor.u32 s17, v2  }
0x2c2: {  	[tilespmem:s18+$0x10250] =	vst v49;
	v34 =	vor.u32 v19, v6;
	v48 =	vor.u32 s17, v46;
	v49 =	vor.u32 v21, v13  }
0x2c3: {  	[tilespmem:s18+$0x101D0] =	vst v23;
	v6 =	vand.u32 $0x7F, v35;
	v46 =	vand.u32 $0x7F, v37;
	v37 =	vshll.u32 v38, $0x3  }
0x2c4: {  	[tilespmem:s18+$0x101E0] =	vst v26;
	v38 =	vshll.u32 v42, $0x3;
	v42 =	vshll.u32 v44, $0x3;
	v15 =	vand.u32 $0x7FFFFC00, v15  }
0x2c5: {  	[tilespmem:s18+$0x10210] =	vst v45;
	v45 =	vor.u32 s17, v34;
	v34 =	vor.u32 v53, v52;
	v52 =	vshll.u32 v29, $0x3  }
0x2c6: {  	s21 =	sor.u32 $0x80, s17;
	v53 =	vshll.u32 v32, $0x3;
	v29 =	vshll.u32 v40, $0x3;
	v32 =	vand.u32 $0x7FFFFC00, v38;
	v17 =	vld.idx.msk [tilespmem:v1+s13+$0x0], $0xffff  }
0x2c7: {  	v41 =	vor.u32 s21, v34;
	v13 =	vand.u32 $0x7FFFFC00, v52;
	v29 =	vand.u32 $0x7FFFFC00, v29;
	v19 =	vld.idx.msk [tilespmem:v4+s13+$0x0], $0xffff  }
0x2c8: {  	v13 =	vadd.s32 s16, v13;
	v4 =	vor.u32 s21, v49;
	v21 =	vld.idx.msk [tilespmem:v58+s13+$0x0], $0xffff;
	v58 =	vor.u32 s21, v51  }
0x2c9: {  	v20 =	vld.idx.msk [tilespmem:v3+s13+$0x0], $0xffff;
	v49 =	vand.u32 $0x7F, v40;
	v51 =	vshll.u32 v28, $0x3;
	v28 =	vshll.u32 v39, $0x3  }
0x2ca: {  	v27 =	vld.idx.msk [tilespmem:v14+s13+$0x0], $0xffff;
	v14 =	vand.u32 $0x7FFFFC00, v53;
	v1 =	vand.u32 $0x7FFFFC00, v37;
	v13 =	vor.u32 v30, v13  }
0x2cb: {  	v25 =	vld.idx.msk [tilespmem:v48+s13+$0x0], $0xffff;
	v48 =	vand.u32 $0x7F, v39;
	v39 =	vshll.u32 v43, $0x3;
	v12 =	vand.u32 $0x7FFFFC00, v51  }
0x2cc: {  	v16 =	vld.idx.msk [tilespmem:v0+s13+$0x0], $0xffff;
	v14 =	vadd.s32 s16, v14;
	v13 =	vor.u32 s17, v13;
	v1 =	vadd.s32 s16, v1  }
0x2cd: {  	v22 =	vld.idx.msk [tilespmem:v45+s13+$0x0], $0xffff;
	v45 =	vand.u32 $0x7F, v36;
	v36 =	vshll.u32 v36, $0x3;
	v12 =	vadd.s32 s16, v12  }
0x2ce: {  	v14 =	vor.u32 v33, v14;
	v1 =	vor.u32 v47, v1;
	v12 =	vor.u32 v31, v12;
	v24 =	vld.idx.msk [tilespmem:v4+s13+$0x0], $0xffff  }
0x2cf: {  	v14 =	vor.u32 s17, v14;
	v23 =	vld.idx.msk [tilespmem:v58+s13+$0x0], $0xffff;
	v58 =	vshll.u32 v35, $0x3;
	v4 =	vand.u32 $0x7FFFFC00, v36  }
0x2d0: {  	v18 =	vld.idx.msk [tilespmem:v2+s13+$0x0], $0xffff;
	v12 =	vor.u32 s17, v12;
	v0 =	vand.u32 $0x7FFFFC00, v58;
	v4 =	vadd.s32 s16, v4  }
0x2d1: {  	v43 =	vld [tilespmem:$0x1FF70];
	v1 =	vor.u32 s21, v1;
	v0 =	vadd.s32 s16, v0;
	v4 =	vor.u32 v45, v4  }
0x2d2: {  	v26 =	vld.idx.msk [tilespmem:v41+s13+$0x0], $0xffff;
	v45 =	vadd.s32 s16, v15;
	v0 =	vor.u32 v6, v0;
	v4 =	vor.u32 s21, v4  }
0x2d3: {  	v28 =	vand.u32 $0x7FFFFC00, v28;
	v31 =	vld.idx.msk [tilespmem:v13+s13+$0x0], $0xffff;
	v5 =	vor.u32 v46, v45;
	v0 =	vor.u32 s21, v0  }
0x2d4: {  	p0 =	sne.s32 s15, $0x1F;
	v44 =	vand.u32 $0x7FFFFC00, v39;
	v47 =	vadd.s32 s16, v29;
	v33 =	vld.idx.msk [tilespmem:v14+s13+$0x0], $0xffff;
	v5 =	vor.u32 s21, v5  }
.Ltmp5:
0x2d5: {  	v51 =	vadd.s32 s16, v44;
	v35 =	vand.u32 $0x7FFFFC00, v42;
	v46 =	vadd.s32 s16, v28;
	v30 =	vld.idx.msk [tilespmem:v12+s13+$0x0], $0xffff;
	(pc) =	sbr.rel @p0 .LBB2_13-.Ltmp5, $4  }
0x2d6: {  	v52 =	vor.u32 v10, v51;
	v53 =	vadd.s32 s16, v35;
	v2 =	vor.u32 v48, v46;
	v46 =	vld.idx.msk [tilespmem:v1+s13+$0x0], $0xffff  }
0x2d7: {  	v58 =	vor.u32 v11, v53;
	v48 =	vor.u32 v49, v47;
	v49 =	vadd.s32 s16, v32;
	v41 =	vld.idx.msk [tilespmem:v4+s13+$0x0], $0xffff  }
0x2d8: {  	s15 =	sadd.s32 $0x1, s15;
	s4 =	ssub.s32 s18, s2;
	v37 =	vor.u32 s21, v52;
	v35 =	vor.u32 s21, v58;
	v50 =	vor.u32 v50, v49;
	v34 =	vld.idx.msk [tilespmem:v0+s13+$0x0], $0xffff  }
0x2d9: {  	s2 =	smov.u32 s10;
	s10 =	sadd.s32 $0x2, s10;
	s4 =	sadd.s32 $0x17F, s4;
	v28 =	vor.u32 s21, v2;
	v32 =	vor.u32 s21, v48;
	v36 =	vor.u32 s21, v50;
	v45 =	vld.idx.msk [tilespmem:v5+s13+$0x0], $0xffff  }
0x2da: {  	_ =	sdelay $0x3  }
0x2db: {  	v0 =	vld.idx.msk [tilespmem:v28+s13+$0x0], $0xffff  }
0x2dc: {  	v1 =	vld.idx.msk [tilespmem:v32+s13+$0x0], $0xffff  }
0x2dd: {  	v2 =	vld.idx.msk [tilespmem:v36+s13+$0x0], $0xffff  }
0x2de: {  	v3 =	vld.idx.msk [tilespmem:v37+s13+$0x0], $0xffff  }
0x2df: {  	v4 =	vld.idx.msk [tilespmem:v35+s13+$0x0], $0xffff;
	[tilespmem:s4+$0x10100] =	vst v30  }
0x2e0: {  	[tilespmem:s4+$0x10110] =	vst v31  }
0x2e1: {  	[tilespmem:s4+$0x10120] =	vst v16  }
0x2e2: {  	[tilespmem:s4+$0x10130] =	vst v17  }
0x2e3: {  	[tilespmem:s4+$0x10140] =	vst v18  }
0x2e4: {  	[tilespmem:s4+$0x10150] =	vst v20  }
0x2e5: {  	[tilespmem:s4+$0x10160] =	vst v33  }
0x2e6: {  	[tilespmem:s4+$0x10170] =	vst v19  }
0x2e7: {  	[tilespmem:s4+$0x10180] =	vst v21  }
0x2e8: {  	[tilespmem:s4+$0x10190] =	vst v22  }
0x2e9: {  	[tilespmem:s4+$0x101A0] =	vst v25  }
0x2ea: {  	[tilespmem:s4+$0x101B0] =	vst v27;
	s2 =	ssub.s32 s4, s2  }
0x2eb: {  	[tilespmem:s2+$0x101C0] =	vst v24  }
0x2ec: {  	[tilespmem:s2+$0x101D0] =	vst v23  }
0x2ed: {  	s21 =	simm.s32 $0x80;
	[tilespmem:s2+$0x101E0] =	vst v26  }
0x2ee: {  	[tilespmem:s2+$0x10220] =	vst v46;
	v38 =	vadd.s32 s21, v54  }
0x2ef: {  	s10 =	simm.s32 $0x81;
	v39 =	vadd.s32 s21, v60;
	v40 =	vadd.s32 s21, v55;
	v5 =	vadd.s32 s21, v56;
	[tilespmem:s2+$0x10200] =	vst v41  }
0x2f0: {  	v6 =	vadd.s32 s21, v61;
	v42 =	vadd.s32 s21, v63;
	v8 =	vadd.s32 s10, v54;
	[tilespmem:s2+$0x101F0] =	vst v34  }
0x2f1: {  	v9 =	vadd.s32 s10, v60;
	v10 =	vadd.s32 s10, v55;
	v11 =	vadd.s32 s10, v56;
	[tilespmem:s2+$0x10210] =	vst v45  }
0x2f2: {  	v12 =	vadd.s32 s10, v62;
	v13 =	vadd.s32 s10, v61;
	v15 =	vadd.s32 s10, v63;
	[tilespmem:s2+$0x10270] =	vst v4  }
0x2f3: {  	v41 =	vadd.s32 s21, v62;
	v16 =	vand.u32 $0x7F, v38;
	v17 =	vand.u32 $0x7F, v39;
	[tilespmem:s2+$0x10230] =	vst v0  }
0x2f4: {  	v24 =	vand.u32 $0x7F, v40;
	v18 =	vand.u32 $0x7F, v5;
	v20 =	vand.u32 $0x7F, v6;
	[tilespmem:s2+$0x10240] =	vst v1  }
0x2f5: {  	v22 =	vand.u32 $0x7F, v42;
	v23 =	vand.u32 $0x7F, v8;
	v5 =	vshll.u32 v5, $0x3;
	[tilespmem:s2+$0x10250] =	vst v2  }
0x2f6: {  	v14 =	vld [tilespmem:$0x1FF10];
	v25 =	vand.u32 $0x7F, v9;
	v26 =	vand.u32 $0x7F, v10;
	v6 =	vshll.u32 v6, $0x3;
	[tilespmem:s2+$0x10260] =	vst v3  }
0x2f7: {  	v8 =	vshll.u32 v8, $0x3;
	v9 =	vshll.u32 v9, $0x3;
	v10 =	vshll.u32 v10, $0x3;
	_ =	swait.ge [sflag:s12], $0x2000  }
0x2f8: {  	v31 =	vand.u32 $0x7F, v11;
	v44 =	vand.u32 $0x7F, v12;
	v30 =	vand.u32 $0x7F, v13;
	[sflag:s12] =	ssyncset.done $0x0  }
0x2f9: {  	v28 =	vand.u32 $0x7F, v15;
	v11 =	vshll.u32 v11, $0x3;
	v12 =	vshll.u32 v12, $0x3;
	s2 =	sadd.s32 s1, s9;
	s1 =	simm.s32 $0x0;
	[sflag:s12] =	ssyncadd.s32 $0xFFFFE000  }
0x2fa: {  	v13 =	vshll.u32 v13, $0x3;
	v19 =	vand.u32 $0x7F, v41;
	v5 =	vand.u32 $0x7FFFFC00, v5;
	[tilespmem:s23], [sflag:$0x2] =	stream.linear.gather [hbm4b:s2+s1], $0x400, $0x38;
	[tilespmem:$0x18200] =	vst v63  }
0x2fb: {  	v6 =	vand.u32 $0x7FFFFC00, v6;
	v7 =	vadd.s32 s21, v14;
	v14 =	vadd.s32 s10, v14;
	s10 =	sadd.s32 $0x100, s2  }
0x2fc: {  	v8 =	vand.u32 $0x7FFFFC00, v8;
	v9 =	vand.u32 $0x7FFFFC00, v9;
	v10 =	vand.u32 $0x7FFFFC00, v10;
	[tilespmem:s24], [sflag:$0x2] =	stream.linear.gather [hbm4b:s10+s1], $0x400, $0x38;
	[tilespmem:$0x18200] =	vst v63  }
0x2fd: {  	v47 =	vand.u32 $0x7FFFFC00, v11;
	v48 =	vand.u32 $0x7FFFFC00, v12;
	v49 =	vand.u32 $0x7FFFFC00, v13;
	s15 =	sadd.s32 $0x200, s2  }
0x2fe: {  	v45 =	vshll.u32 v15, $0x3;
	v2 =	vshll.u32 v41, $0x3;
	v3 =	vshll.u32 v42, $0x3;
	[tilespmem:s25], [sflag:$0x2] =	stream.linear.gather [hbm4b:s15+s1], $0x400, $0x38;
	[tilespmem:$0x18200] =	vst v63  }
0x2ff: {  	s16 =	simm.s32 $0x0;
	v0 =	vshll.u32 v38, $0x3;
	v1 =	vshll.u32 v39, $0x3;
	v4 =	vshll.u32 v40, $0x3;
	s15 =	sadd.s32 $0x300, s2  }
0x300: {  	v21 =	vand.u32 $0x7F, v7;
	v7 =	vshll.u32 v7, $0x3;
	v2 =	vand.u32 $0x7FFFFC00, v2;
	[tilespmem:s26], [sflag:$0x2] =	stream.linear.gather [hbm4b:s15+s1], $0x400, $0x38;
	[tilespmem:$0x18200] =	vst v63  }
0x301: {  	s17 =	simm.s32 $0x0;
	v3 =	vand.u32 $0x7FFFFC00, v3;
	s18 =	sadd.s32 $0x400, s2;
	v29 =	vand.u32 $0x7F, v14;
	v14 =	vshll.u32 v14, $0x3;
	s10 =	sand.u32 $0xFFFFF800, s16  }
0x302: {  	v0 =	vand.u32 $0x7FFFFC00, v0;
	v1 =	vand.u32 $0x7FFFFC00, v1;
	v5 =	vadd.s32 s10, v5;
	[tilespmem:s28], [sflag:$0x2] =	stream.linear.gather [hbm4b:s18+s1], $0x400, $0x38;
	[tilespmem:$0x18200] =	vst v63  }
0x303: {  	s4 =	sand.u32 $0x300, s17;
	s19 =	sadd.s32 $0x500, s2;
	v7 =	vand.u32 $0x7FFFFC00, v7;
	v2 =	vadd.s32 s10, v2;
	v5 =	vor.u32 v18, v5  }
0x304: {  	v6 =	vadd.s32 s10, v6;
	v2 =	vor.u32 v19, v2;
	v5 =	vor.u32 s4, v5;
	[tilespmem:s29], [sflag:$0x2] =	stream.linear.gather [hbm4b:s19+s1], $0x400, $0x38;
	[tilespmem:$0x18200] =	vst v63  }
0x305: {  	s21 =	sadd.s32 $0x600, s2;
	v7 =	vadd.s32 s10, v7;
	v6 =	vor.u32 v20, v6;
	v2 =	vor.u32 s4, v2  }
0x306: {  	v3 =	vadd.s32 s10, v3;
	v7 =	vor.u32 v21, v7;
	v6 =	vor.u32 s4, v6;
	[tilespmem:s30], [sflag:$0x2] =	stream.linear.gather [hbm4b:s21+s1], $0x400, $0x38;
	[tilespmem:$0x18200] =	vst v63  }
0x307: {  	s16 =	sor.u32 $0x80, s4;
	v8 =	vadd.s32 s10, v8;
	v3 =	vor.u32 v22, v3;
	s2 =	sadd.s32 $0x700, s2;
	v7 =	vor.u32 s4, v7  }
0x308: {  	v9 =	vadd.s32 s10, v9;
	v8 =	vor.u32 v23, v8;
	v3 =	vor.u32 s4, v3;
	[tilespmem:s31], [sflag:$0x2] =	stream.linear.gather [hbm4b:s2+s1], $0x400, $0x38;
	[tilespmem:$0x18200] =	vst v63  }
0x309: {  	v10 =	vadd.s32 s10, v10;
	v9 =	vor.u32 v25, v9;
	v8 =	vor.u32 s16, v8;
	v19 =	vld.idx.msk [tilespmem:v5+s3+$0x0], $0xffff  }
0x30a: {  	v46 =	vand.u32 $0x7FFFFC00, v4;
	v10 =	vor.u32 v26, v10;
	v9 =	vor.u32 s16, v9;
	v20 =	vld.idx.msk [tilespmem:v2+s3+$0x0], $0xffff  }
0x30b: {  	v27 =	vand.u32 $0x7FFFFC00, v14;
	v0 =	vadd.s32 s10, v0;
	v10 =	vor.u32 s16, v10;
	v21 =	vld.idx.msk [tilespmem:v6+s3+$0x0], $0xffff  }
0x30c: {  	v1 =	vadd.s32 s10, v1;
	v51 =	vadd.s32 s10, v46;
	v53 =	vadd.s32 s10, v47;
	v22 =	vld.idx.msk [tilespmem:v7+s3+$0x0], $0xffff  }
0x30d: {  	v59 =	vadd.s32 s10, v48;
	v34 =	vadd.s32 s10, v49;
	v0 =	vor.u32 v16, v0;
	v23 =	vld.idx.msk [tilespmem:v3+s3+$0x0], $0xffff  }
0x30e: {  	v26 =	vand.u32 $0x7FFFFC00, v45;
	v50 =	vor.u32 v17, v1;
	v52 =	vor.u32 v24, v51;
	v18 =	vld.idx.msk [tilespmem:v8+s3+$0x0], $0xffff  }
0x30f: {  	v58 =	vor.u32 v31, v53;
	v33 =	vor.u32 v44, v59;
	v32 =	vor.u32 s4, v0;
	v17 =	vld.idx.msk [tilespmem:v9+s3+$0x0], $0xffff  }
0x310: {  	v25 =	vor.u32 s4, v50;
	v24 =	vor.u32 s4, v52;
	s4 =	simm.s32 $0x6040;
	v31 =	vor.u32 s16, v58;
	s15 =	simm.s32 $0x1;
	s2 =	simm.s32 $0x0;
	v16 =	vld.idx.msk [tilespmem:v10+s3+$0x0], $0xffff  }
.LBB2_15:
0x311: {  	v0 =	vor.u32 s16, v33  }
0x312: {  	v1 =	vor.u32 v30, v34;
	v2 =	vadd.s32 s10, v27;
	v4 =	vadd.s32 s10, v26;
	s1 =	sadd.s32 $0x2, s1  }
0x313: {  	v1 =	vor.u32 s16, v1;
	v2 =	vor.u32 v29, v2;
	s17 =	sadd.s32 $0x80, s1;
	v4 =	vor.u32 v28, v4  }
0x314: {  	v2 =	vor.u32 s16, v2;
	v28 =	vadd.s32 s17, v54;
	v4 =	vor.u32 s16, v4  }
0x315: {  	v26 =	vadd.s32 s17, v60;
	v27 =	vadd.s32 s17, v55;
	v7 =	vadd.s32 s17, v56  }
0x316: {  	s18 =	sadd.s32 $0x81, s1;
	v9 =	vadd.s32 s17, v62;
	v10 =	vadd.s32 s17, v61;
	v12 =	vadd.s32 s17, v63  }
0x317: {  	v3 =	vld.idx.msk [tilespmem:v32+s3+$0x0], $0xffff;
	v13 =	vadd.s32 s18, v54;
	v14 =	vadd.s32 s18, v60;
	v15 =	vadd.s32 s18, v55  }
0x318: {  	v8 =	vld.idx.msk [tilespmem:v31+s3+$0x0], $0xffff;
	v31 =	vadd.s32 s18, v56;
	v32 =	vadd.s32 s18, v62;
	v33 =	vadd.s32 s18, v61  }
0x319: {  	v6 =	vld.idx.msk [tilespmem:v24+s3+$0x0], $0xffff;
	v35 =	vadd.s32 s18, v63;
	v24 =	vand.u32 $0x7F, v27;
	v44 =	vand.u32 $0x7F, v7  }
0x31a: {  	v5 =	vld.idx.msk [tilespmem:v25+s3+$0x0], $0xffff;
	v29 =	vand.u32 $0x7F, v9;
	v30 =	vand.u32 $0x7F, v10;
	v36 =	vand.u32 $0x7F, v12  }
0x31b: {  	v25 =	vld [tilespmem:$0x1FF10];
	v37 =	vand.u32 $0x7F, v13;
	v7 =	vshll.u32 v7, $0x3;
	v38 =	vand.u32 $0x7F, v14  }
0x31c: {  	v39 =	vand.u32 $0x7F, v15;
	v9 =	vshll.u32 v9, $0x3;
	v10 =	vshll.u32 v10, $0x3;
	v0 =	vld.idx.msk [tilespmem:v0+s3+$0x0], $0xffff  }
0x31d: {  	v12 =	vshll.u32 v12, $0x3;
	v13 =	vshll.u32 v13, $0x3;
	v14 =	vshll.u32 v14, $0x3;
	v1 =	vld.idx.msk [tilespmem:v1+s3+$0x0], $0xffff  }
0x31e: {  	v15 =	vshll.u32 v15, $0x3;
	v40 =	vand.u32 $0x7F, v32;
	v41 =	vshll.u32 v28, $0x3;
	v2 =	vld.idx.msk [tilespmem:v2+s3+$0x0], $0xffff  }
0x31f: {  	v42 =	vshll.u32 v26, $0x3;
	v7 =	vand.u32 $0x7FFFFC00, v7;
	v9 =	vand.u32 $0x7FFFFC00, v9;
	v4 =	vld.idx.msk [tilespmem:v4+s3+$0x0], $0xffff;
	[tilespmem:s4+$0x10100] =	vst v3  }
0x320: {  	s19 =	sshll.u32 s15, $0x9;
	v10 =	vand.u32 $0x7FFFFC00, v10;
	v12 =	vand.u32 $0x7FFFFC00, v12;
	v47 =	vand.u32 $0x7FFFFC00, v13;
	[tilespmem:s4+$0x10110] =	vst v5  }
0x321: {  	s10 =	sand.u32 $0xFFFFF800, s19;
	v48 =	vand.u32 $0x7FFFFC00, v14;
	v50 =	vand.u32 $0x7FFFFC00, v15;
	v11 =	vadd.s32 s17, v25;
	[tilespmem:s4+$0x10120] =	vst v6  }
0x322: {  	v34 =	vadd.s32 s18, v25;
	v25 =	vand.u32 $0x7F, v26;
	v46 =	vadd.s32 s10, v7;
	[tilespmem:s4+$0x10130] =	vst v19  }
0x323: {  	v49 =	vadd.s32 s10, v9;
	v10 =	vadd.s32 s10, v10;
	v52 =	vadd.s32 s10, v12;
	[tilespmem:s4+$0x10140] =	vst v20  }
0x324: {  	v7 =	vadd.s32 s10, v47;
	v13 =	vadd.s32 s10, v48;
	v47 =	vshll.u32 v33, $0x3;
	[tilespmem:s4+$0x10150] =	vst v21  }
0x325: {  	v45 =	vand.u32 $0x7F, v11;
	v11 =	vshll.u32 v11, $0x3;
	v10 =	vor.u32 v30, v10;
	[tilespmem:s4+$0x10160] =	vst v22  }
0x326: {  	s21 =	sshll.u32 s1, $0x7;
	s18 =	ssub.s32 s4, s2;
	v58 =	vor.u32 v36, v52;
	v12 =	vor.u32 v37, v7;
	v36 =	vor.u32 v38, v13;
	[tilespmem:s4+$0x10170] =	vst v23  }
0x327: {  	s17 =	sand.u32 $0x300, s21;
	v37 =	vadd.s32 s10, v50;
	v30 =	vand.u32 $0x7F, v33;
	v48 =	vshll.u32 v34, $0x3;
	[tilespmem:s18+$0x10180] =	vst v18  }
0x328: {  	s16 =	sor.u32 $0x80, s17;
	v3 =	vand.u32 $0x7F, v28;
	v11 =	vand.u32 $0x7FFFFC00, v11;
	v5 =	vor.u32 v29, v49;
	[tilespmem:s18+$0x10190] =	vst v17  }
0x329: {  	v51 =	vor.u32 s17, v10;
	v59 =	vor.u32 s17, v58;
	v14 =	vor.u32 s16, v12;
	[tilespmem:s18+$0x101A0] =	vst v16  }
0x32a: {  	v38 =	vor.u32 v39, v37;
	v39 =	vand.u32 $0x7F, v31;
	v5 =	vor.u32 s17, v5;
	[tilespmem:s18+$0x101B0] =	vst v8  }
0x32b: {  	v29 =	vand.u32 $0x7F, v34;
	v28 =	vand.u32 $0x7F, v35;
	[tilespmem:s18+$0x101F0] =	vst v4;
	v4 =	vor.u32 v44, v46  }
0x32c: {  	v49 =	vshll.u32 v35, $0x3;
	v11 =	vadd.s32 s10, v11;
	[tilespmem:s18+$0x101C0] =	vst v0;
	v4 =	vor.u32 s17, v4  }
0x32d: {  	v8 =	vand.u32 $0x7FFFFC00, v41;
	v26 =	vand.u32 $0x7FFFFC00, v49;
	v6 =	vor.u32 v45, v11;
	[tilespmem:s18+$0x101D0] =	vst v1  }
0x32e: {  	v45 =	vshll.u32 v31, $0x3;
	v50 =	vadd.s32 s10, v8;
	v53 =	vor.u32 s17, v6;
	[tilespmem:s18+$0x101E0] =	vst v2  }
0x32f: {  	v0 =	vand.u32 $0x7FFFFC00, v42;
	v3 =	vor.u32 v3, v50;
	v1 =	vand.u32 $0x7FFFFC00, v45;
	v20 =	vld.idx.msk [tilespmem:v5+s3+$0x0], $0xffff  }
0x330: {  	v0 =	vadd.s32 s10, v0;
	v44 =	vshll.u32 v27, $0x3;
	v21 =	vld.idx.msk [tilespmem:v51+s3+$0x0], $0xffff;
	v5 =	vor.u32 s16, v38  }
0x331: {  	p0 =	sne.s32 s15, $0x1F;
	v46 =	vshll.u32 v32, $0x3;
	v27 =	vand.u32 $0x7FFFFC00, v48;
	v19 =	vld.idx.msk [tilespmem:v4+s3+$0x0], $0xffff;
	v4 =	vor.u32 s16, v36  }
.Ltmp6:
0x332: {  	v32 =	vor.u32 s17, v3;
	v0 =	vor.u32 v25, v0;
	v1 =	vadd.s32 s10, v1;
	v23 =	vld.idx.msk [tilespmem:v59+s3+$0x0], $0xffff;
	(pc) =	sbr.rel @p0 .LBB2_15-.Ltmp6, $4  }
0x333: {  	v18 =	vld.idx.msk [tilespmem:v14+s3+$0x0], $0xffff;
	v9 =	vand.u32 $0x7FFFFC00, v44;
	v2 =	vand.u32 $0x7FFFFC00, v46;
	v51 =	vand.u32 $0x7FFFFC00, v47  }
0x334: {  	v25 =	vor.u32 s17, v0;
	v58 =	vor.u32 v39, v1;
	v52 =	vadd.s32 s10, v9;
	v22 =	vld.idx.msk [tilespmem:v53+s3+$0x0], $0xffff  }
0x335: {  	s4 =	ssub.s32 s18, s2;
	v59 =	vadd.s32 s10, v2;
	v31 =	vor.u32 s16, v58;
	v53 =	vor.u32 v24, v52;
	v16 =	vld.idx.msk [tilespmem:v5+s3+$0x0], $0xffff  }
0x336: {  	s15 =	sadd.s32 $0x1, s15;
	s2 =	smov.u32 s1;
	s4 =	sadd.s32 $0xFF, s4;
	v34 =	vadd.s32 s10, v51;
	v33 =	vor.u32 v40, v59;
	v24 =	vor.u32 s17, v53;
	v17 =	vld.idx.msk [tilespmem:v4+s3+$0x0], $0xffff  }
0x337: {  	_ =	sdelay $0x2  }
0x338: {  	v0 =	vor.u32 s16, v33;
	v1 =	vor.u32 v30, v34;
	v2 =	vadd.s32 s10, v27  }
0x339: {  	v3 =	vld.idx.msk [tilespmem:v32+s3+$0x0], $0xffff;
	v4 =	vadd.s32 s10, v26;
	v1 =	vor.u32 s16, v1;
	v2 =	vor.u32 v29, v2  }
0x33a: {  	v5 =	vld.idx.msk [tilespmem:v25+s3+$0x0], $0xffff;
	v4 =	vor.u32 v28, v4;
	v2 =	vor.u32 s16, v2  }
0x33b: {  	v6 =	vld.idx.msk [tilespmem:v24+s3+$0x0], $0xffff;
	v4 =	vor.u32 s16, v4  }
0x33c: {  	v7 =	vld.idx.msk [tilespmem:v31+s3+$0x0], $0xffff  }
0x33d: {  	v0 =	vld.idx.msk [tilespmem:v0+s3+$0x0], $0xffff  }
0x33e: {  	v1 =	vld.idx.msk [tilespmem:v1+s3+$0x0], $0xffff  }
0x33f: {  	v2 =	vld.idx.msk [tilespmem:v2+s3+$0x0], $0xffff  }
0x340: {  	v4 =	vld.idx.msk [tilespmem:v4+s3+$0x0], $0xffff;
	[tilespmem:s4+$0x10100] =	vst v3  }
0x341: {  	[tilespmem:s4+$0x10110] =	vst v5  }
0x342: {  	s1 =	simm.s32 $0xC0;
	[tilespmem:s4+$0x10120] =	vst v6  }
0x343: {  	s21 =	simm.s32 $0xC1;
	v46 =	vadd.s32 s1, v54;
	v47 =	vadd.s32 s1, v60;
	[tilespmem:s4+$0x10130] =	vst v19  }
0x344: {  	v48 =	vadd.s32 s1, v55;
	v8 =	vadd.s32 s1, v56;
	v9 =	vadd.s32 s21, v54;
	[tilespmem:s4+$0x10140] =	vst v20  }
0x345: {  	v10 =	vadd.s32 s21, v60;
	v12 =	vadd.s32 s21, v55;
	v13 =	vadd.s32 s21, v56;
	[tilespmem:s4+$0x10150] =	vst v21  }
0x346: {  	v11 =	vand.u32 $0x7F, v46;
	v49 =	vand.u32 $0x7F, v12;
	s16 =	simm.s32 $0x0;
	v12 =	vshll.u32 v12, $0x3;
	[tilespmem:s4+$0x10160] =	vst v22  }
0x347: {  	s15 =	ssub.s32 s4, s2;
	v14 =	vand.u32 $0x7F, v47;
	v15 =	vand.u32 $0x7F, v48;
	s2 =	sand.u32 $0xFFFFF800, s16;
	v51 =	vand.u32 $0x7FFFFC00, v12;
	s16 =	simm.s32 $0xC2;
	[tilespmem:s4+$0x10170] =	vst v23  }
0x348: {  	v32 =	vadd.s32 s16, v54;
	v34 =	vadd.s32 s16, v60;
	v36 =	vadd.s32 s16, v56;
	[tilespmem:s15+$0x10180] =	vst v18  }
0x349: {  	v35 =	vadd.s32 s16, v55;
	v40 =	vshll.u32 v32, $0x3;
	v41 =	vshll.u32 v36, $0x3;
	[tilespmem:s15+$0x10190] =	vst v17  }
0x34a: {  	v19 =	vand.u32 $0x7F, v8;
	v20 =	vand.u32 $0x7F, v9;
	v21 =	vand.u32 $0x7F, v10;
	[tilespmem:s15+$0x101A0] =	vst v16  }
0x34b: {  	v3 =	vshll.u32 v46, $0x3;
	v5 =	vshll.u32 v47, $0x3;
	v6 =	vshll.u32 v48, $0x3;
	[tilespmem:s15+$0x101B0] =	vst v7  }
0x34c: {  	v8 =	vshll.u32 v8, $0x3;
	v9 =	vshll.u32 v9, $0x3;
	v10 =	vshll.u32 v10, $0x3;
	[tilespmem:s15+$0x101C0] =	vst v0  }
0x34d: {  	v8 =	vand.u32 $0x7FFFFC00, v8;
	v16 =	vshll.u32 v13, $0x3;
	v9 =	vand.u32 $0x7FFFFC00, v9;
	[tilespmem:s15+$0x101D0] =	vst v1  }
0x34e: {  	v50 =	vand.u32 $0x7FFFFC00, v10;
	v58 =	vand.u32 $0x7FFFFC00, v3;
	v10 =	vand.u32 $0x7FFFFC00, v5;
	[tilespmem:s15+$0x101F0] =	vst v4  }
0x34f: {  	s17 =	simm.s32 $0x0;
	v8 =	vadd.s32 s2, v8;
	v9 =	vadd.s32 s2, v9;
	v7 =	vadd.s32 s2, v50;
	[tilespmem:s15+$0x101E0] =	vst v2  }
0x350: {  	s4 =	sand.u32 $0x300, s17;
	v12 =	vand.u32 $0x7FFFFC00, v16;
	v8 =	vor.u32 v19, v8;
	v9 =	vor.u32 v20, v9;
	_ =	swait.ge [sflag:s14], $0x2000  }
0x351: {  	s19 =	smin.u32 s6, $0x1D;
	s18 =	sor.u32 $0x80, s4;
	v7 =	vor.u32 v21, v7;
	v52 =	vor.u32 s4, v8;
	v2 =	vadd.s32 s2, v58;
	s21 =	rddreg [dreg:$0x4]  }
0x352: {  	v53 =	vor.u32 s18, v9;
	v4 =	vadd.s32 s2, v10;
	v2 =	vor.u32 v11, v2;
	s1 =	sadd.s32 s19, s21  }
0x353: {  	v11 =	vand.u32 $0x7FFFFC00, v6;
	v4 =	vor.u32 v14, v4;
	[sflag:s14] =	ssyncset.done $0x0;
	v2 =	vor.u32 s4, v2;
	s1 =	sshll.u32 s1, $0xD  }
0x354: {  	v59 =	vor.u32 s18, v7;
	s15 =	simm.s32 $0x0;
	v5 =	vadd.s32 s2, v11;
	v4 =	vor.u32 s4, v4;
	[sflag:s14] =	ssyncadd.s32 $0xFFFFE000;
	s1 =	sadd.s32 s20, s1  }
0x355: {  	v14 =	vand.u32 $0x7F, v13;
	v6 =	vadd.s32 s2, v12;
	v5 =	vor.u32 v15, v5;
	[tilespmem:s15], [sflag:$0x1] =	stream.linear.gather [hbm4b:s1+s15], $0x4000, $0x38;
	[tilespmem:$0x18200] =	vst v63  }
0x356: {  	s17 =	simm.s32 $0xC3;
	v0 =	vadd.s32 s2, v51;
	v6 =	vor.u32 v14, v6;
	v5 =	vor.u32 s4, v5;
	v1 =	vld.idx.msk [tilespmem:v52+s13+$0x0], $0xffff  }
0x357: {  	v37 =	vadd.s32 s17, v54;
	v0 =	vor.u32 v49, v0;
	v6 =	vor.u32 s18, v6;
	v33 =	vld.idx.msk [tilespmem:v53+s13+$0x0], $0xffff  }
0x358: {  	v38 =	vadd.s32 s17, v60;
	v39 =	vadd.s32 s17, v55;
	v0 =	vor.u32 s18, v0;
	v2 =	vld.idx.msk [tilespmem:v2+s13+$0x0], $0xffff  }
0x359: {  	v18 =	vand.u32 $0x7F, v35;
	v16 =	vadd.s32 s17, v56;
	v24 =	vand.u32 $0x7F, v37;
	v4 =	vld.idx.msk [tilespmem:v4+s13+$0x0], $0xffff  }
0x35a: {  	v25 =	vand.u32 $0x7F, v38;
	v26 =	vand.u32 $0x7F, v39;
	v42 =	vshll.u32 v37, $0x3;
	v3 =	vld.idx.msk [tilespmem:v59+s13+$0x0], $0xffff  }
0x35b: {  	v44 =	vshll.u32 v38, $0x3;
	v45 =	vshll.u32 v39, $0x3;
	v20 =	vand.u32 $0x7F, v32;
	v5 =	vld.idx.msk [tilespmem:v5+s13+$0x0], $0xffff  }
0x35c: {  	v19 =	vand.u32 $0x7F, v34;
	v21 =	vshll.u32 v35, $0x3;
	v22 =	vshll.u32 v16, $0x3;
	s18 =	simm.s32 $0x7860;
	s19 =	simm.s32 $0x200;
	v6 =	vld.idx.msk [tilespmem:v6+s13+$0x0], $0xffff  }
0x35d: {  	v47 =	vand.u32 $0x7FFFFC00, v42;
	v48 =	vand.u32 $0x7FFFFC00, v44;
	v9 =	vand.u32 $0x7FFFFC00, v41;
	s6 =	sand.u32 $0xFFFFF800, s19;
	v17 =	vld.idx.msk [tilespmem:v0+s13+$0x0], $0xffff;
	[tilespmem:s18+$0x10100] =	vst v2  }
0x35e: {  	v50 =	vand.u32 $0x7FFFFC00, v45;
	v15 =	vand.u32 $0x7F, v36;
	s21 =	simm.s32 $0x100;
	v46 =	vadd.s32 s6, v9;
	[tilespmem:s18+$0x10110] =	vst v4  }
0x35f: {  	v8 =	vshll.u32 v34, $0x3;
	s16 =	sand.u32 $0x300, s21;
	v49 =	vadd.s32 s6, v47;
	v2 =	vor.u32 v15, v46;
	[tilespmem:s18+$0x10130] =	vst v1  }
0x360: {  	s17 =	simm.s32 $0x7860;
	s15 =	sor.u32 $0x80, s16;
	v51 =	vor.u32 v24, v49;
	v52 =	vadd.s32 s6, v48;
	v23 =	vor.u32 s16, v2;
	[tilespmem:s18+$0x10120] =	vst v5  }
0x361: {  	v58 =	vadd.s32 s6, v50;
	v24 =	vor.u32 s15, v51;
	v53 =	vor.u32 v25, v52;
	[tilespmem:s17+$0x10170] =	vst v6  }
0x362: {  	s10 =	simm.s32 $0x2;
	v49 =	vld [tilespmem:$0x1FF80];
	v0 =	vand.u32 $0x7FFFFC00, v40;
	v59 =	vor.u32 v26, v58;
	v25 =	vor.u32 s15, v53;
	[tilespmem:s17+$0x10140] =	vst v33  }
0x363: {  	v28 =	vand.u32 $0x7FFFFC00, v8;
	s2 =	simm.s32 $0x78DF;
	s4 =	simm.s32 $0x2;
	s1 =	simm.s32 $0x2;
	v27 =	vadd.s32 s6, v0;
	v26 =	vor.u32 s15, v59;
	v53 =	vld [tilespmem:$0x1FFC0];
	[tilespmem:s17+$0x10150] =	vst v3  }
.LBB2_17:
0x364: {  	p0 =	sne.s32 s10, $0x1F;
	v0 =	vor.u32 v20, v27;
	v1 =	vadd.s32 s6, v28;
	v2 =	vand.u32 $0x7FFFFC00, v21;
	[tilespmem:s17+$0x10160] =	vst v17  }
0x365: {  	v0 =	vor.u32 s16, v0;
	v1 =	vor.u32 v19, v1;
	v2 =	vadd.s32 s6, v2;
	v3 =	vld.idx.msk [tilespmem:v23+s13+$0x0], $0xffff  }
0x366: {  	v5 =	vand.u32 $0x7FFFFC00, v22;
	s4 =	sadd.s32 $0x2, s4;
	v1 =	vor.u32 s16, v1;
	v2 =	vor.u32 v18, v2;
	v4 =	vld.idx.msk [tilespmem:v24+s13+$0x0], $0xffff  }
0x367: {  	v7 =	vand.u32 $0x7F, v16;
	s17 =	sadd.s32 $0xC0, s4;
	v5 =	vadd.s32 s6, v5;
	v2 =	vor.u32 s16, v2;
	v6 =	vld.idx.msk [tilespmem:v25+s13+$0x0], $0xffff  }
0x368: {  	v8 =	vadd.s32 s17, v54;
	v5 =	vor.u32 v7, v5;
	v17 =	vld.idx.msk [tilespmem:v26+s13+$0x0], $0xffff  }
0x369: {  	s6 =	sadd.s32 $0xC1, s4;
	v7 =	vadd.s32 s17, v60;
	v9 =	vadd.s32 s17, v55;
	v5 =	vor.u32 s15, v5  }
0x36a: {  	v10 =	vadd.s32 s17, v56;
	v11 =	vadd.s32 s6, v54;
	v12 =	vadd.s32 s6, v60;
	v0 =	vld.idx.msk [tilespmem:v0+s13+$0x0], $0xffff  }
0x36b: {  	v13 =	vadd.s32 s6, v55;
	v16 =	vadd.s32 s6, v56;
	v20 =	vand.u32 $0x7F, v8;
	v1 =	vld.idx.msk [tilespmem:v1+s13+$0x0], $0xffff  }
0x36c: {  	v19 =	vand.u32 $0x7F, v7;
	v18 =	vand.u32 $0x7F, v9;
	v14 =	vand.u32 $0x7F, v10;
	v2 =	vld.idx.msk [tilespmem:v2+s13+$0x0], $0xffff  }
0x36d: {  	v15 =	vand.u32 $0x7F, v11;
	v25 =	vand.u32 $0x7F, v12;
	v26 =	vand.u32 $0x7F, v13  }
0x36e: {  	v8 =	vshll.u32 v8, $0x3;
	v7 =	vshll.u32 v7, $0x3;
	v21 =	vshll.u32 v9, $0x3;
	v5 =	vld.idx.msk [tilespmem:v5+s13+$0x0], $0xffff  }
0x36f: {  	s6 =	sshll.u32 s10, $0x9;
	v9 =	vshll.u32 v10, $0x3;
	v10 =	vshll.u32 v11, $0x3;
	v11 =	vshll.u32 v12, $0x3  }
0x370: {  	s6 =	sand.u32 $0xFFFFF800, s6;
	v12 =	vshll.u32 v13, $0x3;
	v22 =	vshll.u32 v16, $0x3;
	v9 =	vand.u32 $0x7FFFFC00, v9;
	[tilespmem:s2+$0x10100] =	vst v0  }
0x371: {  	s15 =	sshll.u32 s4, $0x7;
	v0 =	vadd.s32 s6, v9;
	v9 =	vand.u32 $0x7FFFFC00, v10;
	v10 =	vand.u32 $0x7FFFFC00, v11;
	[tilespmem:s2+$0x10110] =	vst v1  }
.Ltmp7:
0x372: {  	s16 =	sand.u32 $0x300, s15;
	v0 =	vor.u32 v14, v0;
	v1 =	vadd.s32 s6, v9;
	v9 =	vand.u32 $0x7FFFFC00, v12;
	[tilespmem:s2+$0x10120] =	vst v2;
	(pc) =	sbr.rel @p0 .LBB2_17-.Ltmp7, $4  }
0x373: {  	s17 =	ssub.s32 s2, s1;
	s15 =	sor.u32 $0x80, s16;
	v23 =	vor.u32 s16, v0;
	v0 =	vor.u32 v15, v1;
	v1 =	vadd.s32 s6, v10;
	[tilespmem:s2+$0x10130] =	vst v3  }
0x374: {  	v24 =	vor.u32 s15, v0;
	v0 =	vor.u32 v25, v1;
	v1 =	vadd.s32 s6, v9;
	s2 =	ssub.s32 s17, s1;
	s1 =	smov.u32 s4;
	[tilespmem:s17+$0x10170] =	vst v5  }
0x375: {  	v2 =	vand.u32 $0x7FFFFC00, v8;
	v25 =	vor.u32 s15, v0;
	v0 =	vor.u32 v26, v1;
	s2 =	sadd.s32 $0x7F, s2;
	[tilespmem:s17+$0x10140] =	vst v4  }
0x376: {  	s10 =	sadd.s32 $0x1, s10;
	v28 =	vand.u32 $0x7FFFFC00, v7;
	v27 =	vadd.s32 s6, v2;
	v26 =	vor.u32 s15, v0;
	[tilespmem:s17+$0x10150] =	vst v6  }
0x377: {  	v0 =	vor.u32 v20, v27;
	v1 =	vadd.s32 s6, v28  }
0x378: {  	v2 =	vand.u32 $0x7FFFFC00, v21;
	v3 =	vand.u32 $0x7FFFFC00, v22;
	v5 =	vand.u32 $0x7F, v16  }
0x379: {  	v0 =	vor.u32 s16, v0;
	v1 =	vor.u32 v19, v1;
	v2 =	vadd.s32 s6, v2  }
0x37a: {  	[tilespmem:s17+$0x10160] =	vst v17;
	v3 =	vadd.s32 s6, v3;
	v1 =	vor.u32 s16, v1;
	v2 =	vor.u32 v18, v2  }
0x37b: {  	v4 =	vld.idx.msk [tilespmem:v23+s13+$0x0], $0xffff;
	v3 =	vor.u32 v5, v3;
	v2 =	vor.u32 s16, v2  }
0x37c: {  	v6 =	vld.idx.msk [tilespmem:v24+s13+$0x0], $0xffff;
	v3 =	vor.u32 s15, v3  }
0x37d: {  	v7 =	vld.idx.msk [tilespmem:v26+s13+$0x0], $0xffff  }
0x37e: {  	v0 =	vld.idx.msk [tilespmem:v0+s13+$0x0], $0xffff  }
0x37f: {  	v1 =	vld.idx.msk [tilespmem:v1+s13+$0x0], $0xffff  }
0x380: {  	v2 =	vld.idx.msk [tilespmem:v2+s13+$0x0], $0xffff  }
0x381: {  	v3 =	vld.idx.msk [tilespmem:v3+s13+$0x0], $0xffff  }
0x382: {  	v5 =	vld.idx.msk [tilespmem:v25+s13+$0x0], $0xffff;
	[tilespmem:s2+$0x10130] =	vst v4  }
0x383: {  	[tilespmem:s2+$0x10100] =	vst v0  }
0x384: {  	s11 =	sadd.s32 $0x1, s11;
	[tilespmem:s2+$0x10110] =	vst v1  }
0x385: {  	s1 =	ssub.s32 s2, s1;
	p0 =	sne.s32 s11, $0x10;
	[tilespmem:s2+$0x10120] =	vst v2  }
.Ltmp8:
0x386: {  	[tilespmem:s1+$0x10170] =	vst v3;
	(pc) =	sbr.rel @p0 .LBB2_2-.Ltmp8, $4  }
0x387: {  	s0 =	smul.u32 $0x1010, s0;
	[tilespmem:s1+$0x10140] =	vst v6  }
0x388: {  	v1 =	vld [tilespmem:$0x1FF90];
	[tilespmem:s1+$0x10150] =	vst v5  }
0x389: {  	s21 =	simm.s32 $0x10100;
	s0 =	sadd.s32 s5, s0;
	v2 =	vld [tilespmem:$0x1FFA0];
	[tilespmem:s1+$0x10160] =	vst v7  }
0x38a: {  	v3 =	vld [tilespmem:$0x1FFB0];
	[hbm4b:s0+s3] =	stream.linear.scatter [tilespmem:s21], [sflag:$0x4], $0x8080, $0x38  }
0x38b: {  	s0 =	simm.s32 $0x3  }
0x38c: {  	_ =	swait.ge [sflag:s0], $0x8080  }
0x38d: {  	[sflag:s0] =	ssyncset.done $0x0  }
0x38e: {  	s19 =	simm.s32 $0x4;
	[sflag:s0] =	ssyncadd.s32 $0xFFFF7F80  }
0x38f: {  	_ =	swait.ge [sflag:s19], $0x8080  }
0x390: {  	[sflag:s19] =	ssyncset.done $0x0  }
0x391: {  	[sflag:s19] =	ssyncadd.s32 $0xFFFF7F80  }
0x392: {  	_ =	swait.ge [sflag:s12], $0x4000  }
0x393: {  	s1 =	rddreg [dreg:$0x6]  }
0x394: {  	s21 =	rddreg [dreg:$0x5];
	s1 =	sadd.s32 $0x1, s1  }
0x395: {  	p0 =	sne.s32 s1, s21  }
.Ltmp9:
0x396: {  	_ = 	snop;
	(pc) =	sbr.rel @p0 .LBB2_1-.Ltmp9, $3  }
0x397: {  	_ =	sdelay $0x1  }
0x398: {  	[sflag:s12] =	ssyncset.done $0x0  }
0x399: {  	[sflag:s12] =	ssyncadd.s32 $0xFFFFC000  }
0x39a: {  	_ =	sfence.sel $0x180000  }
0x39b: {  	[bflag:$0x0] =	sbarrier.arrive $0xFFFF  }
0x39c: {  	_ =	strace $0x90000047  }
0x39d: {  	s0 =	stileid.u32;
	[bflag:$0x2] =	sbarrier.arrive $0xFFFF  }
0x39e: {  	p0 =	sne.s32 s0, $0x0;
	s0 =	rddreg [dreg:$0x2]  }
0x39f: {  	s0 =	sadd.s32 @!p0 $0x100000, s0  }
0x3a0: {  	[sflag:s0] =	ssyncadd.tile.s32 @!p0 $0x1;
	_ =	shalt  }
.Lfunc_end2:
_tile_overlayer_lowered:
.L_overlay_start_2:
0x3a1: {  	(tag) =	ssettag $0x2  }
0x3a2: {  	s0 =	rddreg [dreg:$0x0];
	s2 =	stileid.u32  }
0x3a3: {  	s1 =	rddreg [dreg:$0x1];
	p0 =	sne.s32 s2, $0x0  }
0x3a4: {  	s3 =	rddreg [dreg:$0x2];
	[bflag:$0x3] =	sbarrier.arrive $0xFFFF;
	s2 =	simm.s32 @!p0 $0x1C05  }
0x3a5: {  	[timem:s3], [sflag:s2] =	dma.local @!p0 [hbm:s0], s1  }
0x3a6: {  	s0 =	simm.s32 @!p0 $0x5  }
0x3a7: {  	_ =	swait.ge @!p0 [sflag:s0], s1  }
0x3a8: {  	s1 =	ssub.s32 @!p0 $0x0, s1;
	[sflag:s0] =	ssyncset.done @!p0 $0x0  }
0x3a9: {  	[sflag:s0] =	ssyncadd.s32 @!p0 s1  }
0x3aa: {  	[bflag:$0x3] =	sbarrier.arrive $0xFFFF  }
0x3ab: {  	_ =	shalt  }

</sc_bundles>
